<compile_context>
chip_gen: v7x
topology: tpu7x:2x2x1
jax: 0.10.2.dev20260603
libtpu: 0.0.44.dev20260713+nightly
codegen_flags: <defaults>
</compile_context>

<pallas_src>
import functools

import jax
import jax.numpy as jnp
from jax import lax
from jax.experimental import pallas as pl
from jax.experimental.pallas import tpu as pltpu
from jax.experimental.pallas import tpu_sc as plsc

_N = 10000
_E = 320000
_KD = 64
_MD = 16
_TD = 128

_NC = 2
_NS = 16
_NW = _NC * _NS
_GCH = 128
_EP = 327680
_EPH = _EP // 2
_EPW = _EPH // _NW
_GNCH = _EPW // _GCH
_NA = 10240
_NPT = _NA // _NS

_KM = 256
_SEPW = _EP // _NW
_NKM = _SEPW // _KM

_BE = 2048
_GE = _EPH // _BE
_BN = 1000
_GN = _N // _BN


def _silu(x):
    return x * jax.nn.sigmoid(x)


def _dot(a, b):
    return jnp.dot(a, b, preferred_element_type=jnp.float32)



def _onehot(ids, k):
    io = lax.broadcasted_iota(jnp.int32, (ids.shape[0], k), 1)
    return (ids == io).astype(jnp.float32)


def _pre_body(aid, rid, hid, arid, chg, crd,
              ea, er, eh, ear, cw, cb,
              w1, b1, w2, b2, w3, b3, out_ref):
    emb = jnp.concatenate([
        _dot(_onehot(aid[...], 10), ea[...]),
        _dot(_onehot(rid[...], 2), er[...]),
        _dot(_onehot(hid[...], 4), eh[...]),
        _dot(_onehot(arid[...], 2), ear[...]),
        chg[...] * cw[...] + cb[...],
    ], axis=1)
    h = _silu(_dot(emb, w1[...]) + b1[...])
    h = _silu(_dot(h, w2[...]) + b2[...])
    h = _silu(_dot(h, w3[...]) + b3[...])
    pad = jnp.zeros((h.shape[0], _TD - _KD - 3), jnp.float32)
    out_ref[...] = jnp.concatenate([h, crd[...], pad], axis=1)


def _pre_call(aid, rid, hid, arid, chg, crd, p):
    col = lambda: pl.BlockSpec((_BN, 1), lambda i: (i, 0))
    full = lambda r, c: pl.BlockSpec((r, c), lambda i: (0, 0))
    return pl.pallas_call(
        _pre_body,
        grid=(_GN,),
        in_specs=[
            col(), col(), col(), col(), col(),
            pl.BlockSpec((_BN, 3), lambda i: (i, 0)),
            full(10, 64), full(2, 64), full(4, 64), full(2, 64),
            full(1, 64), full(1, 64),
            full(320, 128), full(1, 128),
            full(128, 64), full(1, 64),
            full(64, 64), full(1, 64),
        ],
        out_specs=pl.BlockSpec((_BN, _TD), lambda i: (i, 0)),
        out_shape=jax.ShapeDtypeStruct((_N, _TD), jnp.float32),
    )(aid, rid, hid, arid, chg, crd,
      p["atom_em"], p["ring_em"], p["hybr_em"], p["arom_em"],
      p["chrg"]["W"], p["chrg"]["b"].reshape(1, -1),
      p["pre1"]["W"], p["pre1"]["b"].reshape(1, -1),
      p["pre2"]["W"], p["pre2"]["b"].reshape(1, -1),
      p["pre3"]["W"], p["pre3"]["b"].reshape(1, -1))



def _gather_body(t_hbm, dst2_hbm, src2_hbm, gd_hbm, gs_hbm,
                 idx_d, idx_s, d0, s0, d1, s1,
                 gsem0, gsem1, wsem0, wsem1):
    w = lax.axis_index("s") * _NC + lax.axis_index("c")
    base = w * _EPW
    pltpu.sync_copy(dst2_hbm.at[pl.ds(w * _GNCH, _GNCH)], idx_d)
    pltpu.sync_copy(src2_hbm.at[pl.ds(w * _GNCH, _GNCH)], idx_s)

    def fire_gather(i, bd, bs, gsem):
        pltpu.async_copy(t_hbm.at[idx_d.at[i]], bd, gsem)
        pltpu.async_copy(t_hbm.at[idx_s.at[i]], bs, gsem)

    def fire_wb(i, bd, bs, wsem):
        o = pl.multiple_of(base + i * _GCH, _GCH)
        pltpu.async_copy(bd, gd_hbm.at[pl.ds(o, _GCH)], wsem)
        pltpu.async_copy(bs, gs_hbm.at[pl.ds(o, _GCH)], wsem)

    def drain_g(gsem):
        pltpu.make_async_copy(gd_hbm.at[pl.ds(0, _GCH)], d0, gsem).wait()
        pltpu.make_async_copy(gd_hbm.at[pl.ds(0, _GCH)], s0, gsem).wait()

    def drain_w(wsem):
        pltpu.make_async_copy(d0, gd_hbm.at[pl.ds(base, _GCH)], wsem).wait()
        pltpu.make_async_copy(s0, gs_hbm.at[pl.ds(base, _GCH)], wsem).wait()

    def step(i, bufs, gsem, wsem, nbufs, ngsem, nwsem):
        bd, bs = bufs
        nd, ns = nbufs

        @pl.when(i + 1 < _GNCH)
        def _():
            @pl.when(i >= 1)
            def _():
                drain_w(nwsem)
            fire_gather(i + 1, nd, ns, ngsem)

        drain_g(gsem)
        fire_wb(i, bd, bs, wsem)

    fire_gather(0, d0, s0, gsem0)

    def body(h, carry):
        i0 = h * 2
        step(i0, (d0, s0), gsem0, wsem0, (d1, s1), gsem1, wsem1)
        step(i0 + 1, (d1, s1), gsem1, wsem1, (d0, s0), gsem0, wsem0)
        return carry

    lax.fori_loop(0, _GNCH // 2, body, 0)
    drain_w(wsem0)
    drain_w(wsem1)


@functools.lru_cache(maxsize=None)
def _sc_mesh():
    return plsc.VectorSubcoreMesh(core_axis_name="c", subcore_axis_name="s",
                                  num_cores=_NC, num_subcores=_NS)


@functools.lru_cache(maxsize=None)
def _gather_kernel():
    return pl.kernel(
        _gather_body,
        out_type=(jax.ShapeDtypeStruct((_EPH, _TD), jnp.float32),
                  jax.ShapeDtypeStruct((_EPH, _TD), jnp.float32)),
        mesh=_sc_mesh(),
        scratch_types=[
            pltpu.VMEM((_GNCH, _GCH), jnp.int32),
            pltpu.VMEM((_GNCH, _GCH), jnp.int32),
            pltpu.VMEM((_GCH, _TD), jnp.float32),
            pltpu.VMEM((_GCH, _TD), jnp.float32),
            pltpu.VMEM((_GCH, _TD), jnp.float32),
            pltpu.VMEM((_GCH, _TD), jnp.float32),
            pltpu.SemaphoreType.DMA,
            pltpu.SemaphoreType.DMA,
            pltpu.SemaphoreType.DMA,
            pltpu.SemaphoreType.DMA,
        ],
    )


def _gather_call(t, dst2, src2):
    return _gather_kernel()(t, dst2, src2)



def _scatter_body(m_hbm, idx_hbm, agg_hbm, m0, i0, zbuf, acc_sh):
    c = lax.axis_index("c")
    s = lax.axis_index("s")
    base = (c * _NS + s) * _SEPW
    zv = jnp.zeros((_MD,), jnp.float32)

    for r in range(8):
        zbuf[r] = zv

    def zcopy(z, carry):
        o = pl.multiple_of(s * _NPT + z * 8, 8)
        pltpu.sync_copy(zbuf, acc_sh.at[pl.ds(o, 8)])
        return carry

    lax.fori_loop(0, _NPT // 8, zcopy, 0)
    plsc.subcore_barrier()

    def chunk(i, carry):
        o = pl.multiple_of(base + i * _KM, _KM)
        pltpu.sync_copy(m_hbm.at[pl.ds(o, _KM)], m0)
        pltpu.sync_copy(idx_hbm.at[pl.ds(o, _KM)], i0)
        pltpu.sync_copy(m0, acc_sh.at[i0], add=True)
        return carry

    lax.fori_loop(0, _NKM, chunk, 0)
    plsc.subcore_barrier()
    pltpu.sync_copy(acc_sh.at[pl.ds(s * _NPT, _NPT)],
                    agg_hbm.at[pl.ds(c * _NA + s * _NPT, _NPT)])


@functools.lru_cache(maxsize=None)
def _scatter_kernel():
    return pl.kernel(
        _scatter_body,
        out_type=jax.ShapeDtypeStruct((2 * _NA, _MD), jnp.float32),
        mesh=_sc_mesh(),
        scratch_types=[
            pltpu.VMEM((_KM, _MD), jnp.float32),
            pltpu.VMEM((_KM,), jnp.int32),
            pltpu.VMEM((8, _MD), jnp.float32),
            pltpu.VMEM_SHARED((_NA, _MD), jnp.float32),
        ],
    )


def _scatter_call(m, idxc):
    return _scatter_kernel()(m, idxc)



def _edge_body(gd, gs, w1d, w1s, w1r, b1, w2, b2, out_ref, *, ebase):
    fd = gd[:, :_KD]
    fs = gs[:, :_KD]
    diff = gd[...] - gs[...]
    lane = lax.broadcasted_iota(jnp.int32, (_BE, _TD), 1)
    sel = (lane >= _KD) & (lane < _KD + 3)
    rd = jnp.sum(jnp.where(sel, diff * diff, 0.0), axis=1, keepdims=True)
    m = _dot(fd, w1d[...]) + _dot(fs, w1s[...]) + rd * w1r[...] + b1[...]
    m = _silu(m)
    m = _silu(_dot(m, w2[...]) + b2[...])
    eid = (lax.broadcasted_iota(jnp.int32, (_BE, _MD), 0)
           + pl.program_id(0) * _BE + ebase)
    out_ref[...] = jnp.where(eid < _E, m, 0.0)


def _edge_call(gd, gs, kp, ebase):
    w1 = kp["e1"]["W"]
    full = lambda r, c: pl.BlockSpec((r, c), lambda i: (0, 0))
    return pl.pallas_call(
        functools.partial(_edge_body, ebase=ebase),
        grid=(_GE,),
        in_specs=[
            pl.BlockSpec((_BE, _TD), lambda i: (i, 0)),
            pl.BlockSpec((_BE, _TD), lambda i: (i, 0)),
            full(_KD, 258), full(_KD, 258), full(1, 258), full(1, 258),
            full(258, _MD), full(1, _MD),
        ],
        out_specs=pl.BlockSpec((_BE, _MD), lambda i: (i, 0)),
        out_shape=jax.ShapeDtypeStruct((_EPH, _MD), jnp.float32),
    )(gd, gs, w1[:_KD], w1[_KD:2 * _KD], w1[2 * _KD:],
      kp["e1"]["b"].reshape(1, -1), kp["e2"]["W"], kp["e2"]["b"].reshape(1, -1))



def _node_body(t, agg, w1, b1, w2, b2, out_ref):
    f = t[:, :_KD]
    ma = agg[0] + agg[1]
    x = jnp.concatenate([f, ma], axis=1)
    h = _silu(_dot(x, w1[...]) + b1[...])
    nh = _dot(h, w2[...]) + b2[...]
    out_ref[...] = jnp.concatenate([f + nh, t[:, _KD:]], axis=1)


def _node_call(t, agg, kp):
    full = lambda r, c: pl.BlockSpec((r, c), lambda i: (0, 0))
    return pl.pallas_call(
        _node_body,
        grid=(_GN,),
        in_specs=[
            pl.BlockSpec((_BN, _TD), lambda i: (i, 0)),
            pl.BlockSpec((2, _BN, _MD), lambda i: (0, i, 0)),
            full(_KD + _MD, 128), full(1, 128),
            full(128, _KD), full(1, _KD),
        ],
        out_specs=pl.BlockSpec((_BN, _TD), lambda i: (i, 0)),
        out_shape=jax.ShapeDtypeStruct((_N, _TD), jnp.float32),
    )(t, agg, kp["n1"]["W"], kp["n1"]["b"].reshape(1, -1),
      kp["n2"]["W"], kp["n2"]["b"].reshape(1, -1))



def _post_body(t1, t2, t3, w1, b1, w2, b2, w3, b3, w4, b4, out_ref):
    x = jnp.concatenate([t1[:, :_KD], t2[:, :_KD], t3[:, :_KD]], axis=1)
    h = _silu(_dot(x, w1[...]) + b1[...])
    h = _silu(_dot(h, w2[...]) + b2[...])
    h = _silu(_dot(h, w3[...]) + b3[...])
    logit = jnp.sum(h * w4[...], axis=1, keepdims=True) + b4[...]
    out_ref[...] = jax.nn.sigmoid(logit)


def _post_call(t1, t2, t3, p):
    full = lambda r, c: pl.BlockSpec((r, c), lambda i: (0, 0))
    blk = lambda: pl.BlockSpec((_BN, _TD), lambda i: (i, 0))
    return pl.pallas_call(
        _post_body,
        grid=(_GN,),
        in_specs=[
            blk(), blk(), blk(),
            full(192, 512), full(1, 512),
            full(512, 512), full(1, 512),
            full(512, 512), full(1, 512),
            full(1, 512), full(1, 1),
        ],
        out_specs=pl.BlockSpec((_BN, 1), lambda i: (i, 0)),
        out_shape=jax.ShapeDtypeStruct((_N, 1), jnp.float32),
    )(t1, t2, t3,
      p["post1"]["W"], p["post1"]["b"].reshape(1, -1),
      p["post2"]["W"], p["post2"]["b"].reshape(1, -1),
      p["post3"]["W"], p["post3"]["b"].reshape(1, -1),
      p["post4"]["W"].reshape(1, -1), p["post4"]["b"].reshape(1, 1))



def kernel(atom_id, ring_id, hybr_id, arom_id, charges, crds_3d, edge_index,
           params):
    src = edge_index[0].astype(jnp.int32)
    dst = edge_index[1].astype(jnp.int32)
    padz = jnp.zeros((_EP - _E,), jnp.int32)
    src_p = jnp.concatenate([src, padz])
    dst_p = jnp.concatenate([dst, padz])
    halves = []
    for h in range(2):
        d = lax.dynamic_slice_in_dim(dst_p, h * _EPH, _EPH)
        s = lax.dynamic_slice_in_dim(src_p, h * _EPH, _EPH)
        halves.append(dict(
            dst2g=d.reshape(_EPH // _GCH, _GCH),
            src2g=s.reshape(_EPH // _GCH, _GCH),
            ebase=h * _EPH,
        ))
    idxc = dst_p

    t = _pre_call(atom_id.astype(jnp.int32).reshape(-1, 1),
                  ring_id.astype(jnp.int32).reshape(-1, 1),
                  hybr_id.astype(jnp.int32).reshape(-1, 1),
                  arom_id.astype(jnp.int32).reshape(-1, 1),
                  charges, crds_3d, params)

    feats = []
    for kp in params["kernels"]:
        ga = _gather_call(t, halves[0]["dst2g"], halves[0]["src2g"])
        gb = _gather_call(t, halves[1]["dst2g"], halves[1]["src2g"])
        ma = _edge_call(ga[0], ga[1], kp, halves[0]["ebase"])
        mb = _edge_call(gb[0], gb[1], kp, halves[1]["ebase"])
        mp = jnp.concatenate([ma, mb])
        agg = _scatter_call(mp, idxc).reshape(2, _NA, _MD)
        t = _node_call(t, agg, kp)
        feats.append(t)

    out = _post_call(feats[0], feats[1], feats[2], params)
    return out[:, 0]

# --- scband reference (transcript-rebuilt; emitter-appended) ---
"""Pipeline reference for scband-atomistic-egnn-22677427323599 (READ-ONLY COPY).

The authoritative reference and input builder live on the scoring server;
editing this copy changes nothing except your own understanding.
"""

import jax, jax.numpy as jnp
import numpy as np

N = 10000
E = 320000
EMB = 64
KD = 64
MD = 16
NK = 3
MLPD = 512


def _lin(key, din, dout):
    k1, k2 = jax.random.split(key)
    lim = 1.0 / np.sqrt(din)
    W = jax.random.uniform(k1, (din, dout), minval=-lim, maxval=lim, dtype=jnp.float32)
    b = jax.random.uniform(k2, (dout,), minval=-lim, maxval=lim, dtype=jnp.float32)
    return {"W": W, "b": b}


def _make_params(key):
    ks = list(jax.random.split(key, 32))
    p = {}
    p["atom_em"] = jax.random.normal(ks[0], (10, EMB), dtype=jnp.float32) * 0.1
    p["ring_em"] = jax.random.normal(ks[1], (2, EMB), dtype=jnp.float32) * 0.1
    p["hybr_em"] = jax.random.normal(ks[2], (4, EMB), dtype=jnp.float32) * 0.1
    p["arom_em"] = jax.random.normal(ks[3], (2, EMB), dtype=jnp.float32) * 0.1
    p["chrg"] = _lin(ks[4], 1, EMB)
    p["pre1"] = _lin(ks[5], EMB * 5, KD * 2)
    p["pre2"] = _lin(ks[6], KD * 2, KD)
    p["pre3"] = _lin(ks[7], KD, KD)
    kernels = []
    i = 8
    edge_in = KD * 2 + 1
    for _ in range(NK):
        kp = {
            "e1": _lin(ks[i], edge_in, edge_in * 2),
            "e2": _lin(ks[i + 1], edge_in * 2, MD),
            "n1": _lin(ks[i + 2], KD + MD, KD * 2),
            "n2": _lin(ks[i + 3], KD * 2, KD),
        }
        kernels.append(kp)
        i += 4
    p["kernels"] = kernels
    p["post1"] = _lin(ks[i], KD * NK, MLPD)
    p["post2"] = _lin(ks[i + 1], MLPD, MLPD)
    p["post3"] = _lin(ks[i + 2], MLPD, MLPD)
    p["post4"] = _lin(ks[i + 3], MLPD, 1)
    return p


def setup_inputs(seed: int = 0):
    key = jax.random.key(seed)
    ks = jax.random.split(key, 8)
    return {
        "atom_id": jax.random.randint(ks[0], (N,), 0, 10),
        "ring_id": jax.random.randint(ks[1], (N,), 0, 2),
        "hybr_id": jax.random.randint(ks[2], (N,), 0, 4),
        "arom_id": jax.random.randint(ks[3], (N,), 0, 2),
        "charges": jax.random.normal(ks[4], (N, 1), dtype=jnp.float32),
        "crds_3d": jax.random.normal(ks[5], (N, 3), dtype=jnp.float32),
        "edge_index": jax.random.randint(ks[6], (2, E), 0, N),
        "params": _make_params(ks[7]),
    }


def _dense(p, x):
    return x @ p["W"] + p["b"]


def _forward(charges, crds_3d, params, atom_id, ring_id, hybr_id, arom_id, edge_index):
    silu = jax.nn.silu
    # pre_egnn_mlp on concatenated embeddings (dropout is identity in eval)
    emb = jnp.concatenate([
        params["atom_em"][atom_id],
        params["ring_em"][ring_id],
        params["hybr_em"][hybr_id],
        params["arom_em"][arom_id],
        _dense(params["chrg"], charges),
    ], axis=1)
    h = silu(_dense(params["pre1"], emb))
    h = silu(_dense(params["pre2"], h))
    h = silu(_dense(params["pre3"], h))
    feats = h
    coors = crds_3d
    src = edge_index[0]
    dst = edge_index[1]
    feat_list = []
    # EGNN_sparse3D kernels: edge message on (feats_i, feats_j, |x_i-x_j|^2),
    # scatter-add aggregation to dst, residual node update; coords unchanged.
    for kp in params["kernels"]:
        rel = coors[dst] - coors[src]
        rel_dist = jnp.sum(rel * rel, axis=-1, keepdims=True)
        m_inp = jnp.concatenate([feats[dst], feats[src], rel_dist], axis=1)
        m = silu(_dense(kp["e1"], m_inp))
        m = silu(_dense(kp["e2"], m))
        m_agg = jax.ops.segment_sum(m, dst, num_segments=N)
        nh = silu(_dense(kp["n1"], jnp.concatenate([feats, m_agg], axis=1)))
        nh = _dense(kp["n2"], nh)
        feats = feats + nh
        feat_list.append(feats)
    cat = jnp.concatenate(feat_list, axis=1)
    h = silu(_dense(params["post1"], cat))
    h = silu(_dense(params["post2"], h))
    h = silu(_dense(params["post3"], h))
    out = jax.nn.sigmoid(_dense(params["post4"], h))
    return out[:, 0]


def reference(atom_id, ring_id, hybr_id, arom_id, charges, crds_3d, edge_index, params):
    return _forward(charges, crds_3d, params, atom_id, ring_id, hybr_id, arom_id, edge_index)

if __name__ == "__main__":
    import jax
    _d = setup_inputs()
    print(jax.jit(kernel)(*tuple(_d.values())))

</pallas_src>

<mosaic_0001>
#map = affine_map<(d0, d1) -> (0, 0)>
module attributes {stable_mosaic.version = 14 : i64} {
  func.func @_gather_body(%arg0: i32, %arg1: i32, %arg2: memref<10000x128xf32, #tpu.memory_space<hbm>>, %arg3: memref<1280x128xi32, #tpu.memory_space<hbm>>, %arg4: memref<1280x128xi32, #tpu.memory_space<hbm>>, %arg5: memref<163840x128xf32, #tpu.memory_space<hbm>>, %arg6: memref<163840x128xf32, #tpu.memory_space<hbm>>, %arg7: memref<40x128xi32, #tpu.memory_space<vmem>>, %arg8: memref<40x128xi32, #tpu.memory_space<vmem>>, %arg9: memref<128x128xf32, #tpu.memory_space<vmem>>, %arg10: memref<128x128xf32, #tpu.memory_space<vmem>>, %arg11: memref<128x128xf32, #tpu.memory_space<vmem>>, %arg12: memref<128x128xf32, #tpu.memory_space<vmem>>, %arg13: memref<!tpu.dma_semaphore, #tpu.memory_space<semaphore_mem>>, %arg14: memref<!tpu.dma_semaphore, #tpu.memory_space<semaphore_mem>>, %arg15: memref<!tpu.dma_semaphore, #tpu.memory_space<semaphore_mem>>, %arg16: memref<!tpu.dma_semaphore, #tpu.memory_space<semaphore_mem>>) attributes {dimension_semantics = [#tpu.dimension_semantics<core_parallel>, #tpu.dimension_semantics<subcore_parallel>], iteration_bounds = array<i64: 2, 16>, scalar_prefetch = 0 : i64, scratch_operands = 10 : i64, tpu.core_type = #tpu.core_type<sc_vector_subcore>, window_params = [{transform_indices = #map}, {transform_indices = #map}, {transform_indices = #map}, {transform_indices = #map}, {transform_indices = #map}]} {
    %mul3A = arith.constant 2 : i32
    %mul3A_0 = arith.muli %arg1, %mul3A : i32
    %add3A = arith.addi %mul3A_0, %arg0 : i32
    %mul3A_1 = arith.constant 5120 : i32
    %mul3A_2 = arith.muli %add3A, %mul3A_1 : i32
    %mul3A_3 = arith.constant 40 : i32
    %mul3A_4 = arith.muli %add3A, %mul3A_3 : i32
    "tpu.region"() ({
      %run_scoped3A = tpu.sem_alloc : memref<!tpu.dma_semaphore, #tpu.memory_space<semaphore_mem>>
      %dma_start3A_40 = arith.constant 0 : i32
      %dma_start3A_41 = tpu.memref_slice %arg3[%mul3A_4, %dma_start3A_40] : memref<1280x128xi32, #tpu.memory_space<hbm>> -> memref<40x128xi32, #tpu.memory_space<hbm>>
      %dma_start3A_42 = arith.constant 0 : i32
      %dma_start3A_43 = tpu.memref_slice %arg3[%mul3A_4, %dma_start3A_42] : memref<1280x128xi32, #tpu.memory_space<hbm>> -> memref<40x128xi32, #tpu.memory_space<hbm>>
      tpu.enqueue_dma source(%dma_start3A_43 : memref<40x128xi32, #tpu.memory_space<hbm>>) target(%arg7 : memref<40x128xi32, #tpu.memory_space<vmem>>) target_semaphore(%run_scoped3A : memref<!tpu.dma_semaphore, #tpu.memory_space<semaphore_mem>>)
      %dma_wait3A_44 = arith.constant 0 : i32
      %dma_wait3A_45 = tpu.memref_slice %arg3[%mul3A_4, %dma_wait3A_44] : memref<1280x128xi32, #tpu.memory_space<hbm>> -> memref<40x128xi32, #tpu.memory_space<hbm>>
      %dma_wait3A_46 = arith.constant 0 : i32
      %dma_wait3A_47 = tpu.memref_slice %arg3[%mul3A_4, %dma_wait3A_46] : memref<1280x128xi32, #tpu.memory_space<hbm>> -> memref<40x128xi32, #tpu.memory_space<hbm>>
      tpu.wait_dma2 semaphore(%run_scoped3A : memref<!tpu.dma_semaphore, #tpu.memory_space<semaphore_mem>>) src(%dma_wait3A_47 : memref<40x128xi32, #tpu.memory_space<hbm>>) dst(%arg7 : memref<40x128xi32, #tpu.memory_space<vmem>>)
      tpu.yield
    }) : () -> ()
    %mul3A_5 = arith.constant 40 : i32
    %mul3A_6 = arith.muli %add3A, %mul3A_5 : i32
    "tpu.region"() ({
      %run_scoped3A = tpu.sem_alloc : memref<!tpu.dma_semaphore, #tpu.memory_space<semaphore_mem>>
      %dma_start3A_40 = arith.constant 0 : i32
      %dma_start3A_41 = tpu.memref_slice %arg4[%mul3A_6, %dma_start3A_40] : memref<1280x128xi32, #tpu.memory_space<hbm>> -> memref<40x128xi32, #tpu.memory_space<hbm>>
      %dma_start3A_42 = arith.constant 0 : i32
      %dma_start3A_43 = tpu.memref_slice %arg4[%mul3A_6, %dma_start3A_42] : memref<1280x128xi32, #tpu.memory_space<hbm>> -> memref<40x128xi32, #tpu.memory_space<hbm>>
      tpu.enqueue_dma source(%dma_start3A_43 : memref<40x128xi32, #tpu.memory_space<hbm>>) target(%arg8 : memref<40x128xi32, #tpu.memory_space<vmem>>) target_semaphore(%run_scoped3A : memref<!tpu.dma_semaphore, #tpu.memory_space<semaphore_mem>>)
      %dma_wait3A_44 = arith.constant 0 : i32
      %dma_wait3A_45 = tpu.memref_slice %arg4[%mul3A_6, %dma_wait3A_44] : memref<1280x128xi32, #tpu.memory_space<hbm>> -> memref<40x128xi32, #tpu.memory_space<hbm>>
      %dma_wait3A_46 = arith.constant 0 : i32
      %dma_wait3A_47 = tpu.memref_slice %arg4[%mul3A_6, %dma_wait3A_46] : memref<1280x128xi32, #tpu.memory_space<hbm>> -> memref<40x128xi32, #tpu.memory_space<hbm>>
      tpu.wait_dma2 semaphore(%run_scoped3A : memref<!tpu.dma_semaphore, #tpu.memory_space<semaphore_mem>>) src(%dma_wait3A_47 : memref<40x128xi32, #tpu.memory_space<hbm>>) dst(%arg8 : memref<40x128xi32, #tpu.memory_space<vmem>>)
      tpu.yield
    }) : () -> ()
    %dma_start3A = arith.constant 0 : i32
    %dma_start3A_7 = arith.constant 0 : i32
    %dma_start3A_8 = tpu.memref_slice %arg7[%dma_start3A, %dma_start3A_7] : memref<40x128xi32, #tpu.memory_space<vmem>> -> memref<1x128xi32, #tpu.memory_space<vmem>>
    %dma_start3A_9 = tpu.memref_squeeze %dma_start3A_8 : memref<1x128xi32, #tpu.memory_space<vmem>> -> memref<128xi32, #tpu.memory_space<vmem>>
    %dma_start3A_10 = arith.constant 0 : i32
    %dma_start3A_11 = arith.constant 0 : i32
    %dma_start3A_12 = tpu.memref_slice %arg2[%dma_start3A_10, %dma_start3A_11] : memref<10000x128xf32, #tpu.memory_space<hbm>> -> memref<10000x128xf32, #tpu.memory_space<hbm>>
    tpu.enqueue_indirect_dma source(%dma_start3A_12 : memref<10000x128xf32, #tpu.memory_space<hbm>>) target(%arg9 : memref<128x128xf32, #tpu.memory_space<vmem>>) offsets(%dma_start3A_9 : memref<128xi32, #tpu.memory_space<vmem>>) semaphore(%arg13 : memref<!tpu.dma_semaphore, #tpu.memory_space<semaphore_mem>>)
    %dma_start3A_13 = arith.constant 0 : i32
    %dma_start3A_14 = arith.constant 0 : i32
    %dma_start3A_15 = tpu.memref_slice %arg8[%dma_start3A_13, %dma_start3A_14] : memref<40x128xi32, #tpu.memory_space<vmem>> -> memref<1x128xi32, #tpu.memory_space<vmem>>
    %dma_start3A_16 = tpu.memref_squeeze %dma_start3A_15 : memref<1x128xi32, #tpu.memory_space<vmem>> -> memref<128xi32, #tpu.memory_space<vmem>>
    %dma_start3A_17 = arith.constant 0 : i32
    %dma_start3A_18 = arith.constant 0 : i32
    %dma_start3A_19 = tpu.memref_slice %arg2[%dma_start3A_17, %dma_start3A_18] : memref<10000x128xf32, #tpu.memory_space<hbm>> -> memref<10000x128xf32, #tpu.memory_space<hbm>>
    tpu.enqueue_indirect_dma source(%dma_start3A_19 : memref<10000x128xf32, #tpu.memory_space<hbm>>) target(%arg10 : memref<128x128xf32, #tpu.memory_space<vmem>>) offsets(%dma_start3A_16 : memref<128xi32, #tpu.memory_space<vmem>>) semaphore(%arg13 : memref<!tpu.dma_semaphore, #tpu.memory_space<semaphore_mem>>)
    %scan3A = arith.constant 0 : i32
    %scan3A_20 = arith.constant 0 : i32
    %scan3A_21 = arith.constant 20 : i32
    %scan3A_22 = arith.addi %scan3A_20, %scan3A_21 : i32
    %scan3A_23 = arith.constant 1 : i32
    scf.for %scan3A_40 = %scan3A_20 to %scan3A_22 step %scan3A_23  : i32 {
      %mul3A_41 = arith.constant 2 : i32
      %mul3A_42 = arith.muli %scan3A_40, %mul3A_41 : i32
      %add3A_43 = arith.constant 1 : i32
      %add3A_44 = arith.addi %mul3A_42, %add3A_43 : i32
      %lt3A = arith.constant 40 : i32
      %lt3A_45 = arith.cmpi slt, %add3A_44, %lt3A : i32
      %convert_element_type3A = arith.extui %lt3A_45 : i1 to i32
      %cond3A = arith.constant 0 : i32
      %cond3A_46 = arith.cmpi ne, %convert_element_type3A, %cond3A : i32
      scf.if %cond3A_46 {
        %ge3A = arith.constant 1 : i32
        %ge3A_103 = arith.cmpi sge, %mul3A_42, %ge3A : i32
        %convert_element_type3A_104 = arith.extui %ge3A_103 : i1 to i32
        %cond3A_105 = arith.constant 0 : i32
        %cond3A_106 = arith.cmpi ne, %convert_element_type3A_104, %cond3A_105 : i32
        scf.if %cond3A_106 {
          %dma_wait3A_121 = arith.constant 0 : i32
          %dma_wait3A_122 = tpu.memref_slice %arg5[%mul3A_2, %dma_wait3A_121] : memref<163840x128xf32, #tpu.memory_space<hbm>> -> memref<128x128xf32, #tpu.memory_space<hbm>>
          %dma_wait3A_123 = arith.constant 0 : i32
          %dma_wait3A_124 = tpu.memref_slice %arg5[%mul3A_2, %dma_wait3A_123] : memref<163840x128xf32, #tpu.memory_space<hbm>> -> memref<128x128xf32, #tpu.memory_space<hbm>>
          tpu.wait_dma2 semaphore(%arg16 : memref<!tpu.dma_semaphore, #tpu.memory_space<semaphore_mem>>) src(%arg9 : memref<128x128xf32, #tpu.memory_space<vmem>>) dst(%dma_wait3A_124 : memref<128x128xf32, #tpu.memory_space<hbm>>)
          %dma_wait3A_125 = arith.constant 0 : i32
          %dma_wait3A_126 = tpu.memref_slice %arg6[%mul3A_2, %dma_wait3A_125] : memref<163840x128xf32, #tpu.memory_space<hbm>> -> memref<128x128xf32, #tpu.memory_space<hbm>>
          %dma_wait3A_127 = arith.constant 0 : i32
          %dma_wait3A_128 = tpu.memref_slice %arg6[%mul3A_2, %dma_wait3A_127] : memref<163840x128xf32, #tpu.memory_space<hbm>> -> memref<128x128xf32, #tpu.memory_space<hbm>>
          tpu.wait_dma2 semaphore(%arg16 : memref<!tpu.dma_semaphore, #tpu.memory_space<semaphore_mem>>) src(%arg10 : memref<128x128xf32, #tpu.memory_space<vmem>>) dst(%dma_wait3A_128 : memref<128x128xf32, #tpu.memory_space<hbm>>)
        } else {
        }
        %add3A_107 = arith.constant 1 : i32
        %add3A_108 = arith.addi %mul3A_42, %add3A_107 : i32
        %dma_start3A_109 = arith.constant 0 : i32
        %dma_start3A_110 = tpu.memref_slice %arg7[%add3A_108, %dma_start3A_109] : memref<40x128xi32, #tpu.memory_space<vmem>> -> memref<1x128xi32, #tpu.memory_space<vmem>>
        %dma_start3A_111 = tpu.memref_squeeze %dma_start3A_110 : memref<1x128xi32, #tpu.memory_space<vmem>> -> memref<128xi32, #tpu.memory_space<vmem>>
        %dma_start3A_112 = arith.constant 0 : i32
        %dma_start3A_113 = arith.constant 0 : i32
        %dma_start3A_114 = tpu.memref_slice %arg2[%dma_start3A_112, %dma_start3A_113] : memref<10000x128xf32, #tpu.memory_space<hbm>> -> memref<10000x128xf32, #tpu.memory_space<hbm>>
        tpu.enqueue_indirect_dma source(%dma_start3A_114 : memref<10000x128xf32, #tpu.memory_space<hbm>>) target(%arg11 : memref<128x128xf32, #tpu.memory_space<vmem>>) offsets(%dma_start3A_111 : memref<128xi32, #tpu.memory_space<vmem>>) semaphore(%arg14 : memref<!tpu.dma_semaphore, #tpu.memory_space<semaphore_mem>>)
        %dma_start3A_115 = arith.constant 0 : i32
        %dma_start3A_116 = tpu.memref_slice %arg8[%add3A_108, %dma_start3A_115] : memref<40x128xi32, #tpu.memory_space<vmem>> -> memref<1x128xi32, #tpu.memory_space<vmem>>
        %dma_start3A_117 = tpu.memref_squeeze %dma_start3A_116 : memref<1x128xi32, #tpu.memory_space<vmem>> -> memref<128xi32, #tpu.memory_space<vmem>>
        %dma_start3A_118 = arith.constant 0 : i32
        %dma_start3A_119 = arith.constant 0 : i32
        %dma_start3A_120 = tpu.memref_slice %arg2[%dma_start3A_118, %dma_start3A_119] : memref<10000x128xf32, #tpu.memory_space<hbm>> -> memref<10000x128xf32, #tpu.memory_space<hbm>>
        tpu.enqueue_indirect_dma source(%dma_start3A_120 : memref<10000x128xf32, #tpu.memory_space<hbm>>) target(%arg12 : memref<128x128xf32, #tpu.memory_space<vmem>>) offsets(%dma_start3A_117 : memref<128xi32, #tpu.memory_space<vmem>>) semaphore(%arg14 : memref<!tpu.dma_semaphore, #tpu.memory_space<semaphore_mem>>)
      } else {
      }
      %dma_wait3A_47 = arith.constant 0 : i32
      %dma_wait3A_48 = arith.constant 0 : i32
      %dma_wait3A_49 = tpu.memref_slice %arg5[%dma_wait3A_47, %dma_wait3A_48] : memref<163840x128xf32, #tpu.memory_space<hbm>> -> memref<128x128xf32, #tpu.memory_space<hbm>>
      %dma_wait3A_50 = arith.constant 0 : i32
      %dma_wait3A_51 = arith.constant 0 : i32
      %dma_wait3A_52 = tpu.memref_slice %arg5[%dma_wait3A_50, %dma_wait3A_51] : memref<163840x128xf32, #tpu.memory_space<hbm>> -> memref<128x128xf32, #tpu.memory_space<hbm>>
      tpu.wait_dma2 semaphore(%arg13 : memref<!tpu.dma_semaphore, #tpu.memory_space<semaphore_mem>>) src(%dma_wait3A_52 : memref<128x128xf32, #tpu.memory_space<hbm>>) dst(%arg9 : memref<128x128xf32, #tpu.memory_space<vmem>>)
      %dma_wait3A_53 = arith.constant 0 : i32
      %dma_wait3A_54 = arith.constant 0 : i32
      %dma_wait3A_55 = tpu.memref_slice %arg5[%dma_wait3A_53, %dma_wait3A_54] : memref<163840x128xf32, #tpu.memory_space<hbm>> -> memref<128x128xf32, #tpu.memory_space<hbm>>
      %dma_wait3A_56 = arith.constant 0 : i32
      %dma_wait3A_57 = arith.constant 0 : i32
      %dma_wait3A_58 = tpu.memref_slice %arg5[%dma_wait3A_56, %dma_wait3A_57] : memref<163840x128xf32, #tpu.memory_space<hbm>> -> memref<128x128xf32, #tpu.memory_space<hbm>>
      tpu.wait_dma2 semaphore(%arg13 : memref<!tpu.dma_semaphore, #tpu.memory_space<semaphore_mem>>) src(%dma_wait3A_58 : memref<128x128xf32, #tpu.memory_space<hbm>>) dst(%arg10 : memref<128x128xf32, #tpu.memory_space<vmem>>)
      %mul3A_59 = arith.constant 128 : i32
      %mul3A_60 = arith.muli %mul3A_42, %mul3A_59 : i32
      %add3A_61 = arith.addi %mul3A_2, %mul3A_60 : i32
      %multiple_of3A = tpu.assume_multiple %add3A_61, 128 : i32
      %dma_start3A_62 = arith.constant 0 : i32
      %dma_start3A_63 = tpu.memref_slice %arg5[%multiple_of3A, %dma_start3A_62] : memref<163840x128xf32, #tpu.memory_space<hbm>> -> memref<128x128xf32, #tpu.memory_space<hbm>>
      %dma_start3A_64 = arith.constant 0 : i32
      %dma_start3A_65 = tpu.memref_slice %arg5[%multiple_of3A, %dma_start3A_64] : memref<163840x128xf32, #tpu.memory_space<hbm>> -> memref<128x128xf32, #tpu.memory_space<hbm>>
      tpu.enqueue_dma source(%arg9 : memref<128x128xf32, #tpu.memory_space<vmem>>) target(%dma_start3A_65 : memref<128x128xf32, #tpu.memory_space<hbm>>) target_semaphore(%arg15 : memref<!tpu.dma_semaphore, #tpu.memory_space<semaphore_mem>>)
      %dma_start3A_66 = arith.constant 0 : i32
      %dma_start3A_67 = tpu.memref_slice %arg6[%multiple_of3A, %dma_start3A_66] : memref<163840x128xf32, #tpu.memory_space<hbm>> -> memref<128x128xf32, #tpu.memory_space<hbm>>
      %dma_start3A_68 = arith.constant 0 : i32
      %dma_start3A_69 = tpu.memref_slice %arg6[%multiple_of3A, %dma_start3A_68] : memref<163840x128xf32, #tpu.memory_space<hbm>> -> memref<128x128xf32, #tpu.memory_space<hbm>>
      tpu.enqueue_dma source(%arg10 : memref<128x128xf32, #tpu.memory_space<vmem>>) target(%dma_start3A_69 : memref<128x128xf32, #tpu.memory_space<hbm>>) target_semaphore(%arg15 : memref<!tpu.dma_semaphore, #tpu.memory_space<semaphore_mem>>)
      %add3A_70 = arith.constant 1 : i32
      %add3A_71 = arith.addi %mul3A_42, %add3A_70 : i32
      %add3A_72 = arith.constant 1 : i32
      %add3A_73 = arith.addi %add3A_71, %add3A_72 : i32
      %lt3A_74 = arith.constant 40 : i32
      %lt3A_75 = arith.cmpi slt, %add3A_73, %lt3A_74 : i32
      %convert_element_type3A_76 = arith.extui %lt3A_75 : i1 to i32
      %cond3A_77 = arith.constant 0 : i32
      %cond3A_78 = arith.cmpi ne, %convert_element_type3A_76, %cond3A_77 : i32
      scf.if %cond3A_78 {
        %ge3A = arith.constant 1 : i32
        %ge3A_103 = arith.cmpi sge, %add3A_71, %ge3A : i32
        %convert_element_type3A_104 = arith.extui %ge3A_103 : i1 to i32
        %cond3A_105 = arith.constant 0 : i32
        %cond3A_106 = arith.cmpi ne, %convert_element_type3A_104, %cond3A_105 : i32
        scf.if %cond3A_106 {
          %dma_wait3A_121 = arith.constant 0 : i32
          %dma_wait3A_122 = tpu.memref_slice %arg5[%mul3A_2, %dma_wait3A_121] : memref<163840x128xf32, #tpu.memory_space<hbm>> -> memref<128x128xf32, #tpu.memory_space<hbm>>
          %dma_wait3A_123 = arith.constant 0 : i32
          %dma_wait3A_124 = tpu.memref_slice %arg5[%mul3A_2, %dma_wait3A_123] : memref<163840x128xf32, #tpu.memory_space<hbm>> -> memref<128x128xf32, #tpu.memory_space<hbm>>
          tpu.wait_dma2 semaphore(%arg15 : memref<!tpu.dma_semaphore, #tpu.memory_space<semaphore_mem>>) src(%arg9 : memref<128x128xf32, #tpu.memory_space<vmem>>) dst(%dma_wait3A_124 : memref<128x128xf32, #tpu.memory_space<hbm>>)
          %dma_wait3A_125 = arith.constant 0 : i32
          %dma_wait3A_126 = tpu.memref_slice %arg6[%mul3A_2, %dma_wait3A_125] : memref<163840x128xf32, #tpu.memory_space<hbm>> -> memref<128x128xf32, #tpu.memory_space<hbm>>
          %dma_wait3A_127 = arith.constant 0 : i32
          %dma_wait3A_128 = tpu.memref_slice %arg6[%mul3A_2, %dma_wait3A_127] : memref<163840x128xf32, #tpu.memory_space<hbm>> -> memref<128x128xf32, #tpu.memory_space<hbm>>
          tpu.wait_dma2 semaphore(%arg15 : memref<!tpu.dma_semaphore, #tpu.memory_space<semaphore_mem>>) src(%arg10 : memref<128x128xf32, #tpu.memory_space<vmem>>) dst(%dma_wait3A_128 : memref<128x128xf32, #tpu.memory_space<hbm>>)
        } else {
        }
        %add3A_107 = arith.constant 1 : i32
        %add3A_108 = arith.addi %add3A_71, %add3A_107 : i32
        %dma_start3A_109 = arith.constant 0 : i32
        %dma_start3A_110 = tpu.memref_slice %arg7[%add3A_108, %dma_start3A_109] : memref<40x128xi32, #tpu.memory_space<vmem>> -> memref<1x128xi32, #tpu.memory_space<vmem>>
        %dma_start3A_111 = tpu.memref_squeeze %dma_start3A_110 : memref<1x128xi32, #tpu.memory_space<vmem>> -> memref<128xi32, #tpu.memory_space<vmem>>
        %dma_start3A_112 = arith.constant 0 : i32
        %dma_start3A_113 = arith.constant 0 : i32
        %dma_start3A_114 = tpu.memref_slice %arg2[%dma_start3A_112, %dma_start3A_113] : memref<10000x128xf32, #tpu.memory_space<hbm>> -> memref<10000x128xf32, #tpu.memory_space<hbm>>
        tpu.enqueue_indirect_dma source(%dma_start3A_114 : memref<10000x128xf32, #tpu.memory_space<hbm>>) target(%arg9 : memref<128x128xf32, #tpu.memory_space<vmem>>) offsets(%dma_start3A_111 : memref<128xi32, #tpu.memory_space<vmem>>) semaphore(%arg13 : memref<!tpu.dma_semaphore, #tpu.memory_space<semaphore_mem>>)
        %dma_start3A_115 = arith.constant 0 : i32
        %dma_start3A_116 = tpu.memref_slice %arg8[%add3A_108, %dma_start3A_115] : memref<40x128xi32, #tpu.memory_space<vmem>> -> memref<1x128xi32, #tpu.memory_space<vmem>>
        %dma_start3A_117 = tpu.memref_squeeze %dma_start3A_116 : memref<1x128xi32, #tpu.memory_space<vmem>> -> memref<128xi32, #tpu.memory_space<vmem>>
        %dma_start3A_118 = arith.constant 0 : i32
        %dma_start3A_119 = arith.constant 0 : i32
        %dma_start3A_120 = tpu.memref_slice %arg2[%dma_start3A_118, %dma_start3A_119] : memref<10000x128xf32, #tpu.memory_space<hbm>> -> memref<10000x128xf32, #tpu.memory_space<hbm>>
        tpu.enqueue_indirect_dma source(%dma_start3A_120 : memref<10000x128xf32, #tpu.memory_space<hbm>>) target(%arg10 : memref<128x128xf32, #tpu.memory_space<vmem>>) offsets(%dma_start3A_117 : memref<128xi32, #tpu.memory_space<vmem>>) semaphore(%arg13 : memref<!tpu.dma_semaphore, #tpu.memory_space<semaphore_mem>>)
      } else {
      }
      %dma_wait3A_79 = arith.constant 0 : i32
      %dma_wait3A_80 = arith.constant 0 : i32
      %dma_wait3A_81 = tpu.memref_slice %arg5[%dma_wait3A_79, %dma_wait3A_80] : memref<163840x128xf32, #tpu.memory_space<hbm>> -> memref<128x128xf32, #tpu.memory_space<hbm>>
      %dma_wait3A_82 = arith.constant 0 : i32
      %dma_wait3A_83 = arith.constant 0 : i32
      %dma_wait3A_84 = tpu.memref_slice %arg5[%dma_wait3A_82, %dma_wait3A_83] : memref<163840x128xf32, #tpu.memory_space<hbm>> -> memref<128x128xf32, #tpu.memory_space<hbm>>
      tpu.wait_dma2 semaphore(%arg14 : memref<!tpu.dma_semaphore, #tpu.memory_space<semaphore_mem>>) src(%dma_wait3A_84 : memref<128x128xf32, #tpu.memory_space<hbm>>) dst(%arg9 : memref<128x128xf32, #tpu.memory_space<vmem>>)
      %dma_wait3A_85 = arith.constant 0 : i32
      %dma_wait3A_86 = arith.constant 0 : i32
      %dma_wait3A_87 = tpu.memref_slice %arg5[%dma_wait3A_85, %dma_wait3A_86] : memref<163840x128xf32, #tpu.memory_space<hbm>> -> memref<128x128xf32, #tpu.memory_space<hbm>>
      %dma_wait3A_88 = arith.constant 0 : i32
      %dma_wait3A_89 = arith.constant 0 : i32
      %dma_wait3A_90 = tpu.memref_slice %arg5[%dma_wait3A_88, %dma_wait3A_89] : memref<163840x128xf32, #tpu.memory_space<hbm>> -> memref<128x128xf32, #tpu.memory_space<hbm>>
      tpu.wait_dma2 semaphore(%arg14 : memref<!tpu.dma_semaphore, #tpu.memory_space<semaphore_mem>>) src(%dma_wait3A_90 : memref<128x128xf32, #tpu.memory_space<hbm>>) dst(%arg10 : memref<128x128xf32, #tpu.memory_space<vmem>>)
      %mul3A_91 = arith.constant 128 : i32
      %mul3A_92 = arith.muli %add3A_71, %mul3A_91 : i32
      %add3A_93 = arith.addi %mul3A_2, %mul3A_92 : i32
      %multiple_of3A_94 = tpu.assume_multiple %add3A_93, 128 : i32
      %dma_start3A_95 = arith.constant 0 : i32
      %dma_start3A_96 = tpu.memref_slice %arg5[%multiple_of3A_94, %dma_start3A_95] : memref<163840x128xf32, #tpu.memory_space<hbm>> -> memref<128x128xf32, #tpu.memory_space<hbm>>
      %dma_start3A_97 = arith.constant 0 : i32
      %dma_start3A_98 = tpu.memref_slice %arg5[%multiple_of3A_94, %dma_start3A_97] : memref<163840x128xf32, #tpu.memory_space<hbm>> -> memref<128x128xf32, #tpu.memory_space<hbm>>
      tpu.enqueue_dma source(%arg11 : memref<128x128xf32, #tpu.memory_space<vmem>>) target(%dma_start3A_98 : memref<128x128xf32, #tpu.memory_space<hbm>>) target_semaphore(%arg16 : memref<!tpu.dma_semaphore, #tpu.memory_space<semaphore_mem>>)
      %dma_start3A_99 = arith.constant 0 : i32
      %dma_start3A_100 = tpu.memref_slice %arg6[%multiple_of3A_94, %dma_start3A_99] : memref<163840x128xf32, #tpu.memory_space<hbm>> -> memref<128x128xf32, #tpu.memory_space<hbm>>
      %dma_start3A_101 = arith.constant 0 : i32
      %dma_start3A_102 = tpu.memref_slice %arg6[%multiple_of3A_94, %dma_start3A_101] : memref<163840x128xf32, #tpu.memory_space<hbm>> -> memref<128x128xf32, #tpu.memory_space<hbm>>
      tpu.enqueue_dma source(%arg12 : memref<128x128xf32, #tpu.memory_space<vmem>>) target(%dma_start3A_102 : memref<128x128xf32, #tpu.memory_space<hbm>>) target_semaphore(%arg16 : memref<!tpu.dma_semaphore, #tpu.memory_space<semaphore_mem>>)
    }
    %scan3A_24 = arith.constant 20 : i32
    %dma_wait3A = arith.constant 0 : i32
    %dma_wait3A_25 = tpu.memref_slice %arg5[%mul3A_2, %dma_wait3A] : memref<163840x128xf32, #tpu.memory_space<hbm>> -> memref<128x128xf32, #tpu.memory_space<hbm>>
    %dma_wait3A_26 = arith.constant 0 : i32
    %dma_wait3A_27 = tpu.memref_slice %arg5[%mul3A_2, %dma_wait3A_26] : memref<163840x128xf32, #tpu.memory_space<hbm>> -> memref<128x128xf32, #tpu.memory_space<hbm>>
    tpu.wait_dma2 semaphore(%arg15 : memref<!tpu.dma_semaphore, #tpu.memory_space<semaphore_mem>>) src(%arg9 : memref<128x128xf32, #tpu.memory_space<vmem>>) dst(%dma_wait3A_27 : memref<128x128xf32, #tpu.memory_space<hbm>>)
    %dma_wait3A_28 = arith.constant 0 : i32
    %dma_wait3A_29 = tpu.memref_slice %arg6[%mul3A_2, %dma_wait3A_28] : memref<163840x128xf32, #tpu.memory_space<hbm>> -> memref<128x128xf32, #tpu.memory_space<hbm>>
    %dma_wait3A_30 = arith.constant 0 : i32
    %dma_wait3A_31 = tpu.memref_slice %arg6[%mul3A_2, %dma_wait3A_30] : memref<163840x128xf32, #tpu.memory_space<hbm>> -> memref<128x128xf32, #tpu.memory_space<hbm>>
    tpu.wait_dma2 semaphore(%arg15 : memref<!tpu.dma_semaphore, #tpu.memory_space<semaphore_mem>>) src(%arg10 : memref<128x128xf32, #tpu.memory_space<vmem>>) dst(%dma_wait3A_31 : memref<128x128xf32, #tpu.memory_space<hbm>>)
    %dma_wait3A_32 = arith.constant 0 : i32
    %dma_wait3A_33 = tpu.memref_slice %arg5[%mul3A_2, %dma_wait3A_32] : memref<163840x128xf32, #tpu.memory_space<hbm>> -> memref<128x128xf32, #tpu.memory_space<hbm>>
    %dma_wait3A_34 = arith.constant 0 : i32
    %dma_wait3A_35 = tpu.memref_slice %arg5[%mul3A_2, %dma_wait3A_34] : memref<163840x128xf32, #tpu.memory_space<hbm>> -> memref<128x128xf32, #tpu.memory_space<hbm>>
    tpu.wait_dma2 semaphore(%arg16 : memref<!tpu.dma_semaphore, #tpu.memory_space<semaphore_mem>>) src(%arg9 : memref<128x128xf32, #tpu.memory_space<vmem>>) dst(%dma_wait3A_35 : memref<128x128xf32, #tpu.memory_space<hbm>>)
    %dma_wait3A_36 = arith.constant 0 : i32
    %dma_wait3A_37 = tpu.memref_slice %arg6[%mul3A_2, %dma_wait3A_36] : memref<163840x128xf32, #tpu.memory_space<hbm>> -> memref<128x128xf32, #tpu.memory_space<hbm>>
    %dma_wait3A_38 = arith.constant 0 : i32
    %dma_wait3A_39 = tpu.memref_slice %arg6[%mul3A_2, %dma_wait3A_38] : memref<163840x128xf32, #tpu.memory_space<hbm>> -> memref<128x128xf32, #tpu.memory_space<hbm>>
    tpu.wait_dma2 semaphore(%arg16 : memref<!tpu.dma_semaphore, #tpu.memory_space<semaphore_mem>>) src(%arg10 : memref<128x128xf32, #tpu.memory_space<vmem>>) dst(%dma_wait3A_39 : memref<128x128xf32, #tpu.memory_space<hbm>>)
    return
  }
}

#map = affine_map<(d0, d1) -> (0, 0)>
module attributes {stable_mosaic.version = 14 : i64} {
  func.func @_gather_body(%arg0: i32, %arg1: i32, %arg2: memref<10000x128xf32, #tpu.memory_space<hbm>>, %arg3: memref<1280x128xi32, #tpu.memory_space<hbm>>, %arg4: memref<1280x128xi32, #tpu.memory_space<hbm>>, %arg5: memref<163840x128xf32, #tpu.memory_space<hbm>>, %arg6: memref<163840x128xf32, #tpu.memory_space<hbm>>, %arg7: memref<40x128xi32, #tpu.memory_space<vmem>>, %arg8: memref<40x128xi32, #tpu.memory_space<vmem>>, %arg9: memref<128x128xf32, #tpu.memory_space<vmem>>, %arg10: memref<128x128xf32, #tpu.memory_space<vmem>>, %arg11: memref<128x128xf32, #tpu.memory_space<vmem>>, %arg12: memref<128x128xf32, #tpu.memory_space<vmem>>, %arg13: memref<!tpu.dma_semaphore, #tpu.memory_space<semaphore_mem>>, %arg14: memref<!tpu.dma_semaphore, #tpu.memory_space<semaphore_mem>>, %arg15: memref<!tpu.dma_semaphore, #tpu.memory_space<semaphore_mem>>, %arg16: memref<!tpu.dma_semaphore, #tpu.memory_space<semaphore_mem>>) attributes {dimension_semantics = [#tpu.dimension_semantics<core_parallel>, #tpu.dimension_semantics<subcore_parallel>], iteration_bounds = array<i64: 2, 16>, scalar_prefetch = 0 : i64, scratch_operands = 10 : i64, tpu.core_type = #tpu.core_type<sc_vector_subcore>, window_params = [{transform_indices = #map}, {transform_indices = #map}, {transform_indices = #map}, {transform_indices = #map}, {transform_indices = #map}]} {
    %mul3A = arith.constant 2 : i32
    %mul3A_0 = arith.muli %arg1, %mul3A : i32
    %add3A = arith.addi %mul3A_0, %arg0 : i32
    %mul3A_1 = arith.constant 5120 : i32
    %mul3A_2 = arith.muli %add3A, %mul3A_1 : i32
    %mul3A_3 = arith.constant 40 : i32
    %mul3A_4 = arith.muli %add3A, %mul3A_3 : i32
    "tpu.region"() ({
      %run_scoped3A = tpu.sem_alloc : memref<!tpu.dma_semaphore, #tpu.memory_space<semaphore_mem>>
      %dma_start3A_40 = arith.constant 0 : i32
      %dma_start3A_41 = tpu.memref_slice %arg3[%mul3A_4, %dma_start3A_40] : memref<1280x128xi32, #tpu.memory_space<hbm>> -> memref<40x128xi32, #tpu.memory_space<hbm>>
      %dma_start3A_42 = arith.constant 0 : i32
      %dma_start3A_43 = tpu.memref_slice %arg3[%mul3A_4, %dma_start3A_42] : memref<1280x128xi32, #tpu.memory_space<hbm>> -> memref<40x128xi32, #tpu.memory_space<hbm>>
      tpu.enqueue_dma source(%dma_start3A_43 : memref<40x128xi32, #tpu.memory_space<hbm>>) target(%arg7 : memref<40x128xi32, #tpu.memory_space<vmem>>) target_semaphore(%run_scoped3A : memref<!tpu.dma_semaphore, #tpu.memory_space<semaphore_mem>>)
      %dma_wait3A_44 = arith.constant 0 : i32
      %dma_wait3A_45 = tpu.memref_slice %arg3[%mul3A_4, %dma_wait3A_44] : memref<1280x128xi32, #tpu.memory_space<hbm>> -> memref<40x128xi32, #tpu.memory_space<hbm>>
      %dma_wait3A_46 = arith.constant 0 : i32
      %dma_wait3A_47 = tpu.memref_slice %arg3[%mul3A_4, %dma_wait3A_46] : memref<1280x128xi32, #tpu.memory_space<hbm>> -> memref<40x128xi32, #tpu.memory_space<hbm>>
      tpu.wait_dma2 semaphore(%run_scoped3A : memref<!tpu.dma_semaphore, #tpu.memory_space<semaphore_mem>>) src(%dma_wait3A_47 : memref<40x128xi32, #tpu.memory_space<hbm>>) dst(%arg7 : memref<40x128xi32, #tpu.memory_space<vmem>>)
      tpu.yield
    }) : () -> ()
    %mul3A_5 = arith.constant 40 : i32
    %mul3A_6 = arith.muli %add3A, %mul3A_5 : i32
    "tpu.region"() ({
      %run_scoped3A = tpu.sem_alloc : memref<!tpu.dma_semaphore, #tpu.memory_space<semaphore_mem>>
      %dma_start3A_40 = arith.constant 0 : i32
      %dma_start3A_41 = tpu.memref_slice %arg4[%mul3A_6, %dma_start3A_40] : memref<1280x128xi32, #tpu.memory_space<hbm>> -> memref<40x128xi32, #tpu.memory_space<hbm>>
      %dma_start3A_42 = arith.constant 0 : i32
      %dma_start3A_43 = tpu.memref_slice %arg4[%mul3A_6, %dma_start3A_42] : memref<1280x128xi32, #tpu.memory_space<hbm>> -> memref<40x128xi32, #tpu.memory_space<hbm>>
      tpu.enqueue_dma source(%dma_start3A_43 : memref<40x128xi32, #tpu.memory_space<hbm>>) target(%arg8 : memref<40x128xi32, #tpu.memory_space<vmem>>) target_semaphore(%run_scoped3A : memref<!tpu.dma_semaphore, #tpu.memory_space<semaphore_mem>>)
      %dma_wait3A_44 = arith.constant 0 : i32
      %dma_wait3A_45 = tpu.memref_slice %arg4[%mul3A_6, %dma_wait3A_44] : memref<1280x128xi32, #tpu.memory_space<hbm>> -> memref<40x128xi32, #tpu.memory_space<hbm>>
      %dma_wait3A_46 = arith.constant 0 : i32
      %dma_wait3A_47 = tpu.memref_slice %arg4[%mul3A_6, %dma_wait3A_46] : memref<1280x128xi32, #tpu.memory_space<hbm>> -> memref<40x128xi32, #tpu.memory_space<hbm>>
      tpu.wait_dma2 semaphore(%run_scoped3A : memref<!tpu.dma_semaphore, #tpu.memory_space<semaphore_mem>>) src(%dma_wait3A_47 : memref<40x128xi32, #tpu.memory_space<hbm>>) dst(%arg8 : memref<40x128xi32, #tpu.memory_space<vmem>>)
      tpu.yield
    }) : () -> ()
    %dma_start3A = arith.constant 0 : i32
    %dma_start3A_7 = arith.constant 0 : i32
    %dma_start3A_8 = tpu.memref_slice %arg7[%dma_start3A, %dma_start3A_7] : memref<40x128xi32, #tpu.memory_space<vmem>> -> memref<1x128xi32, #tpu.memory_space<vmem>>
    %dma_start3A_9 = tpu.memref_squeeze %dma_start3A_8 : memref<1x128xi32, #tpu.memory_space<vmem>> -> memref<128xi32, #tpu.memory_space<vmem>>
    %dma_start3A_10 = arith.constant 0 : i32
    %dma_start3A_11 = arith.constant 0 : i32
    %dma_start3A_12 = tpu.memref_slice %arg2[%dma_start3A_10, %dma_start3A_11] : memref<10000x128xf32, #tpu.memory_space<hbm>> -> memref<10000x128xf32, #tpu.memory_space<hbm>>
    tpu.enqueue_indirect_dma source(%dma_start3A_12 : memref<10000x128xf32, #tpu.memory_space<hbm>>) target(%arg9 : memref<128x128xf32, #tpu.memory_space<vmem>>) offsets(%dma_start3A_9 : memref<128xi32, #tpu.memory_space<vmem>>) semaphore(%arg13 : memref<!tpu.dma_semaphore, #tpu.memory_space<semaphore_mem>>)
    %dma_start3A_13 = arith.constant 0 : i32
    %dma_start3A_14 = arith.constant 0 : i32
    %dma_start3A_15 = tpu.memref_slice %arg8[%dma_start3A_13, %dma_start3A_14] : memref<40x128xi32, #tpu.memory_space<vmem>> -> memref<1x128xi32, #tpu.memory_space<vmem>>
    %dma_start3A_16 = tpu.memref_squeeze %dma_start3A_15 : memref<1x128xi32, #tpu.memory_space<vmem>> -> memref<128xi32, #tpu.memory_space<vmem>>
    %dma_start3A_17 = arith.constant 0 : i32
    %dma_start3A_18 = arith.constant 0 : i32
    %dma_start3A_19 = tpu.memref_slice %arg2[%dma_start3A_17, %dma_start3A_18] : memref<10000x128xf32, #tpu.memory_space<hbm>> -> memref<10000x128xf32, #tpu.memory_space<hbm>>
    tpu.enqueue_indirect_dma source(%dma_start3A_19 : memref<10000x128xf32, #tpu.memory_space<hbm>>) target(%arg10 : memref<128x128xf32, #tpu.memory_space<vmem>>) offsets(%dma_start3A_16 : memref<128xi32, #tpu.memory_space<vmem>>) semaphore(%arg13 : memref<!tpu.dma_semaphore, #tpu.memory_space<semaphore_mem>>)
    %scan3A = arith.constant 0 : i32
    %scan3A_20 = arith.constant 0 : i32
    %scan3A_21 = arith.constant 20 : i32
    %scan3A_22 = arith.addi %scan3A_20, %scan3A_21 : i32
    %scan3A_23 = arith.constant 1 : i32
    scf.for %scan3A_40 = %scan3A_20 to %scan3A_22 step %scan3A_23  : i32 {
      %mul3A_41 = arith.constant 2 : i32
      %mul3A_42 = arith.muli %scan3A_40, %mul3A_41 : i32
      %add3A_43 = arith.constant 1 : i32
      %add3A_44 = arith.addi %mul3A_42, %add3A_43 : i32
      %lt3A = arith.constant 40 : i32
      %lt3A_45 = arith.cmpi slt, %add3A_44, %lt3A : i32
      %convert_element_type3A = arith.extui %lt3A_45 : i1 to i32
      %cond3A = arith.constant 0 : i32
      %cond3A_46 = arith.cmpi ne, %convert_element_type3A, %cond3A : i32
      scf.if %cond3A_46 {
        %ge3A = arith.constant 1 : i32
        %ge3A_103 = arith.cmpi sge, %mul3A_42, %ge3A : i32
        %convert_element_type3A_104 = arith.extui %ge3A_103 : i1 to i32
        %cond3A_105 = arith.constant 0 : i32
        %cond3A_106 = arith.cmpi ne, %convert_element_type3A_104, %cond3A_105 : i32
        scf.if %cond3A_106 {
          %dma_wait3A_121 = arith.constant 0 : i32
          %dma_wait3A_122 = tpu.memref_slice %arg5[%mul3A_2, %dma_wait3A_121] : memref<163840x128xf32, #tpu.memory_space<hbm>> -> memref<128x128xf32, #tpu.memory_space<hbm>>
          %dma_wait3A_123 = arith.constant 0 : i32
          %dma_wait3A_124 = tpu.memref_slice %arg5[%mul3A_2, %dma_wait3A_123] : memref<163840x128xf32, #tpu.memory_space<hbm>> -> memref<128x128xf32, #tpu.memory_space<hbm>>
          tpu.wait_dma2 semaphore(%arg16 : memref<!tpu.dma_semaphore, #tpu.memory_space<semaphore_mem>>) src(%arg9 : memref<128x128xf32, #tpu.memory_space<vmem>>) dst(%dma_wait3A_124 : memref<128x128xf32, #tpu.memory_space<hbm>>)
          %dma_wait3A_125 = arith.constant 0 : i32
          %dma_wait3A_126 = tpu.memref_slice %arg6[%mul3A_2, %dma_wait3A_125] : memref<163840x128xf32, #tpu.memory_space<hbm>> -> memref<128x128xf32, #tpu.memory_space<hbm>>
          %dma_wait3A_127 = arith.constant 0 : i32
          %dma_wait3A_128 = tpu.memref_slice %arg6[%mul3A_2, %dma_wait3A_127] : memref<163840x128xf32, #tpu.memory_space<hbm>> -> memref<128x128xf32, #tpu.memory_space<hbm>>
          tpu.wait_dma2 semaphore(%arg16 : memref<!tpu.dma_semaphore, #tpu.memory_space<semaphore_mem>>) src(%arg10 : memref<128x128xf32, #tpu.memory_space<vmem>>) dst(%dma_wait3A_128 : memref<128x128xf32, #tpu.memory_space<hbm>>)
        } else {
        }
        %add3A_107 = arith.constant 1 : i32
        %add3A_108 = arith.addi %mul3A_42, %add3A_107 : i32
        %dma_start3A_109 = arith.constant 0 : i32
        %dma_start3A_110 = tpu.memref_slice %arg7[%add3A_108, %dma_start3A_109] : memref<40x128xi32, #tpu.memory_space<vmem>> -> memref<1x128xi32, #tpu.memory_space<vmem>>
        %dma_start3A_111 = tpu.memref_squeeze %dma_start3A_110 : memref<1x128xi32, #tpu.memory_space<vmem>> -> memref<128xi32, #tpu.memory_space<vmem>>
        %dma_start3A_112 = arith.constant 0 : i32
        %dma_start3A_113 = arith.constant 0 : i32
        %dma_start3A_114 = tpu.memref_slice %arg2[%dma_start3A_112, %dma_start3A_113] : memref<10000x128xf32, #tpu.memory_space<hbm>> -> memref<10000x128xf32, #tpu.memory_space<hbm>>
        tpu.enqueue_indirect_dma source(%dma_start3A_114 : memref<10000x128xf32, #tpu.memory_space<hbm>>) target(%arg11 : memref<128x128xf32, #tpu.memory_space<vmem>>) offsets(%dma_start3A_111 : memref<128xi32, #tpu.memory_space<vmem>>) semaphore(%arg14 : memref<!tpu.dma_semaphore, #tpu.memory_space<semaphore_mem>>)
        %dma_start3A_115 = arith.constant 0 : i32
        %dma_start3A_116 = tpu.memref_slice %arg8[%add3A_108, %dma_start3A_115] : memref<40x128xi32, #tpu.memory_space<vmem>> -> memref<1x128xi32, #tpu.memory_space<vmem>>
        %dma_start3A_117 = tpu.memref_squeeze %dma_start3A_116 : memref<1x128xi32, #tpu.memory_space<vmem>> -> memref<128xi32, #tpu.memory_space<vmem>>
        %dma_start3A_118 = arith.constant 0 : i32
        %dma_start3A_119 = arith.constant 0 : i32
        %dma_start3A_120 = tpu.memref_slice %arg2[%dma_start3A_118, %dma_start3A_119] : memref<10000x128xf32, #tpu.memory_space<hbm>> -> memref<10000x128xf32, #tpu.memory_space<hbm>>
        tpu.enqueue_indirect_dma source(%dma_start3A_120 : memref<10000x128xf32, #tpu.memory_space<hbm>>) target(%arg12 : memref<128x128xf32, #tpu.memory_space<vmem>>) offsets(%dma_start3A_117 : memref<128xi32, #tpu.memory_space<vmem>>) semaphore(%arg14 : memref<!tpu.dma_semaphore, #tpu.memory_space<semaphore_mem>>)
      } else {
      }
      %dma_wait3A_47 = arith.constant 0 : i32
      %dma_wait3A_48 = arith.constant 0 : i32
      %dma_wait3A_49 = tpu.memref_slice %arg5[%dma_wait3A_47, %dma_wait3A_48] : memref<163840x128xf32, #tpu.memory_space<hbm>> -> memref<128x128xf32, #tpu.memory_space<hbm>>
      %dma_wait3A_50 = arith.constant 0 : i32
      %dma_wait3A_51 = arith.constant 0 : i32
      %dma_wait3A_52 = tpu.memref_slice %arg5[%dma_wait3A_50, %dma_wait3A_51] : memref<163840x128xf32, #tpu.memory_space<hbm>> -> memref<128x128xf32, #tpu.memory_space<hbm>>
      tpu.wait_dma2 semaphore(%arg13 : memref<!tpu.dma_semaphore, #tpu.memory_space<semaphore_mem>>) src(%dma_wait3A_52 : memref<128x128xf32, #tpu.memory_space<hbm>>) dst(%arg9 : memref<128x128xf32, #tpu.memory_space<vmem>>)
      %dma_wait3A_53 = arith.constant 0 : i32
      %dma_wait3A_54 = arith.constant 0 : i32
      %dma_wait3A_55 = tpu.memref_slice %arg5[%dma_wait3A_53, %dma_wait3A_54] : memref<163840x128xf32, #tpu.memory_space<hbm>> -> memref<128x128xf32, #tpu.memory_space<hbm>>
      %dma_wait3A_56 = arith.constant 0 : i32
      %dma_wait3A_57 = arith.constant 0 : i32
      %dma_wait3A_58 = tpu.memref_slice %arg5[%dma_wait3A_56, %dma_wait3A_57] : memref<163840x128xf32, #tpu.memory_space<hbm>> -> memref<128x128xf32, #tpu.memory_space<hbm>>
      tpu.wait_dma2 semaphore(%arg13 : memref<!tpu.dma_semaphore, #tpu.memory_space<semaphore_mem>>) src(%dma_wait3A_58 : memref<128x128xf32, #tpu.memory_space<hbm>>) dst(%arg10 : memref<128x128xf32, #tpu.memory_space<vmem>>)
      %mul3A_59 = arith.constant 128 : i32
      %mul3A_60 = arith.muli %mul3A_42, %mul3A_59 : i32
      %add3A_61 = arith.addi %mul3A_2, %mul3A_60 : i32
      %multiple_of3A = tpu.assume_multiple %add3A_61, 128 : i32
      %dma_start3A_62 = arith.constant 0 : i32
      %dma_start3A_63 = tpu.memref_slice %arg5[%multiple_of3A, %dma_start3A_62] : memref<163840x128xf32, #tpu.memory_space<hbm>> -> memref<128x128xf32, #tpu.memory_space<hbm>>
      %dma_start3A_64 = arith.constant 0 : i32
      %dma_start3A_65 = tpu.memref_slice %arg5[%multiple_of3A, %dma_start3A_64] : memref<163840x128xf32, #tpu.memory_space<hbm>> -> memref<128x128xf32, #tpu.memory_space<hbm>>
      tpu.enqueue_dma source(%arg9 : memref<128x128xf32, #tpu.memory_space<vmem>>) target(%dma_start3A_65 : memref<128x128xf32, #tpu.memory_space<hbm>>) target_semaphore(%arg15 : memref<!tpu.dma_semaphore, #tpu.memory_space<semaphore_mem>>)
      %dma_start3A_66 = arith.constant 0 : i32
      %dma_start3A_67 = tpu.memref_slice %arg6[%multiple_of3A, %dma_start3A_66] : memref<163840x128xf32, #tpu.memory_space<hbm>> -> memref<128x128xf32, #tpu.memory_space<hbm>>
      %dma_start3A_68 = arith.constant 0 : i32
      %dma_start3A_69 = tpu.memref_slice %arg6[%multiple_of3A, %dma_start3A_68] : memref<163840x128xf32, #tpu.memory_space<hbm>> -> memref<128x128xf32, #tpu.memory_space<hbm>>
      tpu.enqueue_dma source(%arg10 : memref<128x128xf32, #tpu.memory_space<vmem>>) target(%dma_start3A_69 : memref<128x128xf32, #tpu.memory_space<hbm>>) target_semaphore(%arg15 : memref<!tpu.dma_semaphore, #tpu.memory_space<semaphore_mem>>)
      %add3A_70 = arith.constant 1 : i32
      %add3A_71 = arith.addi %mul3A_42, %add3A_70 : i32
      %add3A_72 = arith.constant 1 : i32
      %add3A_73 = arith.addi %add3A_71, %add3A_72 : i32
      %lt3A_74 = arith.constant 40 : i32
      %lt3A_75 = arith.cmpi slt, %add3A_73, %lt3A_74 : i32
      %convert_element_type3A_76 = arith.extui %lt3A_75 : i1 to i32
      %cond3A_77 = arith.constant 0 : i32
      %cond3A_78 = arith.cmpi ne, %convert_element_type3A_76, %cond3A_77 : i32
      scf.if %cond3A_78 {
        %ge3A = arith.constant 1 : i32
        %ge3A_103 = arith.cmpi sge, %add3A_71, %ge3A : i32
        %convert_element_type3A_104 = arith.extui %ge3A_103 : i1 to i32
        %cond3A_105 = arith.constant 0 : i32
        %cond3A_106 = arith.cmpi ne, %convert_element_type3A_104, %cond3A_105 : i32
        scf.if %cond3A_106 {
          %dma_wait3A_121 = arith.constant 0 : i32
          %dma_wait3A_122 = tpu.memref_slice %arg5[%mul3A_2, %dma_wait3A_121] : memref<163840x128xf32, #tpu.memory_space<hbm>> -> memref<128x128xf32, #tpu.memory_space<hbm>>
          %dma_wait3A_123 = arith.constant 0 : i32
          %dma_wait3A_124 = tpu.memref_slice %arg5[%mul3A_2, %dma_wait3A_123] : memref<163840x128xf32, #tpu.memory_space<hbm>> -> memref<128x128xf32, #tpu.memory_space<hbm>>
          tpu.wait_dma2 semaphore(%arg15 : memref<!tpu.dma_semaphore, #tpu.memory_space<semaphore_mem>>) src(%arg9 : memref<128x128xf32, #tpu.memory_space<vmem>>) dst(%dma_wait3A_124 : memref<128x128xf32, #tpu.memory_space<hbm>>)
          %dma_wait3A_125 = arith.constant 0 : i32
          %dma_wait3A_126 = tpu.memref_slice %arg6[%mul3A_2, %dma_wait3A_125] : memref<163840x128xf32, #tpu.memory_space<hbm>> -> memref<128x128xf32, #tpu.memory_space<hbm>>
          %dma_wait3A_127 = arith.constant 0 : i32
          %dma_wait3A_128 = tpu.memref_slice %arg6[%mul3A_2, %dma_wait3A_127] : memref<163840x128xf32, #tpu.memory_space<hbm>> -> memref<128x128xf32, #tpu.memory_space<hbm>>
          tpu.wait_dma2 semaphore(%arg15 : memref<!tpu.dma_semaphore, #tpu.memory_space<semaphore_mem>>) src(%arg10 : memref<128x128xf32, #tpu.memory_space<vmem>>) dst(%dma_wait3A_128 : memref<128x128xf32, #tpu.memory_space<hbm>>)
        } else {
        }
        %add3A_107 = arith.constant 1 : i32
        %add3A_108 = arith.addi %add3A_71, %add3A_107 : i32
        %dma_start3A_109 = arith.constant 0 : i32
        %dma_start3A_110 = tpu.memref_slice %arg7[%add3A_108, %dma_start3A_109] : memref<40x128xi32, #tpu.memory_space<vmem>> -> memref<1x128xi32, #tpu.memory_space<vmem>>
        %dma_start3A_111 = tpu.memref_squeeze %dma_start3A_110 : memref<1x128xi32, #tpu.memory_space<vmem>> -> memref<128xi32, #tpu.memory_space<vmem>>
        %dma_start3A_112 = arith.constant 0 : i32
        %dma_start3A_113 = arith.constant 0 : i32
        %dma_start3A_114 = tpu.memref_slice %arg2[%dma_start3A_112, %dma_start3A_113] : memref<10000x128xf32, #tpu.memory_space<hbm>> -> memref<10000x128xf32, #tpu.memory_space<hbm>>
        tpu.enqueue_indirect_dma source(%dma_start3A_114 : memref<10000x128xf32, #tpu.memory_space<hbm>>) target(%arg9 : memref<128x128xf32, #tpu.memory_space<vmem>>) offsets(%dma_start3A_111 : memref<128xi32, #tpu.memory_space<vmem>>) semaphore(%arg13 : memref<!tpu.dma_semaphore, #tpu.memory_space<semaphore_mem>>)
        %dma_start3A_115 = arith.constant 0 : i32
        %dma_start3A_116 = tpu.memref_slice %arg8[%add3A_108, %dma_start3A_115] : memref<40x128xi32, #tpu.memory_space<vmem>> -> memref<1x128xi32, #tpu.memory_space<vmem>>
        %dma_start3A_117 = tpu.memref_squeeze %dma_start3A_116 : memref<1x128xi32, #tpu.memory_space<vmem>> -> memref<128xi32, #tpu.memory_space<vmem>>
        %dma_start3A_118 = arith.constant 0 : i32
        %dma_start3A_119 = arith.constant 0 : i32
        %dma_start3A_120 = tpu.memref_slice %arg2[%dma_start3A_118, %dma_start3A_119] : memref<10000x128xf32, #tpu.memory_space<hbm>> -> memref<10000x128xf32, #tpu.memory_space<hbm>>
        tpu.enqueue_indirect_dma source(%dma_start3A_120 : memref<10000x128xf32, #tpu.memory_space<hbm>>) target(%arg10 : memref<128x128xf32, #tpu.memory_space<vmem>>) offsets(%dma_start3A_117 : memref<128xi32, #tpu.memory_space<vmem>>) semaphore(%arg13 : memref<!tpu.dma_semaphore, #tpu.memory_space<semaphore_mem>>)
      } else {
      }
      %dma_wait3A_79 = arith.constant 0 : i32
      %dma_wait3A_80 = arith.constant 0 : i32
      %dma_wait3A_81 = tpu.memref_slice %arg5[%dma_wait3A_79, %dma_wait3A_80] : memref<163840x128xf32, #tpu.memory_space<hbm>> -> memref<128x128xf32, #tpu.memory_space<hbm>>
      %dma_wait3A_82 = arith.constant 0 : i32
      %dma_wait3A_83 = arith.constant 0 : i32
      %dma_wait3A_84 = tpu.memref_slice %arg5[%dma_wait3A_82, %dma_wait3A_83] : memref<163840x128xf32, #tpu.memory_space<hbm>> -> memref<128x128xf32, #tpu.memory_space<hbm>>
      tpu.wait_dma2 semaphore(%arg14 : memref<!tpu.dma_semaphore, #tpu.memory_space<semaphore_mem>>) src(%dma_wait3A_84 : memref<128x128xf32, #tpu.memory_space<hbm>>) dst(%arg9 : memref<128x128xf32, #tpu.memory_space<vmem>>)
      %dma_wait3A_85 = arith.constant 0 : i32
      %dma_wait3A_86 = arith.constant 0 : i32
      %dma_wait3A_87 = tpu.memref_slice %arg5[%dma_wait3A_85, %dma_wait3A_86] : memref<163840x128xf32, #tpu.memory_space<hbm>> -> memref<128x128xf32, #tpu.memory_space<hbm>>
      %dma_wait3A_88 = arith.constant 0 : i32
      %dma_wait3A_89 = arith.constant 0 : i32
      %dma_wait3A_90 = tpu.memref_slice %arg5[%dma_wait3A_88, %dma_wait3A_89] : memref<163840x128xf32, #tpu.memory_space<hbm>> -> memref<128x128xf32, #tpu.memory_space<hbm>>
      tpu.wait_dma2 semaphore(%arg14 : memref<!tpu.dma_semaphore, #tpu.memory_space<semaphore_mem>>) src(%dma_wait3A_90 : memref<128x128xf32, #tpu.memory_space<hbm>>) dst(%arg10 : memref<128x128xf32, #tpu.memory_space<vmem>>)
      %mul3A_91 = arith.constant 128 : i32
      %mul3A_92 = arith.muli %add3A_71, %mul3A_91 : i32
      %add3A_93 = arith.addi %mul3A_2, %mul3A_92 : i32
      %multiple_of3A_94 = tpu.assume_multiple %add3A_93, 128 : i32
      %dma_start3A_95 = arith.constant 0 : i32
      %dma_start3A_96 = tpu.memref_slice %arg5[%multiple_of3A_94, %dma_start3A_95] : memref<163840x128xf32, #tpu.memory_space<hbm>> -> memref<128x128xf32, #tpu.memory_space<hbm>>
      %dma_start3A_97 = arith.constant 0 : i32
      %dma_start3A_98 = tpu.memref_slice %arg5[%multiple_of3A_94, %dma_start3A_97] : memref<163840x128xf32, #tpu.memory_space<hbm>> -> memref<128x128xf32, #tpu.memory_space<hbm>>
      tpu.enqueue_dma source(%arg11 : memref<128x128xf32, #tpu.memory_space<vmem>>) target(%dma_start3A_98 : memref<128x128xf32, #tpu.memory_space<hbm>>) target_semaphore(%arg16 : memref<!tpu.dma_semaphore, #tpu.memory_space<semaphore_mem>>)
      %dma_start3A_99 = arith.constant 0 : i32
      %dma_start3A_100 = tpu.memref_slice %arg6[%multiple_of3A_94, %dma_start3A_99] : memref<163840x128xf32, #tpu.memory_space<hbm>> -> memref<128x128xf32, #tpu.memory_space<hbm>>
      %dma_start3A_101 = arith.constant 0 : i32
      %dma_start3A_102 = tpu.memref_slice %arg6[%multiple_of3A_94, %dma_start3A_101] : memref<163840x128xf32, #tpu.memory_space<hbm>> -> memref<128x128xf32, #tpu.memory_space<hbm>>
      tpu.enqueue_dma source(%arg12 : memref<128x128xf32, #tpu.memory_space<vmem>>) target(%dma_start3A_102 : memref<128x128xf32, #tpu.memory_space<hbm>>) target_semaphore(%arg16 : memref<!tpu.dma_semaphore, #tpu.memory_space<semaphore_mem>>)
    }
    %scan3A_24 = arith.constant 20 : i32
    %dma_wait3A = arith.constant 0 : i32
    %dma_wait3A_25 = tpu.memref_slice %arg5[%mul3A_2, %dma_wait3A] : memref<163840x128xf32, #tpu.memory_space<hbm>> -> memref<128x128xf32, #tpu.memory_space<hbm>>
    %dma_wait3A_26 = arith.constant 0 : i32
    %dma_wait3A_27 = tpu.memref_slice %arg5[%mul3A_2, %dma_wait3A_26] : memref<163840x128xf32, #tpu.memory_space<hbm>> -> memref<128x128xf32, #tpu.memory_space<hbm>>
    tpu.wait_dma2 semaphore(%arg15 : memref<!tpu.dma_semaphore, #tpu.memory_space<semaphore_mem>>) src(%arg9 : memref<128x128xf32, #tpu.memory_space<vmem>>) dst(%dma_wait3A_27 : memref<128x128xf32, #tpu.memory_space<hbm>>)
    %dma_wait3A_28 = arith.constant 0 : i32
    %dma_wait3A_29 = tpu.memref_slice %arg6[%mul3A_2, %dma_wait3A_28] : memref<163840x128xf32, #tpu.memory_space<hbm>> -> memref<128x128xf32, #tpu.memory_space<hbm>>
    %dma_wait3A_30 = arith.constant 0 : i32
    %dma_wait3A_31 = tpu.memref_slice %arg6[%mul3A_2, %dma_wait3A_30] : memref<163840x128xf32, #tpu.memory_space<hbm>> -> memref<128x128xf32, #tpu.memory_space<hbm>>
    tpu.wait_dma2 semaphore(%arg15 : memref<!tpu.dma_semaphore, #tpu.memory_space<semaphore_mem>>) src(%arg10 : memref<128x128xf32, #tpu.memory_space<vmem>>) dst(%dma_wait3A_31 : memref<128x128xf32, #tpu.memory_space<hbm>>)
    %dma_wait3A_32 = arith.constant 0 : i32
    %dma_wait3A_33 = tpu.memref_slice %arg5[%mul3A_2, %dma_wait3A_32] : memref<163840x128xf32, #tpu.memory_space<hbm>> -> memref<128x128xf32, #tpu.memory_space<hbm>>
    %dma_wait3A_34 = arith.constant 0 : i32
    %dma_wait3A_35 = tpu.memref_slice %arg5[%mul3A_2, %dma_wait3A_34] : memref<163840x128xf32, #tpu.memory_space<hbm>> -> memref<128x128xf32, #tpu.memory_space<hbm>>
    tpu.wait_dma2 semaphore(%arg16 : memref<!tpu.dma_semaphore, #tpu.memory_space<semaphore_mem>>) src(%arg9 : memref<128x128xf32, #tpu.memory_space<vmem>>) dst(%dma_wait3A_35 : memref<128x128xf32, #tpu.memory_space<hbm>>)
    %dma_wait3A_36 = arith.constant 0 : i32
    %dma_wait3A_37 = tpu.memref_slice %arg6[%mul3A_2, %dma_wait3A_36] : memref<163840x128xf32, #tpu.memory_space<hbm>> -> memref<128x128xf32, #tpu.memory_space<hbm>>
    %dma_wait3A_38 = arith.constant 0 : i32
    %dma_wait3A_39 = tpu.memref_slice %arg6[%mul3A_2, %dma_wait3A_38] : memref<163840x128xf32, #tpu.memory_space<hbm>> -> memref<128x128xf32, #tpu.memory_space<hbm>>
    tpu.wait_dma2 semaphore(%arg16 : memref<!tpu.dma_semaphore, #tpu.memory_space<semaphore_mem>>) src(%arg10 : memref<128x128xf32, #tpu.memory_space<vmem>>) dst(%dma_wait3A_39 : memref<128x128xf32, #tpu.memory_space<hbm>>)
    return
  }
}

#map = affine_map<(d0, d1) -> (0, 0)>
#map1 = affine_map<(d0, d1) -> (0)>
module attributes {stable_mosaic.version = 14 : i64} {
  func.func @_scatter_body(%arg0: i32, %arg1: i32, %arg2: memref<327680x16xf32, #tpu.memory_space<hbm>>, %arg3: memref<327680xi32, #tpu.memory_space<hbm>>, %arg4: memref<20480x16xf32, #tpu.memory_space<hbm>>, %arg5: memref<256x16xf32, #tpu.memory_space<vmem>>, %arg6: memref<256xi32, #tpu.memory_space<vmem>>, %arg7: memref<8x16xf32, #tpu.memory_space<vmem>>, %arg8: memref<10240x16xf32, #tpu.memory_space<vmem_shared>>) attributes {dimension_semantics = [#tpu.dimension_semantics<core_parallel>, #tpu.dimension_semantics<subcore_parallel>], iteration_bounds = array<i64: 2, 16>, scalar_prefetch = 0 : i64, scratch_operands = 4 : i64, tpu.core_type = #tpu.core_type<sc_vector_subcore>, window_params = [{transform_indices = #map}, {transform_indices = #map1}, {transform_indices = #map}]} {
    %mul3A = arith.constant 16 : i32
    %mul3A_0 = arith.muli %arg0, %mul3A : i32
    %add3A = arith.addi %mul3A_0, %arg1 : i32
    %mul3A_1 = arith.constant 10240 : i32
    %mul3A_2 = arith.muli %add3A, %mul3A_1 : i32
    %broadcast_in_dim3A = arith.constant 0.000000e+00 : f32
    %broadcast_in_dim3A_3 = vector.broadcast %broadcast_in_dim3A : f32 to vector<16xf32>
    %swap3A = arith.constant 0 : i32
    %swap3A_4 = arith.index_cast %swap3A : i32 to index
    %swap3A_5 = arith.constant 0 : index
    %swap3A_6 = tpu.vector_load %arg7[%swap3A_4, %swap3A_5] {strides = array<i32>} : memref<8x16xf32, #tpu.memory_space<vmem>>, vector<1x16xf32>,
    %swap3A_7 = vector.shape_cast %swap3A_6 : vector<1x16xf32> to vector<16xf32>
    %swap3A_8 = vector.shape_cast %broadcast_in_dim3A_3 : vector<16xf32> to vector<1x16xf32>
    tpu.vector_store %arg7[%swap3A_4, %swap3A_5], %swap3A_8 {strides = array<i32>} : memref<8x16xf32, #tpu.memory_space<vmem>>, vector<1x16xf32>,
    %swap3A_9 = arith.constant 1 : i32
    %swap3A_10 = arith.index_cast %swap3A_9 : i32 to index
    %swap3A_11 = arith.constant 0 : index
    %swap3A_12 = tpu.vector_load %arg7[%swap3A_10, %swap3A_11] {strides = array<i32>} : memref<8x16xf32, #tpu.memory_space<vmem>>, vector<1x16xf32>,
    %swap3A_13 = vector.shape_cast %swap3A_12 : vector<1x16xf32> to vector<16xf32>
    %swap3A_14 = vector.shape_cast %broadcast_in_dim3A_3 : vector<16xf32> to vector<1x16xf32>
    tpu.vector_store %arg7[%swap3A_10, %swap3A_11], %swap3A_14 {strides = array<i32>} : memref<8x16xf32, #tpu.memory_space<vmem>>, vector<1x16xf32>,
    %swap3A_15 = arith.constant 2 : i32
    %swap3A_16 = arith.index_cast %swap3A_15 : i32 to index
    %swap3A_17 = arith.constant 0 : index
    %swap3A_18 = tpu.vector_load %arg7[%swap3A_16, %swap3A_17] {strides = array<i32>} : memref<8x16xf32, #tpu.memory_space<vmem>>, vector<1x16xf32>,
    %swap3A_19 = vector.shape_cast %swap3A_18 : vector<1x16xf32> to vector<16xf32>
    %swap3A_20 = vector.shape_cast %broadcast_in_dim3A_3 : vector<16xf32> to vector<1x16xf32>
    tpu.vector_store %arg7[%swap3A_16, %swap3A_17], %swap3A_20 {strides = array<i32>} : memref<8x16xf32, #tpu.memory_space<vmem>>, vector<1x16xf32>,
    %swap3A_21 = arith.constant 3 : i32
    %swap3A_22 = arith.index_cast %swap3A_21 : i32 to index
    %swap3A_23 = arith.constant 0 : index
    %swap3A_24 = tpu.vector_load %arg7[%swap3A_22, %swap3A_23] {strides = array<i32>} : memref<8x16xf32, #tpu.memory_space<vmem>>, vector<1x16xf32>,
    %swap3A_25 = vector.shape_cast %swap3A_24 : vector<1x16xf32> to vector<16xf32>
    %swap3A_26 = vector.shape_cast %broadcast_in_dim3A_3 : vector<16xf32> to vector<1x16xf32>
    tpu.vector_store %arg7[%swap3A_22, %swap3A_23], %swap3A_26 {strides = array<i32>} : memref<8x16xf32, #tpu.memory_space<vmem>>, vector<1x16xf32>,
    %swap3A_27 = arith.constant 4 : i32
    %swap3A_28 = arith.index_cast %swap3A_27 : i32 to index
    %swap3A_29 = arith.constant 0 : index
    %swap3A_30 = tpu.vector_load %arg7[%swap3A_28, %swap3A_29] {strides = array<i32>} : memref<8x16xf32, #tpu.memory_space<vmem>>, vector<1x16xf32>,
    %swap3A_31 = vector.shape_cast %swap3A_30 : vector<1x16xf32> to vector<16xf32>
    %swap3A_32 = vector.shape_cast %broadcast_in_dim3A_3 : vector<16xf32> to vector<1x16xf32>
    tpu.vector_store %arg7[%swap3A_28, %swap3A_29], %swap3A_32 {strides = array<i32>} : memref<8x16xf32, #tpu.memory_space<vmem>>, vector<1x16xf32>,
    %swap3A_33 = arith.constant 5 : i32
    %swap3A_34 = arith.index_cast %swap3A_33 : i32 to index
    %swap3A_35 = arith.constant 0 : index
    %swap3A_36 = tpu.vector_load %arg7[%swap3A_34, %swap3A_35] {strides = array<i32>} : memref<8x16xf32, #tpu.memory_space<vmem>>, vector<1x16xf32>,
    %swap3A_37 = vector.shape_cast %swap3A_36 : vector<1x16xf32> to vector<16xf32>
    %swap3A_38 = vector.shape_cast %broadcast_in_dim3A_3 : vector<16xf32> to vector<1x16xf32>
    tpu.vector_store %arg7[%swap3A_34, %swap3A_35], %swap3A_38 {strides = array<i32>} : memref<8x16xf32, #tpu.memory_space<vmem>>, vector<1x16xf32>,
    %swap3A_39 = arith.constant 6 : i32
    %swap3A_40 = arith.index_cast %swap3A_39 : i32 to index
    %swap3A_41 = arith.constant 0 : index
    %swap3A_42 = tpu.vector_load %arg7[%swap3A_40, %swap3A_41] {strides = array<i32>} : memref<8x16xf32, #tpu.memory_space<vmem>>, vector<1x16xf32>,
    %swap3A_43 = vector.shape_cast %swap3A_42 : vector<1x16xf32> to vector<16xf32>
    %swap3A_44 = vector.shape_cast %broadcast_in_dim3A_3 : vector<16xf32> to vector<1x16xf32>
    tpu.vector_store %arg7[%swap3A_40, %swap3A_41], %swap3A_44 {strides = array<i32>} : memref<8x16xf32, #tpu.memory_space<vmem>>, vector<1x16xf32>,
    %swap3A_45 = arith.constant 7 : i32
    %swap3A_46 = arith.index_cast %swap3A_45 : i32 to index
    %swap3A_47 = arith.constant 0 : index
    %swap3A_48 = tpu.vector_load %arg7[%swap3A_46, %swap3A_47] {strides = array<i32>} : memref<8x16xf32, #tpu.memory_space<vmem>>, vector<1x16xf32>,
    %swap3A_49 = vector.shape_cast %swap3A_48 : vector<1x16xf32> to vector<16xf32>
    %swap3A_50 = vector.shape_cast %broadcast_in_dim3A_3 : vector<16xf32> to vector<1x16xf32>
    tpu.vector_store %arg7[%swap3A_46, %swap3A_47], %swap3A_50 {strides = array<i32>} : memref<8x16xf32, #tpu.memory_space<vmem>>, vector<1x16xf32>,
    %scan3A = arith.constant 0 : i32
    %scan3A_51 = arith.constant 0 : i32
    %scan3A_52 = arith.constant 80 : i32
    %scan3A_53 = arith.addi %scan3A_51, %scan3A_52 : i32
    %scan3A_54 = arith.constant 1 : i32
    scf.for %scan3A_70 = %scan3A_51 to %scan3A_53 step %scan3A_54  : i32 {
      %mul3A_71 = arith.constant 640 : i32
      %mul3A_72 = arith.muli %arg1, %mul3A_71 : i32
      %mul3A_73 = arith.constant 8 : i32
      %mul3A_74 = arith.muli %scan3A_70, %mul3A_73 : i32
      %add3A_75 = arith.addi %mul3A_72, %mul3A_74 : i32
      %multiple_of3A = tpu.assume_multiple %add3A_75, 8 : i32
      "tpu.region"() ({
        %run_scoped3A = tpu.sem_alloc : memref<!tpu.dma_semaphore, #tpu.memory_space<semaphore_mem>>
        %dma_start3A = arith.constant 0 : i32
        %dma_start3A_76 = tpu.memref_slice %arg8[%multiple_of3A, %dma_start3A] : memref<10240x16xf32, #tpu.memory_space<vmem_shared>> -> memref<8x16xf32, #tpu.memory_space<vmem_shared>>
        %dma_start3A_77 = arith.constant 0 : i32
        %dma_start3A_78 = tpu.memref_slice %arg8[%multiple_of3A, %dma_start3A_77] : memref<10240x16xf32, #tpu.memory_space<vmem_shared>> -> memref<8x16xf32, #tpu.memory_space<vmem_shared>>
        tpu.enqueue_dma source(%arg7 : memref<8x16xf32, #tpu.memory_space<vmem>>) target(%dma_start3A_78 : memref<8x16xf32, #tpu.memory_space<vmem_shared>>) target_semaphore(%run_scoped3A : memref<!tpu.dma_semaphore, #tpu.memory_space<semaphore_mem>>)
        %dma_wait3A = arith.constant 0 : i32
        %dma_wait3A_79 = tpu.memref_slice %arg8[%multiple_of3A, %dma_wait3A] : memref<10240x16xf32, #tpu.memory_space<vmem_shared>> -> memref<8x16xf32, #tpu.memory_space<vmem_shared>>
        %dma_wait3A_80 = arith.constant 0 : i32
        %dma_wait3A_81 = tpu.memref_slice %arg8[%multiple_of3A, %dma_wait3A_80] : memref<10240x16xf32, #tpu.memory_space<vmem_shared>> -> memref<8x16xf32, #tpu.memory_space<vmem_shared>>
        tpu.wait_dma2 semaphore(%run_scoped3A : memref<!tpu.dma_semaphore, #tpu.memory_space<semaphore_mem>>) src(%arg7 : memref<8x16xf32, #tpu.memory_space<vmem>>) dst(%dma_wait3A_81 : memref<8x16xf32, #tpu.memory_space<vmem_shared>>)
        tpu.yield
      }) : () -> ()
    }
    %scan3A_55 = arith.constant 80 : i32
    %barrier3A = arith.constant 0 : index
    tpu.barrier barrier_id(%barrier3A)
    %scan3A_56 = arith.constant 0 : i32
    %scan3A_57 = arith.constant 0 : i32
    %scan3A_58 = arith.constant 40 : i32
    %scan3A_59 = arith.addi %scan3A_57, %scan3A_58 : i32
    %scan3A_60 = arith.constant 1 : i32
    scf.for %scan3A_70 = %scan3A_57 to %scan3A_59 step %scan3A_60  : i32 {
      %mul3A_71 = arith.constant 256 : i32
      %mul3A_72 = arith.muli %scan3A_70, %mul3A_71 : i32
      %add3A_73 = arith.addi %mul3A_2, %mul3A_72 : i32
      %multiple_of3A = tpu.assume_multiple %add3A_73, 256 : i32
      "tpu.region"() ({
        %run_scoped3A = tpu.sem_alloc : memref<!tpu.dma_semaphore, #tpu.memory_space<semaphore_mem>>
        %dma_start3A = arith.constant 0 : i32
        %dma_start3A_74 = tpu.memref_slice %arg2[%multiple_of3A, %dma_start3A] : memref<327680x16xf32, #tpu.memory_space<hbm>> -> memref<256x16xf32, #tpu.memory_space<hbm>>
        %dma_start3A_75 = arith.constant 0 : i32
        %dma_start3A_76 = tpu.memref_slice %arg2[%multiple_of3A, %dma_start3A_75] : memref<327680x16xf32, #tpu.memory_space<hbm>> -> memref<256x16xf32, #tpu.memory_space<hbm>>
        tpu.enqueue_dma source(%dma_start3A_76 : memref<256x16xf32, #tpu.memory_space<hbm>>) target(%arg5 : memref<256x16xf32, #tpu.memory_space<vmem>>) target_semaphore(%run_scoped3A : memref<!tpu.dma_semaphore, #tpu.memory_space<semaphore_mem>>)
        %dma_wait3A = arith.constant 0 : i32
        %dma_wait3A_77 = tpu.memref_slice %arg2[%multiple_of3A, %dma_wait3A] : memref<327680x16xf32, #tpu.memory_space<hbm>> -> memref<256x16xf32, #tpu.memory_space<hbm>>
        %dma_wait3A_78 = arith.constant 0 : i32
        %dma_wait3A_79 = tpu.memref_slice %arg2[%multiple_of3A, %dma_wait3A_78] : memref<327680x16xf32, #tpu.memory_space<hbm>> -> memref<256x16xf32, #tpu.memory_space<hbm>>
        tpu.wait_dma2 semaphore(%run_scoped3A : memref<!tpu.dma_semaphore, #tpu.memory_space<semaphore_mem>>) src(%dma_wait3A_79 : memref<256x16xf32, #tpu.memory_space<hbm>>) dst(%arg5 : memref<256x16xf32, #tpu.memory_space<vmem>>)
        tpu.yield
      }) : () -> ()
      "tpu.region"() ({
        %run_scoped3A = tpu.sem_alloc : memref<!tpu.dma_semaphore, #tpu.memory_space<semaphore_mem>>
        %dma_start3A = tpu.memref_slice %arg3[%multiple_of3A] : memref<327680xi32, #tpu.memory_space<hbm>> -> memref<256xi32, #tpu.memory_space<hbm>>
        %dma_start3A_74 = tpu.memref_slice %arg3[%multiple_of3A] : memref<327680xi32, #tpu.memory_space<hbm>> -> memref<256xi32, #tpu.memory_space<hbm>>
        tpu.enqueue_dma source(%dma_start3A_74 : memref<256xi32, #tpu.memory_space<hbm>>) target(%arg6 : memref<256xi32, #tpu.memory_space<vmem>>) target_semaphore(%run_scoped3A : memref<!tpu.dma_semaphore, #tpu.memory_space<semaphore_mem>>)
        %dma_wait3A = tpu.memref_slice %arg3[%multiple_of3A] : memref<327680xi32, #tpu.memory_space<hbm>> -> memref<256xi32, #tpu.memory_space<hbm>>
        %dma_wait3A_75 = tpu.memref_slice %arg3[%multiple_of3A] : memref<327680xi32, #tpu.memory_space<hbm>> -> memref<256xi32, #tpu.memory_space<hbm>>
        tpu.wait_dma2 semaphore(%run_scoped3A : memref<!tpu.dma_semaphore, #tpu.memory_space<semaphore_mem>>) src(%dma_wait3A_75 : memref<256xi32, #tpu.memory_space<hbm>>) dst(%arg6 : memref<256xi32, #tpu.memory_space<vmem>>)
        tpu.yield
      }) : () -> ()
      "tpu.region"() ({
        %run_scoped3A = tpu.sem_alloc : memref<!tpu.dma_semaphore, #tpu.memory_space<semaphore_mem>>
        %dma_start3A = arith.constant 0 : i32
        %dma_start3A_74 = arith.constant 0 : i32
        %dma_start3A_75 = tpu.memref_slice %arg8[%dma_start3A, %dma_start3A_74] : memref<10240x16xf32, #tpu.memory_space<vmem_shared>> -> memref<10240x16xf32, #tpu.memory_space<vmem_shared>>
        tpu.enqueue_indirect_dma source(%arg5 : memref<256x16xf32, #tpu.memory_space<vmem>>) target(%dma_start3A_75 : memref<10240x16xf32, #tpu.memory_space<vmem_shared>>) offsets(%arg6 : memref<256xi32, #tpu.memory_space<vmem>>) semaphore(%run_scoped3A : memref<!tpu.dma_semaphore, #tpu.memory_space<semaphore_mem>>) {add = true}
        %dma_wait3A = arith.constant 0 : i32
        %dma_wait3A_76 = arith.constant 0 : i32
        %dma_wait3A_77 = tpu.memref_slice %arg8[%dma_wait3A, %dma_wait3A_76] : memref<10240x16xf32, #tpu.memory_space<vmem_shared>> -> memref<10240x16xf32, #tpu.memory_space<vmem_shared>>
        tpu.wait_indirect_dma semaphore(%run_scoped3A : memref<!tpu.dma_semaphore, #tpu.memory_space<semaphore_mem>>) src(%arg5 : memref<256x16xf32, #tpu.memory_space<vmem>>) dst(%dma_wait3A_77 : memref<10240x16xf32, #tpu.memory_space<vmem_shared>>)
        tpu.yield
      }) : () -> ()
    }
    %scan3A_61 = arith.constant 40 : i32
    %barrier3A_62 = arith.constant 0 : index
    tpu.barrier barrier_id(%barrier3A_62)
    %mul3A_63 = arith.constant 640 : i32
    %mul3A_64 = arith.muli %arg1, %mul3A_63 : i32
    %mul3A_65 = arith.constant 10240 : i32
    %mul3A_66 = arith.muli %arg0, %mul3A_65 : i32
    %mul3A_67 = arith.constant 640 : i32
    %mul3A_68 = arith.muli %arg1, %mul3A_67 : i32
    %add3A_69 = arith.addi %mul3A_66, %mul3A_68 : i32
    "tpu.region"() ({
      %run_scoped3A = tpu.sem_alloc : memref<!tpu.dma_semaphore, #tpu.memory_space<semaphore_mem>>
      %dma_start3A = arith.constant 0 : i32
      %dma_start3A_70 = tpu.memref_slice %arg4[%add3A_69, %dma_start3A] : memref<20480x16xf32, #tpu.memory_space<hbm>> -> memref<640x16xf32, #tpu.memory_space<hbm>>
      %dma_start3A_71 = arith.constant 0 : i32
      %dma_start3A_72 = tpu.memref_slice %arg8[%mul3A_64, %dma_start3A_71] : memref<10240x16xf32, #tpu.memory_space<vmem_shared>> -> memref<640x16xf32, #tpu.memory_space<vmem_shared>>
      tpu.enqueue_dma source(%dma_start3A_72 : memref<640x16xf32, #tpu.memory_space<vmem_shared>>) target(%dma_start3A_70 : memref<640x16xf32, #tpu.memory_space<hbm>>) target_semaphore(%run_scoped3A : memref<!tpu.dma_semaphore, #tpu.memory_space<semaphore_mem>>)
      %dma_wait3A = arith.constant 0 : i32
      %dma_wait3A_73 = tpu.memref_slice %arg4[%add3A_69, %dma_wait3A] : memref<20480x16xf32, #tpu.memory_space<hbm>> -> memref<640x16xf32, #tpu.memory_space<hbm>>
      %dma_wait3A_74 = arith.constant 0 : i32
      %dma_wait3A_75 = tpu.memref_slice %arg8[%mul3A_64, %dma_wait3A_74] : memref<10240x16xf32, #tpu.memory_space<vmem_shared>> -> memref<640x16xf32, #tpu.memory_space<vmem_shared>>
      tpu.wait_dma2 semaphore(%run_scoped3A : memref<!tpu.dma_semaphore, #tpu.memory_space<semaphore_mem>>) src(%dma_wait3A_75 : memref<640x16xf32, #tpu.memory_space<vmem_shared>>) dst(%dma_wait3A_73 : memref<640x16xf32, #tpu.memory_space<hbm>>)
      tpu.yield
    }) : () -> ()
    return
  }
}

#map = affine_map<(d0, d1) -> (0, 0)>
module attributes {stable_mosaic.version = 14 : i64} {
  func.func @_gather_body(%arg0: i32, %arg1: i32, %arg2: memref<10000x128xf32, #tpu.memory_space<hbm>>, %arg3: memref<1280x128xi32, #tpu.memory_space<hbm>>, %arg4: memref<1280x128xi32, #tpu.memory_space<hbm>>, %arg5: memref<163840x128xf32, #tpu.memory_space<hbm>>, %arg6: memref<163840x128xf32, #tpu.memory_space<hbm>>, %arg7: memref<40x128xi32, #tpu.memory_space<vmem>>, %arg8: memref<40x128xi32, #tpu.memory_space<vmem>>, %arg9: memref<128x128xf32, #tpu.memory_space<vmem>>, %arg10: memref<128x128xf32, #tpu.memory_space<vmem>>, %arg11: memref<128x128xf32, #tpu.memory_space<vmem>>, %arg12: memref<128x128xf32, #tpu.memory_space<vmem>>, %arg13: memref<!tpu.dma_semaphore, #tpu.memory_space<semaphore_mem>>, %arg14: memref<!tpu.dma_semaphore, #tpu.memory_space<semaphore_mem>>, %arg15: memref<!tpu.dma_semaphore, #tpu.memory_space<semaphore_mem>>, %arg16: memref<!tpu.dma_semaphore, #tpu.memory_space<semaphore_mem>>) attributes {dimension_semantics = [#tpu.dimension_semantics<core_parallel>, #tpu.dimension_semantics<subcore_parallel>], iteration_bounds = array<i64: 2, 16>, scalar_prefetch = 0 : i64, scratch_operands = 10 : i64, tpu.core_type = #tpu.core_type<sc_vector_subcore>, window_params = [{transform_indices = #map}, {transform_indices = #map}, {transform_indices = #map}, {transform_indices = #map}, {transform_indices = #map}]} {
    %mul3A = arith.constant 2 : i32
    %mul3A_0 = arith.muli %arg1, %mul3A : i32
    %add3A = arith.addi %mul3A_0, %arg0 : i32
    %mul3A_1 = arith.constant 5120 : i32
    %mul3A_2 = arith.muli %add3A, %mul3A_1 : i32
    %mul3A_3 = arith.constant 40 : i32
    %mul3A_4 = arith.muli %add3A, %mul3A_3 : i32
    "tpu.region"() ({
      %run_scoped3A = tpu.sem_alloc : memref<!tpu.dma_semaphore, #tpu.memory_space<semaphore_mem>>
      %dma_start3A_40 = arith.constant 0 : i32
      %dma_start3A_41 = tpu.memref_slice %arg3[%mul3A_4, %dma_start3A_40] : memref<1280x128xi32, #tpu.memory_space<hbm>> -> memref<40x128xi32, #tpu.memory_space<hbm>>
      %dma_start3A_42 = arith.constant 0 : i32
      %dma_start3A_43 = tpu.memref_slice %arg3[%mul3A_4, %dma_start3A_42] : memref<1280x128xi32, #tpu.memory_space<hbm>> -> memref<40x128xi32, #tpu.memory_space<hbm>>
      tpu.enqueue_dma source(%dma_start3A_43 : memref<40x128xi32, #tpu.memory_space<hbm>>) target(%arg7 : memref<40x128xi32, #tpu.memory_space<vmem>>) target_semaphore(%run_scoped3A : memref<!tpu.dma_semaphore, #tpu.memory_space<semaphore_mem>>)
      %dma_wait3A_44 = arith.constant 0 : i32
      %dma_wait3A_45 = tpu.memref_slice %arg3[%mul3A_4, %dma_wait3A_44] : memref<1280x128xi32, #tpu.memory_space<hbm>> -> memref<40x128xi32, #tpu.memory_space<hbm>>
      %dma_wait3A_46 = arith.constant 0 : i32
      %dma_wait3A_47 = tpu.memref_slice %arg3[%mul3A_4, %dma_wait3A_46] : memref<1280x128xi32, #tpu.memory_space<hbm>> -> memref<40x128xi32, #tpu.memory_space<hbm>>
      tpu.wait_dma2 semaphore(%run_scoped3A : memref<!tpu.dma_semaphore, #tpu.memory_space<semaphore_mem>>) src(%dma_wait3A_47 : memref<40x128xi32, #tpu.memory_space<hbm>>) dst(%arg7 : memref<40x128xi32, #tpu.memory_space<vmem>>)
      tpu.yield
    }) : () -> ()
    %mul3A_5 = arith.constant 40 : i32
    %mul3A_6 = arith.muli %add3A, %mul3A_5 : i32
    "tpu.region"() ({
      %run_scoped3A = tpu.sem_alloc : memref<!tpu.dma_semaphore, #tpu.memory_space<semaphore_mem>>
      %dma_start3A_40 = arith.constant 0 : i32
      %dma_start3A_41 = tpu.memref_slice %arg4[%mul3A_6, %dma_start3A_40] : memref<1280x128xi32, #tpu.memory_space<hbm>> -> memref<40x128xi32, #tpu.memory_space<hbm>>
      %dma_start3A_42 = arith.constant 0 : i32
      %dma_start3A_43 = tpu.memref_slice %arg4[%mul3A_6, %dma_start3A_42] : memref<1280x128xi32, #tpu.memory_space<hbm>> -> memref<40x128xi32, #tpu.memory_space<hbm>>
      tpu.enqueue_dma source(%dma_start3A_43 : memref<40x128xi32, #tpu.memory_space<hbm>>) target(%arg8 : memref<40x128xi32, #tpu.memory_space<vmem>>) target_semaphore(%run_scoped3A : memref<!tpu.dma_semaphore, #tpu.memory_space<semaphore_mem>>)
      %dma_wait3A_44 = arith.constant 0 : i32
      %dma_wait3A_45 = tpu.memref_slice %arg4[%mul3A_6, %dma_wait3A_44] : memref<1280x128xi32, #tpu.memory_space<hbm>> -> memref<40x128xi32, #tpu.memory_space<hbm>>
      %dma_wait3A_46 = arith.constant 0 : i32
      %dma_wait3A_47 = tpu.memref_slice %arg4[%mul3A_6, %dma_wait3A_46] : memref<1280x128xi32, #tpu.memory_space<hbm>> -> memref<40x128xi32, #tpu.memory_space<hbm>>
      tpu.wait_dma2 semaphore(%run_scoped3A : memref<!tpu.dma_semaphore, #tpu.memory_space<semaphore_mem>>) src(%dma_wait3A_47 : memref<40x128xi32, #tpu.memory_space<hbm>>) dst(%arg8 : memref<40x128xi32, #tpu.memory_space<vmem>>)
      tpu.yield
    }) : () -> ()
    %dma_start3A = arith.constant 0 : i32
    %dma_start3A_7 = arith.constant 0 : i32
    %dma_start3A_8 = tpu.memref_slice %arg7[%dma_start3A, %dma_start3A_7] : memref<40x128xi32, #tpu.memory_space<vmem>> -> memref<1x128xi32, #tpu.memory_space<vmem>>
    %dma_start3A_9 = tpu.memref_squeeze %dma_start3A_8 : memref<1x128xi32, #tpu.memory_space<vmem>> -> memref<128xi32, #tpu.memory_space<vmem>>
    %dma_start3A_10 = arith.constant 0 : i32
    %dma_start3A_11 = arith.constant 0 : i32
    %dma_start3A_12 = tpu.memref_slice %arg2[%dma_start3A_10, %dma_start3A_11] : memref<10000x128xf32, #tpu.memory_space<hbm>> -> memref<10000x128xf32, #tpu.memory_space<hbm>>
    tpu.enqueue_indirect_dma source(%dma_start3A_12 : memref<10000x128xf32, #tpu.memory_space<hbm>>) target(%arg9 : memref<128x128xf32, #tpu.memory_space<vmem>>) offsets(%dma_start3A_9 : memref<128xi32, #tpu.memory_space<vmem>>) semaphore(%arg13 : memref<!tpu.dma_semaphore, #tpu.memory_space<semaphore_mem>>)
    %dma_start3A_13 = arith.constant 0 : i32
    %dma_start3A_14 = arith.constant 0 : i32
    %dma_start3A_15 = tpu.memref_slice %arg8[%dma_start3A_13, %dma_start3A_14] : memref<40x128xi32, #tpu.memory_space<vmem>> -> memref<1x128xi32, #tpu.memory_space<vmem>>
    %dma_start3A_16 = tpu.memref_squeeze %dma_start3A_15 : memref<1x128xi32, #tpu.memory_space<vmem>> -> memref<128xi32, #tpu.memory_space<vmem>>
    %dma_start3A_17 = arith.constant 0 : i32
    %dma_start3A_18 = arith.constant 0 : i32
    %dma_start3A_19 = tpu.memref_slice %arg2[%dma_start3A_17, %dma_start3A_18] : memref<10000x128xf32, #tpu.memory_space<hbm>> -> memref<10000x128xf32, #tpu.memory_space<hbm>>
    tpu.enqueue_indirect_dma source(%dma_start3A_19 : memref<10000x128xf32, #tpu.memory_space<hbm>>) target(%arg10 : memref<128x128xf32, #tpu.memory_space<vmem>>) offsets(%dma_start3A_16 : memref<128xi32, #tpu.memory_space<vmem>>) semaphore(%arg13 : memref<!tpu.dma_semaphore, #tpu.memory_space<semaphore_mem>>)
    %scan3A = arith.constant 0 : i32
    %scan3A_20 = arith.constant 0 : i32
    %scan3A_21 = arith.constant 20 : i32
    %scan3A_22 = arith.addi %scan3A_20, %scan3A_21 : i32
    %scan3A_23 = arith.constant 1 : i32
    scf.for %scan3A_40 = %scan3A_20 to %scan3A_22 step %scan3A_23  : i32 {
      %mul3A_41 = arith.constant 2 : i32
      %mul3A_42 = arith.muli %scan3A_40, %mul3A_41 : i32
      %add3A_43 = arith.constant 1 : i32
      %add3A_44 = arith.addi %mul3A_42, %add3A_43 : i32
      %lt3A = arith.constant 40 : i32
      %lt3A_45 = arith.cmpi slt, %add3A_44, %lt3A : i32
      %convert_element_type3A = arith.extui %lt3A_45 : i1 to i32
      %cond3A = arith.constant 0 : i32
      %cond3A_46 = arith.cmpi ne, %convert_element_type3A, %cond3A : i32
      scf.if %cond3A_46 {
        %ge3A = arith.constant 1 : i32
        %ge3A_103 = arith.cmpi sge, %mul3A_42, %ge3A : i32
        %convert_element_type3A_104 = arith.extui %ge3A_103 : i1 to i32
        %cond3A_105 = arith.constant 0 : i32
        %cond3A_106 = arith.cmpi ne, %convert_element_type3A_104, %cond3A_105 : i32
        scf.if %cond3A_106 {
          %dma_wait3A_121 = arith.constant 0 : i32
          %dma_wait3A_122 = tpu.memref_slice %arg5[%mul3A_2, %dma_wait3A_121] : memref<163840x128xf32, #tpu.memory_space<hbm>> -> memref<128x128xf32, #tpu.memory_space<hbm>>
          %dma_wait3A_123 = arith.constant 0 : i32
          %dma_wait3A_124 = tpu.memref_slice %arg5[%mul3A_2, %dma_wait3A_123] : memref<163840x128xf32, #tpu.memory_space<hbm>> -> memref<128x128xf32, #tpu.memory_space<hbm>>
          tpu.wait_dma2 semaphore(%arg16 : memref<!tpu.dma_semaphore, #tpu.memory_space<semaphore_mem>>) src(%arg9 : memref<128x128xf32, #tpu.memory_space<vmem>>) dst(%dma_wait3A_124 : memref<128x128xf32, #tpu.memory_space<hbm>>)
          %dma_wait3A_125 = arith.constant 0 : i32
          %dma_wait3A_126 = tpu.memref_slice %arg6[%mul3A_2, %dma_wait3A_125] : memref<163840x128xf32, #tpu.memory_space<hbm>> -> memref<128x128xf32, #tpu.memory_space<hbm>>
          %dma_wait3A_127 = arith.constant 0 : i32
          %dma_wait3A_128 = tpu.memref_slice %arg6[%mul3A_2, %dma_wait3A_127] : memref<163840x128xf32, #tpu.memory_space<hbm>> -> memref<128x128xf32, #tpu.memory_space<hbm>>
          tpu.wait_dma2 semaphore(%arg16 : memref<!tpu.dma_semaphore, #tpu.memory_space<semaphore_mem>>) src(%arg10 : memref<128x128xf32, #tpu.memory_space<vmem>>) dst(%dma_wait3A_128 : memref<128x128xf32, #tpu.memory_space<hbm>>)
        } else {
        }
        %add3A_107 = arith.constant 1 : i32
        %add3A_108 = arith.addi %mul3A_42, %add3A_107 : i32
        %dma_start3A_109 = arith.constant 0 : i32
        %dma_start3A_110 = tpu.memref_slice %arg7[%add3A_108, %dma_start3A_109] : memref<40x128xi32, #tpu.memory_space<vmem>> -> memref<1x128xi32, #tpu.memory_space<vmem>>
        %dma_start3A_111 = tpu.memref_squeeze %dma_start3A_110 : memref<1x128xi32, #tpu.memory_space<vmem>> -> memref<128xi32, #tpu.memory_space<vmem>>
        %dma_start3A_112 = arith.constant 0 : i32
        %dma_start3A_113 = arith.constant 0 : i32
        %dma_start3A_114 = tpu.memref_slice %arg2[%dma_start3A_112, %dma_start3A_113] : memref<10000x128xf32, #tpu.memory_space<hbm>> -> memref<10000x128xf32, #tpu.memory_space<hbm>>
        tpu.enqueue_indirect_dma source(%dma_start3A_114 : memref<10000x128xf32, #tpu.memory_space<hbm>>) target(%arg11 : memref<128x128xf32, #tpu.memory_space<vmem>>) offsets(%dma_start3A_111 : memref<128xi32, #tpu.memory_space<vmem>>) semaphore(%arg14 : memref<!tpu.dma_semaphore, #tpu.memory_space<semaphore_mem>>)
        %dma_start3A_115 = arith.constant 0 : i32
        %dma_start3A_116 = tpu.memref_slice %arg8[%add3A_108, %dma_start3A_115] : memref<40x128xi32, #tpu.memory_space<vmem>> -> memref<1x128xi32, #tpu.memory_space<vmem>>
        %dma_start3A_117 = tpu.memref_squeeze %dma_start3A_116 : memref<1x128xi32, #tpu.memory_space<vmem>> -> memref<128xi32, #tpu.memory_space<vmem>>
        %dma_start3A_118 = arith.constant 0 : i32
        %dma_start3A_119 = arith.constant 0 : i32
        %dma_start3A_120 = tpu.memref_slice %arg2[%dma_start3A_118, %dma_start3A_119] : memref<10000x128xf32, #tpu.memory_space<hbm>> -> memref<10000x128xf32, #tpu.memory_space<hbm>>
        tpu.enqueue_indirect_dma source(%dma_start3A_120 : memref<10000x128xf32, #tpu.memory_space<hbm>>) target(%arg12 : memref<128x128xf32, #tpu.memory_space<vmem>>) offsets(%dma_start3A_117 : memref<128xi32, #tpu.memory_space<vmem>>) semaphore(%arg14 : memref<!tpu.dma_semaphore, #tpu.memory_space<semaphore_mem>>)
      } else {
      }
      %dma_wait3A_47 = arith.constant 0 : i32
      %dma_wait3A_48 = arith.constant 0 : i32
      %dma_wait3A_49 = tpu.memref_slice %arg5[%dma_wait3A_47, %dma_wait3A_48] : memref<163840x128xf32, #tpu.memory_space<hbm>> -> memref<128x128xf32, #tpu.memory_space<hbm>>
      %dma_wait3A_50 = arith.constant 0 : i32
      %dma_wait3A_51 = arith.constant 0 : i32
      %dma_wait3A_52 = tpu.memref_slice %arg5[%dma_wait3A_50, %dma_wait3A_51] : memref<163840x128xf32, #tpu.memory_space<hbm>> -> memref<128x128xf32, #tpu.memory_space<hbm>>
      tpu.wait_dma2 semaphore(%arg13 : memref<!tpu.dma_semaphore, #tpu.memory_space<semaphore_mem>>) src(%dma_wait3A_52 : memref<128x128xf32, #tpu.memory_space<hbm>>) dst(%arg9 : memref<128x128xf32, #tpu.memory_space<vmem>>)
      %dma_wait3A_53 = arith.constant 0 : i32
      %dma_wait3A_54 = arith.constant 0 : i32
      %dma_wait3A_55 = tpu.memref_slice %arg5[%dma_wait3A_53, %dma_wait3A_54] : memref<163840x128xf32, #tpu.memory_space<hbm>> -> memref<128x128xf32, #tpu.memory_space<hbm>>
      %dma_wait3A_56 = arith.constant 0 : i32
      %dma_wait3A_57 = arith.constant 0 : i32
      %dma_wait3A_58 = tpu.memref_slice %arg5[%dma_wait3A_56, %dma_wait3A_57] : memref<163840x128xf32, #tpu.memory_space<hbm>> -> memref<128x128xf32, #tpu.memory_space<hbm>>
      tpu.wait_dma2 semaphore(%arg13 : memref<!tpu.dma_semaphore, #tpu.memory_space<semaphore_mem>>) src(%dma_wait3A_58 : memref<128x128xf32, #tpu.memory_space<hbm>>) dst(%arg10 : memref<128x128xf32, #tpu.memory_space<vmem>>)
      %mul3A_59 = arith.constant 128 : i32
      %mul3A_60 = arith.muli %mul3A_42, %mul3A_59 : i32
      %add3A_61 = arith.addi %mul3A_2, %mul3A_60 : i32
      %multiple_of3A = tpu.assume_multiple %add3A_61, 128 : i32
      %dma_start3A_62 = arith.constant 0 : i32
      %dma_start3A_63 = tpu.memref_slice %arg5[%multiple_of3A, %dma_start3A_62] : memref<163840x128xf32, #tpu.memory_space<hbm>> -> memref<128x128xf32, #tpu.memory_space<hbm>>
      %dma_start3A_64 = arith.constant 0 : i32
      %dma_start3A_65 = tpu.memref_slice %arg5[%multiple_of3A, %dma_start3A_64] : memref<163840x128xf32, #tpu.memory_space<hbm>> -> memref<128x128xf32, #tpu.memory_space<hbm>>
      tpu.enqueue_dma source(%arg9 : memref<128x128xf32, #tpu.memory_space<vmem>>) target(%dma_start3A_65 : memref<128x128xf32, #tpu.memory_space<hbm>>) target_semaphore(%arg15 : memref<!tpu.dma_semaphore, #tpu.memory_space<semaphore_mem>>)
      %dma_start3A_66 = arith.constant 0 : i32
      %dma_start3A_67 = tpu.memref_slice %arg6[%multiple_of3A, %dma_start3A_66] : memref<163840x128xf32, #tpu.memory_space<hbm>> -> memref<128x128xf32, #tpu.memory_space<hbm>>
      %dma_start3A_68 = arith.constant 0 : i32
      %dma_start3A_69 = tpu.memref_slice %arg6[%multiple_of3A, %dma_start3A_68] : memref<163840x128xf32, #tpu.memory_space<hbm>> -> memref<128x128xf32, #tpu.memory_space<hbm>>
      tpu.enqueue_dma source(%arg10 : memref<128x128xf32, #tpu.memory_space<vmem>>) target(%dma_start3A_69 : memref<128x128xf32, #tpu.memory_space<hbm>>) target_semaphore(%arg15 : memref<!tpu.dma_semaphore, #tpu.memory_space<semaphore_mem>>)
      %add3A_70 = arith.constant 1 : i32
      %add3A_71 = arith.addi %mul3A_42, %add3A_70 : i32
      %add3A_72 = arith.constant 1 : i32
      %add3A_73 = arith.addi %add3A_71, %add3A_72 : i32
      %lt3A_74 = arith.constant 40 : i32
      %lt3A_75 = arith.cmpi slt, %add3A_73, %lt3A_74 : i32
      %convert_element_type3A_76 = arith.extui %lt3A_75 : i1 to i32
      %cond3A_77 = arith.constant 0 : i32
      %cond3A_78 = arith.cmpi ne, %convert_element_type3A_76, %cond3A_77 : i32
      scf.if %cond3A_78 {
        %ge3A = arith.constant 1 : i32
        %ge3A_103 = arith.cmpi sge, %add3A_71, %ge3A : i32
        %convert_element_type3A_104 = arith.extui %ge3A_103 : i1 to i32
        %cond3A_105 = arith.constant 0 : i32
        %cond3A_106 = arith.cmpi ne, %convert_element_type3A_104, %cond3A_105 : i32
        scf.if %cond3A_106 {
          %dma_wait3A_121 = arith.constant 0 : i32
          %dma_wait3A_122 = tpu.memref_slice %arg5[%mul3A_2, %dma_wait3A_121] : memref<163840x128xf32, #tpu.memory_space<hbm>> -> memref<128x128xf32, #tpu.memory_space<hbm>>
          %dma_wait3A_123 = arith.constant 0 : i32
          %dma_wait3A_124 = tpu.memref_slice %arg5[%mul3A_2, %dma_wait3A_123] : memref<163840x128xf32, #tpu.memory_space<hbm>> -> memref<128x128xf32, #tpu.memory_space<hbm>>
          tpu.wait_dma2 semaphore(%arg15 : memref<!tpu.dma_semaphore, #tpu.memory_space<semaphore_mem>>) src(%arg9 : memref<128x128xf32, #tpu.memory_space<vmem>>) dst(%dma_wait3A_124 : memref<128x128xf32, #tpu.memory_space<hbm>>)
          %dma_wait3A_125 = arith.constant 0 : i32
          %dma_wait3A_126 = tpu.memref_slice %arg6[%mul3A_2, %dma_wait3A_125] : memref<163840x128xf32, #tpu.memory_space<hbm>> -> memref<128x128xf32, #tpu.memory_space<hbm>>
          %dma_wait3A_127 = arith.constant 0 : i32
          %dma_wait3A_128 = tpu.memref_slice %arg6[%mul3A_2, %dma_wait3A_127] : memref<163840x128xf32, #tpu.memory_space<hbm>> -> memref<128x128xf32, #tpu.memory_space<hbm>>
          tpu.wait_dma2 semaphore(%arg15 : memref<!tpu.dma_semaphore, #tpu.memory_space<semaphore_mem>>) src(%arg10 : memref<128x128xf32, #tpu.memory_space<vmem>>) dst(%dma_wait3A_128 : memref<128x128xf32, #tpu.memory_space<hbm>>)
        } else {
        }
        %add3A_107 = arith.constant 1 : i32
        %add3A_108 = arith.addi %add3A_71, %add3A_107 : i32
        %dma_start3A_109 = arith.constant 0 : i32
        %dma_start3A_110 = tpu.memref_slice %arg7[%add3A_108, %dma_start3A_109] : memref<40x128xi32, #tpu.memory_space<vmem>> -> memref<1x128xi32, #tpu.memory_space<vmem>>
        %dma_start3A_111 = tpu.memref_squeeze %dma_start3A_110 : memref<1x128xi32, #tpu.memory_space<vmem>> -> memref<128xi32, #tpu.memory_space<vmem>>
        %dma_start3A_112 = arith.constant 0 : i32
        %dma_start3A_113 = arith.constant 0 : i32
        %dma_start3A_114 = tpu.memref_slice %arg2[%dma_start3A_112, %dma_start3A_113] : memref<10000x128xf32, #tpu.memory_space<hbm>> -> memref<10000x128xf32, #tpu.memory_space<hbm>>
        tpu.enqueue_indirect_dma source(%dma_start3A_114 : memref<10000x128xf32, #tpu.memory_space<hbm>>) target(%arg9 : memref<128x128xf32, #tpu.memory_space<vmem>>) offsets(%dma_start3A_111 : memref<128xi32, #tpu.memory_space<vmem>>) semaphore(%arg13 : memref<!tpu.dma_semaphore, #tpu.memory_space<semaphore_mem>>)
        %dma_start3A_115 = arith.constant 0 : i32
        %dma_start3A_116 = tpu.memref_slice %arg8[%add3A_108, %dma_start3A_115] : memref<40x128xi32, #tpu.memory_space<vmem>> -> memref<1x128xi32, #tpu.memory_space<vmem>>
        %dma_start3A_117 = tpu.memref_squeeze %dma_start3A_116 : memref<1x128xi32, #tpu.memory_space<vmem>> -> memref<128xi32, #tpu.memory_space<vmem>>
        %dma_start3A_118 = arith.constant 0 : i32
        %dma_start3A_119 = arith.constant 0 : i32
        %dma_start3A_120 = tpu.memref_slice %arg2[%dma_start3A_118, %dma_start3A_119] : memref<10000x128xf32, #tpu.memory_space<hbm>> -> memref<10000x128xf32, #tpu.memory_space<hbm>>
        tpu.enqueue_indirect_dma source(%dma_start3A_120 : memref<10000x128xf32, #tpu.memory_space<hbm>>) target(%arg10 : memref<128x128xf32, #tpu.memory_space<vmem>>) offsets(%dma_start3A_117 : memref<128xi32, #tpu.memory_space<vmem>>) semaphore(%arg13 : memref<!tpu.dma_semaphore, #tpu.memory_space<semaphore_mem>>)
      } else {
      }
      %dma_wait3A_79 = arith.constant 0 : i32
      %dma_wait3A_80 = arith.constant 0 : i32
      %dma_wait3A_81 = tpu.memref_slice %arg5[%dma_wait3A_79, %dma_wait3A_80] : memref<163840x128xf32, #tpu.memory_space<hbm>> -> memref<128x128xf32, #tpu.memory_space<hbm>>
      %dma_wait3A_82 = arith.constant 0 : i32
      %dma_wait3A_83 = arith.constant 0 : i32
      %dma_wait3A_84 = tpu.memref_slice %arg5[%dma_wait3A_82, %dma_wait3A_83] : memref<163840x128xf32, #tpu.memory_space<hbm>> -> memref<128x128xf32, #tpu.memory_space<hbm>>
      tpu.wait_dma2 semaphore(%arg14 : memref<!tpu.dma_semaphore, #tpu.memory_space<semaphore_mem>>) src(%dma_wait3A_84 : memref<128x128xf32, #tpu.memory_space<hbm>>) dst(%arg9 : memref<128x128xf32, #tpu.memory_space<vmem>>)
      %dma_wait3A_85 = arith.constant 0 : i32
      %dma_wait3A_86 = arith.constant 0 : i32
      %dma_wait3A_87 = tpu.memref_slice %arg5[%dma_wait3A_85, %dma_wait3A_86] : memref<163840x128xf32, #tpu.memory_space<hbm>> -> memref<128x128xf32, #tpu.memory_space<hbm>>
      %dma_wait3A_88 = arith.constant 0 : i32
      %dma_wait3A_89 = arith.constant 0 : i32
      %dma_wait3A_90 = tpu.memref_slice %arg5[%dma_wait3A_88, %dma_wait3A_89] : memref<163840x128xf32, #tpu.memory_space<hbm>> -> memref<128x128xf32, #tpu.memory_space<hbm>>
      tpu.wait_dma2 semaphore(%arg14 : memref<!tpu.dma_semaphore, #tpu.memory_space<semaphore_mem>>) src(%dma_wait3A_90 : memref<128x128xf32, #tpu.memory_space<hbm>>) dst(%arg10 : memref<128x128xf32, #tpu.memory_space<vmem>>)
      %mul3A_91 = arith.constant 128 : i32
      %mul3A_92 = arith.muli %add3A_71, %mul3A_91 : i32
      %add3A_93 = arith.addi %mul3A_2, %mul3A_92 : i32
      %multiple_of3A_94 = tpu.assume_multiple %add3A_93, 128 : i32
      %dma_start3A_95 = arith.constant 0 : i32
      %dma_start3A_96 = tpu.memref_slice %arg5[%multiple_of3A_94, %dma_start3A_95] : memref<163840x128xf32, #tpu.memory_space<hbm>> -> memref<128x128xf32, #tpu.memory_space<hbm>>
      %dma_start3A_97 = arith.constant 0 : i32
      %dma_start3A_98 = tpu.memref_slice %arg5[%multiple_of3A_94, %dma_start3A_97] : memref<163840x128xf32, #tpu.memory_space<hbm>> -> memref<128x128xf32, #tpu.memory_space<hbm>>
      tpu.enqueue_dma source(%arg11 : memref<128x128xf32, #tpu.memory_space<vmem>>) target(%dma_start3A_98 : memref<128x128xf32, #tpu.memory_space<hbm>>) target_semaphore(%arg16 : memref<!tpu.dma_semaphore, #tpu.memory_space<semaphore_mem>>)
      %dma_start3A_99 = arith.constant 0 : i32
      %dma_start3A_100 = tpu.memref_slice %arg6[%multiple_of3A_94, %dma_start3A_99] : memref<163840x128xf32, #tpu.memory_space<hbm>> -> memref<128x128xf32, #tpu.memory_space<hbm>>
      %dma_start3A_101 = arith.constant 0 : i32
      %dma_start3A_102 = tpu.memref_slice %arg6[%multiple_of3A_94, %dma_start3A_101] : memref<163840x128xf32, #tpu.memory_space<hbm>> -> memref<128x128xf32, #tpu.memory_space<hbm>>
      tpu.enqueue_dma source(%arg12 : memref<128x128xf32, #tpu.memory_space<vmem>>) target(%dma_start3A_102 : memref<128x128xf32, #tpu.memory_space<hbm>>) target_semaphore(%arg16 : memref<!tpu.dma_semaphore, #tpu.memory_space<semaphore_mem>>)
    }
    %scan3A_24 = arith.constant 20 : i32
    %dma_wait3A = arith.constant 0 : i32
    %dma_wait3A_25 = tpu.memref_slice %arg5[%mul3A_2, %dma_wait3A] : memref<163840x128xf32, #tpu.memory_space<hbm>> -> memref<128x128xf32, #tpu.memory_space<hbm>>
    %dma_wait3A_26 = arith.constant 0 : i32
    %dma_wait3A_27 = tpu.memref_slice %arg5[%mul3A_2, %dma_wait3A_26] : memref<163840x128xf32, #tpu.memory_space<hbm>> -> memref<128x128xf32, #tpu.memory_space<hbm>>
    tpu.wait_dma2 semaphore(%arg15 : memref<!tpu.dma_semaphore, #tpu.memory_space<semaphore_mem>>) src(%arg9 : memref<128x128xf32, #tpu.memory_space<vmem>>) dst(%dma_wait3A_27 : memref<128x128xf32, #tpu.memory_space<hbm>>)
    %dma_wait3A_28 = arith.constant 0 : i32
    %dma_wait3A_29 = tpu.memref_slice %arg6[%mul3A_2, %dma_wait3A_28] : memref<163840x128xf32, #tpu.memory_space<hbm>> -> memref<128x128xf32, #tpu.memory_space<hbm>>
    %dma_wait3A_30 = arith.constant 0 : i32
    %dma_wait3A_31 = tpu.memref_slice %arg6[%mul3A_2, %dma_wait3A_30] : memref<163840x128xf32, #tpu.memory_space<hbm>> -> memref<128x128xf32, #tpu.memory_space<hbm>>
    tpu.wait_dma2 semaphore(%arg15 : memref<!tpu.dma_semaphore, #tpu.memory_space<semaphore_mem>>) src(%arg10 : memref<128x128xf32, #tpu.memory_space<vmem>>) dst(%dma_wait3A_31 : memref<128x128xf32, #tpu.memory_space<hbm>>)
    %dma_wait3A_32 = arith.constant 0 : i32
    %dma_wait3A_33 = tpu.memref_slice %arg5[%mul3A_2, %dma_wait3A_32] : memref<163840x128xf32, #tpu.memory_space<hbm>> -> memref<128x128xf32, #tpu.memory_space<hbm>>
    %dma_wait3A_34 = arith.constant 0 : i32
    %dma_wait3A_35 = tpu.memref_slice %arg5[%mul3A_2, %dma_wait3A_34] : memref<163840x128xf32, #tpu.memory_space<hbm>> -> memref<128x128xf32, #tpu.memory_space<hbm>>
    tpu.wait_dma2 semaphore(%arg16 : memref<!tpu.dma_semaphore, #tpu.memory_space<semaphore_mem>>) src(%arg9 : memref<128x128xf32, #tpu.memory_space<vmem>>) dst(%dma_wait3A_35 : memref<128x128xf32, #tpu.memory_space<hbm>>)
    %dma_wait3A_36 = arith.constant 0 : i32
    %dma_wait3A_37 = tpu.memref_slice %arg6[%mul3A_2, %dma_wait3A_36] : memref<163840x128xf32, #tpu.memory_space<hbm>> -> memref<128x128xf32, #tpu.memory_space<hbm>>
    %dma_wait3A_38 = arith.constant 0 : i32
    %dma_wait3A_39 = tpu.memref_slice %arg6[%mul3A_2, %dma_wait3A_38] : memref<163840x128xf32, #tpu.memory_space<hbm>> -> memref<128x128xf32, #tpu.memory_space<hbm>>
    tpu.wait_dma2 semaphore(%arg16 : memref<!tpu.dma_semaphore, #tpu.memory_space<semaphore_mem>>) src(%arg10 : memref<128x128xf32, #tpu.memory_space<vmem>>) dst(%dma_wait3A_39 : memref<128x128xf32, #tpu.memory_space<hbm>>)
    return
  }
}

#map = affine_map<(d0, d1) -> (0, 0)>
module attributes {stable_mosaic.version = 14 : i64} {
  func.func @_gather_body(%arg0: i32, %arg1: i32, %arg2: memref<10000x128xf32, #tpu.memory_space<hbm>>, %arg3: memref<1280x128xi32, #tpu.memory_space<hbm>>, %arg4: memref<1280x128xi32, #tpu.memory_space<hbm>>, %arg5: memref<163840x128xf32, #tpu.memory_space<hbm>>, %arg6: memref<163840x128xf32, #tpu.memory_space<hbm>>, %arg7: memref<40x128xi32, #tpu.memory_space<vmem>>, %arg8: memref<40x128xi32, #tpu.memory_space<vmem>>, %arg9: memref<128x128xf32, #tpu.memory_space<vmem>>, %arg10: memref<128x128xf32, #tpu.memory_space<vmem>>, %arg11: memref<128x128xf32, #tpu.memory_space<vmem>>, %arg12: memref<128x128xf32, #tpu.memory_space<vmem>>, %arg13: memref<!tpu.dma_semaphore, #tpu.memory_space<semaphore_mem>>, %arg14: memref<!tpu.dma_semaphore, #tpu.memory_space<semaphore_mem>>, %arg15: memref<!tpu.dma_semaphore, #tpu.memory_space<semaphore_mem>>, %arg16: memref<!tpu.dma_semaphore, #tpu.memory_space<semaphore_mem>>) attributes {dimension_semantics = [#tpu.dimension_semantics<core_parallel>, #tpu.dimension_semantics<subcore_parallel>], iteration_bounds = array<i64: 2, 16>, scalar_prefetch = 0 : i64, scratch_operands = 10 : i64, tpu.core_type = #tpu.core_type<sc_vector_subcore>, window_params = [{transform_indices = #map}, {transform_indices = #map}, {transform_indices = #map}, {transform_indices = #map}, {transform_indices = #map}]} {
    %mul3A = arith.constant 2 : i32
    %mul3A_0 = arith.muli %arg1, %mul3A : i32
    %add3A = arith.addi %mul3A_0, %arg0 : i32
    %mul3A_1 = arith.constant 5120 : i32
    %mul3A_2 = arith.muli %add3A, %mul3A_1 : i32
    %mul3A_3 = arith.constant 40 : i32
    %mul3A_4 = arith.muli %add3A, %mul3A_3 : i32
    "tpu.region"() ({
      %run_scoped3A = tpu.sem_alloc : memref<!tpu.dma_semaphore, #tpu.memory_space<semaphore_mem>>
      %dma_start3A_40 = arith.constant 0 : i32
      %dma_start3A_41 = tpu.memref_slice %arg3[%mul3A_4, %dma_start3A_40] : memref<1280x128xi32, #tpu.memory_space<hbm>> -> memref<40x128xi32, #tpu.memory_space<hbm>>
      %dma_start3A_42 = arith.constant 0 : i32
      %dma_start3A_43 = tpu.memref_slice %arg3[%mul3A_4, %dma_start3A_42] : memref<1280x128xi32, #tpu.memory_space<hbm>> -> memref<40x128xi32, #tpu.memory_space<hbm>>
      tpu.enqueue_dma source(%dma_start3A_43 : memref<40x128xi32, #tpu.memory_space<hbm>>) target(%arg7 : memref<40x128xi32, #tpu.memory_space<vmem>>) target_semaphore(%run_scoped3A : memref<!tpu.dma_semaphore, #tpu.memory_space<semaphore_mem>>)
      %dma_wait3A_44 = arith.constant 0 : i32
      %dma_wait3A_45 = tpu.memref_slice %arg3[%mul3A_4, %dma_wait3A_44] : memref<1280x128xi32, #tpu.memory_space<hbm>> -> memref<40x128xi32, #tpu.memory_space<hbm>>
      %dma_wait3A_46 = arith.constant 0 : i32
      %dma_wait3A_47 = tpu.memref_slice %arg3[%mul3A_4, %dma_wait3A_46] : memref<1280x128xi32, #tpu.memory_space<hbm>> -> memref<40x128xi32, #tpu.memory_space<hbm>>
      tpu.wait_dma2 semaphore(%run_scoped3A : memref<!tpu.dma_semaphore, #tpu.memory_space<semaphore_mem>>) src(%dma_wait3A_47 : memref<40x128xi32, #tpu.memory_space<hbm>>) dst(%arg7 : memref<40x128xi32, #tpu.memory_space<vmem>>)
      tpu.yield
    }) : () -> ()
    %mul3A_5 = arith.constant 40 : i32
    %mul3A_6 = arith.muli %add3A, %mul3A_5 : i32
    "tpu.region"() ({
      %run_scoped3A = tpu.sem_alloc : memref<!tpu.dma_semaphore, #tpu.memory_space<semaphore_mem>>
      %dma_start3A_40 = arith.constant 0 : i32
      %dma_start3A_41 = tpu.memref_slice %arg4[%mul3A_6, %dma_start3A_40] : memref<1280x128xi32, #tpu.memory_space<hbm>> -> memref<40x128xi32, #tpu.memory_space<hbm>>
      %dma_start3A_42 = arith.constant 0 : i32
      %dma_start3A_43 = tpu.memref_slice %arg4[%mul3A_6, %dma_start3A_42] : memref<1280x128xi32, #tpu.memory_space<hbm>> -> memref<40x128xi32, #tpu.memory_space<hbm>>
      tpu.enqueue_dma source(%dma_start3A_43 : memref<40x128xi32, #tpu.memory_space<hbm>>) target(%arg8 : memref<40x128xi32, #tpu.memory_space<vmem>>) target_semaphore(%run_scoped3A : memref<!tpu.dma_semaphore, #tpu.memory_space<semaphore_mem>>)
      %dma_wait3A_44 = arith.constant 0 : i32
      %dma_wait3A_45 = tpu.memref_slice %arg4[%mul3A_6, %dma_wait3A_44] : memref<1280x128xi32, #tpu.memory_space<hbm>> -> memref<40x128xi32, #tpu.memory_space<hbm>>
      %dma_wait3A_46 = arith.constant 0 : i32
      %dma_wait3A_47 = tpu.memref_slice %arg4[%mul3A_6, %dma_wait3A_46] : memref<1280x128xi32, #tpu.memory_space<hbm>> -> memref<40x128xi32, #tpu.memory_space<hbm>>
      tpu.wait_dma2 semaphore(%run_scoped3A : memref<!tpu.dma_semaphore, #tpu.memory_space<semaphore_mem>>) src(%dma_wait3A_47 : memref<40x128xi32, #tpu.memory_space<hbm>>) dst(%arg8 : memref<40x128xi32, #tpu.memory_space<vmem>>)
      tpu.yield
    }) : () -> ()
    %dma_start3A = arith.constant 0 : i32
    %dma_start3A_7 = arith.constant 0 : i32
    %dma_start3A_8 = tpu.memref_slice %arg7[%dma_start3A, %dma_start3A_7] : memref<40x128xi32, #tpu.memory_space<vmem>> -> memref<1x128xi32, #tpu.memory_space<vmem>>
    %dma_start3A_9 = tpu.memref_squeeze %dma_start3A_8 : memref<1x128xi32, #tpu.memory_space<vmem>> -> memref<128xi32, #tpu.memory_space<vmem>>
    %dma_start3A_10 = arith.constant 0 : i32
    %dma_start3A_11 = arith.constant 0 : i32
    %dma_start3A_12 = tpu.memref_slice %arg2[%dma_start3A_10, %dma_start3A_11] : memref<10000x128xf32, #tpu.memory_space<hbm>> -> memref<10000x128xf32, #tpu.memory_space<hbm>>
    tpu.enqueue_indirect_dma source(%dma_start3A_12 : memref<10000x128xf32, #tpu.memory_space<hbm>>) target(%arg9 : memref<128x128xf32, #tpu.memory_space<vmem>>) offsets(%dma_start3A_9 : memref<128xi32, #tpu.memory_space<vmem>>) semaphore(%arg13 : memref<!tpu.dma_semaphore, #tpu.memory_space<semaphore_mem>>)
    %dma_start3A_13 = arith.constant 0 : i32
    %dma_start3A_14 = arith.constant 0 : i32
    %dma_start3A_15 = tpu.memref_slice %arg8[%dma_start3A_13, %dma_start3A_14] : memref<40x128xi32, #tpu.memory_space<vmem>> -> memref<1x128xi32, #tpu.memory_space<vmem>>
    %dma_start3A_16 = tpu.memref_squeeze %dma_start3A_15 : memref<1x128xi32, #tpu.memory_space<vmem>> -> memref<128xi32, #tpu.memory_space<vmem>>
    %dma_start3A_17 = arith.constant 0 : i32
    %dma_start3A_18 = arith.constant 0 : i32
    %dma_start3A_19 = tpu.memref_slice %arg2[%dma_start3A_17, %dma_start3A_18] : memref<10000x128xf32, #tpu.memory_space<hbm>> -> memref<10000x128xf32, #tpu.memory_space<hbm>>
    tpu.enqueue_indirect_dma source(%dma_start3A_19 : memref<10000x128xf32, #tpu.memory_space<hbm>>) target(%arg10 : memref<128x128xf32, #tpu.memory_space<vmem>>) offsets(%dma_start3A_16 : memref<128xi32, #tpu.memory_space<vmem>>) semaphore(%arg13 : memref<!tpu.dma_semaphore, #tpu.memory_space<semaphore_mem>>)
    %scan3A = arith.constant 0 : i32
    %scan3A_20 = arith.constant 0 : i32
    %scan3A_21 = arith.constant 20 : i32
    %scan3A_22 = arith.addi %scan3A_20, %scan3A_21 : i32
    %scan3A_23 = arith.constant 1 : i32
    scf.for %scan3A_40 = %scan3A_20 to %scan3A_22 step %scan3A_23  : i32 {
      %mul3A_41 = arith.constant 2 : i32
      %mul3A_42 = arith.muli %scan3A_40, %mul3A_41 : i32
      %add3A_43 = arith.constant 1 : i32
      %add3A_44 = arith.addi %mul3A_42, %add3A_43 : i32
      %lt3A = arith.constant 40 : i32
      %lt3A_45 = arith.cmpi slt, %add3A_44, %lt3A : i32
      %convert_element_type3A = arith.extui %lt3A_45 : i1 to i32
      %cond3A = arith.constant 0 : i32
      %cond3A_46 = arith.cmpi ne, %convert_element_type3A, %cond3A : i32
      scf.if %cond3A_46 {
        %ge3A = arith.constant 1 : i32
        %ge3A_103 = arith.cmpi sge, %mul3A_42, %ge3A : i32
        %convert_element_type3A_104 = arith.extui %ge3A_103 : i1 to i32
        %cond3A_105 = arith.constant 0 : i32
        %cond3A_106 = arith.cmpi ne, %convert_element_type3A_104, %cond3A_105 : i32
        scf.if %cond3A_106 {
          %dma_wait3A_121 = arith.constant 0 : i32
          %dma_wait3A_122 = tpu.memref_slice %arg5[%mul3A_2, %dma_wait3A_121] : memref<163840x128xf32, #tpu.memory_space<hbm>> -> memref<128x128xf32, #tpu.memory_space<hbm>>
          %dma_wait3A_123 = arith.constant 0 : i32
          %dma_wait3A_124 = tpu.memref_slice %arg5[%mul3A_2, %dma_wait3A_123] : memref<163840x128xf32, #tpu.memory_space<hbm>> -> memref<128x128xf32, #tpu.memory_space<hbm>>
          tpu.wait_dma2 semaphore(%arg16 : memref<!tpu.dma_semaphore, #tpu.memory_space<semaphore_mem>>) src(%arg9 : memref<128x128xf32, #tpu.memory_space<vmem>>) dst(%dma_wait3A_124 : memref<128x128xf32, #tpu.memory_space<hbm>>)
          %dma_wait3A_125 = arith.constant 0 : i32
          %dma_wait3A_126 = tpu.memref_slice %arg6[%mul3A_2, %dma_wait3A_125] : memref<163840x128xf32, #tpu.memory_space<hbm>> -> memref<128x128xf32, #tpu.memory_space<hbm>>
          %dma_wait3A_127 = arith.constant 0 : i32
          %dma_wait3A_128 = tpu.memref_slice %arg6[%mul3A_2, %dma_wait3A_127] : memref<163840x128xf32, #tpu.memory_space<hbm>> -> memref<128x128xf32, #tpu.memory_space<hbm>>
          tpu.wait_dma2 semaphore(%arg16 : memref<!tpu.dma_semaphore, #tpu.memory_space<semaphore_mem>>) src(%arg10 : memref<128x128xf32, #tpu.memory_space<vmem>>) dst(%dma_wait3A_128 : memref<128x128xf32, #tpu.memory_space<hbm>>)
        } else {
        }
        %add3A_107 = arith.constant 1 : i32
        %add3A_108 = arith.addi %mul3A_42, %add3A_107 : i32
        %dma_start3A_109 = arith.constant 0 : i32
        %dma_start3A_110 = tpu.memref_slice %arg7[%add3A_108, %dma_start3A_109] : memref<40x128xi32, #tpu.memory_space<vmem>> -> memref<1x128xi32, #tpu.memory_space<vmem>>
        %dma_start3A_111 = tpu.memref_squeeze %dma_start3A_110 : memref<1x128xi32, #tpu.memory_space<vmem>> -> memref<128xi32, #tpu.memory_space<vmem>>
        %dma_start3A_112 = arith.constant 0 : i32
        %dma_start3A_113 = arith.constant 0 : i32
        %dma_start3A_114 = tpu.memref_slice %arg2[%dma_start3A_112, %dma_start3A_113] : memref<10000x128xf32, #tpu.memory_space<hbm>> -> memref<10000x128xf32, #tpu.memory_space<hbm>>
        tpu.enqueue_indirect_dma source(%dma_start3A_114 : memref<10000x128xf32, #tpu.memory_space<hbm>>) target(%arg11 : memref<128x128xf32, #tpu.memory_space<vmem>>) offsets(%dma_start3A_111 : memref<128xi32, #tpu.memory_space<vmem>>) semaphore(%arg14 : memref<!tpu.dma_semaphore, #tpu.memory_space<semaphore_mem>>)
        %dma_start3A_115 = arith.constant 0 : i32
        %dma_start3A_116 = tpu.memref_slice %arg8[%add3A_108, %dma_start3A_115] : memref<40x128xi32, #tpu.memory_space<vmem>> -> memref<1x128xi32, #tpu.memory_space<vmem>>
        %dma_start3A_117 = tpu.memref_squeeze %dma_start3A_116 : memref<1x128xi32, #tpu.memory_space<vmem>> -> memref<128xi32, #tpu.memory_space<vmem>>
        %dma_start3A_118 = arith.constant 0 : i32
        %dma_start3A_119 = arith.constant 0 : i32
        %dma_start3A_120 = tpu.memref_slice %arg2[%dma_start3A_118, %dma_start3A_119] : memref<10000x128xf32, #tpu.memory_space<hbm>> -> memref<10000x128xf32, #tpu.memory_space<hbm>>
        tpu.enqueue_indirect_dma source(%dma_start3A_120 : memref<10000x128xf32, #tpu.memory_space<hbm>>) target(%arg12 : memref<128x128xf32, #tpu.memory_space<vmem>>) offsets(%dma_start3A_117 : memref<128xi32, #tpu.memory_space<vmem>>) semaphore(%arg14 : memref<!tpu.dma_semaphore, #tpu.memory_space<semaphore_mem>>)
      } else {
      }
      %dma_wait3A_47 = arith.constant 0 : i32
      %dma_wait3A_48 = arith.constant 0 : i32
      %dma_wait3A_49 = tpu.memref_slice %arg5[%dma_wait3A_47, %dma_wait3A_48] : memref<163840x128xf32, #tpu.memory_space<hbm>> -> memref<128x128xf32, #tpu.memory_space<hbm>>
      %dma_wait3A_50 = arith.constant 0 : i32
      %dma_wait3A_51 = arith.constant 0 : i32
      %dma_wait3A_52 = tpu.memref_slice %arg5[%dma_wait3A_50, %dma_wait3A_51] : memref<163840x128xf32, #tpu.memory_space<hbm>> -> memref<128x128xf32, #tpu.memory_space<hbm>>
      tpu.wait_dma2 semaphore(%arg13 : memref<!tpu.dma_semaphore, #tpu.memory_space<semaphore_mem>>) src(%dma_wait3A_52 : memref<128x128xf32, #tpu.memory_space<hbm>>) dst(%arg9 : memref<128x128xf32, #tpu.memory_space<vmem>>)
      %dma_wait3A_53 = arith.constant 0 : i32
      %dma_wait3A_54 = arith.constant 0 : i32
      %dma_wait3A_55 = tpu.memref_slice %arg5[%dma_wait3A_53, %dma_wait3A_54] : memref<163840x128xf32, #tpu.memory_space<hbm>> -> memref<128x128xf32, #tpu.memory_space<hbm>>
      %dma_wait3A_56 = arith.constant 0 : i32
      %dma_wait3A_57 = arith.constant 0 : i32
      %dma_wait3A_58 = tpu.memref_slice %arg5[%dma_wait3A_56, %dma_wait3A_57] : memref<163840x128xf32, #tpu.memory_space<hbm>> -> memref<128x128xf32, #tpu.memory_space<hbm>>
      tpu.wait_dma2 semaphore(%arg13 : memref<!tpu.dma_semaphore, #tpu.memory_space<semaphore_mem>>) src(%dma_wait3A_58 : memref<128x128xf32, #tpu.memory_space<hbm>>) dst(%arg10 : memref<128x128xf32, #tpu.memory_space<vmem>>)
      %mul3A_59 = arith.constant 128 : i32
      %mul3A_60 = arith.muli %mul3A_42, %mul3A_59 : i32
      %add3A_61 = arith.addi %mul3A_2, %mul3A_60 : i32
      %multiple_of3A = tpu.assume_multiple %add3A_61, 128 : i32
      %dma_start3A_62 = arith.constant 0 : i32
      %dma_start3A_63 = tpu.memref_slice %arg5[%multiple_of3A, %dma_start3A_62] : memref<163840x128xf32, #tpu.memory_space<hbm>> -> memref<128x128xf32, #tpu.memory_space<hbm>>
      %dma_start3A_64 = arith.constant 0 : i32
      %dma_start3A_65 = tpu.memref_slice %arg5[%multiple_of3A, %dma_start3A_64] : memref<163840x128xf32, #tpu.memory_space<hbm>> -> memref<128x128xf32, #tpu.memory_space<hbm>>
      tpu.enqueue_dma source(%arg9 : memref<128x128xf32, #tpu.memory_space<vmem>>) target(%dma_start3A_65 : memref<128x128xf32, #tpu.memory_space<hbm>>) target_semaphore(%arg15 : memref<!tpu.dma_semaphore, #tpu.memory_space<semaphore_mem>>)
      %dma_start3A_66 = arith.constant 0 : i32
      %dma_start3A_67 = tpu.memref_slice %arg6[%multiple_of3A, %dma_start3A_66] : memref<163840x128xf32, #tpu.memory_space<hbm>> -> memref<128x128xf32, #tpu.memory_space<hbm>>
      %dma_start3A_68 = arith.constant 0 : i32
      %dma_start3A_69 = tpu.memref_slice %arg6[%multiple_of3A, %dma_start3A_68] : memref<163840x128xf32, #tpu.memory_space<hbm>> -> memref<128x128xf32, #tpu.memory_space<hbm>>
      tpu.enqueue_dma source(%arg10 : memref<128x128xf32, #tpu.memory_space<vmem>>) target(%dma_start3A_69 : memref<128x128xf32, #tpu.memory_space<hbm>>) target_semaphore(%arg15 : memref<!tpu.dma_semaphore, #tpu.memory_space<semaphore_mem>>)
      %add3A_70 = arith.constant 1 : i32
      %add3A_71 = arith.addi %mul3A_42, %add3A_70 : i32
      %add3A_72 = arith.constant 1 : i32
      %add3A_73 = arith.addi %add3A_71, %add3A_72 : i32
      %lt3A_74 = arith.constant 40 : i32
      %lt3A_75 = arith.cmpi slt, %add3A_73, %lt3A_74 : i32
      %convert_element_type3A_76 = arith.extui %lt3A_75 : i1 to i32
      %cond3A_77 = arith.constant 0 : i32
      %cond3A_78 = arith.cmpi ne, %convert_element_type3A_76, %cond3A_77 : i32
      scf.if %cond3A_78 {
        %ge3A = arith.constant 1 : i32
        %ge3A_103 = arith.cmpi sge, %add3A_71, %ge3A : i32
        %convert_element_type3A_104 = arith.extui %ge3A_103 : i1 to i32
        %cond3A_105 = arith.constant 0 : i32
        %cond3A_106 = arith.cmpi ne, %convert_element_type3A_104, %cond3A_105 : i32
        scf.if %cond3A_106 {
          %dma_wait3A_121 = arith.constant 0 : i32
          %dma_wait3A_122 = tpu.memref_slice %arg5[%mul3A_2, %dma_wait3A_121] : memref<163840x128xf32, #tpu.memory_space<hbm>> -> memref<128x128xf32, #tpu.memory_space<hbm>>
          %dma_wait3A_123 = arith.constant 0 : i32
          %dma_wait3A_124 = tpu.memref_slice %arg5[%mul3A_2, %dma_wait3A_123] : memref<163840x128xf32, #tpu.memory_space<hbm>> -> memref<128x128xf32, #tpu.memory_space<hbm>>
          tpu.wait_dma2 semaphore(%arg15 : memref<!tpu.dma_semaphore, #tpu.memory_space<semaphore_mem>>) src(%arg9 : memref<128x128xf32, #tpu.memory_space<vmem>>) dst(%dma_wait3A_124 : memref<128x128xf32, #tpu.memory_space<hbm>>)
          %dma_wait3A_125 = arith.constant 0 : i32
          %dma_wait3A_126 = tpu.memref_slice %arg6[%mul3A_2, %dma_wait3A_125] : memref<163840x128xf32, #tpu.memory_space<hbm>> -> memref<128x128xf32, #tpu.memory_space<hbm>>
          %dma_wait3A_127 = arith.constant 0 : i32
          %dma_wait3A_128 = tpu.memref_slice %arg6[%mul3A_2, %dma_wait3A_127] : memref<163840x128xf32, #tpu.memory_space<hbm>> -> memref<128x128xf32, #tpu.memory_space<hbm>>
          tpu.wait_dma2 semaphore(%arg15 : memref<!tpu.dma_semaphore, #tpu.memory_space<semaphore_mem>>) src(%arg10 : memref<128x128xf32, #tpu.memory_space<vmem>>) dst(%dma_wait3A_128 : memref<128x128xf32, #tpu.memory_space<hbm>>)
        } else {
        }
        %add3A_107 = arith.constant 1 : i32
        %add3A_108 = arith.addi %add3A_71, %add3A_107 : i32
        %dma_start3A_109 = arith.constant 0 : i32
        %dma_start3A_110 = tpu.memref_slice %arg7[%add3A_108, %dma_start3A_109] : memref<40x128xi32, #tpu.memory_space<vmem>> -> memref<1x128xi32, #tpu.memory_space<vmem>>
        %dma_start3A_111 = tpu.memref_squeeze %dma_start3A_110 : memref<1x128xi32, #tpu.memory_space<vmem>> -> memref<128xi32, #tpu.memory_space<vmem>>
        %dma_start3A_112 = arith.constant 0 : i32
        %dma_start3A_113 = arith.constant 0 : i32
        %dma_start3A_114 = tpu.memref_slice %arg2[%dma_start3A_112, %dma_start3A_113] : memref<10000x128xf32, #tpu.memory_space<hbm>> -> memref<10000x128xf32, #tpu.memory_space<hbm>>
        tpu.enqueue_indirect_dma source(%dma_start3A_114 : memref<10000x128xf32, #tpu.memory_space<hbm>>) target(%arg9 : memref<128x128xf32, #tpu.memory_space<vmem>>) offsets(%dma_start3A_111 : memref<128xi32, #tpu.memory_space<vmem>>) semaphore(%arg13 : memref<!tpu.dma_semaphore, #tpu.memory_space<semaphore_mem>>)
        %dma_start3A_115 = arith.constant 0 : i32
        %dma_start3A_116 = tpu.memref_slice %arg8[%add3A_108, %dma_start3A_115] : memref<40x128xi32, #tpu.memory_space<vmem>> -> memref<1x128xi32, #tpu.memory_space<vmem>>
        %dma_start3A_117 = tpu.memref_squeeze %dma_start3A_116 : memref<1x128xi32, #tpu.memory_space<vmem>> -> memref<128xi32, #tpu.memory_space<vmem>>
        %dma_start3A_118 = arith.constant 0 : i32
        %dma_start3A_119 = arith.constant 0 : i32
        %dma_start3A_120 = tpu.memref_slice %arg2[%dma_start3A_118, %dma_start3A_119] : memref<10000x128xf32, #tpu.memory_space<hbm>> -> memref<10000x128xf32, #tpu.memory_space<hbm>>
        tpu.enqueue_indirect_dma source(%dma_start3A_120 : memref<10000x128xf32, #tpu.memory_space<hbm>>) target(%arg10 : memref<128x128xf32, #tpu.memory_space<vmem>>) offsets(%dma_start3A_117 : memref<128xi32, #tpu.memory_space<vmem>>) semaphore(%arg13 : memref<!tpu.dma_semaphore, #tpu.memory_space<semaphore_mem>>)
      } else {
      }
      %dma_wait3A_79 = arith.constant 0 : i32
      %dma_wait3A_80 = arith.constant 0 : i32
      %dma_wait3A_81 = tpu.memref_slice %arg5[%dma_wait3A_79, %dma_wait3A_80] : memref<163840x128xf32, #tpu.memory_space<hbm>> -> memref<128x128xf32, #tpu.memory_space<hbm>>
      %dma_wait3A_82 = arith.constant 0 : i32
      %dma_wait3A_83 = arith.constant 0 : i32
      %dma_wait3A_84 = tpu.memref_slice %arg5[%dma_wait3A_82, %dma_wait3A_83] : memref<163840x128xf32, #tpu.memory_space<hbm>> -> memref<128x128xf32, #tpu.memory_space<hbm>>
      tpu.wait_dma2 semaphore(%arg14 : memref<!tpu.dma_semaphore, #tpu.memory_space<semaphore_mem>>) src(%dma_wait3A_84 : memref<128x128xf32, #tpu.memory_space<hbm>>) dst(%arg9 : memref<128x128xf32, #tpu.memory_space<vmem>>)
      %dma_wait3A_85 = arith.constant 0 : i32
      %dma_wait3A_86 = arith.constant 0 : i32
      %dma_wait3A_87 = tpu.memref_slice %arg5[%dma_wait3A_85, %dma_wait3A_86] : memref<163840x128xf32, #tpu.memory_space<hbm>> -> memref<128x128xf32, #tpu.memory_space<hbm>>
      %dma_wait3A_88 = arith.constant 0 : i32
      %dma_wait3A_89 = arith.constant 0 : i32
      %dma_wait3A_90 = tpu.memref_slice %arg5[%dma_wait3A_88, %dma_wait3A_89] : memref<163840x128xf32, #tpu.memory_space<hbm>> -> memref<128x128xf32, #tpu.memory_space<hbm>>
      tpu.wait_dma2 semaphore(%arg14 : memref<!tpu.dma_semaphore, #tpu.memory_space<semaphore_mem>>) src(%dma_wait3A_90 : memref<128x128xf32, #tpu.memory_space<hbm>>) dst(%arg10 : memref<128x128xf32, #tpu.memory_space<vmem>>)
      %mul3A_91 = arith.constant 128 : i32
      %mul3A_92 = arith.muli %add3A_71, %mul3A_91 : i32
      %add3A_93 = arith.addi %mul3A_2, %mul3A_92 : i32
      %multiple_of3A_94 = tpu.assume_multiple %add3A_93, 128 : i32
      %dma_start3A_95 = arith.constant 0 : i32
      %dma_start3A_96 = tpu.memref_slice %arg5[%multiple_of3A_94, %dma_start3A_95] : memref<163840x128xf32, #tpu.memory_space<hbm>> -> memref<128x128xf32, #tpu.memory_space<hbm>>
      %dma_start3A_97 = arith.constant 0 : i32
      %dma_start3A_98 = tpu.memref_slice %arg5[%multiple_of3A_94, %dma_start3A_97] : memref<163840x128xf32, #tpu.memory_space<hbm>> -> memref<128x128xf32, #tpu.memory_space<hbm>>
      tpu.enqueue_dma source(%arg11 : memref<128x128xf32, #tpu.memory_space<vmem>>) target(%dma_start3A_98 : memref<128x128xf32, #tpu.memory_space<hbm>>) target_semaphore(%arg16 : memref<!tpu.dma_semaphore, #tpu.memory_space<semaphore_mem>>)
      %dma_start3A_99 = arith.constant 0 : i32
      %dma_start3A_100 = tpu.memref_slice %arg6[%multiple_of3A_94, %dma_start3A_99] : memref<163840x128xf32, #tpu.memory_space<hbm>> -> memref<128x128xf32, #tpu.memory_space<hbm>>
      %dma_start3A_101 = arith.constant 0 : i32
      %dma_start3A_102 = tpu.memref_slice %arg6[%multiple_of3A_94, %dma_start3A_101] : memref<163840x128xf32, #tpu.memory_space<hbm>> -> memref<128x128xf32, #tpu.memory_space<hbm>>
      tpu.enqueue_dma source(%arg12 : memref<128x128xf32, #tpu.memory_space<vmem>>) target(%dma_start3A_102 : memref<128x128xf32, #tpu.memory_space<hbm>>) target_semaphore(%arg16 : memref<!tpu.dma_semaphore, #tpu.memory_space<semaphore_mem>>)
    }
    %scan3A_24 = arith.constant 20 : i32
    %dma_wait3A = arith.constant 0 : i32
    %dma_wait3A_25 = tpu.memref_slice %arg5[%mul3A_2, %dma_wait3A] : memref<163840x128xf32, #tpu.memory_space<hbm>> -> memref<128x128xf32, #tpu.memory_space<hbm>>
    %dma_wait3A_26 = arith.constant 0 : i32
    %dma_wait3A_27 = tpu.memref_slice %arg5[%mul3A_2, %dma_wait3A_26] : memref<163840x128xf32, #tpu.memory_space<hbm>> -> memref<128x128xf32, #tpu.memory_space<hbm>>
    tpu.wait_dma2 semaphore(%arg15 : memref<!tpu.dma_semaphore, #tpu.memory_space<semaphore_mem>>) src(%arg9 : memref<128x128xf32, #tpu.memory_space<vmem>>) dst(%dma_wait3A_27 : memref<128x128xf32, #tpu.memory_space<hbm>>)
    %dma_wait3A_28 = arith.constant 0 : i32
    %dma_wait3A_29 = tpu.memref_slice %arg6[%mul3A_2, %dma_wait3A_28] : memref<163840x128xf32, #tpu.memory_space<hbm>> -> memref<128x128xf32, #tpu.memory_space<hbm>>
    %dma_wait3A_30 = arith.constant 0 : i32
    %dma_wait3A_31 = tpu.memref_slice %arg6[%mul3A_2, %dma_wait3A_30] : memref<163840x128xf32, #tpu.memory_space<hbm>> -> memref<128x128xf32, #tpu.memory_space<hbm>>
    tpu.wait_dma2 semaphore(%arg15 : memref<!tpu.dma_semaphore, #tpu.memory_space<semaphore_mem>>) src(%arg10 : memref<128x128xf32, #tpu.memory_space<vmem>>) dst(%dma_wait3A_31 : memref<128x128xf32, #tpu.memory_space<hbm>>)
    %dma_wait3A_32 = arith.constant 0 : i32
    %dma_wait3A_33 = tpu.memref_slice %arg5[%mul3A_2, %dma_wait3A_32] : memref<163840x128xf32, #tpu.memory_space<hbm>> -> memref<128x128xf32, #tpu.memory_space<hbm>>
    %dma_wait3A_34 = arith.constant 0 : i32
    %dma_wait3A_35 = tpu.memref_slice %arg5[%mul3A_2, %dma_wait3A_34] : memref<163840x128xf32, #tpu.memory_space<hbm>> -> memref<128x128xf32, #tpu.memory_space<hbm>>
    tpu.wait_dma2 semaphore(%arg16 : memref<!tpu.dma_semaphore, #tpu.memory_space<semaphore_mem>>) src(%arg9 : memref<128x128xf32, #tpu.memory_space<vmem>>) dst(%dma_wait3A_35 : memref<128x128xf32, #tpu.memory_space<hbm>>)
    %dma_wait3A_36 = arith.constant 0 : i32
    %dma_wait3A_37 = tpu.memref_slice %arg6[%mul3A_2, %dma_wait3A_36] : memref<163840x128xf32, #tpu.memory_space<hbm>> -> memref<128x128xf32, #tpu.memory_space<hbm>>
    %dma_wait3A_38 = arith.constant 0 : i32
    %dma_wait3A_39 = tpu.memref_slice %arg6[%mul3A_2, %dma_wait3A_38] : memref<163840x128xf32, #tpu.memory_space<hbm>> -> memref<128x128xf32, #tpu.memory_space<hbm>>
    tpu.wait_dma2 semaphore(%arg16 : memref<!tpu.dma_semaphore, #tpu.memory_space<semaphore_mem>>) src(%arg10 : memref<128x128xf32, #tpu.memory_space<vmem>>) dst(%dma_wait3A_39 : memref<128x128xf32, #tpu.memory_space<hbm>>)
    return
  }
}

#map = affine_map<(d0, d1) -> (0, 0)>
#map1 = affine_map<(d0, d1) -> (0)>
module attributes {stable_mosaic.version = 14 : i64} {
  func.func @_scatter_body(%arg0: i32, %arg1: i32, %arg2: memref<327680x16xf32, #tpu.memory_space<hbm>>, %arg3: memref<327680xi32, #tpu.memory_space<hbm>>, %arg4: memref<20480x16xf32, #tpu.memory_space<hbm>>, %arg5: memref<256x16xf32, #tpu.memory_space<vmem>>, %arg6: memref<256xi32, #tpu.memory_space<vmem>>, %arg7: memref<8x16xf32, #tpu.memory_space<vmem>>, %arg8: memref<10240x16xf32, #tpu.memory_space<vmem_shared>>) attributes {dimension_semantics = [#tpu.dimension_semantics<core_parallel>, #tpu.dimension_semantics<subcore_parallel>], iteration_bounds = array<i64: 2, 16>, scalar_prefetch = 0 : i64, scratch_operands = 4 : i64, tpu.core_type = #tpu.core_type<sc_vector_subcore>, window_params = [{transform_indices = #map}, {transform_indices = #map1}, {transform_indices = #map}]} {
    %mul3A = arith.constant 16 : i32
    %mul3A_0 = arith.muli %arg0, %mul3A : i32
    %add3A = arith.addi %mul3A_0, %arg1 : i32
    %mul3A_1 = arith.constant 10240 : i32
    %mul3A_2 = arith.muli %add3A, %mul3A_1 : i32
    %broadcast_in_dim3A = arith.constant 0.000000e+00 : f32
    %broadcast_in_dim3A_3 = vector.broadcast %broadcast_in_dim3A : f32 to vector<16xf32>
    %swap3A = arith.constant 0 : i32
    %swap3A_4 = arith.index_cast %swap3A : i32 to index
    %swap3A_5 = arith.constant 0 : index
    %swap3A_6 = tpu.vector_load %arg7[%swap3A_4, %swap3A_5] {strides = array<i32>} : memref<8x16xf32, #tpu.memory_space<vmem>>, vector<1x16xf32>,
    %swap3A_7 = vector.shape_cast %swap3A_6 : vector<1x16xf32> to vector<16xf32>
    %swap3A_8 = vector.shape_cast %broadcast_in_dim3A_3 : vector<16xf32> to vector<1x16xf32>
    tpu.vector_store %arg7[%swap3A_4, %swap3A_5], %swap3A_8 {strides = array<i32>} : memref<8x16xf32, #tpu.memory_space<vmem>>, vector<1x16xf32>,
    %swap3A_9 = arith.constant 1 : i32
    %swap3A_10 = arith.index_cast %swap3A_9 : i32 to index
    %swap3A_11 = arith.constant 0 : index
    %swap3A_12 = tpu.vector_load %arg7[%swap3A_10, %swap3A_11] {strides = array<i32>} : memref<8x16xf32, #tpu.memory_space<vmem>>, vector<1x16xf32>,
    %swap3A_13 = vector.shape_cast %swap3A_12 : vector<1x16xf32> to vector<16xf32>
    %swap3A_14 = vector.shape_cast %broadcast_in_dim3A_3 : vector<16xf32> to vector<1x16xf32>
    tpu.vector_store %arg7[%swap3A_10, %swap3A_11], %swap3A_14 {strides = array<i32>} : memref<8x16xf32, #tpu.memory_space<vmem>>, vector<1x16xf32>,
    %swap3A_15 = arith.constant 2 : i32
    %swap3A_16 = arith.index_cast %swap3A_15 : i32 to index
    %swap3A_17 = arith.constant 0 : index
    %swap3A_18 = tpu.vector_load %arg7[%swap3A_16, %swap3A_17] {strides = array<i32>} : memref<8x16xf32, #tpu.memory_space<vmem>>, vector<1x16xf32>,
    %swap3A_19 = vector.shape_cast %swap3A_18 : vector<1x16xf32> to vector<16xf32>
    %swap3A_20 = vector.shape_cast %broadcast_in_dim3A_3 : vector<16xf32> to vector<1x16xf32>
    tpu.vector_store %arg7[%swap3A_16, %swap3A_17], %swap3A_20 {strides = array<i32>} : memref<8x16xf32, #tpu.memory_space<vmem>>, vector<1x16xf32>,
    %swap3A_21 = arith.constant 3 : i32
    %swap3A_22 = arith.index_cast %swap3A_21 : i32 to index
    %swap3A_23 = arith.constant 0 : index
    %swap3A_24 = tpu.vector_load %arg7[%swap3A_22, %swap3A_23] {strides = array<i32>} : memref<8x16xf32, #tpu.memory_space<vmem>>, vector<1x16xf32>,
    %swap3A_25 = vector.shape_cast %swap3A_24 : vector<1x16xf32> to vector<16xf32>
    %swap3A_26 = vector.shape_cast %broadcast_in_dim3A_3 : vector<16xf32> to vector<1x16xf32>
    tpu.vector_store %arg7[%swap3A_22, %swap3A_23], %swap3A_26 {strides = array<i32>} : memref<8x16xf32, #tpu.memory_space<vmem>>, vector<1x16xf32>,
    %swap3A_27 = arith.constant 4 : i32
    %swap3A_28 = arith.index_cast %swap3A_27 : i32 to index
    %swap3A_29 = arith.constant 0 : index
    %swap3A_30 = tpu.vector_load %arg7[%swap3A_28, %swap3A_29] {strides = array<i32>} : memref<8x16xf32, #tpu.memory_space<vmem>>, vector<1x16xf32>,
    %swap3A_31 = vector.shape_cast %swap3A_30 : vector<1x16xf32> to vector<16xf32>
    %swap3A_32 = vector.shape_cast %broadcast_in_dim3A_3 : vector<16xf32> to vector<1x16xf32>
    tpu.vector_store %arg7[%swap3A_28, %swap3A_29], %swap3A_32 {strides = array<i32>} : memref<8x16xf32, #tpu.memory_space<vmem>>, vector<1x16xf32>,
    %swap3A_33 = arith.constant 5 : i32
    %swap3A_34 = arith.index_cast %swap3A_33 : i32 to index
    %swap3A_35 = arith.constant 0 : index
    %swap3A_36 = tpu.vector_load %arg7[%swap3A_34, %swap3A_35] {strides = array<i32>} : memref<8x16xf32, #tpu.memory_space<vmem>>, vector<1x16xf32>,
    %swap3A_37 = vector.shape_cast %swap3A_36 : vector<1x16xf32> to vector<16xf32>
    %swap3A_38 = vector.shape_cast %broadcast_in_dim3A_3 : vector<16xf32> to vector<1x16xf32>
    tpu.vector_store %arg7[%swap3A_34, %swap3A_35], %swap3A_38 {strides = array<i32>} : memref<8x16xf32, #tpu.memory_space<vmem>>, vector<1x16xf32>,
    %swap3A_39 = arith.constant 6 : i32
    %swap3A_40 = arith.index_cast %swap3A_39 : i32 to index
    %swap3A_41 = arith.constant 0 : index
    %swap3A_42 = tpu.vector_load %arg7[%swap3A_40, %swap3A_41] {strides = array<i32>} : memref<8x16xf32, #tpu.memory_space<vmem>>, vector<1x16xf32>,
    %swap3A_43 = vector.shape_cast %swap3A_42 : vector<1x16xf32> to vector<16xf32>
    %swap3A_44 = vector.shape_cast %broadcast_in_dim3A_3 : vector<16xf32> to vector<1x16xf32>
    tpu.vector_store %arg7[%swap3A_40, %swap3A_41], %swap3A_44 {strides = array<i32>} : memref<8x16xf32, #tpu.memory_space<vmem>>, vector<1x16xf32>,
    %swap3A_45 = arith.constant 7 : i32
    %swap3A_46 = arith.index_cast %swap3A_45 : i32 to index
    %swap3A_47 = arith.constant 0 : index
    %swap3A_48 = tpu.vector_load %arg7[%swap3A_46, %swap3A_47] {strides = array<i32>} : memref<8x16xf32, #tpu.memory_space<vmem>>, vector<1x16xf32>,
    %swap3A_49 = vector.shape_cast %swap3A_48 : vector<1x16xf32> to vector<16xf32>
    %swap3A_50 = vector.shape_cast %broadcast_in_dim3A_3 : vector<16xf32> to vector<1x16xf32>
    tpu.vector_store %arg7[%swap3A_46, %swap3A_47], %swap3A_50 {strides = array<i32>} : memref<8x16xf32, #tpu.memory_space<vmem>>, vector<1x16xf32>,
    %scan3A = arith.constant 0 : i32
    %scan3A_51 = arith.constant 0 : i32
    %scan3A_52 = arith.constant 80 : i32
    %scan3A_53 = arith.addi %scan3A_51, %scan3A_52 : i32
    %scan3A_54 = arith.constant 1 : i32
    scf.for %scan3A_70 = %scan3A_51 to %scan3A_53 step %scan3A_54  : i32 {
      %mul3A_71 = arith.constant 640 : i32
      %mul3A_72 = arith.muli %arg1, %mul3A_71 : i32
      %mul3A_73 = arith.constant 8 : i32
      %mul3A_74 = arith.muli %scan3A_70, %mul3A_73 : i32
      %add3A_75 = arith.addi %mul3A_72, %mul3A_74 : i32
      %multiple_of3A = tpu.assume_multiple %add3A_75, 8 : i32
      "tpu.region"() ({
        %run_scoped3A = tpu.sem_alloc : memref<!tpu.dma_semaphore, #tpu.memory_space<semaphore_mem>>
        %dma_start3A = arith.constant 0 : i32
        %dma_start3A_76 = tpu.memref_slice %arg8[%multiple_of3A, %dma_start3A] : memref<10240x16xf32, #tpu.memory_space<vmem_shared>> -> memref<8x16xf32, #tpu.memory_space<vmem_shared>>
        %dma_start3A_77 = arith.constant 0 : i32
        %dma_start3A_78 = tpu.memref_slice %arg8[%multiple_of3A, %dma_start3A_77] : memref<10240x16xf32, #tpu.memory_space<vmem_shared>> -> memref<8x16xf32, #tpu.memory_space<vmem_shared>>
        tpu.enqueue_dma source(%arg7 : memref<8x16xf32, #tpu.memory_space<vmem>>) target(%dma_start3A_78 : memref<8x16xf32, #tpu.memory_space<vmem_shared>>) target_semaphore(%run_scoped3A : memref<!tpu.dma_semaphore, #tpu.memory_space<semaphore_mem>>)
        %dma_wait3A = arith.constant 0 : i32
        %dma_wait3A_79 = tpu.memref_slice %arg8[%multiple_of3A, %dma_wait3A] : memref<10240x16xf32, #tpu.memory_space<vmem_shared>> -> memref<8x16xf32, #tpu.memory_space<vmem_shared>>
        %dma_wait3A_80 = arith.constant 0 : i32
        %dma_wait3A_81 = tpu.memref_slice %arg8[%multiple_of3A, %dma_wait3A_80] : memref<10240x16xf32, #tpu.memory_space<vmem_shared>> -> memref<8x16xf32, #tpu.memory_space<vmem_shared>>
        tpu.wait_dma2 semaphore(%run_scoped3A : memref<!tpu.dma_semaphore, #tpu.memory_space<semaphore_mem>>) src(%arg7 : memref<8x16xf32, #tpu.memory_space<vmem>>) dst(%dma_wait3A_81 : memref<8x16xf32, #tpu.memory_space<vmem_shared>>)
        tpu.yield
      }) : () -> ()
    }
    %scan3A_55 = arith.constant 80 : i32
    %barrier3A = arith.constant 0 : index
    tpu.barrier barrier_id(%barrier3A)
    %scan3A_56 = arith.constant 0 : i32
    %scan3A_57 = arith.constant 0 : i32
    %scan3A_58 = arith.constant 40 : i32
    %scan3A_59 = arith.addi %scan3A_57, %scan3A_58 : i32
    %scan3A_60 = arith.constant 1 : i32
    scf.for %scan3A_70 = %scan3A_57 to %scan3A_59 step %scan3A_60  : i32 {
      %mul3A_71 = arith.constant 256 : i32
      %mul3A_72 = arith.muli %scan3A_70, %mul3A_71 : i32
      %add3A_73 = arith.addi %mul3A_2, %mul3A_72 : i32
      %multiple_of3A = tpu.assume_multiple %add3A_73, 256 : i32
      "tpu.region"() ({
        %run_scoped3A = tpu.sem_alloc : memref<!tpu.dma_semaphore, #tpu.memory_space<semaphore_mem>>
        %dma_start3A = arith.constant 0 : i32
        %dma_start3A_74 = tpu.memref_slice %arg2[%multiple_of3A, %dma_start3A] : memref<327680x16xf32, #tpu.memory_space<hbm>> -> memref<256x16xf32, #tpu.memory_space<hbm>>
        %dma_start3A_75 = arith.constant 0 : i32
        %dma_start3A_76 = tpu.memref_slice %arg2[%multiple_of3A, %dma_start3A_75] : memref<327680x16xf32, #tpu.memory_space<hbm>> -> memref<256x16xf32, #tpu.memory_space<hbm>>
        tpu.enqueue_dma source(%dma_start3A_76 : memref<256x16xf32, #tpu.memory_space<hbm>>) target(%arg5 : memref<256x16xf32, #tpu.memory_space<vmem>>) target_semaphore(%run_scoped3A : memref<!tpu.dma_semaphore, #tpu.memory_space<semaphore_mem>>)
        %dma_wait3A = arith.constant 0 : i32
        %dma_wait3A_77 = tpu.memref_slice %arg2[%multiple_of3A, %dma_wait3A] : memref<327680x16xf32, #tpu.memory_space<hbm>> -> memref<256x16xf32, #tpu.memory_space<hbm>>
        %dma_wait3A_78 = arith.constant 0 : i32
        %dma_wait3A_79 = tpu.memref_slice %arg2[%multiple_of3A, %dma_wait3A_78] : memref<327680x16xf32, #tpu.memory_space<hbm>> -> memref<256x16xf32, #tpu.memory_space<hbm>>
        tpu.wait_dma2 semaphore(%run_scoped3A : memref<!tpu.dma_semaphore, #tpu.memory_space<semaphore_mem>>) src(%dma_wait3A_79 : memref<256x16xf32, #tpu.memory_space<hbm>>) dst(%arg5 : memref<256x16xf32, #tpu.memory_space<vmem>>)
        tpu.yield
      }) : () -> ()
      "tpu.region"() ({
        %run_scoped3A = tpu.sem_alloc : memref<!tpu.dma_semaphore, #tpu.memory_space<semaphore_mem>>
        %dma_start3A = tpu.memref_slice %arg3[%multiple_of3A] : memref<327680xi32, #tpu.memory_space<hbm>> -> memref<256xi32, #tpu.memory_space<hbm>>
        %dma_start3A_74 = tpu.memref_slice %arg3[%multiple_of3A] : memref<327680xi32, #tpu.memory_space<hbm>> -> memref<256xi32, #tpu.memory_space<hbm>>
        tpu.enqueue_dma source(%dma_start3A_74 : memref<256xi32, #tpu.memory_space<hbm>>) target(%arg6 : memref<256xi32, #tpu.memory_space<vmem>>) target_semaphore(%run_scoped3A : memref<!tpu.dma_semaphore, #tpu.memory_space<semaphore_mem>>)
        %dma_wait3A = tpu.memref_slice %arg3[%multiple_of3A] : memref<327680xi32, #tpu.memory_space<hbm>> -> memref<256xi32, #tpu.memory_space<hbm>>
        %dma_wait3A_75 = tpu.memref_slice %arg3[%multiple_of3A] : memref<327680xi32, #tpu.memory_space<hbm>> -> memref<256xi32, #tpu.memory_space<hbm>>
        tpu.wait_dma2 semaphore(%run_scoped3A : memref<!tpu.dma_semaphore, #tpu.memory_space<semaphore_mem>>) src(%dma_wait3A_75 : memref<256xi32, #tpu.memory_space<hbm>>) dst(%arg6 : memref<256xi32, #tpu.memory_space<vmem>>)
        tpu.yield
      }) : () -> ()
      "tpu.region"() ({
        %run_scoped3A = tpu.sem_alloc : memref<!tpu.dma_semaphore, #tpu.memory_space<semaphore_mem>>
        %dma_start3A = arith.constant 0 : i32
        %dma_start3A_74 = arith.constant 0 : i32
        %dma_start3A_75 = tpu.memref_slice %arg8[%dma_start3A, %dma_start3A_74] : memref<10240x16xf32, #tpu.memory_space<vmem_shared>> -> memref<10240x16xf32, #tpu.memory_space<vmem_shared>>
        tpu.enqueue_indirect_dma source(%arg5 : memref<256x16xf32, #tpu.memory_space<vmem>>) target(%dma_start3A_75 : memref<10240x16xf32, #tpu.memory_space<vmem_shared>>) offsets(%arg6 : memref<256xi32, #tpu.memory_space<vmem>>) semaphore(%run_scoped3A : memref<!tpu.dma_semaphore, #tpu.memory_space<semaphore_mem>>) {add = true}
        %dma_wait3A = arith.constant 0 : i32
        %dma_wait3A_76 = arith.constant 0 : i32
        %dma_wait3A_77 = tpu.memref_slice %arg8[%dma_wait3A, %dma_wait3A_76] : memref<10240x16xf32, #tpu.memory_space<vmem_shared>> -> memref<10240x16xf32, #tpu.memory_space<vmem_shared>>
        tpu.wait_indirect_dma semaphore(%run_scoped3A : memref<!tpu.dma_semaphore, #tpu.memory_space<semaphore_mem>>) src(%arg5 : memref<256x16xf32, #tpu.memory_space<vmem>>) dst(%dma_wait3A_77 : memref<10240x16xf32, #tpu.memory_space<vmem_shared>>)
        tpu.yield
      }) : () -> ()
    }
    %scan3A_61 = arith.constant 40 : i32
    %barrier3A_62 = arith.constant 0 : index
    tpu.barrier barrier_id(%barrier3A_62)
    %mul3A_63 = arith.constant 640 : i32
    %mul3A_64 = arith.muli %arg1, %mul3A_63 : i32
    %mul3A_65 = arith.constant 10240 : i32
    %mul3A_66 = arith.muli %arg0, %mul3A_65 : i32
    %mul3A_67 = arith.constant 640 : i32
    %mul3A_68 = arith.muli %arg1, %mul3A_67 : i32
    %add3A_69 = arith.addi %mul3A_66, %mul3A_68 : i32
    "tpu.region"() ({
      %run_scoped3A = tpu.sem_alloc : memref<!tpu.dma_semaphore, #tpu.memory_space<semaphore_mem>>
      %dma_start3A = arith.constant 0 : i32
      %dma_start3A_70 = tpu.memref_slice %arg4[%add3A_69, %dma_start3A] : memref<20480x16xf32, #tpu.memory_space<hbm>> -> memref<640x16xf32, #tpu.memory_space<hbm>>
      %dma_start3A_71 = arith.constant 0 : i32
      %dma_start3A_72 = tpu.memref_slice %arg8[%mul3A_64, %dma_start3A_71] : memref<10240x16xf32, #tpu.memory_space<vmem_shared>> -> memref<640x16xf32, #tpu.memory_space<vmem_shared>>
      tpu.enqueue_dma source(%dma_start3A_72 : memref<640x16xf32, #tpu.memory_space<vmem_shared>>) target(%dma_start3A_70 : memref<640x16xf32, #tpu.memory_space<hbm>>) target_semaphore(%run_scoped3A : memref<!tpu.dma_semaphore, #tpu.memory_space<semaphore_mem>>)
      %dma_wait3A = arith.constant 0 : i32
      %dma_wait3A_73 = tpu.memref_slice %arg4[%add3A_69, %dma_wait3A] : memref<20480x16xf32, #tpu.memory_space<hbm>> -> memref<640x16xf32, #tpu.memory_space<hbm>>
      %dma_wait3A_74 = arith.constant 0 : i32
      %dma_wait3A_75 = tpu.memref_slice %arg8[%mul3A_64, %dma_wait3A_74] : memref<10240x16xf32, #tpu.memory_space<vmem_shared>> -> memref<640x16xf32, #tpu.memory_space<vmem_shared>>
      tpu.wait_dma2 semaphore(%run_scoped3A : memref<!tpu.dma_semaphore, #tpu.memory_space<semaphore_mem>>) src(%dma_wait3A_75 : memref<640x16xf32, #tpu.memory_space<vmem_shared>>) dst(%dma_wait3A_73 : memref<640x16xf32, #tpu.memory_space<hbm>>)
      tpu.yield
    }) : () -> ()
    return
  }
}

#map = affine_map<(d0, d1) -> (0, 0)>
module attributes {stable_mosaic.version = 14 : i64} {
  func.func @_gather_body(%arg0: i32, %arg1: i32, %arg2: memref<10000x128xf32, #tpu.memory_space<hbm>>, %arg3: memref<1280x128xi32, #tpu.memory_space<hbm>>, %arg4: memref<1280x128xi32, #tpu.memory_space<hbm>>, %arg5: memref<163840x128xf32, #tpu.memory_space<hbm>>, %arg6: memref<163840x128xf32, #tpu.memory_space<hbm>>, %arg7: memref<40x128xi32, #tpu.memory_space<vmem>>, %arg8: memref<40x128xi32, #tpu.memory_space<vmem>>, %arg9: memref<128x128xf32, #tpu.memory_space<vmem>>, %arg10: memref<128x128xf32, #tpu.memory_space<vmem>>, %arg11: memref<128x128xf32, #tpu.memory_space<vmem>>, %arg12: memref<128x128xf32, #tpu.memory_space<vmem>>, %arg13: memref<!tpu.dma_semaphore, #tpu.memory_space<semaphore_mem>>, %arg14: memref<!tpu.dma_semaphore, #tpu.memory_space<semaphore_mem>>, %arg15: memref<!tpu.dma_semaphore, #tpu.memory_space<semaphore_mem>>, %arg16: memref<!tpu.dma_semaphore, #tpu.memory_space<semaphore_mem>>) attributes {dimension_semantics = [#tpu.dimension_semantics<core_parallel>, #tpu.dimension_semantics<subcore_parallel>], iteration_bounds = array<i64: 2, 16>, scalar_prefetch = 0 : i64, scratch_operands = 10 : i64, tpu.core_type = #tpu.core_type<sc_vector_subcore>, window_params = [{transform_indices = #map}, {transform_indices = #map}, {transform_indices = #map}, {transform_indices = #map}, {transform_indices = #map}]} {
    %mul3A = arith.constant 2 : i32
    %mul3A_0 = arith.muli %arg1, %mul3A : i32
    %add3A = arith.addi %mul3A_0, %arg0 : i32
    %mul3A_1 = arith.constant 5120 : i32
    %mul3A_2 = arith.muli %add3A, %mul3A_1 : i32
    %mul3A_3 = arith.constant 40 : i32
    %mul3A_4 = arith.muli %add3A, %mul3A_3 : i32
    "tpu.region"() ({
      %run_scoped3A = tpu.sem_alloc : memref<!tpu.dma_semaphore, #tpu.memory_space<semaphore_mem>>
      %dma_start3A_40 = arith.constant 0 : i32
      %dma_start3A_41 = tpu.memref_slice %arg3[%mul3A_4, %dma_start3A_40] : memref<1280x128xi32, #tpu.memory_space<hbm>> -> memref<40x128xi32, #tpu.memory_space<hbm>>
      %dma_start3A_42 = arith.constant 0 : i32
      %dma_start3A_43 = tpu.memref_slice %arg3[%mul3A_4, %dma_start3A_42] : memref<1280x128xi32, #tpu.memory_space<hbm>> -> memref<40x128xi32, #tpu.memory_space<hbm>>
      tpu.enqueue_dma source(%dma_start3A_43 : memref<40x128xi32, #tpu.memory_space<hbm>>) target(%arg7 : memref<40x128xi32, #tpu.memory_space<vmem>>) target_semaphore(%run_scoped3A : memref<!tpu.dma_semaphore, #tpu.memory_space<semaphore_mem>>)
      %dma_wait3A_44 = arith.constant 0 : i32
      %dma_wait3A_45 = tpu.memref_slice %arg3[%mul3A_4, %dma_wait3A_44] : memref<1280x128xi32, #tpu.memory_space<hbm>> -> memref<40x128xi32, #tpu.memory_space<hbm>>
      %dma_wait3A_46 = arith.constant 0 : i32
      %dma_wait3A_47 = tpu.memref_slice %arg3[%mul3A_4, %dma_wait3A_46] : memref<1280x128xi32, #tpu.memory_space<hbm>> -> memref<40x128xi32, #tpu.memory_space<hbm>>
      tpu.wait_dma2 semaphore(%run_scoped3A : memref<!tpu.dma_semaphore, #tpu.memory_space<semaphore_mem>>) src(%dma_wait3A_47 : memref<40x128xi32, #tpu.memory_space<hbm>>) dst(%arg7 : memref<40x128xi32, #tpu.memory_space<vmem>>)
      tpu.yield
    }) : () -> ()
    %mul3A_5 = arith.constant 40 : i32
    %mul3A_6 = arith.muli %add3A, %mul3A_5 : i32
    "tpu.region"() ({
      %run_scoped3A = tpu.sem_alloc : memref<!tpu.dma_semaphore, #tpu.memory_space<semaphore_mem>>
      %dma_start3A_40 = arith.constant 0 : i32
      %dma_start3A_41 = tpu.memref_slice %arg4[%mul3A_6, %dma_start3A_40] : memref<1280x128xi32, #tpu.memory_space<hbm>> -> memref<40x128xi32, #tpu.memory_space<hbm>>
      %dma_start3A_42 = arith.constant 0 : i32
      %dma_start3A_43 = tpu.memref_slice %arg4[%mul3A_6, %dma_start3A_42] : memref<1280x128xi32, #tpu.memory_space<hbm>> -> memref<40x128xi32, #tpu.memory_space<hbm>>
      tpu.enqueue_dma source(%dma_start3A_43 : memref<40x128xi32, #tpu.memory_space<hbm>>) target(%arg8 : memref<40x128xi32, #tpu.memory_space<vmem>>) target_semaphore(%run_scoped3A : memref<!tpu.dma_semaphore, #tpu.memory_space<semaphore_mem>>)
      %dma_wait3A_44 = arith.constant 0 : i32
      %dma_wait3A_45 = tpu.memref_slice %arg4[%mul3A_6, %dma_wait3A_44] : memref<1280x128xi32, #tpu.memory_space<hbm>> -> memref<40x128xi32, #tpu.memory_space<hbm>>
      %dma_wait3A_46 = arith.constant 0 : i32
      %dma_wait3A_47 = tpu.memref_slice %arg4[%mul3A_6, %dma_wait3A_46] : memref<1280x128xi32, #tpu.memory_space<hbm>> -> memref<40x128xi32, #tpu.memory_space<hbm>>
      tpu.wait_dma2 semaphore(%run_scoped3A : memref<!tpu.dma_semaphore, #tpu.memory_space<semaphore_mem>>) src(%dma_wait3A_47 : memref<40x128xi32, #tpu.memory_space<hbm>>) dst(%arg8 : memref<40x128xi32, #tpu.memory_space<vmem>>)
      tpu.yield
    }) : () -> ()
    %dma_start3A = arith.constant 0 : i32
    %dma_start3A_7 = arith.constant 0 : i32
    %dma_start3A_8 = tpu.memref_slice %arg7[%dma_start3A, %dma_start3A_7] : memref<40x128xi32, #tpu.memory_space<vmem>> -> memref<1x128xi32, #tpu.memory_space<vmem>>
    %dma_start3A_9 = tpu.memref_squeeze %dma_start3A_8 : memref<1x128xi32, #tpu.memory_space<vmem>> -> memref<128xi32, #tpu.memory_space<vmem>>
    %dma_start3A_10 = arith.constant 0 : i32
    %dma_start3A_11 = arith.constant 0 : i32
    %dma_start3A_12 = tpu.memref_slice %arg2[%dma_start3A_10, %dma_start3A_11] : memref<10000x128xf32, #tpu.memory_space<hbm>> -> memref<10000x128xf32, #tpu.memory_space<hbm>>
    tpu.enqueue_indirect_dma source(%dma_start3A_12 : memref<10000x128xf32, #tpu.memory_space<hbm>>) target(%arg9 : memref<128x128xf32, #tpu.memory_space<vmem>>) offsets(%dma_start3A_9 : memref<128xi32, #tpu.memory_space<vmem>>) semaphore(%arg13 : memref<!tpu.dma_semaphore, #tpu.memory_space<semaphore_mem>>)
    %dma_start3A_13 = arith.constant 0 : i32
    %dma_start3A_14 = arith.constant 0 : i32
    %dma_start3A_15 = tpu.memref_slice %arg8[%dma_start3A_13, %dma_start3A_14] : memref<40x128xi32, #tpu.memory_space<vmem>> -> memref<1x128xi32, #tpu.memory_space<vmem>>
    %dma_start3A_16 = tpu.memref_squeeze %dma_start3A_15 : memref<1x128xi32, #tpu.memory_space<vmem>> -> memref<128xi32, #tpu.memory_space<vmem>>
    %dma_start3A_17 = arith.constant 0 : i32
    %dma_start3A_18 = arith.constant 0 : i32
    %dma_start3A_19 = tpu.memref_slice %arg2[%dma_start3A_17, %dma_start3A_18] : memref<10000x128xf32, #tpu.memory_space<hbm>> -> memref<10000x128xf32, #tpu.memory_space<hbm>>
    tpu.enqueue_indirect_dma source(%dma_start3A_19 : memref<10000x128xf32, #tpu.memory_space<hbm>>) target(%arg10 : memref<128x128xf32, #tpu.memory_space<vmem>>) offsets(%dma_start3A_16 : memref<128xi32, #tpu.memory_space<vmem>>) semaphore(%arg13 : memref<!tpu.dma_semaphore, #tpu.memory_space<semaphore_mem>>)
    %scan3A = arith.constant 0 : i32
    %scan3A_20 = arith.constant 0 : i32
    %scan3A_21 = arith.constant 20 : i32
    %scan3A_22 = arith.addi %scan3A_20, %scan3A_21 : i32
    %scan3A_23 = arith.constant 1 : i32
    scf.for %scan3A_40 = %scan3A_20 to %scan3A_22 step %scan3A_23  : i32 {
      %mul3A_41 = arith.constant 2 : i32
      %mul3A_42 = arith.muli %scan3A_40, %mul3A_41 : i32
      %add3A_43 = arith.constant 1 : i32
      %add3A_44 = arith.addi %mul3A_42, %add3A_43 : i32
      %lt3A = arith.constant 40 : i32
      %lt3A_45 = arith.cmpi slt, %add3A_44, %lt3A : i32
      %convert_element_type3A = arith.extui %lt3A_45 : i1 to i32
      %cond3A = arith.constant 0 : i32
      %cond3A_46 = arith.cmpi ne, %convert_element_type3A, %cond3A : i32
      scf.if %cond3A_46 {
        %ge3A = arith.constant 1 : i32
        %ge3A_103 = arith.cmpi sge, %mul3A_42, %ge3A : i32
        %convert_element_type3A_104 = arith.extui %ge3A_103 : i1 to i32
        %cond3A_105 = arith.constant 0 : i32
        %cond3A_106 = arith.cmpi ne, %convert_element_type3A_104, %cond3A_105 : i32
        scf.if %cond3A_106 {
          %dma_wait3A_121 = arith.constant 0 : i32
          %dma_wait3A_122 = tpu.memref_slice %arg5[%mul3A_2, %dma_wait3A_121] : memref<163840x128xf32, #tpu.memory_space<hbm>> -> memref<128x128xf32, #tpu.memory_space<hbm>>
          %dma_wait3A_123 = arith.constant 0 : i32
          %dma_wait3A_124 = tpu.memref_slice %arg5[%mul3A_2, %dma_wait3A_123] : memref<163840x128xf32, #tpu.memory_space<hbm>> -> memref<128x128xf32, #tpu.memory_space<hbm>>
          tpu.wait_dma2 semaphore(%arg16 : memref<!tpu.dma_semaphore, #tpu.memory_space<semaphore_mem>>) src(%arg9 : memref<128x128xf32, #tpu.memory_space<vmem>>) dst(%dma_wait3A_124 : memref<128x128xf32, #tpu.memory_space<hbm>>)
          %dma_wait3A_125 = arith.constant 0 : i32
          %dma_wait3A_126 = tpu.memref_slice %arg6[%mul3A_2, %dma_wait3A_125] : memref<163840x128xf32, #tpu.memory_space<hbm>> -> memref<128x128xf32, #tpu.memory_space<hbm>>
          %dma_wait3A_127 = arith.constant 0 : i32
          %dma_wait3A_128 = tpu.memref_slice %arg6[%mul3A_2, %dma_wait3A_127] : memref<163840x128xf32, #tpu.memory_space<hbm>> -> memref<128x128xf32, #tpu.memory_space<hbm>>
          tpu.wait_dma2 semaphore(%arg16 : memref<!tpu.dma_semaphore, #tpu.memory_space<semaphore_mem>>) src(%arg10 : memref<128x128xf32, #tpu.memory_space<vmem>>) dst(%dma_wait3A_128 : memref<128x128xf32, #tpu.memory_space<hbm>>)
        } else {
        }
        %add3A_107 = arith.constant 1 : i32
        %add3A_108 = arith.addi %mul3A_42, %add3A_107 : i32
        %dma_start3A_109 = arith.constant 0 : i32
        %dma_start3A_110 = tpu.memref_slice %arg7[%add3A_108, %dma_start3A_109] : memref<40x128xi32, #tpu.memory_space<vmem>> -> memref<1x128xi32, #tpu.memory_space<vmem>>
        %dma_start3A_111 = tpu.memref_squeeze %dma_start3A_110 : memref<1x128xi32, #tpu.memory_space<vmem>> -> memref<128xi32, #tpu.memory_space<vmem>>
        %dma_start3A_112 = arith.constant 0 : i32
        %dma_start3A_113 = arith.constant 0 : i32
        %dma_start3A_114 = tpu.memref_slice %arg2[%dma_start3A_112, %dma_start3A_113] : memref<10000x128xf32, #tpu.memory_space<hbm>> -> memref<10000x128xf32, #tpu.memory_space<hbm>>
        tpu.enqueue_indirect_dma source(%dma_start3A_114 : memref<10000x128xf32, #tpu.memory_space<hbm>>) target(%arg11 : memref<128x128xf32, #tpu.memory_space<vmem>>) offsets(%dma_start3A_111 : memref<128xi32, #tpu.memory_space<vmem>>) semaphore(%arg14 : memref<!tpu.dma_semaphore, #tpu.memory_space<semaphore_mem>>)
        %dma_start3A_115 = arith.constant 0 : i32
        %dma_start3A_116 = tpu.memref_slice %arg8[%add3A_108, %dma_start3A_115] : memref<40x128xi32, #tpu.memory_space<vmem>> -> memref<1x128xi32, #tpu.memory_space<vmem>>
        %dma_start3A_117 = tpu.memref_squeeze %dma_start3A_116 : memref<1x128xi32, #tpu.memory_space<vmem>> -> memref<128xi32, #tpu.memory_space<vmem>>
        %dma_start3A_118 = arith.constant 0 : i32
        %dma_start3A_119 = arith.constant 0 : i32
        %dma_start3A_120 = tpu.memref_slice %arg2[%dma_start3A_118, %dma_start3A_119] : memref<10000x128xf32, #tpu.memory_space<hbm>> -> memref<10000x128xf32, #tpu.memory_space<hbm>>
        tpu.enqueue_indirect_dma source(%dma_start3A_120 : memref<10000x128xf32, #tpu.memory_space<hbm>>) target(%arg12 : memref<128x128xf32, #tpu.memory_space<vmem>>) offsets(%dma_start3A_117 : memref<128xi32, #tpu.memory_space<vmem>>) semaphore(%arg14 : memref<!tpu.dma_semaphore, #tpu.memory_space<semaphore_mem>>)
      } else {
      }
      %dma_wait3A_47 = arith.constant 0 : i32
      %dma_wait3A_48 = arith.constant 0 : i32
      %dma_wait3A_49 = tpu.memref_slice %arg5[%dma_wait3A_47, %dma_wait3A_48] : memref<163840x128xf32, #tpu.memory_space<hbm>> -> memref<128x128xf32, #tpu.memory_space<hbm>>
      %dma_wait3A_50 = arith.constant 0 : i32
      %dma_wait3A_51 = arith.constant 0 : i32
      %dma_wait3A_52 = tpu.memref_slice %arg5[%dma_wait3A_50, %dma_wait3A_51] : memref<163840x128xf32, #tpu.memory_space<hbm>> -> memref<128x128xf32, #tpu.memory_space<hbm>>
      tpu.wait_dma2 semaphore(%arg13 : memref<!tpu.dma_semaphore, #tpu.memory_space<semaphore_mem>>) src(%dma_wait3A_52 : memref<128x128xf32, #tpu.memory_space<hbm>>) dst(%arg9 : memref<128x128xf32, #tpu.memory_space<vmem>>)
      %dma_wait3A_53 = arith.constant 0 : i32
      %dma_wait3A_54 = arith.constant 0 : i32
      %dma_wait3A_55 = tpu.memref_slice %arg5[%dma_wait3A_53, %dma_wait3A_54] : memref<163840x128xf32, #tpu.memory_space<hbm>> -> memref<128x128xf32, #tpu.memory_space<hbm>>
      %dma_wait3A_56 = arith.constant 0 : i32
      %dma_wait3A_57 = arith.constant 0 : i32
      %dma_wait3A_58 = tpu.memref_slice %arg5[%dma_wait3A_56, %dma_wait3A_57] : memref<163840x128xf32, #tpu.memory_space<hbm>> -> memref<128x128xf32, #tpu.memory_space<hbm>>
      tpu.wait_dma2 semaphore(%arg13 : memref<!tpu.dma_semaphore, #tpu.memory_space<semaphore_mem>>) src(%dma_wait3A_58 : memref<128x128xf32, #tpu.memory_space<hbm>>) dst(%arg10 : memref<128x128xf32, #tpu.memory_space<vmem>>)
      %mul3A_59 = arith.constant 128 : i32
      %mul3A_60 = arith.muli %mul3A_42, %mul3A_59 : i32
      %add3A_61 = arith.addi %mul3A_2, %mul3A_60 : i32
      %multiple_of3A = tpu.assume_multiple %add3A_61, 128 : i32
      %dma_start3A_62 = arith.constant 0 : i32
      %dma_start3A_63 = tpu.memref_slice %arg5[%multiple_of3A, %dma_start3A_62] : memref<163840x128xf32, #tpu.memory_space<hbm>> -> memref<128x128xf32, #tpu.memory_space<hbm>>
      %dma_start3A_64 = arith.constant 0 : i32
      %dma_start3A_65 = tpu.memref_slice %arg5[%multiple_of3A, %dma_start3A_64] : memref<163840x128xf32, #tpu.memory_space<hbm>> -> memref<128x128xf32, #tpu.memory_space<hbm>>
      tpu.enqueue_dma source(%arg9 : memref<128x128xf32, #tpu.memory_space<vmem>>) target(%dma_start3A_65 : memref<128x128xf32, #tpu.memory_space<hbm>>) target_semaphore(%arg15 : memref<!tpu.dma_semaphore, #tpu.memory_space<semaphore_mem>>)
      %dma_start3A_66 = arith.constant 0 : i32
      %dma_start3A_67 = tpu.memref_slice %arg6[%multiple_of3A, %dma_start3A_66] : memref<163840x128xf32, #tpu.memory_space<hbm>> -> memref<128x128xf32, #tpu.memory_space<hbm>>
      %dma_start3A_68 = arith.constant 0 : i32
      %dma_start3A_69 = tpu.memref_slice %arg6[%multiple_of3A, %dma_start3A_68] : memref<163840x128xf32, #tpu.memory_space<hbm>> -> memref<128x128xf32, #tpu.memory_space<hbm>>
      tpu.enqueue_dma source(%arg10 : memref<128x128xf32, #tpu.memory_space<vmem>>) target(%dma_start3A_69 : memref<128x128xf32, #tpu.memory_space<hbm>>) target_semaphore(%arg15 : memref<!tpu.dma_semaphore, #tpu.memory_space<semaphore_mem>>)
      %add3A_70 = arith.constant 1 : i32
      %add3A_71 = arith.addi %mul3A_42, %add3A_70 : i32
      %add3A_72 = arith.constant 1 : i32
      %add3A_73 = arith.addi %add3A_71, %add3A_72 : i32
      %lt3A_74 = arith.constant 40 : i32
      %lt3A_75 = arith.cmpi slt, %add3A_73, %lt3A_74 : i32
      %convert_element_type3A_76 = arith.extui %lt3A_75 : i1 to i32
      %cond3A_77 = arith.constant 0 : i32
      %cond3A_78 = arith.cmpi ne, %convert_element_type3A_76, %cond3A_77 : i32
      scf.if %cond3A_78 {
        %ge3A = arith.constant 1 : i32
        %ge3A_103 = arith.cmpi sge, %add3A_71, %ge3A : i32
        %convert_element_type3A_104 = arith.extui %ge3A_103 : i1 to i32
        %cond3A_105 = arith.constant 0 : i32
        %cond3A_106 = arith.cmpi ne, %convert_element_type3A_104, %cond3A_105 : i32
        scf.if %cond3A_106 {
          %dma_wait3A_121 = arith.constant 0 : i32
          %dma_wait3A_122 = tpu.memref_slice %arg5[%mul3A_2, %dma_wait3A_121] : memref<163840x128xf32, #tpu.memory_space<hbm>> -> memref<128x128xf32, #tpu.memory_space<hbm>>
          %dma_wait3A_123 = arith.constant 0 : i32
          %dma_wait3A_124 = tpu.memref_slice %arg5[%mul3A_2, %dma_wait3A_123] : memref<163840x128xf32, #tpu.memory_space<hbm>> -> memref<128x128xf32, #tpu.memory_space<hbm>>
          tpu.wait_dma2 semaphore(%arg15 : memref<!tpu.dma_semaphore, #tpu.memory_space<semaphore_mem>>) src(%arg9 : memref<128x128xf32, #tpu.memory_space<vmem>>) dst(%dma_wait3A_124 : memref<128x128xf32, #tpu.memory_space<hbm>>)
          %dma_wait3A_125 = arith.constant 0 : i32
          %dma_wait3A_126 = tpu.memref_slice %arg6[%mul3A_2, %dma_wait3A_125] : memref<163840x128xf32, #tpu.memory_space<hbm>> -> memref<128x128xf32, #tpu.memory_space<hbm>>
          %dma_wait3A_127 = arith.constant 0 : i32
          %dma_wait3A_128 = tpu.memref_slice %arg6[%mul3A_2, %dma_wait3A_127] : memref<163840x128xf32, #tpu.memory_space<hbm>> -> memref<128x128xf32, #tpu.memory_space<hbm>>
          tpu.wait_dma2 semaphore(%arg15 : memref<!tpu.dma_semaphore, #tpu.memory_space<semaphore_mem>>) src(%arg10 : memref<128x128xf32, #tpu.memory_space<vmem>>) dst(%dma_wait3A_128 : memref<128x128xf32, #tpu.memory_space<hbm>>)
        } else {
        }
        %add3A_107 = arith.constant 1 : i32
        %add3A_108 = arith.addi %add3A_71, %add3A_107 : i32
        %dma_start3A_109 = arith.constant 0 : i32
        %dma_start3A_110 = tpu.memref_slice %arg7[%add3A_108, %dma_start3A_109] : memref<40x128xi32, #tpu.memory_space<vmem>> -> memref<1x128xi32, #tpu.memory_space<vmem>>
        %dma_start3A_111 = tpu.memref_squeeze %dma_start3A_110 : memref<1x128xi32, #tpu.memory_space<vmem>> -> memref<128xi32, #tpu.memory_space<vmem>>
        %dma_start3A_112 = arith.constant 0 : i32
        %dma_start3A_113 = arith.constant 0 : i32
        %dma_start3A_114 = tpu.memref_slice %arg2[%dma_start3A_112, %dma_start3A_113] : memref<10000x128xf32, #tpu.memory_space<hbm>> -> memref<10000x128xf32, #tpu.memory_space<hbm>>
        tpu.enqueue_indirect_dma source(%dma_start3A_114 : memref<10000x128xf32, #tpu.memory_space<hbm>>) target(%arg9 : memref<128x128xf32, #tpu.memory_space<vmem>>) offsets(%dma_start3A_111 : memref<128xi32, #tpu.memory_space<vmem>>) semaphore(%arg13 : memref<!tpu.dma_semaphore, #tpu.memory_space<semaphore_mem>>)
        %dma_start3A_115 = arith.constant 0 : i32
        %dma_start3A_116 = tpu.memref_slice %arg8[%add3A_108, %dma_start3A_115] : memref<40x128xi32, #tpu.memory_space<vmem>> -> memref<1x128xi32, #tpu.memory_space<vmem>>
        %dma_start3A_117 = tpu.memref_squeeze %dma_start3A_116 : memref<1x128xi32, #tpu.memory_space<vmem>> -> memref<128xi32, #tpu.memory_space<vmem>>
        %dma_start3A_118 = arith.constant 0 : i32
        %dma_start3A_119 = arith.constant 0 : i32
        %dma_start3A_120 = tpu.memref_slice %arg2[%dma_start3A_118, %dma_start3A_119] : memref<10000x128xf32, #tpu.memory_space<hbm>> -> memref<10000x128xf32, #tpu.memory_space<hbm>>
        tpu.enqueue_indirect_dma source(%dma_start3A_120 : memref<10000x128xf32, #tpu.memory_space<hbm>>) target(%arg10 : memref<128x128xf32, #tpu.memory_space<vmem>>) offsets(%dma_start3A_117 : memref<128xi32, #tpu.memory_space<vmem>>) semaphore(%arg13 : memref<!tpu.dma_semaphore, #tpu.memory_space<semaphore_mem>>)
      } else {
      }
      %dma_wait3A_79 = arith.constant 0 : i32
      %dma_wait3A_80 = arith.constant 0 : i32
      %dma_wait3A_81 = tpu.memref_slice %arg5[%dma_wait3A_79, %dma_wait3A_80] : memref<163840x128xf32, #tpu.memory_space<hbm>> -> memref<128x128xf32, #tpu.memory_space<hbm>>
      %dma_wait3A_82 = arith.constant 0 : i32
      %dma_wait3A_83 = arith.constant 0 : i32
      %dma_wait3A_84 = tpu.memref_slice %arg5[%dma_wait3A_82, %dma_wait3A_83] : memref<163840x128xf32, #tpu.memory_space<hbm>> -> memref<128x128xf32, #tpu.memory_space<hbm>>
      tpu.wait_dma2 semaphore(%arg14 : memref<!tpu.dma_semaphore, #tpu.memory_space<semaphore_mem>>) src(%dma_wait3A_84 : memref<128x128xf32, #tpu.memory_space<hbm>>) dst(%arg9 : memref<128x128xf32, #tpu.memory_space<vmem>>)
      %dma_wait3A_85 = arith.constant 0 : i32
      %dma_wait3A_86 = arith.constant 0 : i32
      %dma_wait3A_87 = tpu.memref_slice %arg5[%dma_wait3A_85, %dma_wait3A_86] : memref<163840x128xf32, #tpu.memory_space<hbm>> -> memref<128x128xf32, #tpu.memory_space<hbm>>
      %dma_wait3A_88 = arith.constant 0 : i32
      %dma_wait3A_89 = arith.constant 0 : i32
      %dma_wait3A_90 = tpu.memref_slice %arg5[%dma_wait3A_88, %dma_wait3A_89] : memref<163840x128xf32, #tpu.memory_space<hbm>> -> memref<128x128xf32, #tpu.memory_space<hbm>>
      tpu.wait_dma2 semaphore(%arg14 : memref<!tpu.dma_semaphore, #tpu.memory_space<semaphore_mem>>) src(%dma_wait3A_90 : memref<128x128xf32, #tpu.memory_space<hbm>>) dst(%arg10 : memref<128x128xf32, #tpu.memory_space<vmem>>)
      %mul3A_91 = arith.constant 128 : i32
      %mul3A_92 = arith.muli %add3A_71, %mul3A_91 : i32
      %add3A_93 = arith.addi %mul3A_2, %mul3A_92 : i32
      %multiple_of3A_94 = tpu.assume_multiple %add3A_93, 128 : i32
      %dma_start3A_95 = arith.constant 0 : i32
      %dma_start3A_96 = tpu.memref_slice %arg5[%multiple_of3A_94, %dma_start3A_95] : memref<163840x128xf32, #tpu.memory_space<hbm>> -> memref<128x128xf32, #tpu.memory_space<hbm>>
      %dma_start3A_97 = arith.constant 0 : i32
      %dma_start3A_98 = tpu.memref_slice %arg5[%multiple_of3A_94, %dma_start3A_97] : memref<163840x128xf32, #tpu.memory_space<hbm>> -> memref<128x128xf32, #tpu.memory_space<hbm>>
      tpu.enqueue_dma source(%arg11 : memref<128x128xf32, #tpu.memory_space<vmem>>) target(%dma_start3A_98 : memref<128x128xf32, #tpu.memory_space<hbm>>) target_semaphore(%arg16 : memref<!tpu.dma_semaphore, #tpu.memory_space<semaphore_mem>>)
      %dma_start3A_99 = arith.constant 0 : i32
      %dma_start3A_100 = tpu.memref_slice %arg6[%multiple_of3A_94, %dma_start3A_99] : memref<163840x128xf32, #tpu.memory_space<hbm>> -> memref<128x128xf32, #tpu.memory_space<hbm>>
      %dma_start3A_101 = arith.constant 0 : i32
      %dma_start3A_102 = tpu.memref_slice %arg6[%multiple_of3A_94, %dma_start3A_101] : memref<163840x128xf32, #tpu.memory_space<hbm>> -> memref<128x128xf32, #tpu.memory_space<hbm>>
      tpu.enqueue_dma source(%arg12 : memref<128x128xf32, #tpu.memory_space<vmem>>) target(%dma_start3A_102 : memref<128x128xf32, #tpu.memory_space<hbm>>) target_semaphore(%arg16 : memref<!tpu.dma_semaphore, #tpu.memory_space<semaphore_mem>>)
    }
    %scan3A_24 = arith.constant 20 : i32
    %dma_wait3A = arith.constant 0 : i32
    %dma_wait3A_25 = tpu.memref_slice %arg5[%mul3A_2, %dma_wait3A] : memref<163840x128xf32, #tpu.memory_space<hbm>> -> memref<128x128xf32, #tpu.memory_space<hbm>>
    %dma_wait3A_26 = arith.constant 0 : i32
    %dma_wait3A_27 = tpu.memref_slice %arg5[%mul3A_2, %dma_wait3A_26] : memref<163840x128xf32, #tpu.memory_space<hbm>> -> memref<128x128xf32, #tpu.memory_space<hbm>>
    tpu.wait_dma2 semaphore(%arg15 : memref<!tpu.dma_semaphore, #tpu.memory_space<semaphore_mem>>) src(%arg9 : memref<128x128xf32, #tpu.memory_space<vmem>>) dst(%dma_wait3A_27 : memref<128x128xf32, #tpu.memory_space<hbm>>)
    %dma_wait3A_28 = arith.constant 0 : i32
    %dma_wait3A_29 = tpu.memref_slice %arg6[%mul3A_2, %dma_wait3A_28] : memref<163840x128xf32, #tpu.memory_space<hbm>> -> memref<128x128xf32, #tpu.memory_space<hbm>>
    %dma_wait3A_30 = arith.constant 0 : i32
    %dma_wait3A_31 = tpu.memref_slice %arg6[%mul3A_2, %dma_wait3A_30] : memref<163840x128xf32, #tpu.memory_space<hbm>> -> memref<128x128xf32, #tpu.memory_space<hbm>>
    tpu.wait_dma2 semaphore(%arg15 : memref<!tpu.dma_semaphore, #tpu.memory_space<semaphore_mem>>) src(%arg10 : memref<128x128xf32, #tpu.memory_space<vmem>>) dst(%dma_wait3A_31 : memref<128x128xf32, #tpu.memory_space<hbm>>)
    %dma_wait3A_32 = arith.constant 0 : i32
    %dma_wait3A_33 = tpu.memref_slice %arg5[%mul3A_2, %dma_wait3A_32] : memref<163840x128xf32, #tpu.memory_space<hbm>> -> memref<128x128xf32, #tpu.memory_space<hbm>>
    %dma_wait3A_34 = arith.constant 0 : i32
    %dma_wait3A_35 = tpu.memref_slice %arg5[%mul3A_2, %dma_wait3A_34] : memref<163840x128xf32, #tpu.memory_space<hbm>> -> memref<128x128xf32, #tpu.memory_space<hbm>>
    tpu.wait_dma2 semaphore(%arg16 : memref<!tpu.dma_semaphore, #tpu.memory_space<semaphore_mem>>) src(%arg9 : memref<128x128xf32, #tpu.memory_space<vmem>>) dst(%dma_wait3A_35 : memref<128x128xf32, #tpu.memory_space<hbm>>)
    %dma_wait3A_36 = arith.constant 0 : i32
    %dma_wait3A_37 = tpu.memref_slice %arg6[%mul3A_2, %dma_wait3A_36] : memref<163840x128xf32, #tpu.memory_space<hbm>> -> memref<128x128xf32, #tpu.memory_space<hbm>>
    %dma_wait3A_38 = arith.constant 0 : i32
    %dma_wait3A_39 = tpu.memref_slice %arg6[%mul3A_2, %dma_wait3A_38] : memref<163840x128xf32, #tpu.memory_space<hbm>> -> memref<128x128xf32, #tpu.memory_space<hbm>>
    tpu.wait_dma2 semaphore(%arg16 : memref<!tpu.dma_semaphore, #tpu.memory_space<semaphore_mem>>) src(%arg10 : memref<128x128xf32, #tpu.memory_space<vmem>>) dst(%dma_wait3A_39 : memref<128x128xf32, #tpu.memory_space<hbm>>)
    return
  }
}

#map = affine_map<(d0, d1) -> (0, 0)>
module attributes {stable_mosaic.version = 14 : i64} {
  func.func @_gather_body(%arg0: i32, %arg1: i32, %arg2: memref<10000x128xf32, #tpu.memory_space<hbm>>, %arg3: memref<1280x128xi32, #tpu.memory_space<hbm>>, %arg4: memref<1280x128xi32, #tpu.memory_space<hbm>>, %arg5: memref<163840x128xf32, #tpu.memory_space<hbm>>, %arg6: memref<163840x128xf32, #tpu.memory_space<hbm>>, %arg7: memref<40x128xi32, #tpu.memory_space<vmem>>, %arg8: memref<40x128xi32, #tpu.memory_space<vmem>>, %arg9: memref<128x128xf32, #tpu.memory_space<vmem>>, %arg10: memref<128x128xf32, #tpu.memory_space<vmem>>, %arg11: memref<128x128xf32, #tpu.memory_space<vmem>>, %arg12: memref<128x128xf32, #tpu.memory_space<vmem>>, %arg13: memref<!tpu.dma_semaphore, #tpu.memory_space<semaphore_mem>>, %arg14: memref<!tpu.dma_semaphore, #tpu.memory_space<semaphore_mem>>, %arg15: memref<!tpu.dma_semaphore, #tpu.memory_space<semaphore_mem>>, %arg16: memref<!tpu.dma_semaphore, #tpu.memory_space<semaphore_mem>>) attributes {dimension_semantics = [#tpu.dimension_semantics<core_parallel>, #tpu.dimension_semantics<subcore_parallel>], iteration_bounds = array<i64: 2, 16>, scalar_prefetch = 0 : i64, scratch_operands = 10 : i64, tpu.core_type = #tpu.core_type<sc_vector_subcore>, window_params = [{transform_indices = #map}, {transform_indices = #map}, {transform_indices = #map}, {transform_indices = #map}, {transform_indices = #map}]} {
    %mul3A = arith.constant 2 : i32
    %mul3A_0 = arith.muli %arg1, %mul3A : i32
    %add3A = arith.addi %mul3A_0, %arg0 : i32
    %mul3A_1 = arith.constant 5120 : i32
    %mul3A_2 = arith.muli %add3A, %mul3A_1 : i32
    %mul3A_3 = arith.constant 40 : i32
    %mul3A_4 = arith.muli %add3A, %mul3A_3 : i32
    "tpu.region"() ({
      %run_scoped3A = tpu.sem_alloc : memref<!tpu.dma_semaphore, #tpu.memory_space<semaphore_mem>>
      %dma_start3A_40 = arith.constant 0 : i32
      %dma_start3A_41 = tpu.memref_slice %arg3[%mul3A_4, %dma_start3A_40] : memref<1280x128xi32, #tpu.memory_space<hbm>> -> memref<40x128xi32, #tpu.memory_space<hbm>>
      %dma_start3A_42 = arith.constant 0 : i32
      %dma_start3A_43 = tpu.memref_slice %arg3[%mul3A_4, %dma_start3A_42] : memref<1280x128xi32, #tpu.memory_space<hbm>> -> memref<40x128xi32, #tpu.memory_space<hbm>>
      tpu.enqueue_dma source(%dma_start3A_43 : memref<40x128xi32, #tpu.memory_space<hbm>>) target(%arg7 : memref<40x128xi32, #tpu.memory_space<vmem>>) target_semaphore(%run_scoped3A : memref<!tpu.dma_semaphore, #tpu.memory_space<semaphore_mem>>)
      %dma_wait3A_44 = arith.constant 0 : i32
      %dma_wait3A_45 = tpu.memref_slice %arg3[%mul3A_4, %dma_wait3A_44] : memref<1280x128xi32, #tpu.memory_space<hbm>> -> memref<40x128xi32, #tpu.memory_space<hbm>>
      %dma_wait3A_46 = arith.constant 0 : i32
      %dma_wait3A_47 = tpu.memref_slice %arg3[%mul3A_4, %dma_wait3A_46] : memref<1280x128xi32, #tpu.memory_space<hbm>> -> memref<40x128xi32, #tpu.memory_space<hbm>>
      tpu.wait_dma2 semaphore(%run_scoped3A : memref<!tpu.dma_semaphore, #tpu.memory_space<semaphore_mem>>) src(%dma_wait3A_47 : memref<40x128xi32, #tpu.memory_space<hbm>>) dst(%arg7 : memref<40x128xi32, #tpu.memory_space<vmem>>)
      tpu.yield
    }) : () -> ()
    %mul3A_5 = arith.constant 40 : i32
    %mul3A_6 = arith.muli %add3A, %mul3A_5 : i32
    "tpu.region"() ({
      %run_scoped3A = tpu.sem_alloc : memref<!tpu.dma_semaphore, #tpu.memory_space<semaphore_mem>>
      %dma_start3A_40 = arith.constant 0 : i32
      %dma_start3A_41 = tpu.memref_slice %arg4[%mul3A_6, %dma_start3A_40] : memref<1280x128xi32, #tpu.memory_space<hbm>> -> memref<40x128xi32, #tpu.memory_space<hbm>>
      %dma_start3A_42 = arith.constant 0 : i32
      %dma_start3A_43 = tpu.memref_slice %arg4[%mul3A_6, %dma_start3A_42] : memref<1280x128xi32, #tpu.memory_space<hbm>> -> memref<40x128xi32, #tpu.memory_space<hbm>>
      tpu.enqueue_dma source(%dma_start3A_43 : memref<40x128xi32, #tpu.memory_space<hbm>>) target(%arg8 : memref<40x128xi32, #tpu.memory_space<vmem>>) target_semaphore(%run_scoped3A : memref<!tpu.dma_semaphore, #tpu.memory_space<semaphore_mem>>)
      %dma_wait3A_44 = arith.constant 0 : i32
      %dma_wait3A_45 = tpu.memref_slice %arg4[%mul3A_6, %dma_wait3A_44] : memref<1280x128xi32, #tpu.memory_space<hbm>> -> memref<40x128xi32, #tpu.memory_space<hbm>>
      %dma_wait3A_46 = arith.constant 0 : i32
      %dma_wait3A_47 = tpu.memref_slice %arg4[%mul3A_6, %dma_wait3A_46] : memref<1280x128xi32, #tpu.memory_space<hbm>> -> memref<40x128xi32, #tpu.memory_space<hbm>>
      tpu.wait_dma2 semaphore(%run_scoped3A : memref<!tpu.dma_semaphore, #tpu.memory_space<semaphore_mem>>) src(%dma_wait3A_47 : memref<40x128xi32, #tpu.memory_space<hbm>>) dst(%arg8 : memref<40x128xi32, #tpu.memory_space<vmem>>)
      tpu.yield
    }) : () -> ()
    %dma_start3A = arith.constant 0 : i32
    %dma_start3A_7 = arith.constant 0 : i32
    %dma_start3A_8 = tpu.memref_slice %arg7[%dma_start3A, %dma_start3A_7] : memref<40x128xi32, #tpu.memory_space<vmem>> -> memref<1x128xi32, #tpu.memory_space<vmem>>
    %dma_start3A_9 = tpu.memref_squeeze %dma_start3A_8 : memref<1x128xi32, #tpu.memory_space<vmem>> -> memref<128xi32, #tpu.memory_space<vmem>>
    %dma_start3A_10 = arith.constant 0 : i32
    %dma_start3A_11 = arith.constant 0 : i32
    %dma_start3A_12 = tpu.memref_slice %arg2[%dma_start3A_10, %dma_start3A_11] : memref<10000x128xf32, #tpu.memory_space<hbm>> -> memref<10000x128xf32, #tpu.memory_space<hbm>>
    tpu.enqueue_indirect_dma source(%dma_start3A_12 : memref<10000x128xf32, #tpu.memory_space<hbm>>) target(%arg9 : memref<128x128xf32, #tpu.memory_space<vmem>>) offsets(%dma_start3A_9 : memref<128xi32, #tpu.memory_space<vmem>>) semaphore(%arg13 : memref<!tpu.dma_semaphore, #tpu.memory_space<semaphore_mem>>)
    %dma_start3A_13 = arith.constant 0 : i32
    %dma_start3A_14 = arith.constant 0 : i32
    %dma_start3A_15 = tpu.memref_slice %arg8[%dma_start3A_13, %dma_start3A_14] : memref<40x128xi32, #tpu.memory_space<vmem>> -> memref<1x128xi32, #tpu.memory_space<vmem>>
    %dma_start3A_16 = tpu.memref_squeeze %dma_start3A_15 : memref<1x128xi32, #tpu.memory_space<vmem>> -> memref<128xi32, #tpu.memory_space<vmem>>
    %dma_start3A_17 = arith.constant 0 : i32
    %dma_start3A_18 = arith.constant 0 : i32
    %dma_start3A_19 = tpu.memref_slice %arg2[%dma_start3A_17, %dma_start3A_18] : memref<10000x128xf32, #tpu.memory_space<hbm>> -> memref<10000x128xf32, #tpu.memory_space<hbm>>
    tpu.enqueue_indirect_dma source(%dma_start3A_19 : memref<10000x128xf32, #tpu.memory_space<hbm>>) target(%arg10 : memref<128x128xf32, #tpu.memory_space<vmem>>) offsets(%dma_start3A_16 : memref<128xi32, #tpu.memory_space<vmem>>) semaphore(%arg13 : memref<!tpu.dma_semaphore, #tpu.memory_space<semaphore_mem>>)
    %scan3A = arith.constant 0 : i32
    %scan3A_20 = arith.constant 0 : i32
    %scan3A_21 = arith.constant 20 : i32
    %scan3A_22 = arith.addi %scan3A_20, %scan3A_21 : i32
    %scan3A_23 = arith.constant 1 : i32
    scf.for %scan3A_40 = %scan3A_20 to %scan3A_22 step %scan3A_23  : i32 {
      %mul3A_41 = arith.constant 2 : i32
      %mul3A_42 = arith.muli %scan3A_40, %mul3A_41 : i32
      %add3A_43 = arith.constant 1 : i32
      %add3A_44 = arith.addi %mul3A_42, %add3A_43 : i32
      %lt3A = arith.constant 40 : i32
      %lt3A_45 = arith.cmpi slt, %add3A_44, %lt3A : i32
      %convert_element_type3A = arith.extui %lt3A_45 : i1 to i32
      %cond3A = arith.constant 0 : i32
      %cond3A_46 = arith.cmpi ne, %convert_element_type3A, %cond3A : i32
      scf.if %cond3A_46 {
        %ge3A = arith.constant 1 : i32
        %ge3A_103 = arith.cmpi sge, %mul3A_42, %ge3A : i32
        %convert_element_type3A_104 = arith.extui %ge3A_103 : i1 to i32
        %cond3A_105 = arith.constant 0 : i32
        %cond3A_106 = arith.cmpi ne, %convert_element_type3A_104, %cond3A_105 : i32
        scf.if %cond3A_106 {
          %dma_wait3A_121 = arith.constant 0 : i32
          %dma_wait3A_122 = tpu.memref_slice %arg5[%mul3A_2, %dma_wait3A_121] : memref<163840x128xf32, #tpu.memory_space<hbm>> -> memref<128x128xf32, #tpu.memory_space<hbm>>
          %dma_wait3A_123 = arith.constant 0 : i32
          %dma_wait3A_124 = tpu.memref_slice %arg5[%mul3A_2, %dma_wait3A_123] : memref<163840x128xf32, #tpu.memory_space<hbm>> -> memref<128x128xf32, #tpu.memory_space<hbm>>
          tpu.wait_dma2 semaphore(%arg16 : memref<!tpu.dma_semaphore, #tpu.memory_space<semaphore_mem>>) src(%arg9 : memref<128x128xf32, #tpu.memory_space<vmem>>) dst(%dma_wait3A_124 : memref<128x128xf32, #tpu.memory_space<hbm>>)
          %dma_wait3A_125 = arith.constant 0 : i32
          %dma_wait3A_126 = tpu.memref_slice %arg6[%mul3A_2, %dma_wait3A_125] : memref<163840x128xf32, #tpu.memory_space<hbm>> -> memref<128x128xf32, #tpu.memory_space<hbm>>
          %dma_wait3A_127 = arith.constant 0 : i32
          %dma_wait3A_128 = tpu.memref_slice %arg6[%mul3A_2, %dma_wait3A_127] : memref<163840x128xf32, #tpu.memory_space<hbm>> -> memref<128x128xf32, #tpu.memory_space<hbm>>
          tpu.wait_dma2 semaphore(%arg16 : memref<!tpu.dma_semaphore, #tpu.memory_space<semaphore_mem>>) src(%arg10 : memref<128x128xf32, #tpu.memory_space<vmem>>) dst(%dma_wait3A_128 : memref<128x128xf32, #tpu.memory_space<hbm>>)
        } else {
        }
        %add3A_107 = arith.constant 1 : i32
        %add3A_108 = arith.addi %mul3A_42, %add3A_107 : i32
        %dma_start3A_109 = arith.constant 0 : i32
        %dma_start3A_110 = tpu.memref_slice %arg7[%add3A_108, %dma_start3A_109] : memref<40x128xi32, #tpu.memory_space<vmem>> -> memref<1x128xi32, #tpu.memory_space<vmem>>
        %dma_start3A_111 = tpu.memref_squeeze %dma_start3A_110 : memref<1x128xi32, #tpu.memory_space<vmem>> -> memref<128xi32, #tpu.memory_space<vmem>>
        %dma_start3A_112 = arith.constant 0 : i32
        %dma_start3A_113 = arith.constant 0 : i32
        %dma_start3A_114 = tpu.memref_slice %arg2[%dma_start3A_112, %dma_start3A_113] : memref<10000x128xf32, #tpu.memory_space<hbm>> -> memref<10000x128xf32, #tpu.memory_space<hbm>>
        tpu.enqueue_indirect_dma source(%dma_start3A_114 : memref<10000x128xf32, #tpu.memory_space<hbm>>) target(%arg11 : memref<128x128xf32, #tpu.memory_space<vmem>>) offsets(%dma_start3A_111 : memref<128xi32, #tpu.memory_space<vmem>>) semaphore(%arg14 : memref<!tpu.dma_semaphore, #tpu.memory_space<semaphore_mem>>)
        %dma_start3A_115 = arith.constant 0 : i32
        %dma_start3A_116 = tpu.memref_slice %arg8[%add3A_108, %dma_start3A_115] : memref<40x128xi32, #tpu.memory_space<vmem>> -> memref<1x128xi32, #tpu.memory_space<vmem>>
        %dma_start3A_117 = tpu.memref_squeeze %dma_start3A_116 : memref<1x128xi32, #tpu.memory_space<vmem>> -> memref<128xi32, #tpu.memory_space<vmem>>
        %dma_start3A_118 = arith.constant 0 : i32
        %dma_start3A_119 = arith.constant 0 : i32
        %dma_start3A_120 = tpu.memref_slice %arg2[%dma_start3A_118, %dma_start3A_119] : memref<10000x128xf32, #tpu.memory_space<hbm>> -> memref<10000x128xf32, #tpu.memory_space<hbm>>
        tpu.enqueue_indirect_dma source(%dma_start3A_120 : memref<10000x128xf32, #tpu.memory_space<hbm>>) target(%arg12 : memref<128x128xf32, #tpu.memory_space<vmem>>) offsets(%dma_start3A_117 : memref<128xi32, #tpu.memory_space<vmem>>) semaphore(%arg14 : memref<!tpu.dma_semaphore, #tpu.memory_space<semaphore_mem>>)
      } else {
      }
      %dma_wait3A_47 = arith.constant 0 : i32
      %dma_wait3A_48 = arith.constant 0 : i32
      %dma_wait3A_49 = tpu.memref_slice %arg5[%dma_wait3A_47, %dma_wait3A_48] : memref<163840x128xf32, #tpu.memory_space<hbm>> -> memref<128x128xf32, #tpu.memory_space<hbm>>
      %dma_wait3A_50 = arith.constant 0 : i32
      %dma_wait3A_51 = arith.constant 0 : i32
      %dma_wait3A_52 = tpu.memref_slice %arg5[%dma_wait3A_50, %dma_wait3A_51] : memref<163840x128xf32, #tpu.memory_space<hbm>> -> memref<128x128xf32, #tpu.memory_space<hbm>>
      tpu.wait_dma2 semaphore(%arg13 : memref<!tpu.dma_semaphore, #tpu.memory_space<semaphore_mem>>) src(%dma_wait3A_52 : memref<128x128xf32, #tpu.memory_space<hbm>>) dst(%arg9 : memref<128x128xf32, #tpu.memory_space<vmem>>)
      %dma_wait3A_53 = arith.constant 0 : i32
      %dma_wait3A_54 = arith.constant 0 : i32
      %dma_wait3A_55 = tpu.memref_slice %arg5[%dma_wait3A_53, %dma_wait3A_54] : memref<163840x128xf32, #tpu.memory_space<hbm>> -> memref<128x128xf32, #tpu.memory_space<hbm>>
      %dma_wait3A_56 = arith.constant 0 : i32
      %dma_wait3A_57 = arith.constant 0 : i32
      %dma_wait3A_58 = tpu.memref_slice %arg5[%dma_wait3A_56, %dma_wait3A_57] : memref<163840x128xf32, #tpu.memory_space<hbm>> -> memref<128x128xf32, #tpu.memory_space<hbm>>
      tpu.wait_dma2 semaphore(%arg13 : memref<!tpu.dma_semaphore, #tpu.memory_space<semaphore_mem>>) src(%dma_wait3A_58 : memref<128x128xf32, #tpu.memory_space<hbm>>) dst(%arg10 : memref<128x128xf32, #tpu.memory_space<vmem>>)
      %mul3A_59 = arith.constant 128 : i32
      %mul3A_60 = arith.muli %mul3A_42, %mul3A_59 : i32
      %add3A_61 = arith.addi %mul3A_2, %mul3A_60 : i32
      %multiple_of3A = tpu.assume_multiple %add3A_61, 128 : i32
      %dma_start3A_62 = arith.constant 0 : i32
      %dma_start3A_63 = tpu.memref_slice %arg5[%multiple_of3A, %dma_start3A_62] : memref<163840x128xf32, #tpu.memory_space<hbm>> -> memref<128x128xf32, #tpu.memory_space<hbm>>
      %dma_start3A_64 = arith.constant 0 : i32
      %dma_start3A_65 = tpu.memref_slice %arg5[%multiple_of3A, %dma_start3A_64] : memref<163840x128xf32, #tpu.memory_space<hbm>> -> memref<128x128xf32, #tpu.memory_space<hbm>>
      tpu.enqueue_dma source(%arg9 : memref<128x128xf32, #tpu.memory_space<vmem>>) target(%dma_start3A_65 : memref<128x128xf32, #tpu.memory_space<hbm>>) target_semaphore(%arg15 : memref<!tpu.dma_semaphore, #tpu.memory_space<semaphore_mem>>)
      %dma_start3A_66 = arith.constant 0 : i32
      %dma_start3A_67 = tpu.memref_slice %arg6[%multiple_of3A, %dma_start3A_66] : memref<163840x128xf32, #tpu.memory_space<hbm>> -> memref<128x128xf32, #tpu.memory_space<hbm>>
      %dma_start3A_68 = arith.constant 0 : i32
      %dma_start3A_69 = tpu.memref_slice %arg6[%multiple_of3A, %dma_start3A_68] : memref<163840x128xf32, #tpu.memory_space<hbm>> -> memref<128x128xf32, #tpu.memory_space<hbm>>
      tpu.enqueue_dma source(%arg10 : memref<128x128xf32, #tpu.memory_space<vmem>>) target(%dma_start3A_69 : memref<128x128xf32, #tpu.memory_space<hbm>>) target_semaphore(%arg15 : memref<!tpu.dma_semaphore, #tpu.memory_space<semaphore_mem>>)
      %add3A_70 = arith.constant 1 : i32
      %add3A_71 = arith.addi %mul3A_42, %add3A_70 : i32
      %add3A_72 = arith.constant 1 : i32
      %add3A_73 = arith.addi %add3A_71, %add3A_72 : i32
      %lt3A_74 = arith.constant 40 : i32
      %lt3A_75 = arith.cmpi slt, %add3A_73, %lt3A_74 : i32
      %convert_element_type3A_76 = arith.extui %lt3A_75 : i1 to i32
      %cond3A_77 = arith.constant 0 : i32
      %cond3A_78 = arith.cmpi ne, %convert_element_type3A_76, %cond3A_77 : i32
      scf.if %cond3A_78 {
        %ge3A = arith.constant 1 : i32
        %ge3A_103 = arith.cmpi sge, %add3A_71, %ge3A : i32
        %convert_element_type3A_104 = arith.extui %ge3A_103 : i1 to i32
        %cond3A_105 = arith.constant 0 : i32
        %cond3A_106 = arith.cmpi ne, %convert_element_type3A_104, %cond3A_105 : i32
        scf.if %cond3A_106 {
          %dma_wait3A_121 = arith.constant 0 : i32
          %dma_wait3A_122 = tpu.memref_slice %arg5[%mul3A_2, %dma_wait3A_121] : memref<163840x128xf32, #tpu.memory_space<hbm>> -> memref<128x128xf32, #tpu.memory_space<hbm>>
          %dma_wait3A_123 = arith.constant 0 : i32
          %dma_wait3A_124 = tpu.memref_slice %arg5[%mul3A_2, %dma_wait3A_123] : memref<163840x128xf32, #tpu.memory_space<hbm>> -> memref<128x128xf32, #tpu.memory_space<hbm>>
          tpu.wait_dma2 semaphore(%arg15 : memref<!tpu.dma_semaphore, #tpu.memory_space<semaphore_mem>>) src(%arg9 : memref<128x128xf32, #tpu.memory_space<vmem>>) dst(%dma_wait3A_124 : memref<128x128xf32, #tpu.memory_space<hbm>>)
          %dma_wait3A_125 = arith.constant 0 : i32
          %dma_wait3A_126 = tpu.memref_slice %arg6[%mul3A_2, %dma_wait3A_125] : memref<163840x128xf32, #tpu.memory_space<hbm>> -> memref<128x128xf32, #tpu.memory_space<hbm>>
          %dma_wait3A_127 = arith.constant 0 : i32
          %dma_wait3A_128 = tpu.memref_slice %arg6[%mul3A_2, %dma_wait3A_127] : memref<163840x128xf32, #tpu.memory_space<hbm>> -> memref<128x128xf32, #tpu.memory_space<hbm>>
          tpu.wait_dma2 semaphore(%arg15 : memref<!tpu.dma_semaphore, #tpu.memory_space<semaphore_mem>>) src(%arg10 : memref<128x128xf32, #tpu.memory_space<vmem>>) dst(%dma_wait3A_128 : memref<128x128xf32, #tpu.memory_space<hbm>>)
        } else {
        }
        %add3A_107 = arith.constant 1 : i32
        %add3A_108 = arith.addi %add3A_71, %add3A_107 : i32
        %dma_start3A_109 = arith.constant 0 : i32
        %dma_start3A_110 = tpu.memref_slice %arg7[%add3A_108, %dma_start3A_109] : memref<40x128xi32, #tpu.memory_space<vmem>> -> memref<1x128xi32, #tpu.memory_space<vmem>>
        %dma_start3A_111 = tpu.memref_squeeze %dma_start3A_110 : memref<1x128xi32, #tpu.memory_space<vmem>> -> memref<128xi32, #tpu.memory_space<vmem>>
        %dma_start3A_112 = arith.constant 0 : i32
        %dma_start3A_113 = arith.constant 0 : i32
        %dma_start3A_114 = tpu.memref_slice %arg2[%dma_start3A_112, %dma_start3A_113] : memref<10000x128xf32, #tpu.memory_space<hbm>> -> memref<10000x128xf32, #tpu.memory_space<hbm>>
        tpu.enqueue_indirect_dma source(%dma_start3A_114 : memref<10000x128xf32, #tpu.memory_space<hbm>>) target(%arg9 : memref<128x128xf32, #tpu.memory_space<vmem>>) offsets(%dma_start3A_111 : memref<128xi32, #tpu.memory_space<vmem>>) semaphore(%arg13 : memref<!tpu.dma_semaphore, #tpu.memory_space<semaphore_mem>>)
        %dma_start3A_115 = arith.constant 0 : i32
        %dma_start3A_116 = tpu.memref_slice %arg8[%add3A_108, %dma_start3A_115] : memref<40x128xi32, #tpu.memory_space<vmem>> -> memref<1x128xi32, #tpu.memory_space<vmem>>
        %dma_start3A_117 = tpu.memref_squeeze %dma_start3A_116 : memref<1x128xi32, #tpu.memory_space<vmem>> -> memref<128xi32, #tpu.memory_space<vmem>>
        %dma_start3A_118 = arith.constant 0 : i32
        %dma_start3A_119 = arith.constant 0 : i32
        %dma_start3A_120 = tpu.memref_slice %arg2[%dma_start3A_118, %dma_start3A_119] : memref<10000x128xf32, #tpu.memory_space<hbm>> -> memref<10000x128xf32, #tpu.memory_space<hbm>>
        tpu.enqueue_indirect_dma source(%dma_start3A_120 : memref<10000x128xf32, #tpu.memory_space<hbm>>) target(%arg10 : memref<128x128xf32, #tpu.memory_space<vmem>>) offsets(%dma_start3A_117 : memref<128xi32, #tpu.memory_space<vmem>>) semaphore(%arg13 : memref<!tpu.dma_semaphore, #tpu.memory_space<semaphore_mem>>)
      } else {
      }
      %dma_wait3A_79 = arith.constant 0 : i32
      %dma_wait3A_80 = arith.constant 0 : i32
      %dma_wait3A_81 = tpu.memref_slice %arg5[%dma_wait3A_79, %dma_wait3A_80] : memref<163840x128xf32, #tpu.memory_space<hbm>> -> memref<128x128xf32, #tpu.memory_space<hbm>>
      %dma_wait3A_82 = arith.constant 0 : i32
      %dma_wait3A_83 = arith.constant 0 : i32
      %dma_wait3A_84 = tpu.memref_slice %arg5[%dma_wait3A_82, %dma_wait3A_83] : memref<163840x128xf32, #tpu.memory_space<hbm>> -> memref<128x128xf32, #tpu.memory_space<hbm>>
      tpu.wait_dma2 semaphore(%arg14 : memref<!tpu.dma_semaphore, #tpu.memory_space<semaphore_mem>>) src(%dma_wait3A_84 : memref<128x128xf32, #tpu.memory_space<hbm>>) dst(%arg9 : memref<128x128xf32, #tpu.memory_space<vmem>>)
      %dma_wait3A_85 = arith.constant 0 : i32
      %dma_wait3A_86 = arith.constant 0 : i32
      %dma_wait3A_87 = tpu.memref_slice %arg5[%dma_wait3A_85, %dma_wait3A_86] : memref<163840x128xf32, #tpu.memory_space<hbm>> -> memref<128x128xf32, #tpu.memory_space<hbm>>
      %dma_wait3A_88 = arith.constant 0 : i32
      %dma_wait3A_89 = arith.constant 0 : i32
      %dma_wait3A_90 = tpu.memref_slice %arg5[%dma_wait3A_88, %dma_wait3A_89] : memref<163840x128xf32, #tpu.memory_space<hbm>> -> memref<128x128xf32, #tpu.memory_space<hbm>>
      tpu.wait_dma2 semaphore(%arg14 : memref<!tpu.dma_semaphore, #tpu.memory_space<semaphore_mem>>) src(%dma_wait3A_90 : memref<128x128xf32, #tpu.memory_space<hbm>>) dst(%arg10 : memref<128x128xf32, #tpu.memory_space<vmem>>)
      %mul3A_91 = arith.constant 128 : i32
      %mul3A_92 = arith.muli %add3A_71, %mul3A_91 : i32
      %add3A_93 = arith.addi %mul3A_2, %mul3A_92 : i32
      %multiple_of3A_94 = tpu.assume_multiple %add3A_93, 128 : i32
      %dma_start3A_95 = arith.constant 0 : i32
      %dma_start3A_96 = tpu.memref_slice %arg5[%multiple_of3A_94, %dma_start3A_95] : memref<163840x128xf32, #tpu.memory_space<hbm>> -> memref<128x128xf32, #tpu.memory_space<hbm>>
      %dma_start3A_97 = arith.constant 0 : i32
      %dma_start3A_98 = tpu.memref_slice %arg5[%multiple_of3A_94, %dma_start3A_97] : memref<163840x128xf32, #tpu.memory_space<hbm>> -> memref<128x128xf32, #tpu.memory_space<hbm>>
      tpu.enqueue_dma source(%arg11 : memref<128x128xf32, #tpu.memory_space<vmem>>) target(%dma_start3A_98 : memref<128x128xf32, #tpu.memory_space<hbm>>) target_semaphore(%arg16 : memref<!tpu.dma_semaphore, #tpu.memory_space<semaphore_mem>>)
      %dma_start3A_99 = arith.constant 0 : i32
      %dma_start3A_100 = tpu.memref_slice %arg6[%multiple_of3A_94, %dma_start3A_99] : memref<163840x128xf32, #tpu.memory_space<hbm>> -> memref<128x128xf32, #tpu.memory_space<hbm>>
      %dma_start3A_101 = arith.constant 0 : i32
      %dma_start3A_102 = tpu.memref_slice %arg6[%multiple_of3A_94, %dma_start3A_101] : memref<163840x128xf32, #tpu.memory_space<hbm>> -> memref<128x128xf32, #tpu.memory_space<hbm>>
      tpu.enqueue_dma source(%arg12 : memref<128x128xf32, #tpu.memory_space<vmem>>) target(%dma_start3A_102 : memref<128x128xf32, #tpu.memory_space<hbm>>) target_semaphore(%arg16 : memref<!tpu.dma_semaphore, #tpu.memory_space<semaphore_mem>>)
    }
    %scan3A_24 = arith.constant 20 : i32
    %dma_wait3A = arith.constant 0 : i32
    %dma_wait3A_25 = tpu.memref_slice %arg5[%mul3A_2, %dma_wait3A] : memref<163840x128xf32, #tpu.memory_space<hbm>> -> memref<128x128xf32, #tpu.memory_space<hbm>>
    %dma_wait3A_26 = arith.constant 0 : i32
    %dma_wait3A_27 = tpu.memref_slice %arg5[%mul3A_2, %dma_wait3A_26] : memref<163840x128xf32, #tpu.memory_space<hbm>> -> memref<128x128xf32, #tpu.memory_space<hbm>>
    tpu.wait_dma2 semaphore(%arg15 : memref<!tpu.dma_semaphore, #tpu.memory_space<semaphore_mem>>) src(%arg9 : memref<128x128xf32, #tpu.memory_space<vmem>>) dst(%dma_wait3A_27 : memref<128x128xf32, #tpu.memory_space<hbm>>)
    %dma_wait3A_28 = arith.constant 0 : i32
    %dma_wait3A_29 = tpu.memref_slice %arg6[%mul3A_2, %dma_wait3A_28] : memref<163840x128xf32, #tpu.memory_space<hbm>> -> memref<128x128xf32, #tpu.memory_space<hbm>>
    %dma_wait3A_30 = arith.constant 0 : i32
    %dma_wait3A_31 = tpu.memref_slice %arg6[%mul3A_2, %dma_wait3A_30] : memref<163840x128xf32, #tpu.memory_space<hbm>> -> memref<128x128xf32, #tpu.memory_space<hbm>>
    tpu.wait_dma2 semaphore(%arg15 : memref<!tpu.dma_semaphore, #tpu.memory_space<semaphore_mem>>) src(%arg10 : memref<128x128xf32, #tpu.memory_space<vmem>>) dst(%dma_wait3A_31 : memref<128x128xf32, #tpu.memory_space<hbm>>)
    %dma_wait3A_32 = arith.constant 0 : i32
    %dma_wait3A_33 = tpu.memref_slice %arg5[%mul3A_2, %dma_wait3A_32] : memref<163840x128xf32, #tpu.memory_space<hbm>> -> memref<128x128xf32, #tpu.memory_space<hbm>>
    %dma_wait3A_34 = arith.constant 0 : i32
    %dma_wait3A_35 = tpu.memref_slice %arg5[%mul3A_2, %dma_wait3A_34] : memref<163840x128xf32, #tpu.memory_space<hbm>> -> memref<128x128xf32, #tpu.memory_space<hbm>>
    tpu.wait_dma2 semaphore(%arg16 : memref<!tpu.dma_semaphore, #tpu.memory_space<semaphore_mem>>) src(%arg9 : memref<128x128xf32, #tpu.memory_space<vmem>>) dst(%dma_wait3A_35 : memref<128x128xf32, #tpu.memory_space<hbm>>)
    %dma_wait3A_36 = arith.constant 0 : i32
    %dma_wait3A_37 = tpu.memref_slice %arg6[%mul3A_2, %dma_wait3A_36] : memref<163840x128xf32, #tpu.memory_space<hbm>> -> memref<128x128xf32, #tpu.memory_space<hbm>>
    %dma_wait3A_38 = arith.constant 0 : i32
    %dma_wait3A_39 = tpu.memref_slice %arg6[%mul3A_2, %dma_wait3A_38] : memref<163840x128xf32, #tpu.memory_space<hbm>> -> memref<128x128xf32, #tpu.memory_space<hbm>>
    tpu.wait_dma2 semaphore(%arg16 : memref<!tpu.dma_semaphore, #tpu.memory_space<semaphore_mem>>) src(%arg10 : memref<128x128xf32, #tpu.memory_space<vmem>>) dst(%dma_wait3A_39 : memref<128x128xf32, #tpu.memory_space<hbm>>)
    return
  }
}

#map = affine_map<(d0, d1) -> (0, 0)>
#map1 = affine_map<(d0, d1) -> (0)>
module attributes {stable_mosaic.version = 14 : i64} {
  func.func @_scatter_body(%arg0: i32, %arg1: i32, %arg2: memref<327680x16xf32, #tpu.memory_space<hbm>>, %arg3: memref<327680xi32, #tpu.memory_space<hbm>>, %arg4: memref<20480x16xf32, #tpu.memory_space<hbm>>, %arg5: memref<256x16xf32, #tpu.memory_space<vmem>>, %arg6: memref<256xi32, #tpu.memory_space<vmem>>, %arg7: memref<8x16xf32, #tpu.memory_space<vmem>>, %arg8: memref<10240x16xf32, #tpu.memory_space<vmem_shared>>) attributes {dimension_semantics = [#tpu.dimension_semantics<core_parallel>, #tpu.dimension_semantics<subcore_parallel>], iteration_bounds = array<i64: 2, 16>, scalar_prefetch = 0 : i64, scratch_operands = 4 : i64, tpu.core_type = #tpu.core_type<sc_vector_subcore>, window_params = [{transform_indices = #map}, {transform_indices = #map1}, {transform_indices = #map}]} {
    %mul3A = arith.constant 16 : i32
    %mul3A_0 = arith.muli %arg0, %mul3A : i32
    %add3A = arith.addi %mul3A_0, %arg1 : i32
    %mul3A_1 = arith.constant 10240 : i32
    %mul3A_2 = arith.muli %add3A, %mul3A_1 : i32
    %broadcast_in_dim3A = arith.constant 0.000000e+00 : f32
    %broadcast_in_dim3A_3 = vector.broadcast %broadcast_in_dim3A : f32 to vector<16xf32>
    %swap3A = arith.constant 0 : i32
    %swap3A_4 = arith.index_cast %swap3A : i32 to index
    %swap3A_5 = arith.constant 0 : index
    %swap3A_6 = tpu.vector_load %arg7[%swap3A_4, %swap3A_5] {strides = array<i32>} : memref<8x16xf32, #tpu.memory_space<vmem>>, vector<1x16xf32>,
    %swap3A_7 = vector.shape_cast %swap3A_6 : vector<1x16xf32> to vector<16xf32>
    %swap3A_8 = vector.shape_cast %broadcast_in_dim3A_3 : vector<16xf32> to vector<1x16xf32>
    tpu.vector_store %arg7[%swap3A_4, %swap3A_5], %swap3A_8 {strides = array<i32>} : memref<8x16xf32, #tpu.memory_space<vmem>>, vector<1x16xf32>,
    %swap3A_9 = arith.constant 1 : i32
    %swap3A_10 = arith.index_cast %swap3A_9 : i32 to index
    %swap3A_11 = arith.constant 0 : index
    %swap3A_12 = tpu.vector_load %arg7[%swap3A_10, %swap3A_11] {strides = array<i32>} : memref<8x16xf32, #tpu.memory_space<vmem>>, vector<1x16xf32>,
    %swap3A_13 = vector.shape_cast %swap3A_12 : vector<1x16xf32> to vector<16xf32>
    %swap3A_14 = vector.shape_cast %broadcast_in_dim3A_3 : vector<16xf32> to vector<1x16xf32>
    tpu.vector_store %arg7[%swap3A_10, %swap3A_11], %swap3A_14 {strides = array<i32>} : memref<8x16xf32, #tpu.memory_space<vmem>>, vector<1x16xf32>,
    %swap3A_15 = arith.constant 2 : i32
    %swap3A_16 = arith.index_cast %swap3A_15 : i32 to index
    %swap3A_17 = arith.constant 0 : index
    %swap3A_18 = tpu.vector_load %arg7[%swap3A_16, %swap3A_17] {strides = array<i32>} : memref<8x16xf32, #tpu.memory_space<vmem>>, vector<1x16xf32>,
    %swap3A_19 = vector.shape_cast %swap3A_18 : vector<1x16xf32> to vector<16xf32>
    %swap3A_20 = vector.shape_cast %broadcast_in_dim3A_3 : vector<16xf32> to vector<1x16xf32>
    tpu.vector_store %arg7[%swap3A_16, %swap3A_17], %swap3A_20 {strides = array<i32>} : memref<8x16xf32, #tpu.memory_space<vmem>>, vector<1x16xf32>,
    %swap3A_21 = arith.constant 3 : i32
    %swap3A_22 = arith.index_cast %swap3A_21 : i32 to index
    %swap3A_23 = arith.constant 0 : index
    %swap3A_24 = tpu.vector_load %arg7[%swap3A_22, %swap3A_23] {strides = array<i32>} : memref<8x16xf32, #tpu.memory_space<vmem>>, vector<1x16xf32>,
    %swap3A_25 = vector.shape_cast %swap3A_24 : vector<1x16xf32> to vector<16xf32>
    %swap3A_26 = vector.shape_cast %broadcast_in_dim3A_3 : vector<16xf32> to vector<1x16xf32>
    tpu.vector_store %arg7[%swap3A_22, %swap3A_23], %swap3A_26 {strides = array<i32>} : memref<8x16xf32, #tpu.memory_space<vmem>>, vector<1x16xf32>,
    %swap3A_27 = arith.constant 4 : i32
    %swap3A_28 = arith.index_cast %swap3A_27 : i32 to index
    %swap3A_29 = arith.constant 0 : index
    %swap3A_30 = tpu.vector_load %arg7[%swap3A_28, %swap3A_29] {strides = array<i32>} : memref<8x16xf32, #tpu.memory_space<vmem>>, vector<1x16xf32>,
    %swap3A_31 = vector.shape_cast %swap3A_30 : vector<1x16xf32> to vector<16xf32>
    %swap3A_32 = vector.shape_cast %broadcast_in_dim3A_3 : vector<16xf32> to vector<1x16xf32>
    tpu.vector_store %arg7[%swap3A_28, %swap3A_29], %swap3A_32 {strides = array<i32>} : memref<8x16xf32, #tpu.memory_space<vmem>>, vector<1x16xf32>,
    %swap3A_33 = arith.constant 5 : i32
    %swap3A_34 = arith.index_cast %swap3A_33 : i32 to index
    %swap3A_35 = arith.constant 0 : index
    %swap3A_36 = tpu.vector_load %arg7[%swap3A_34, %swap3A_35] {strides = array<i32>} : memref<8x16xf32, #tpu.memory_space<vmem>>, vector<1x16xf32>,
    %swap3A_37 = vector.shape_cast %swap3A_36 : vector<1x16xf32> to vector<16xf32>
    %swap3A_38 = vector.shape_cast %broadcast_in_dim3A_3 : vector<16xf32> to vector<1x16xf32>
    tpu.vector_store %arg7[%swap3A_34, %swap3A_35], %swap3A_38 {strides = array<i32>} : memref<8x16xf32, #tpu.memory_space<vmem>>, vector<1x16xf32>,
    %swap3A_39 = arith.constant 6 : i32
    %swap3A_40 = arith.index_cast %swap3A_39 : i32 to index
    %swap3A_41 = arith.constant 0 : index
    %swap3A_42 = tpu.vector_load %arg7[%swap3A_40, %swap3A_41] {strides = array<i32>} : memref<8x16xf32, #tpu.memory_space<vmem>>, vector<1x16xf32>,
    %swap3A_43 = vector.shape_cast %swap3A_42 : vector<1x16xf32> to vector<16xf32>
    %swap3A_44 = vector.shape_cast %broadcast_in_dim3A_3 : vector<16xf32> to vector<1x16xf32>
    tpu.vector_store %arg7[%swap3A_40, %swap3A_41], %swap3A_44 {strides = array<i32>} : memref<8x16xf32, #tpu.memory_space<vmem>>, vector<1x16xf32>,
    %swap3A_45 = arith.constant 7 : i32
    %swap3A_46 = arith.index_cast %swap3A_45 : i32 to index
    %swap3A_47 = arith.constant 0 : index
    %swap3A_48 = tpu.vector_load %arg7[%swap3A_46, %swap3A_47] {strides = array<i32>} : memref<8x16xf32, #tpu.memory_space<vmem>>, vector<1x16xf32>,
    %swap3A_49 = vector.shape_cast %swap3A_48 : vector<1x16xf32> to vector<16xf32>
    %swap3A_50 = vector.shape_cast %broadcast_in_dim3A_3 : vector<16xf32> to vector<1x16xf32>
    tpu.vector_store %arg7[%swap3A_46, %swap3A_47], %swap3A_50 {strides = array<i32>} : memref<8x16xf32, #tpu.memory_space<vmem>>, vector<1x16xf32>,
    %scan3A = arith.constant 0 : i32
    %scan3A_51 = arith.constant 0 : i32
    %scan3A_52 = arith.constant 80 : i32
    %scan3A_53 = arith.addi %scan3A_51, %scan3A_52 : i32
    %scan3A_54 = arith.constant 1 : i32
    scf.for %scan3A_70 = %scan3A_51 to %scan3A_53 step %scan3A_54  : i32 {
      %mul3A_71 = arith.constant 640 : i32
      %mul3A_72 = arith.muli %arg1, %mul3A_71 : i32
      %mul3A_73 = arith.constant 8 : i32
      %mul3A_74 = arith.muli %scan3A_70, %mul3A_73 : i32
      %add3A_75 = arith.addi %mul3A_72, %mul3A_74 : i32
      %multiple_of3A = tpu.assume_multiple %add3A_75, 8 : i32
      "tpu.region"() ({
        %run_scoped3A = tpu.sem_alloc : memref<!tpu.dma_semaphore, #tpu.memory_space<semaphore_mem>>
        %dma_start3A = arith.constant 0 : i32
        %dma_start3A_76 = tpu.memref_slice %arg8[%multiple_of3A, %dma_start3A] : memref<10240x16xf32, #tpu.memory_space<vmem_shared>> -> memref<8x16xf32, #tpu.memory_space<vmem_shared>>
        %dma_start3A_77 = arith.constant 0 : i32
        %dma_start3A_78 = tpu.memref_slice %arg8[%multiple_of3A, %dma_start3A_77] : memref<10240x16xf32, #tpu.memory_space<vmem_shared>> -> memref<8x16xf32, #tpu.memory_space<vmem_shared>>
        tpu.enqueue_dma source(%arg7 : memref<8x16xf32, #tpu.memory_space<vmem>>) target(%dma_start3A_78 : memref<8x16xf32, #tpu.memory_space<vmem_shared>>) target_semaphore(%run_scoped3A : memref<!tpu.dma_semaphore, #tpu.memory_space<semaphore_mem>>)
        %dma_wait3A = arith.constant 0 : i32
        %dma_wait3A_79 = tpu.memref_slice %arg8[%multiple_of3A, %dma_wait3A] : memref<10240x16xf32, #tpu.memory_space<vmem_shared>> -> memref<8x16xf32, #tpu.memory_space<vmem_shared>>
        %dma_wait3A_80 = arith.constant 0 : i32
        %dma_wait3A_81 = tpu.memref_slice %arg8[%multiple_of3A, %dma_wait3A_80] : memref<10240x16xf32, #tpu.memory_space<vmem_shared>> -> memref<8x16xf32, #tpu.memory_space<vmem_shared>>
        tpu.wait_dma2 semaphore(%run_scoped3A : memref<!tpu.dma_semaphore, #tpu.memory_space<semaphore_mem>>) src(%arg7 : memref<8x16xf32, #tpu.memory_space<vmem>>) dst(%dma_wait3A_81 : memref<8x16xf32, #tpu.memory_space<vmem_shared>>)
        tpu.yield
      }) : () -> ()
    }
    %scan3A_55 = arith.constant 80 : i32
    %barrier3A = arith.constant 0 : index
    tpu.barrier barrier_id(%barrier3A)
    %scan3A_56 = arith.constant 0 : i32
    %scan3A_57 = arith.constant 0 : i32
    %scan3A_58 = arith.constant 40 : i32
    %scan3A_59 = arith.addi %scan3A_57, %scan3A_58 : i32
    %scan3A_60 = arith.constant 1 : i32
    scf.for %scan3A_70 = %scan3A_57 to %scan3A_59 step %scan3A_60  : i32 {
      %mul3A_71 = arith.constant 256 : i32
      %mul3A_72 = arith.muli %scan3A_70, %mul3A_71 : i32
      %add3A_73 = arith.addi %mul3A_2, %mul3A_72 : i32
      %multiple_of3A = tpu.assume_multiple %add3A_73, 256 : i32
      "tpu.region"() ({
        %run_scoped3A = tpu.sem_alloc : memref<!tpu.dma_semaphore, #tpu.memory_space<semaphore_mem>>
        %dma_start3A = arith.constant 0 : i32
        %dma_start3A_74 = tpu.memref_slice %arg2[%multiple_of3A, %dma_start3A] : memref<327680x16xf32, #tpu.memory_space<hbm>> -> memref<256x16xf32, #tpu.memory_space<hbm>>
        %dma_start3A_75 = arith.constant 0 : i32
        %dma_start3A_76 = tpu.memref_slice %arg2[%multiple_of3A, %dma_start3A_75] : memref<327680x16xf32, #tpu.memory_space<hbm>> -> memref<256x16xf32, #tpu.memory_space<hbm>>
        tpu.enqueue_dma source(%dma_start3A_76 : memref<256x16xf32, #tpu.memory_space<hbm>>) target(%arg5 : memref<256x16xf32, #tpu.memory_space<vmem>>) target_semaphore(%run_scoped3A : memref<!tpu.dma_semaphore, #tpu.memory_space<semaphore_mem>>)
        %dma_wait3A = arith.constant 0 : i32
        %dma_wait3A_77 = tpu.memref_slice %arg2[%multiple_of3A, %dma_wait3A] : memref<327680x16xf32, #tpu.memory_space<hbm>> -> memref<256x16xf32, #tpu.memory_space<hbm>>
        %dma_wait3A_78 = arith.constant 0 : i32
        %dma_wait3A_79 = tpu.memref_slice %arg2[%multiple_of3A, %dma_wait3A_78] : memref<327680x16xf32, #tpu.memory_space<hbm>> -> memref<256x16xf32, #tpu.memory_space<hbm>>
        tpu.wait_dma2 semaphore(%run_scoped3A : memref<!tpu.dma_semaphore, #tpu.memory_space<semaphore_mem>>) src(%dma_wait3A_79 : memref<256x16xf32, #tpu.memory_space<hbm>>) dst(%arg5 : memref<256x16xf32, #tpu.memory_space<vmem>>)
        tpu.yield
      }) : () -> ()
      "tpu.region"() ({
        %run_scoped3A = tpu.sem_alloc : memref<!tpu.dma_semaphore, #tpu.memory_space<semaphore_mem>>
        %dma_start3A = tpu.memref_slice %arg3[%multiple_of3A] : memref<327680xi32, #tpu.memory_space<hbm>> -> memref<256xi32, #tpu.memory_space<hbm>>
        %dma_start3A_74 = tpu.memref_slice %arg3[%multiple_of3A] : memref<327680xi32, #tpu.memory_space<hbm>> -> memref<256xi32, #tpu.memory_space<hbm>>
        tpu.enqueue_dma source(%dma_start3A_74 : memref<256xi32, #tpu.memory_space<hbm>>) target(%arg6 : memref<256xi32, #tpu.memory_space<vmem>>) target_semaphore(%run_scoped3A : memref<!tpu.dma_semaphore, #tpu.memory_space<semaphore_mem>>)
        %dma_wait3A = tpu.memref_slice %arg3[%multiple_of3A] : memref<327680xi32, #tpu.memory_space<hbm>> -> memref<256xi32, #tpu.memory_space<hbm>>
        %dma_wait3A_75 = tpu.memref_slice %arg3[%multiple_of3A] : memref<327680xi32, #tpu.memory_space<hbm>> -> memref<256xi32, #tpu.memory_space<hbm>>
        tpu.wait_dma2 semaphore(%run_scoped3A : memref<!tpu.dma_semaphore, #tpu.memory_space<semaphore_mem>>) src(%dma_wait3A_75 : memref<256xi32, #tpu.memory_space<hbm>>) dst(%arg6 : memref<256xi32, #tpu.memory_space<vmem>>)
        tpu.yield
      }) : () -> ()
      "tpu.region"() ({
        %run_scoped3A = tpu.sem_alloc : memref<!tpu.dma_semaphore, #tpu.memory_space<semaphore_mem>>
        %dma_start3A = arith.constant 0 : i32
        %dma_start3A_74 = arith.constant 0 : i32
        %dma_start3A_75 = tpu.memref_slice %arg8[%dma_start3A, %dma_start3A_74] : memref<10240x16xf32, #tpu.memory_space<vmem_shared>> -> memref<10240x16xf32, #tpu.memory_space<vmem_shared>>
        tpu.enqueue_indirect_dma source(%arg5 : memref<256x16xf32, #tpu.memory_space<vmem>>) target(%dma_start3A_75 : memref<10240x16xf32, #tpu.memory_space<vmem_shared>>) offsets(%arg6 : memref<256xi32, #tpu.memory_space<vmem>>) semaphore(%run_scoped3A : memref<!tpu.dma_semaphore, #tpu.memory_space<semaphore_mem>>) {add = true}
        %dma_wait3A = arith.constant 0 : i32
        %dma_wait3A_76 = arith.constant 0 : i32
        %dma_wait3A_77 = tpu.memref_slice %arg8[%dma_wait3A, %dma_wait3A_76] : memref<10240x16xf32, #tpu.memory_space<vmem_shared>> -> memref<10240x16xf32, #tpu.memory_space<vmem_shared>>
        tpu.wait_indirect_dma semaphore(%run_scoped3A : memref<!tpu.dma_semaphore, #tpu.memory_space<semaphore_mem>>) src(%arg5 : memref<256x16xf32, #tpu.memory_space<vmem>>) dst(%dma_wait3A_77 : memref<10240x16xf32, #tpu.memory_space<vmem_shared>>)
        tpu.yield
      }) : () -> ()
    }
    %scan3A_61 = arith.constant 40 : i32
    %barrier3A_62 = arith.constant 0 : index
    tpu.barrier barrier_id(%barrier3A_62)
    %mul3A_63 = arith.constant 640 : i32
    %mul3A_64 = arith.muli %arg1, %mul3A_63 : i32
    %mul3A_65 = arith.constant 10240 : i32
    %mul3A_66 = arith.muli %arg0, %mul3A_65 : i32
    %mul3A_67 = arith.constant 640 : i32
    %mul3A_68 = arith.muli %arg1, %mul3A_67 : i32
    %add3A_69 = arith.addi %mul3A_66, %mul3A_68 : i32
    "tpu.region"() ({
      %run_scoped3A = tpu.sem_alloc : memref<!tpu.dma_semaphore, #tpu.memory_space<semaphore_mem>>
      %dma_start3A = arith.constant 0 : i32
      %dma_start3A_70 = tpu.memref_slice %arg4[%add3A_69, %dma_start3A] : memref<20480x16xf32, #tpu.memory_space<hbm>> -> memref<640x16xf32, #tpu.memory_space<hbm>>
      %dma_start3A_71 = arith.constant 0 : i32
      %dma_start3A_72 = tpu.memref_slice %arg8[%mul3A_64, %dma_start3A_71] : memref<10240x16xf32, #tpu.memory_space<vmem_shared>> -> memref<640x16xf32, #tpu.memory_space<vmem_shared>>
      tpu.enqueue_dma source(%dma_start3A_72 : memref<640x16xf32, #tpu.memory_space<vmem_shared>>) target(%dma_start3A_70 : memref<640x16xf32, #tpu.memory_space<hbm>>) target_semaphore(%run_scoped3A : memref<!tpu.dma_semaphore, #tpu.memory_space<semaphore_mem>>)
      %dma_wait3A = arith.constant 0 : i32
      %dma_wait3A_73 = tpu.memref_slice %arg4[%add3A_69, %dma_wait3A] : memref<20480x16xf32, #tpu.memory_space<hbm>> -> memref<640x16xf32, #tpu.memory_space<hbm>>
      %dma_wait3A_74 = arith.constant 0 : i32
      %dma_wait3A_75 = tpu.memref_slice %arg8[%mul3A_64, %dma_wait3A_74] : memref<10240x16xf32, #tpu.memory_space<vmem_shared>> -> memref<640x16xf32, #tpu.memory_space<vmem_shared>>
      tpu.wait_dma2 semaphore(%run_scoped3A : memref<!tpu.dma_semaphore, #tpu.memory_space<semaphore_mem>>) src(%dma_wait3A_75 : memref<640x16xf32, #tpu.memory_space<vmem_shared>>) dst(%dma_wait3A_73 : memref<640x16xf32, #tpu.memory_space<hbm>>)
      tpu.yield
    }) : () -> ()
    return
  }
}

module attributes {stable_mosaic.version = 14 : i64} {
  func.func @_pre_body(%arg0: i32, %arg1: memref<1000x1xi32, #tpu.memory_space<vmem>>, %arg2: memref<1000x1xi32, #tpu.memory_space<vmem>>, %arg3: memref<1000x1xi32, #tpu.memory_space<vmem>>, %arg4: memref<1000x1xi32, #tpu.memory_space<vmem>>, %arg5: memref<1000x1xf32, #tpu.memory_space<vmem>>, %arg6: memref<1000x3xf32, #tpu.memory_space<vmem>>, %arg7: memref<10x64xf32, #tpu.memory_space<vmem>>, %arg8: memref<2x64xf32, #tpu.memory_space<vmem>>, %arg9: memref<4x64xf32, #tpu.memory_space<vmem>>, %arg10: memref<2x64xf32, #tpu.memory_space<vmem>>, %arg11: memref<1x64xf32, #tpu.memory_space<vmem>>, %arg12: memref<1x64xf32, #tpu.memory_space<vmem>>, %arg13: memref<320x128xf32, #tpu.memory_space<vmem>>, %arg14: memref<1x128xf32, #tpu.memory_space<vmem>>, %arg15: memref<128x64xf32, #tpu.memory_space<vmem>>, %arg16: memref<1x64xf32, #tpu.memory_space<vmem>>, %arg17: memref<64x64xf32, #tpu.memory_space<vmem>>, %arg18: memref<1x64xf32, #tpu.memory_space<vmem>>, %arg19: memref<1000x128xf32, #tpu.memory_space<vmem>>) attributes {dimension_semantics = [#tpu.dimension_semantics<arbitrary>], iteration_bounds = array<i64: 10>, scalar_prefetch = 0 : i64, scratch_operands = 0 : i64, tpu.core_type = #tpu.core_type<tc>, window_params = [{transform_indices = @transform_0, window_bounds = array<i64: 1000, 1>}, {transform_indices = @transform_1, window_bounds = array<i64: 1000, 1>}, {transform_indices = @transform_2, window_bounds = array<i64: 1000, 1>}, {transform_indices = @transform_3, window_bounds = array<i64: 1000, 1>}, {transform_indices = @transform_4, window_bounds = array<i64: 1000, 1>}, {transform_indices = @transform_5, window_bounds = array<i64: 1000, 3>}, {pipeline_mode = #tpu.pipeline_mode<synchronous>, transform_indices = @transform_6, window_bounds = array<i64: 10, 64>}, {pipeline_mode = #tpu.pipeline_mode<synchronous>, transform_indices = @transform_7, window_bounds = array<i64: 2, 64>}, {pipeline_mode = #tpu.pipeline_mode<synchronous>, transform_indices = @transform_8, window_bounds = array<i64: 4, 64>}, {pipeline_mode = #tpu.pipeline_mode<synchronous>, transform_indices = @transform_9, window_bounds = array<i64: 2, 64>}, {pipeline_mode = #tpu.pipeline_mode<synchronous>, transform_indices = @transform_10, window_bounds = array<i64: 1, 64>}, {pipeline_mode = #tpu.pipeline_mode<synchronous>, transform_indices = @transform_11, window_bounds = array<i64: 1, 64>}, {pipeline_mode = #tpu.pipeline_mode<synchronous>, transform_indices = @transform_12, window_bounds = array<i64: 320, 128>}, {pipeline_mode = #tpu.pipeline_mode<synchronous>, transform_indices = @transform_13, window_bounds = array<i64: 1, 128>}, {pipeline_mode = #tpu.pipeline_mode<synchronous>, transform_indices = @transform_14, window_bounds = array<i64: 128, 64>}, {pipeline_mode = #tpu.pipeline_mode<synchronous>, transform_indices = @transform_15, window_bounds = array<i64: 1, 64>}, {pipeline_mode = #tpu.pipeline_mode<synchronous>, transform_indices = @transform_16, window_bounds = array<i64: 64, 64>}, {pipeline_mode = #tpu.pipeline_mode<synchronous>, transform_indices = @transform_17, window_bounds = array<i64: 1, 64>}, {transform_indices = @transform_18, window_bounds = array<i64: 1000, 128>}]} {
    %get3A = arith.constant 0 : index
    %get3A_0 = arith.constant 0 : index
    %get3A_1 = vector.load %arg1[%get3A, %get3A_0] : memref<1000x1xi32, #tpu.memory_space<vmem>>, vector<1000x1xi32>
    %iota3A = tpu.iota {dimensions = array<i32: 1>} : vector<1000x10xi32>
    %eq3A = vector.broadcast %get3A_1 : vector<1000x1xi32> to vector<1000x10xi32>
    %eq3A_2 = arith.cmpi eq, %eq3A, %iota3A : vector<1000x10xi32>
    %convert_element_type3A = arith.extui %eq3A_2 : vector<1000x10xi1> to vector<1000x10xi32>
    %convert_element_type3A_3 = arith.sitofp %convert_element_type3A : vector<1000x10xi32> to vector<1000x10xf32>
    %get3A_4 = arith.constant 0 : index
    %get3A_5 = arith.constant 0 : index
    %get3A_6 = vector.load %arg7[%get3A_4, %get3A_5] : memref<10x64xf32, #tpu.memory_space<vmem>>, vector<10x64xf32>
    %dot_general3A = arith.constant dense<0.000000e+00> : vector<1000x64xf32>
    %dot_general3A_7 = tpu.matmul %convert_element_type3A_3, %get3A_6, %dot_general3A {dimension_numbers = #tpu.dot_dimension_numbers<[1], [0], [0], [1], [0, 0, 1, 1], [], []>, transpose_lhs_hint = false} : vector<1000x10xf32>, vector<10x64xf32>, vector<1000x64xf32> -> vector<1000x64xf32>
    %get3A_8 = arith.constant 0 : index
    %get3A_9 = arith.constant 0 : index
    %get3A_10 = vector.load %arg2[%get3A_8, %get3A_9] : memref<1000x1xi32, #tpu.memory_space<vmem>>, vector<1000x1xi32>
    %iota3A_11 = tpu.iota {dimensions = array<i32: 1>} : vector<1000x2xi32>
    %eq3A_12 = vector.broadcast %get3A_10 : vector<1000x1xi32> to vector<1000x2xi32>
    %eq3A_13 = arith.cmpi eq, %eq3A_12, %iota3A_11 : vector<1000x2xi32>
    %convert_element_type3A_14 = arith.extui %eq3A_13 : vector<1000x2xi1> to vector<1000x2xi32>
    %convert_element_type3A_15 = arith.sitofp %convert_element_type3A_14 : vector<1000x2xi32> to vector<1000x2xf32>
    %get3A_16 = arith.constant 0 : index
    %get3A_17 = arith.constant 0 : index
    %get3A_18 = vector.load %arg8[%get3A_16, %get3A_17] : memref<2x64xf32, #tpu.memory_space<vmem>>, vector<2x64xf32>
    %dot_general3A_19 = arith.constant dense<0.000000e+00> : vector<1000x64xf32>
    %dot_general3A_20 = tpu.matmul %convert_element_type3A_15, %get3A_18, %dot_general3A_19 {dimension_numbers = #tpu.dot_dimension_numbers<[1], [0], [0], [1], [0, 0, 1, 1], [], []>, transpose_lhs_hint = false} : vector<1000x2xf32>, vector<2x64xf32>, vector<1000x64xf32> -> vector<1000x64xf32>
    %get3A_21 = arith.constant 0 : index
    %get3A_22 = arith.constant 0 : index
    %get3A_23 = vector.load %arg3[%get3A_21, %get3A_22] : memref<1000x1xi32, #tpu.memory_space<vmem>>, vector<1000x1xi32>
    %iota3A_24 = tpu.iota {dimensions = array<i32: 1>} : vector<1000x4xi32>
    %eq3A_25 = vector.broadcast %get3A_23 : vector<1000x1xi32> to vector<1000x4xi32>
    %eq3A_26 = arith.cmpi eq, %eq3A_25, %iota3A_24 : vector<1000x4xi32>
    %convert_element_type3A_27 = arith.extui %eq3A_26 : vector<1000x4xi1> to vector<1000x4xi32>
    %convert_element_type3A_28 = arith.sitofp %convert_element_type3A_27 : vector<1000x4xi32> to vector<1000x4xf32>
    %get3A_29 = arith.constant 0 : index
    %get3A_30 = arith.constant 0 : index
    %get3A_31 = vector.load %arg9[%get3A_29, %get3A_30] : memref<4x64xf32, #tpu.memory_space<vmem>>, vector<4x64xf32>
    %dot_general3A_32 = arith.constant dense<0.000000e+00> : vector<1000x64xf32>
    %dot_general3A_33 = tpu.matmul %convert_element_type3A_28, %get3A_31, %dot_general3A_32 {dimension_numbers = #tpu.dot_dimension_numbers<[1], [0], [0], [1], [0, 0, 1, 1], [], []>, transpose_lhs_hint = false} : vector<1000x4xf32>, vector<4x64xf32>, vector<1000x64xf32> -> vector<1000x64xf32>
    %get3A_34 = arith.constant 0 : index
    %get3A_35 = arith.constant 0 : index
    %get3A_36 = vector.load %arg4[%get3A_34, %get3A_35] : memref<1000x1xi32, #tpu.memory_space<vmem>>, vector<1000x1xi32>
    %iota3A_37 = tpu.iota {dimensions = array<i32: 1>} : vector<1000x2xi32>
    %eq3A_38 = vector.broadcast %get3A_36 : vector<1000x1xi32> to vector<1000x2xi32>
    %eq3A_39 = arith.cmpi eq, %eq3A_38, %iota3A_37 : vector<1000x2xi32>
    %convert_element_type3A_40 = arith.extui %eq3A_39 : vector<1000x2xi1> to vector<1000x2xi32>
    %convert_element_type3A_41 = arith.sitofp %convert_element_type3A_40 : vector<1000x2xi32> to vector<1000x2xf32>
    %get3A_42 = arith.constant 0 : index
    %get3A_43 = arith.constant 0 : index
    %get3A_44 = vector.load %arg10[%get3A_42, %get3A_43] : memref<2x64xf32, #tpu.memory_space<vmem>>, vector<2x64xf32>
    %dot_general3A_45 = arith.constant dense<0.000000e+00> : vector<1000x64xf32>
    %dot_general3A_46 = tpu.matmul %convert_element_type3A_41, %get3A_44, %dot_general3A_45 {dimension_numbers = #tpu.dot_dimension_numbers<[1], [0], [0], [1], [0, 0, 1, 1], [], []>, transpose_lhs_hint = false} : vector<1000x2xf32>, vector<2x64xf32>, vector<1000x64xf32> -> vector<1000x64xf32>
    %get3A_47 = arith.constant 0 : index
    %get3A_48 = arith.constant 0 : index
    %get3A_49 = vector.load %arg5[%get3A_47, %get3A_48] : memref<1000x1xf32, #tpu.memory_space<vmem>>, vector<1000x1xf32>
    %get3A_50 = arith.constant 0 : index
    %get3A_51 = arith.constant 0 : index
    %get3A_52 = vector.load %arg11[%get3A_50, %get3A_51] : memref<1x64xf32, #tpu.memory_space<vmem>>, vector<1x64xf32>
    %mul3A = vector.broadcast %get3A_49 : vector<1000x1xf32> to vector<1000x64xf32>
    %mul3A_53 = vector.broadcast %get3A_52 : vector<1x64xf32> to vector<1000x64xf32>
    %mul3A_54 = arith.mulf %mul3A, %mul3A_53 : vector<1000x64xf32>
    %get3A_55 = arith.constant 0 : index
    %get3A_56 = arith.constant 0 : index
    %get3A_57 = vector.load %arg12[%get3A_55, %get3A_56] : memref<1x64xf32, #tpu.memory_space<vmem>>, vector<1x64xf32>
    %add3A = vector.broadcast %get3A_57 : vector<1x64xf32> to vector<1000x64xf32>
    %add3A_58 = arith.addf %mul3A_54, %add3A : vector<1000x64xf32>
    %concatenate3A = tpu.concatenate %dot_general3A_7, %dot_general3A_20, %dot_general3A_33, %dot_general3A_46, %add3A_58 in 1 : vector<1000x64xf32>, vector<1000x64xf32>, vector<1000x64xf32>, vector<1000x64xf32>, vector<1000x64xf32> -> vector<1000x320xf32>
    %get3A_59 = arith.constant 0 : index
    %get3A_60 = arith.constant 0 : index
    %get3A_61 = vector.load %arg13[%get3A_59, %get3A_60] : memref<320x128xf32, #tpu.memory_space<vmem>>, vector<320x128xf32>
    %dot_general3A_62 = arith.constant dense<0.000000e+00> : vector<1000x128xf32>
    %dot_general3A_63 = tpu.matmul %concatenate3A, %get3A_61, %dot_general3A_62 {dimension_numbers = #tpu.dot_dimension_numbers<[1], [0], [0], [1], [0, 0, 1, 1], [], []>, transpose_lhs_hint = false} : vector<1000x320xf32>, vector<320x128xf32>, vector<1000x128xf32> -> vector<1000x128xf32>
    %get3A_64 = arith.constant 0 : index
    %get3A_65 = arith.constant 0 : index
    %get3A_66 = vector.load %arg14[%get3A_64, %get3A_65] : memref<1x128xf32, #tpu.memory_space<vmem>>, vector<1x128xf32>
    %add3A_67 = vector.broadcast %get3A_66 : vector<1x128xf32> to vector<1000x128xf32>
    %add3A_68 = arith.addf %dot_general3A_63, %add3A_67 : vector<1000x128xf32>
    %logistic3A = arith.negf %add3A_68 : vector<1000x128xf32>
    %logistic3A_69 = math.exp %logistic3A : vector<1000x128xf32>
    %logistic3A_70 = arith.constant 1.000000e+00 : f32
    %logistic3A_71 = vector.broadcast %logistic3A_70 : f32 to vector<1000x128xf32>
    %logistic3A_72 = arith.addf %logistic3A_71, %logistic3A_69 : vector<1000x128xf32>
    %logistic3A_73 = arith.divf %logistic3A_71, %logistic3A_72 : vector<1000x128xf32>
    %mul3A_74 = arith.mulf %add3A_68, %logistic3A_73 : vector<1000x128xf32>
    %get3A_75 = arith.constant 0 : index
    %get3A_76 = arith.constant 0 : index
    %get3A_77 = vector.load %arg15[%get3A_75, %get3A_76] : memref<128x64xf32, #tpu.memory_space<vmem>>, vector<128x64xf32>
    %dot_general3A_78 = arith.constant dense<0.000000e+00> : vector<1000x64xf32>
    %dot_general3A_79 = tpu.matmul %mul3A_74, %get3A_77, %dot_general3A_78 {dimension_numbers = #tpu.dot_dimension_numbers<[1], [0], [0], [1], [0, 0, 1, 1], [], []>, transpose_lhs_hint = false} : vector<1000x128xf32>, vector<128x64xf32>, vector<1000x64xf32> -> vector<1000x64xf32>
    %get3A_80 = arith.constant 0 : index
    %get3A_81 = arith.constant 0 : index
    %get3A_82 = vector.load %arg16[%get3A_80, %get3A_81] : memref<1x64xf32, #tpu.memory_space<vmem>>, vector<1x64xf32>
    %add3A_83 = vector.broadcast %get3A_82 : vector<1x64xf32> to vector<1000x64xf32>
    %add3A_84 = arith.addf %dot_general3A_79, %add3A_83 : vector<1000x64xf32>
    %logistic3A_85 = arith.negf %add3A_84 : vector<1000x64xf32>
    %logistic3A_86 = math.exp %logistic3A_85 : vector<1000x64xf32>
    %logistic3A_87 = arith.constant 1.000000e+00 : f32
    %logistic3A_88 = vector.broadcast %logistic3A_87 : f32 to vector<1000x64xf32>
    %logistic3A_89 = arith.addf %logistic3A_88, %logistic3A_86 : vector<1000x64xf32>
    %logistic3A_90 = arith.divf %logistic3A_88, %logistic3A_89 : vector<1000x64xf32>
    %mul3A_91 = arith.mulf %add3A_84, %logistic3A_90 : vector<1000x64xf32>
    %get3A_92 = arith.constant 0 : index
    %get3A_93 = arith.constant 0 : index
    %get3A_94 = vector.load %arg17[%get3A_92, %get3A_93] : memref<64x64xf32, #tpu.memory_space<vmem>>, vector<64x64xf32>
    %dot_general3A_95 = arith.constant dense<0.000000e+00> : vector<1000x64xf32>
    %dot_general3A_96 = tpu.matmul %mul3A_91, %get3A_94, %dot_general3A_95 {dimension_numbers = #tpu.dot_dimension_numbers<[1], [0], [0], [1], [0, 0, 1, 1], [], []>, transpose_lhs_hint = false} : vector<1000x64xf32>, vector<64x64xf32>, vector<1000x64xf32> -> vector<1000x64xf32>
    %get3A_97 = arith.constant 0 : index
    %get3A_98 = arith.constant 0 : index
    %get3A_99 = vector.load %arg18[%get3A_97, %get3A_98] : memref<1x64xf32, #tpu.memory_space<vmem>>, vector<1x64xf32>
    %add3A_100 = vector.broadcast %get3A_99 : vector<1x64xf32> to vector<1000x64xf32>
    %add3A_101 = arith.addf %dot_general3A_96, %add3A_100 : vector<1000x64xf32>
    %logistic3A_102 = arith.negf %add3A_101 : vector<1000x64xf32>
    %logistic3A_103 = math.exp %logistic3A_102 : vector<1000x64xf32>
    %logistic3A_104 = arith.constant 1.000000e+00 : f32
    %logistic3A_105 = vector.broadcast %logistic3A_104 : f32 to vector<1000x64xf32>
    %logistic3A_106 = arith.addf %logistic3A_105, %logistic3A_103 : vector<1000x64xf32>
    %logistic3A_107 = arith.divf %logistic3A_105, %logistic3A_106 : vector<1000x64xf32>
    %mul3A_108 = arith.mulf %add3A_101, %logistic3A_107 : vector<1000x64xf32>
    %broadcast_in_dim3A = arith.constant 0.000000e+00 : f32
    %broadcast_in_dim3A_109 = vector.broadcast %broadcast_in_dim3A : f32 to vector<1000x61xf32>
    %get3A_110 = arith.constant 0 : index
    %get3A_111 = arith.constant 0 : index
    %get3A_112 = vector.load %arg6[%get3A_110, %get3A_111] : memref<1000x3xf32, #tpu.memory_space<vmem>>, vector<1000x3xf32>
    %concatenate3A_113 = tpu.concatenate %mul3A_108, %get3A_112, %broadcast_in_dim3A_109 in 1 : vector<1000x64xf32>, vector<1000x3xf32>, vector<1000x61xf32> -> vector<1000x128xf32>
    %swap3A = arith.constant 0 : index
    %swap3A_114 = arith.constant 0 : index
    %swap3A_115 = vector.load %arg19[%swap3A, %swap3A_114] : memref<1000x128xf32, #tpu.memory_space<vmem>>, vector<1000x128xf32>
    tpu.vector_store %arg19[%swap3A, %swap3A_114], %concatenate3A_113 {strides = array<i32>} : memref<1000x128xf32, #tpu.memory_space<vmem>>, vector<1000x128xf32>,
    return
  }
  func.func @transform_0(%arg0: i32) -> (i32, i32) {
    %c0_i32 = arith.constant 0 : i32
    %c0_i32_0 = arith.constant 0 : i32
    return %arg0, %c0_i32 : i32, i32
  }
  func.func @transform_1(%arg0: i32) -> (i32, i32) {
    %c0_i32 = arith.constant 0 : i32
    %c0_i32_0 = arith.constant 0 : i32
    return %arg0, %c0_i32 : i32, i32
  }
  func.func @transform_2(%arg0: i32) -> (i32, i32) {
    %c0_i32 = arith.constant 0 : i32
    %c0_i32_0 = arith.constant 0 : i32
    return %arg0, %c0_i32 : i32, i32
  }
  func.func @transform_3(%arg0: i32) -> (i32, i32) {
    %c0_i32 = arith.constant 0 : i32
    %c0_i32_0 = arith.constant 0 : i32
    return %arg0, %c0_i32 : i32, i32
  }
  func.func @transform_4(%arg0: i32) -> (i32, i32) {
    %c0_i32 = arith.constant 0 : i32
    %c0_i32_0 = arith.constant 0 : i32
    return %arg0, %c0_i32 : i32, i32
  }
  func.func @transform_5(%arg0: i32) -> (i32, i32) {
    %c0_i32 = arith.constant 0 : i32
    %c0_i32_0 = arith.constant 0 : i32
    return %arg0, %c0_i32 : i32, i32
  }
  func.func @transform_6(%arg0: i32) -> (i32, i32) {
    %c0_i32 = arith.constant 0 : i32
    %c0_i32_0 = arith.constant 0 : i32
    %c0_i32_1 = arith.constant 0 : i32
    return %c0_i32, %c0_i32_0 : i32, i32
  }
  func.func @transform_7(%arg0: i32) -> (i32, i32) {
    %c0_i32 = arith.constant 0 : i32
    %c0_i32_0 = arith.constant 0 : i32
    %c0_i32_1 = arith.constant 0 : i32
    return %c0_i32, %c0_i32_0 : i32, i32
  }
  func.func @transform_8(%arg0: i32) -> (i32, i32) {
    %c0_i32 = arith.constant 0 : i32
    %c0_i32_0 = arith.constant 0 : i32
    %c0_i32_1 = arith.constant 0 : i32
    return %c0_i32, %c0_i32_0 : i32, i32
  }
  func.func @transform_9(%arg0: i32) -> (i32, i32) {
    %c0_i32 = arith.constant 0 : i32
    %c0_i32_0 = arith.constant 0 : i32
    %c0_i32_1 = arith.constant 0 : i32
    return %c0_i32, %c0_i32_0 : i32, i32
  }
  func.func @transform_10(%arg0: i32) -> (i32, i32) {
    %c0_i32 = arith.constant 0 : i32
    %c0_i32_0 = arith.constant 0 : i32
    %c0_i32_1 = arith.constant 0 : i32
    return %c0_i32, %c0_i32_0 : i32, i32
  }
  func.func @transform_11(%arg0: i32) -> (i32, i32) {
    %c0_i32 = arith.constant 0 : i32
    %c0_i32_0 = arith.constant 0 : i32
    %c0_i32_1 = arith.constant 0 : i32
    return %c0_i32, %c0_i32_0 : i32, i32
  }
  func.func @transform_12(%arg0: i32) -> (i32, i32) {
    %c0_i32 = arith.constant 0 : i32
    %c0_i32_0 = arith.constant 0 : i32
    %c0_i32_1 = arith.constant 0 : i32
    return %c0_i32, %c0_i32_0 : i32, i32
  }
  func.func @transform_13(%arg0: i32) -> (i32, i32) {
    %c0_i32 = arith.constant 0 : i32
    %c0_i32_0 = arith.constant 0 : i32
    %c0_i32_1 = arith.constant 0 : i32
    return %c0_i32, %c0_i32_0 : i32, i32
  }
  func.func @transform_14(%arg0: i32) -> (i32, i32) {
    %c0_i32 = arith.constant 0 : i32
    %c0_i32_0 = arith.constant 0 : i32
    %c0_i32_1 = arith.constant 0 : i32
    return %c0_i32, %c0_i32_0 : i32, i32
  }
  func.func @transform_15(%arg0: i32) -> (i32, i32) {
    %c0_i32 = arith.constant 0 : i32
    %c0_i32_0 = arith.constant 0 : i32
    %c0_i32_1 = arith.constant 0 : i32
    return %c0_i32, %c0_i32_0 : i32, i32
  }
  func.func @transform_16(%arg0: i32) -> (i32, i32) {
    %c0_i32 = arith.constant 0 : i32
    %c0_i32_0 = arith.constant 0 : i32
    %c0_i32_1 = arith.constant 0 : i32
    return %c0_i32, %c0_i32_0 : i32, i32
  }
  func.func @transform_17(%arg0: i32) -> (i32, i32) {
    %c0_i32 = arith.constant 0 : i32
    %c0_i32_0 = arith.constant 0 : i32
    %c0_i32_1 = arith.constant 0 : i32
    return %c0_i32, %c0_i32_0 : i32, i32
  }
  func.func @transform_18(%arg0: i32) -> (i32, i32) {
    %c0_i32 = arith.constant 0 : i32
    %c0_i32_0 = arith.constant 0 : i32
    return %arg0, %c0_i32 : i32, i32
  }
}

module attributes {stable_mosaic.version = 14 : i64} {
  func.func @_edge_body(%arg0: i32, %arg1: memref<2048x128xf32, #tpu.memory_space<vmem>>, %arg2: memref<2048x128xf32, #tpu.memory_space<vmem>>, %arg3: memref<64x258xf32, #tpu.memory_space<vmem>>, %arg4: memref<64x258xf32, #tpu.memory_space<vmem>>, %arg5: memref<1x258xf32, #tpu.memory_space<vmem>>, %arg6: memref<1x258xf32, #tpu.memory_space<vmem>>, %arg7: memref<258x16xf32, #tpu.memory_space<vmem>>, %arg8: memref<1x16xf32, #tpu.memory_space<vmem>>, %arg9: memref<2048x16xf32, #tpu.memory_space<vmem>>) attributes {dimension_semantics = [#tpu.dimension_semantics<arbitrary>], iteration_bounds = array<i64: 80>, scalar_prefetch = 0 : i64, scratch_operands = 0 : i64, tpu.core_type = #tpu.core_type<tc>, window_params = [{transform_indices = @transform_0, window_bounds = array<i64: 2048, 128>}, {transform_indices = @transform_1, window_bounds = array<i64: 2048, 128>}, {pipeline_mode = #tpu.pipeline_mode<synchronous>, transform_indices = @transform_2, window_bounds = array<i64: 64, 258>}, {pipeline_mode = #tpu.pipeline_mode<synchronous>, transform_indices = @transform_3, window_bounds = array<i64: 64, 258>}, {pipeline_mode = #tpu.pipeline_mode<synchronous>, transform_indices = @transform_4, window_bounds = array<i64: 1, 258>}, {pipeline_mode = #tpu.pipeline_mode<synchronous>, transform_indices = @transform_5, window_bounds = array<i64: 1, 258>}, {pipeline_mode = #tpu.pipeline_mode<synchronous>, transform_indices = @transform_6, window_bounds = array<i64: 258, 16>}, {pipeline_mode = #tpu.pipeline_mode<synchronous>, transform_indices = @transform_7, window_bounds = array<i64: 1, 16>}, {transform_indices = @transform_8, window_bounds = array<i64: 2048, 16>}]} {
    %get3A = arith.constant 0 : index
    %get3A_0 = arith.constant 0 : index
    %get3A_1 = vector.load %arg1[%get3A, %get3A_0] : memref<2048x128xf32, #tpu.memory_space<vmem>>, vector<2048x64xf32>
    %get3A_2 = arith.constant 0 : index
    %get3A_3 = arith.constant 0 : index
    %get3A_4 = vector.load %arg2[%get3A_2, %get3A_3] : memref<2048x128xf32, #tpu.memory_space<vmem>>, vector<2048x64xf32>
    %get3A_5 = arith.constant 0 : index
    %get3A_6 = arith.constant 0 : index
    %get3A_7 = vector.load %arg1[%get3A_5, %get3A_6] : memref<2048x128xf32, #tpu.memory_space<vmem>>, vector<2048x128xf32>
    %get3A_8 = arith.constant 0 : index
    %get3A_9 = arith.constant 0 : index
    %get3A_10 = vector.load %arg2[%get3A_8, %get3A_9] : memref<2048x128xf32, #tpu.memory_space<vmem>>, vector<2048x128xf32>
    %sub3A = arith.subf %get3A_7, %get3A_10 : vector<2048x128xf32>
    %iota3A = tpu.iota {dimensions = array<i32: 1>} : vector<2048x128xi32>
    %ge3A = arith.constant 64 : i32
    %ge3A_11 = vector.broadcast %ge3A : i32 to vector<2048x128xi32>
    %ge3A_12 = arith.cmpi sge, %iota3A, %ge3A_11 : vector<2048x128xi32>
    %lt3A = arith.constant 67 : i32
    %lt3A_13 = vector.broadcast %lt3A : i32 to vector<2048x128xi32>
    %lt3A_14 = arith.cmpi slt, %iota3A, %lt3A_13 : vector<2048x128xi32>
    %and3A = arith.andi %ge3A_12, %lt3A_14 : vector<2048x128xi1>
    %mul3A = arith.mulf %sub3A, %sub3A : vector<2048x128xf32>
    %jit3A = arith.constant 0.000000e+00 : f32
    %broadcast_in_dim3A = vector.broadcast %jit3A : f32 to vector<2048x128xf32>
    %select_n3A = arith.select %and3A, %mul3A, %broadcast_in_dim3A : vector<2048x128xi1>, vector<2048x128xf32>
    %reduce_sum3A = arith.constant dense<0.000000e+00> : vector<2048xf32>
    %reduce_sum3A_15 = vector.multi_reduction <add>, %select_n3A, %reduce_sum3A [1] : vector<2048x128xf32> to vector<2048xf32>
    %broadcast_in_dim3A_16 = vector.shape_cast %reduce_sum3A_15 : vector<2048xf32> to vector<2048x1xf32>
    %get3A_17 = arith.constant 0 : index
    %get3A_18 = arith.constant 0 : index
    %get3A_19 = vector.load %arg3[%get3A_17, %get3A_18] : memref<64x258xf32, #tpu.memory_space<vmem>>, vector<64x258xf32>
    %dot_general3A = arith.constant dense<0.000000e+00> : vector<2048x258xf32>
    %dot_general3A_20 = tpu.matmul %get3A_1, %get3A_19, %dot_general3A {dimension_numbers = #tpu.dot_dimension_numbers<[1], [0], [0], [1], [0, 0, 1, 1], [], []>, transpose_lhs_hint = false} : vector<2048x64xf32>, vector<64x258xf32>, vector<2048x258xf32> -> vector<2048x258xf32>
    %get3A_21 = arith.constant 0 : index
    %get3A_22 = arith.constant 0 : index
    %get3A_23 = vector.load %arg4[%get3A_21, %get3A_22] : memref<64x258xf32, #tpu.memory_space<vmem>>, vector<64x258xf32>
    %dot_general3A_24 = arith.constant dense<0.000000e+00> : vector<2048x258xf32>
    %dot_general3A_25 = tpu.matmul %get3A_4, %get3A_23, %dot_general3A_24 {dimension_numbers = #tpu.dot_dimension_numbers<[1], [0], [0], [1], [0, 0, 1, 1], [], []>, transpose_lhs_hint = false} : vector<2048x64xf32>, vector<64x258xf32>, vector<2048x258xf32> -> vector<2048x258xf32>
    %add3A = arith.addf %dot_general3A_20, %dot_general3A_25 : vector<2048x258xf32>
    %get3A_26 = arith.constant 0 : index
    %get3A_27 = arith.constant 0 : index
    %get3A_28 = vector.load %arg5[%get3A_26, %get3A_27] : memref<1x258xf32, #tpu.memory_space<vmem>>, vector<1x258xf32>
    %mul3A_29 = vector.broadcast %broadcast_in_dim3A_16 : vector<2048x1xf32> to vector<2048x258xf32>
    %mul3A_30 = vector.broadcast %get3A_28 : vector<1x258xf32> to vector<2048x258xf32>
    %mul3A_31 = arith.mulf %mul3A_29, %mul3A_30 : vector<2048x258xf32>
    %add3A_32 = arith.addf %add3A, %mul3A_31 : vector<2048x258xf32>
    %get3A_33 = arith.constant 0 : index
    %get3A_34 = arith.constant 0 : index
    %get3A_35 = vector.load %arg6[%get3A_33, %get3A_34] : memref<1x258xf32, #tpu.memory_space<vmem>>, vector<1x258xf32>
    %add3A_36 = vector.broadcast %get3A_35 : vector<1x258xf32> to vector<2048x258xf32>
    %add3A_37 = arith.addf %add3A_32, %add3A_36 : vector<2048x258xf32>
    %logistic3A = arith.negf %add3A_37 : vector<2048x258xf32>
    %logistic3A_38 = math.exp %logistic3A : vector<2048x258xf32>
    %logistic3A_39 = arith.constant 1.000000e+00 : f32
    %logistic3A_40 = vector.broadcast %logistic3A_39 : f32 to vector<2048x258xf32>
    %logistic3A_41 = arith.addf %logistic3A_40, %logistic3A_38 : vector<2048x258xf32>
    %logistic3A_42 = arith.divf %logistic3A_40, %logistic3A_41 : vector<2048x258xf32>
    %mul3A_43 = arith.mulf %add3A_37, %logistic3A_42 : vector<2048x258xf32>
    %get3A_44 = arith.constant 0 : index
    %get3A_45 = arith.constant 0 : index
    %get3A_46 = vector.load %arg7[%get3A_44, %get3A_45] : memref<258x16xf32, #tpu.memory_space<vmem>>, vector<258x16xf32>
    %dot_general3A_47 = arith.constant dense<0.000000e+00> : vector<2048x16xf32>
    %dot_general3A_48 = tpu.matmul %mul3A_43, %get3A_46, %dot_general3A_47 {dimension_numbers = #tpu.dot_dimension_numbers<[1], [0], [0], [1], [0, 0, 1, 1], [], []>, transpose_lhs_hint = false} : vector<2048x258xf32>, vector<258x16xf32>, vector<2048x16xf32> -> vector<2048x16xf32>
    %get3A_49 = arith.constant 0 : index
    %get3A_50 = arith.constant 0 : index
    %get3A_51 = vector.load %arg8[%get3A_49, %get3A_50] : memref<1x16xf32, #tpu.memory_space<vmem>>, vector<1x16xf32>
    %add3A_52 = vector.broadcast %get3A_51 : vector<1x16xf32> to vector<2048x16xf32>
    %add3A_53 = arith.addf %dot_general3A_48, %add3A_52 : vector<2048x16xf32>
    %logistic3A_54 = arith.negf %add3A_53 : vector<2048x16xf32>
    %logistic3A_55 = math.exp %logistic3A_54 : vector<2048x16xf32>
    %logistic3A_56 = arith.constant 1.000000e+00 : f32
    %logistic3A_57 = vector.broadcast %logistic3A_56 : f32 to vector<2048x16xf32>
    %logistic3A_58 = arith.addf %logistic3A_57, %logistic3A_55 : vector<2048x16xf32>
    %logistic3A_59 = arith.divf %logistic3A_57, %logistic3A_58 : vector<2048x16xf32>
    %mul3A_60 = arith.mulf %add3A_53, %logistic3A_59 : vector<2048x16xf32>
    %iota3A_61 = tpu.iota {dimensions = array<i32: 0>} : vector<2048x16xi32>
    %mul3A_62 = arith.constant 2048 : i32
    %mul3A_63 = arith.muli %arg0, %mul3A_62 : i32
    %add3A_64 = vector.broadcast %mul3A_63 : i32 to vector<2048x16xi32>
    %add3A_65 = arith.addi %iota3A_61, %add3A_64 : vector<2048x16xi32>
    %add3A_66 = arith.constant 163840 : i32
    %add3A_67 = vector.broadcast %add3A_66 : i32 to vector<2048x16xi32>
    %add3A_68 = arith.addi %add3A_65, %add3A_67 : vector<2048x16xi32>
    %lt3A_69 = arith.constant 320000 : i32
    %lt3A_70 = vector.broadcast %lt3A_69 : i32 to vector<2048x16xi32>
    %lt3A_71 = arith.cmpi slt, %add3A_68, %lt3A_70 : vector<2048x16xi32>
    %jit3A_72 = arith.constant 0.000000e+00 : f32
    %broadcast_in_dim3A_73 = vector.broadcast %jit3A_72 : f32 to vector<2048x16xf32>
    %select_n3A_74 = arith.select %lt3A_71, %mul3A_60, %broadcast_in_dim3A_73 : vector<2048x16xi1>, vector<2048x16xf32>
    %swap3A = arith.constant 0 : index
    %swap3A_75 = arith.constant 0 : index
    %swap3A_76 = vector.load %arg9[%swap3A, %swap3A_75] : memref<2048x16xf32, #tpu.memory_space<vmem>>, vector<2048x16xf32>
    tpu.vector_store %arg9[%swap3A, %swap3A_75], %select_n3A_74 {strides = array<i32>} : memref<2048x16xf32, #tpu.memory_space<vmem>>, vector<2048x16xf32>,
    return
  }
  func.func @transform_0(%arg0: i32) -> (i32, i32) {
    %c0_i32 = arith.constant 0 : i32
    %c0_i32_0 = arith.constant 0 : i32
    return %arg0, %c0_i32 : i32, i32
  }
  func.func @transform_1(%arg0: i32) -> (i32, i32) {
    %c0_i32 = arith.constant 0 : i32
    %c0_i32_0 = arith.constant 0 : i32
    return %arg0, %c0_i32 : i32, i32
  }
  func.func @transform_2(%arg0: i32) -> (i32, i32) {
    %c0_i32 = arith.constant 0 : i32
    %c0_i32_0 = arith.constant 0 : i32
    %c0_i32_1 = arith.constant 0 : i32
    return %c0_i32, %c0_i32_0 : i32, i32
  }
  func.func @transform_3(%arg0: i32) -> (i32, i32) {
    %c0_i32 = arith.constant 0 : i32
    %c0_i32_0 = arith.constant 0 : i32
    %c0_i32_1 = arith.constant 0 : i32
    return %c0_i32, %c0_i32_0 : i32, i32
  }
  func.func @transform_4(%arg0: i32) -> (i32, i32) {
    %c0_i32 = arith.constant 0 : i32
    %c0_i32_0 = arith.constant 0 : i32
    %c0_i32_1 = arith.constant 0 : i32
    return %c0_i32, %c0_i32_0 : i32, i32
  }
  func.func @transform_5(%arg0: i32) -> (i32, i32) {
    %c0_i32 = arith.constant 0 : i32
    %c0_i32_0 = arith.constant 0 : i32
    %c0_i32_1 = arith.constant 0 : i32
    return %c0_i32, %c0_i32_0 : i32, i32
  }
  func.func @transform_6(%arg0: i32) -> (i32, i32) {
    %c0_i32 = arith.constant 0 : i32
    %c0_i32_0 = arith.constant 0 : i32
    %c0_i32_1 = arith.constant 0 : i32
    return %c0_i32, %c0_i32_0 : i32, i32
  }
  func.func @transform_7(%arg0: i32) -> (i32, i32) {
    %c0_i32 = arith.constant 0 : i32
    %c0_i32_0 = arith.constant 0 : i32
    %c0_i32_1 = arith.constant 0 : i32
    return %c0_i32, %c0_i32_0 : i32, i32
  }
  func.func @transform_8(%arg0: i32) -> (i32, i32) {
    %c0_i32 = arith.constant 0 : i32
    %c0_i32_0 = arith.constant 0 : i32
    return %arg0, %c0_i32 : i32, i32
  }
}

module attributes {stable_mosaic.version = 14 : i64} {
  func.func @_edge_body(%arg0: i32, %arg1: memref<2048x128xf32, #tpu.memory_space<vmem>>, %arg2: memref<2048x128xf32, #tpu.memory_space<vmem>>, %arg3: memref<64x258xf32, #tpu.memory_space<vmem>>, %arg4: memref<64x258xf32, #tpu.memory_space<vmem>>, %arg5: memref<1x258xf32, #tpu.memory_space<vmem>>, %arg6: memref<1x258xf32, #tpu.memory_space<vmem>>, %arg7: memref<258x16xf32, #tpu.memory_space<vmem>>, %arg8: memref<1x16xf32, #tpu.memory_space<vmem>>, %arg9: memref<2048x16xf32, #tpu.memory_space<vmem>>) attributes {dimension_semantics = [#tpu.dimension_semantics<arbitrary>], iteration_bounds = array<i64: 80>, scalar_prefetch = 0 : i64, scratch_operands = 0 : i64, tpu.core_type = #tpu.core_type<tc>, window_params = [{transform_indices = @transform_0, window_bounds = array<i64: 2048, 128>}, {transform_indices = @transform_1, window_bounds = array<i64: 2048, 128>}, {pipeline_mode = #tpu.pipeline_mode<synchronous>, transform_indices = @transform_2, window_bounds = array<i64: 64, 258>}, {pipeline_mode = #tpu.pipeline_mode<synchronous>, transform_indices = @transform_3, window_bounds = array<i64: 64, 258>}, {pipeline_mode = #tpu.pipeline_mode<synchronous>, transform_indices = @transform_4, window_bounds = array<i64: 1, 258>}, {pipeline_mode = #tpu.pipeline_mode<synchronous>, transform_indices = @transform_5, window_bounds = array<i64: 1, 258>}, {pipeline_mode = #tpu.pipeline_mode<synchronous>, transform_indices = @transform_6, window_bounds = array<i64: 258, 16>}, {pipeline_mode = #tpu.pipeline_mode<synchronous>, transform_indices = @transform_7, window_bounds = array<i64: 1, 16>}, {transform_indices = @transform_8, window_bounds = array<i64: 2048, 16>}]} {
    %get3A = arith.constant 0 : index
    %get3A_0 = arith.constant 0 : index
    %get3A_1 = vector.load %arg1[%get3A, %get3A_0] : memref<2048x128xf32, #tpu.memory_space<vmem>>, vector<2048x64xf32>
    %get3A_2 = arith.constant 0 : index
    %get3A_3 = arith.constant 0 : index
    %get3A_4 = vector.load %arg2[%get3A_2, %get3A_3] : memref<2048x128xf32, #tpu.memory_space<vmem>>, vector<2048x64xf32>
    %get3A_5 = arith.constant 0 : index
    %get3A_6 = arith.constant 0 : index
    %get3A_7 = vector.load %arg1[%get3A_5, %get3A_6] : memref<2048x128xf32, #tpu.memory_space<vmem>>, vector<2048x128xf32>
    %get3A_8 = arith.constant 0 : index
    %get3A_9 = arith.constant 0 : index
    %get3A_10 = vector.load %arg2[%get3A_8, %get3A_9] : memref<2048x128xf32, #tpu.memory_space<vmem>>, vector<2048x128xf32>
    %sub3A = arith.subf %get3A_7, %get3A_10 : vector<2048x128xf32>
    %iota3A = tpu.iota {dimensions = array<i32: 1>} : vector<2048x128xi32>
    %ge3A = arith.constant 64 : i32
    %ge3A_11 = vector.broadcast %ge3A : i32 to vector<2048x128xi32>
    %ge3A_12 = arith.cmpi sge, %iota3A, %ge3A_11 : vector<2048x128xi32>
    %lt3A = arith.constant 67 : i32
    %lt3A_13 = vector.broadcast %lt3A : i32 to vector<2048x128xi32>
    %lt3A_14 = arith.cmpi slt, %iota3A, %lt3A_13 : vector<2048x128xi32>
    %and3A = arith.andi %ge3A_12, %lt3A_14 : vector<2048x128xi1>
    %mul3A = arith.mulf %sub3A, %sub3A : vector<2048x128xf32>
    %jit3A = arith.constant 0.000000e+00 : f32
    %broadcast_in_dim3A = vector.broadcast %jit3A : f32 to vector<2048x128xf32>
    %select_n3A = arith.select %and3A, %mul3A, %broadcast_in_dim3A : vector<2048x128xi1>, vector<2048x128xf32>
    %reduce_sum3A = arith.constant dense<0.000000e+00> : vector<2048xf32>
    %reduce_sum3A_15 = vector.multi_reduction <add>, %select_n3A, %reduce_sum3A [1] : vector<2048x128xf32> to vector<2048xf32>
    %broadcast_in_dim3A_16 = vector.shape_cast %reduce_sum3A_15 : vector<2048xf32> to vector<2048x1xf32>
    %get3A_17 = arith.constant 0 : index
    %get3A_18 = arith.constant 0 : index
    %get3A_19 = vector.load %arg3[%get3A_17, %get3A_18] : memref<64x258xf32, #tpu.memory_space<vmem>>, vector<64x258xf32>
    %dot_general3A = arith.constant dense<0.000000e+00> : vector<2048x258xf32>
    %dot_general3A_20 = tpu.matmul %get3A_1, %get3A_19, %dot_general3A {dimension_numbers = #tpu.dot_dimension_numbers<[1], [0], [0], [1], [0, 0, 1, 1], [], []>, transpose_lhs_hint = false} : vector<2048x64xf32>, vector<64x258xf32>, vector<2048x258xf32> -> vector<2048x258xf32>
    %get3A_21 = arith.constant 0 : index
    %get3A_22 = arith.constant 0 : index
    %get3A_23 = vector.load %arg4[%get3A_21, %get3A_22] : memref<64x258xf32, #tpu.memory_space<vmem>>, vector<64x258xf32>
    %dot_general3A_24 = arith.constant dense<0.000000e+00> : vector<2048x258xf32>
    %dot_general3A_25 = tpu.matmul %get3A_4, %get3A_23, %dot_general3A_24 {dimension_numbers = #tpu.dot_dimension_numbers<[1], [0], [0], [1], [0, 0, 1, 1], [], []>, transpose_lhs_hint = false} : vector<2048x64xf32>, vector<64x258xf32>, vector<2048x258xf32> -> vector<2048x258xf32>
    %add3A = arith.addf %dot_general3A_20, %dot_general3A_25 : vector<2048x258xf32>
    %get3A_26 = arith.constant 0 : index
    %get3A_27 = arith.constant 0 : index
    %get3A_28 = vector.load %arg5[%get3A_26, %get3A_27] : memref<1x258xf32, #tpu.memory_space<vmem>>, vector<1x258xf32>
    %mul3A_29 = vector.broadcast %broadcast_in_dim3A_16 : vector<2048x1xf32> to vector<2048x258xf32>
    %mul3A_30 = vector.broadcast %get3A_28 : vector<1x258xf32> to vector<2048x258xf32>
    %mul3A_31 = arith.mulf %mul3A_29, %mul3A_30 : vector<2048x258xf32>
    %add3A_32 = arith.addf %add3A, %mul3A_31 : vector<2048x258xf32>
    %get3A_33 = arith.constant 0 : index
    %get3A_34 = arith.constant 0 : index
    %get3A_35 = vector.load %arg6[%get3A_33, %get3A_34] : memref<1x258xf32, #tpu.memory_space<vmem>>, vector<1x258xf32>
    %add3A_36 = vector.broadcast %get3A_35 : vector<1x258xf32> to vector<2048x258xf32>
    %add3A_37 = arith.addf %add3A_32, %add3A_36 : vector<2048x258xf32>
    %logistic3A = arith.negf %add3A_37 : vector<2048x258xf32>
    %logistic3A_38 = math.exp %logistic3A : vector<2048x258xf32>
    %logistic3A_39 = arith.constant 1.000000e+00 : f32
    %logistic3A_40 = vector.broadcast %logistic3A_39 : f32 to vector<2048x258xf32>
    %logistic3A_41 = arith.addf %logistic3A_40, %logistic3A_38 : vector<2048x258xf32>
    %logistic3A_42 = arith.divf %logistic3A_40, %logistic3A_41 : vector<2048x258xf32>
    %mul3A_43 = arith.mulf %add3A_37, %logistic3A_42 : vector<2048x258xf32>
    %get3A_44 = arith.constant 0 : index
    %get3A_45 = arith.constant 0 : index
    %get3A_46 = vector.load %arg7[%get3A_44, %get3A_45] : memref<258x16xf32, #tpu.memory_space<vmem>>, vector<258x16xf32>
    %dot_general3A_47 = arith.constant dense<0.000000e+00> : vector<2048x16xf32>
    %dot_general3A_48 = tpu.matmul %mul3A_43, %get3A_46, %dot_general3A_47 {dimension_numbers = #tpu.dot_dimension_numbers<[1], [0], [0], [1], [0, 0, 1, 1], [], []>, transpose_lhs_hint = false} : vector<2048x258xf32>, vector<258x16xf32>, vector<2048x16xf32> -> vector<2048x16xf32>
    %get3A_49 = arith.constant 0 : index
    %get3A_50 = arith.constant 0 : index
    %get3A_51 = vector.load %arg8[%get3A_49, %get3A_50] : memref<1x16xf32, #tpu.memory_space<vmem>>, vector<1x16xf32>
    %add3A_52 = vector.broadcast %get3A_51 : vector<1x16xf32> to vector<2048x16xf32>
    %add3A_53 = arith.addf %dot_general3A_48, %add3A_52 : vector<2048x16xf32>
    %logistic3A_54 = arith.negf %add3A_53 : vector<2048x16xf32>
    %logistic3A_55 = math.exp %logistic3A_54 : vector<2048x16xf32>
    %logistic3A_56 = arith.constant 1.000000e+00 : f32
    %logistic3A_57 = vector.broadcast %logistic3A_56 : f32 to vector<2048x16xf32>
    %logistic3A_58 = arith.addf %logistic3A_57, %logistic3A_55 : vector<2048x16xf32>
    %logistic3A_59 = arith.divf %logistic3A_57, %logistic3A_58 : vector<2048x16xf32>
    %mul3A_60 = arith.mulf %add3A_53, %logistic3A_59 : vector<2048x16xf32>
    %iota3A_61 = tpu.iota {dimensions = array<i32: 0>} : vector<2048x16xi32>
    %mul3A_62 = arith.constant 2048 : i32
    %mul3A_63 = arith.muli %arg0, %mul3A_62 : i32
    %add3A_64 = vector.broadcast %mul3A_63 : i32 to vector<2048x16xi32>
    %add3A_65 = arith.addi %iota3A_61, %add3A_64 : vector<2048x16xi32>
    %add3A_66 = arith.constant 0 : i32
    %add3A_67 = vector.broadcast %add3A_66 : i32 to vector<2048x16xi32>
    %add3A_68 = arith.addi %add3A_65, %add3A_67 : vector<2048x16xi32>
    %lt3A_69 = arith.constant 320000 : i32
    %lt3A_70 = vector.broadcast %lt3A_69 : i32 to vector<2048x16xi32>
    %lt3A_71 = arith.cmpi slt, %add3A_68, %lt3A_70 : vector<2048x16xi32>
    %jit3A_72 = arith.constant 0.000000e+00 : f32
    %broadcast_in_dim3A_73 = vector.broadcast %jit3A_72 : f32 to vector<2048x16xf32>
    %select_n3A_74 = arith.select %lt3A_71, %mul3A_60, %broadcast_in_dim3A_73 : vector<2048x16xi1>, vector<2048x16xf32>
    %swap3A = arith.constant 0 : index
    %swap3A_75 = arith.constant 0 : index
    %swap3A_76 = vector.load %arg9[%swap3A, %swap3A_75] : memref<2048x16xf32, #tpu.memory_space<vmem>>, vector<2048x16xf32>
    tpu.vector_store %arg9[%swap3A, %swap3A_75], %select_n3A_74 {strides = array<i32>} : memref<2048x16xf32, #tpu.memory_space<vmem>>, vector<2048x16xf32>,
    return
  }
  func.func @transform_0(%arg0: i32) -> (i32, i32) {
    %c0_i32 = arith.constant 0 : i32
    %c0_i32_0 = arith.constant 0 : i32
    return %arg0, %c0_i32 : i32, i32
  }
  func.func @transform_1(%arg0: i32) -> (i32, i32) {
    %c0_i32 = arith.constant 0 : i32
    %c0_i32_0 = arith.constant 0 : i32
    return %arg0, %c0_i32 : i32, i32
  }
  func.func @transform_2(%arg0: i32) -> (i32, i32) {
    %c0_i32 = arith.constant 0 : i32
    %c0_i32_0 = arith.constant 0 : i32
    %c0_i32_1 = arith.constant 0 : i32
    return %c0_i32, %c0_i32_0 : i32, i32
  }
  func.func @transform_3(%arg0: i32) -> (i32, i32) {
    %c0_i32 = arith.constant 0 : i32
    %c0_i32_0 = arith.constant 0 : i32
    %c0_i32_1 = arith.constant 0 : i32
    return %c0_i32, %c0_i32_0 : i32, i32
  }
  func.func @transform_4(%arg0: i32) -> (i32, i32) {
    %c0_i32 = arith.constant 0 : i32
    %c0_i32_0 = arith.constant 0 : i32
    %c0_i32_1 = arith.constant 0 : i32
    return %c0_i32, %c0_i32_0 : i32, i32
  }
  func.func @transform_5(%arg0: i32) -> (i32, i32) {
    %c0_i32 = arith.constant 0 : i32
    %c0_i32_0 = arith.constant 0 : i32
    %c0_i32_1 = arith.constant 0 : i32
    return %c0_i32, %c0_i32_0 : i32, i32
  }
  func.func @transform_6(%arg0: i32) -> (i32, i32) {
    %c0_i32 = arith.constant 0 : i32
    %c0_i32_0 = arith.constant 0 : i32
    %c0_i32_1 = arith.constant 0 : i32
    return %c0_i32, %c0_i32_0 : i32, i32
  }
  func.func @transform_7(%arg0: i32) -> (i32, i32) {
    %c0_i32 = arith.constant 0 : i32
    %c0_i32_0 = arith.constant 0 : i32
    %c0_i32_1 = arith.constant 0 : i32
    return %c0_i32, %c0_i32_0 : i32, i32
  }
  func.func @transform_8(%arg0: i32) -> (i32, i32) {
    %c0_i32 = arith.constant 0 : i32
    %c0_i32_0 = arith.constant 0 : i32
    return %arg0, %c0_i32 : i32, i32
  }
}

module attributes {stable_mosaic.version = 14 : i64} {
  func.func @_node_body(%arg0: i32, %arg1: memref<1000x128xf32, #tpu.memory_space<vmem>>, %arg2: memref<2x1000x16xf32, #tpu.memory_space<vmem>>, %arg3: memref<80x128xf32, #tpu.memory_space<vmem>>, %arg4: memref<1x128xf32, #tpu.memory_space<vmem>>, %arg5: memref<128x64xf32, #tpu.memory_space<vmem>>, %arg6: memref<1x64xf32, #tpu.memory_space<vmem>>, %arg7: memref<1000x128xf32, #tpu.memory_space<vmem>>) attributes {dimension_semantics = [#tpu.dimension_semantics<arbitrary>], iteration_bounds = array<i64: 10>, scalar_prefetch = 0 : i64, scratch_operands = 0 : i64, tpu.core_type = #tpu.core_type<tc>, window_params = [{transform_indices = @transform_0, window_bounds = array<i64: 1000, 128>}, {transform_indices = @transform_1, window_bounds = array<i64: 2, 1000, 16>}, {pipeline_mode = #tpu.pipeline_mode<synchronous>, transform_indices = @transform_2, window_bounds = array<i64: 80, 128>}, {pipeline_mode = #tpu.pipeline_mode<synchronous>, transform_indices = @transform_3, window_bounds = array<i64: 1, 128>}, {pipeline_mode = #tpu.pipeline_mode<synchronous>, transform_indices = @transform_4, window_bounds = array<i64: 128, 64>}, {pipeline_mode = #tpu.pipeline_mode<synchronous>, transform_indices = @transform_5, window_bounds = array<i64: 1, 64>}, {transform_indices = @transform_6, window_bounds = array<i64: 1000, 128>}]} {
    %get3A = arith.constant 0 : index
    %get3A_0 = arith.constant 0 : index
    %get3A_1 = vector.load %arg1[%get3A, %get3A_0] : memref<1000x128xf32, #tpu.memory_space<vmem>>, vector<1000x64xf32>
    %get3A_2 = arith.constant 0 : index
    %get3A_3 = arith.constant 0 : index
    %get3A_4 = arith.constant 0 : index
    %get3A_5 = vector.load %arg2[%get3A_2, %get3A_3, %get3A_4] : memref<2x1000x16xf32, #tpu.memory_space<vmem>>, vector<1x1000x16xf32>
    %get3A_6 = vector.shape_cast %get3A_5 : vector<1x1000x16xf32> to vector<1000x16xf32>
    %get3A_7 = arith.constant 1 : index
    %get3A_8 = arith.constant 0 : index
    %get3A_9 = arith.constant 0 : index
    %get3A_10 = vector.load %arg2[%get3A_7, %get3A_8, %get3A_9] : memref<2x1000x16xf32, #tpu.memory_space<vmem>>, vector<1x1000x16xf32>
    %get3A_11 = vector.shape_cast %get3A_10 : vector<1x1000x16xf32> to vector<1000x16xf32>
    %add3A = arith.addf %get3A_6, %get3A_11 : vector<1000x16xf32>
    %concatenate3A = tpu.concatenate %get3A_1, %add3A in 1 : vector<1000x64xf32>, vector<1000x16xf32> -> vector<1000x80xf32>
    %get3A_12 = arith.constant 0 : index
    %get3A_13 = arith.constant 0 : index
    %get3A_14 = vector.load %arg3[%get3A_12, %get3A_13] : memref<80x128xf32, #tpu.memory_space<vmem>>, vector<80x128xf32>
    %dot_general3A = arith.constant dense<0.000000e+00> : vector<1000x128xf32>
    %dot_general3A_15 = tpu.matmul %concatenate3A, %get3A_14, %dot_general3A {dimension_numbers = #tpu.dot_dimension_numbers<[1], [0], [0], [1], [0, 0, 1, 1], [], []>, transpose_lhs_hint = false} : vector<1000x80xf32>, vector<80x128xf32>, vector<1000x128xf32> -> vector<1000x128xf32>
    %get3A_16 = arith.constant 0 : index
    %get3A_17 = arith.constant 0 : index
    %get3A_18 = vector.load %arg4[%get3A_16, %get3A_17] : memref<1x128xf32, #tpu.memory_space<vmem>>, vector<1x128xf32>
    %add3A_19 = vector.broadcast %get3A_18 : vector<1x128xf32> to vector<1000x128xf32>
    %add3A_20 = arith.addf %dot_general3A_15, %add3A_19 : vector<1000x128xf32>
    %logistic3A = arith.negf %add3A_20 : vector<1000x128xf32>
    %logistic3A_21 = math.exp %logistic3A : vector<1000x128xf32>
    %logistic3A_22 = arith.constant 1.000000e+00 : f32
    %logistic3A_23 = vector.broadcast %logistic3A_22 : f32 to vector<1000x128xf32>
    %logistic3A_24 = arith.addf %logistic3A_23, %logistic3A_21 : vector<1000x128xf32>
    %logistic3A_25 = arith.divf %logistic3A_23, %logistic3A_24 : vector<1000x128xf32>
    %mul3A = arith.mulf %add3A_20, %logistic3A_25 : vector<1000x128xf32>
    %get3A_26 = arith.constant 0 : index
    %get3A_27 = arith.constant 0 : index
    %get3A_28 = vector.load %arg5[%get3A_26, %get3A_27] : memref<128x64xf32, #tpu.memory_space<vmem>>, vector<128x64xf32>
    %dot_general3A_29 = arith.constant dense<0.000000e+00> : vector<1000x64xf32>
    %dot_general3A_30 = tpu.matmul %mul3A, %get3A_28, %dot_general3A_29 {dimension_numbers = #tpu.dot_dimension_numbers<[1], [0], [0], [1], [0, 0, 1, 1], [], []>, transpose_lhs_hint = false} : vector<1000x128xf32>, vector<128x64xf32>, vector<1000x64xf32> -> vector<1000x64xf32>
    %get3A_31 = arith.constant 0 : index
    %get3A_32 = arith.constant 0 : index
    %get3A_33 = vector.load %arg6[%get3A_31, %get3A_32] : memref<1x64xf32, #tpu.memory_space<vmem>>, vector<1x64xf32>
    %add3A_34 = vector.broadcast %get3A_33 : vector<1x64xf32> to vector<1000x64xf32>
    %add3A_35 = arith.addf %dot_general3A_30, %add3A_34 : vector<1000x64xf32>
    %add3A_36 = arith.addf %get3A_1, %add3A_35 : vector<1000x64xf32>
    %get3A_37 = arith.constant 0 : index
    %get3A_38 = arith.constant 64 : index
    %get3A_39 = vector.load %arg1[%get3A_37, %get3A_38] : memref<1000x128xf32, #tpu.memory_space<vmem>>, vector<1000x64xf32>
    %concatenate3A_40 = tpu.concatenate %add3A_36, %get3A_39 in 1 : vector<1000x64xf32>, vector<1000x64xf32> -> vector<1000x128xf32>
    %swap3A = arith.constant 0 : index
    %swap3A_41 = arith.constant 0 : index
    %swap3A_42 = vector.load %arg7[%swap3A, %swap3A_41] : memref<1000x128xf32, #tpu.memory_space<vmem>>, vector<1000x128xf32>
    tpu.vector_store %arg7[%swap3A, %swap3A_41], %concatenate3A_40 {strides = array<i32>} : memref<1000x128xf32, #tpu.memory_space<vmem>>, vector<1000x128xf32>,
    return
  }
  func.func @transform_0(%arg0: i32) -> (i32, i32) {
    %c0_i32 = arith.constant 0 : i32
    %c0_i32_0 = arith.constant 0 : i32
    return %arg0, %c0_i32 : i32, i32
  }
  func.func @transform_1(%arg0: i32) -> (i32, i32, i32) {
    %c0_i32 = arith.constant 0 : i32
    %c0_i32_0 = arith.constant 0 : i32
    %c0_i32_1 = arith.constant 0 : i32
    return %c0_i32, %arg0, %c0_i32_0 : i32, i32, i32
  }
  func.func @transform_2(%arg0: i32) -> (i32, i32) {
    %c0_i32 = arith.constant 0 : i32
    %c0_i32_0 = arith.constant 0 : i32
    %c0_i32_1 = arith.constant 0 : i32
    return %c0_i32, %c0_i32_0 : i32, i32
  }
  func.func @transform_3(%arg0: i32) -> (i32, i32) {
    %c0_i32 = arith.constant 0 : i32
    %c0_i32_0 = arith.constant 0 : i32
    %c0_i32_1 = arith.constant 0 : i32
    return %c0_i32, %c0_i32_0 : i32, i32
  }
  func.func @transform_4(%arg0: i32) -> (i32, i32) {
    %c0_i32 = arith.constant 0 : i32
    %c0_i32_0 = arith.constant 0 : i32
    %c0_i32_1 = arith.constant 0 : i32
    return %c0_i32, %c0_i32_0 : i32, i32
  }
  func.func @transform_5(%arg0: i32) -> (i32, i32) {
    %c0_i32 = arith.constant 0 : i32
    %c0_i32_0 = arith.constant 0 : i32
    %c0_i32_1 = arith.constant 0 : i32
    return %c0_i32, %c0_i32_0 : i32, i32
  }
  func.func @transform_6(%arg0: i32) -> (i32, i32) {
    %c0_i32 = arith.constant 0 : i32
    %c0_i32_0 = arith.constant 0 : i32
    return %arg0, %c0_i32 : i32, i32
  }
}

module attributes {stable_mosaic.version = 14 : i64} {
  func.func @_post_body(%arg0: i32, %arg1: memref<1000x128xf32, #tpu.memory_space<vmem>>, %arg2: memref<1000x128xf32, #tpu.memory_space<vmem>>, %arg3: memref<1000x128xf32, #tpu.memory_space<vmem>>, %arg4: memref<192x512xf32, #tpu.memory_space<vmem>>, %arg5: memref<1x512xf32, #tpu.memory_space<vmem>>, %arg6: memref<512x512xf32, #tpu.memory_space<vmem>>, %arg7: memref<1x512xf32, #tpu.memory_space<vmem>>, %arg8: memref<512x512xf32, #tpu.memory_space<vmem>>, %arg9: memref<1x512xf32, #tpu.memory_space<vmem>>, %arg10: memref<1x512xf32, #tpu.memory_space<vmem>>, %arg11: memref<1x1xf32, #tpu.memory_space<vmem>>, %arg12: memref<1000x1xf32, #tpu.memory_space<vmem>>) attributes {dimension_semantics = [#tpu.dimension_semantics<arbitrary>], iteration_bounds = array<i64: 10>, scalar_prefetch = 0 : i64, scratch_operands = 0 : i64, tpu.core_type = #tpu.core_type<tc>, window_params = [{transform_indices = @transform_0, window_bounds = array<i64: 1000, 128>}, {transform_indices = @transform_1, window_bounds = array<i64: 1000, 128>}, {transform_indices = @transform_2, window_bounds = array<i64: 1000, 128>}, {pipeline_mode = #tpu.pipeline_mode<synchronous>, transform_indices = @transform_3, window_bounds = array<i64: 192, 512>}, {pipeline_mode = #tpu.pipeline_mode<synchronous>, transform_indices = @transform_4, window_bounds = array<i64: 1, 512>}, {pipeline_mode = #tpu.pipeline_mode<synchronous>, transform_indices = @transform_5, window_bounds = array<i64: 512, 512>}, {pipeline_mode = #tpu.pipeline_mode<synchronous>, transform_indices = @transform_6, window_bounds = array<i64: 1, 512>}, {pipeline_mode = #tpu.pipeline_mode<synchronous>, transform_indices = @transform_7, window_bounds = array<i64: 512, 512>}, {pipeline_mode = #tpu.pipeline_mode<synchronous>, transform_indices = @transform_8, window_bounds = array<i64: 1, 512>}, {pipeline_mode = #tpu.pipeline_mode<synchronous>, transform_indices = @transform_9, window_bounds = array<i64: 1, 512>}, {pipeline_mode = #tpu.pipeline_mode<synchronous>, transform_indices = @transform_10, window_bounds = array<i64: 1, 1>}, {transform_indices = @transform_11, window_bounds = array<i64: 1000, 1>}]} {
    %get3A = arith.constant 0 : index
    %get3A_0 = arith.constant 0 : index
    %get3A_1 = vector.load %arg1[%get3A, %get3A_0] : memref<1000x128xf32, #tpu.memory_space<vmem>>, vector<1000x64xf32>
    %get3A_2 = arith.constant 0 : index
    %get3A_3 = arith.constant 0 : index
    %get3A_4 = vector.load %arg2[%get3A_2, %get3A_3] : memref<1000x128xf32, #tpu.memory_space<vmem>>, vector<1000x64xf32>
    %get3A_5 = arith.constant 0 : index
    %get3A_6 = arith.constant 0 : index
    %get3A_7 = vector.load %arg3[%get3A_5, %get3A_6] : memref<1000x128xf32, #tpu.memory_space<vmem>>, vector<1000x64xf32>
    %concatenate3A = tpu.concatenate %get3A_1, %get3A_4, %get3A_7 in 1 : vector<1000x64xf32>, vector<1000x64xf32>, vector<1000x64xf32> -> vector<1000x192xf32>
    %get3A_8 = arith.constant 0 : index
    %get3A_9 = arith.constant 0 : index
    %get3A_10 = vector.load %arg4[%get3A_8, %get3A_9] : memref<192x512xf32, #tpu.memory_space<vmem>>, vector<192x512xf32>
    %dot_general3A = arith.constant dense<0.000000e+00> : vector<1000x512xf32>
    %dot_general3A_11 = tpu.matmul %concatenate3A, %get3A_10, %dot_general3A {dimension_numbers = #tpu.dot_dimension_numbers<[1], [0], [0], [1], [0, 0, 1, 1], [], []>, transpose_lhs_hint = false} : vector<1000x192xf32>, vector<192x512xf32>, vector<1000x512xf32> -> vector<1000x512xf32>
    %get3A_12 = arith.constant 0 : index
    %get3A_13 = arith.constant 0 : index
    %get3A_14 = vector.load %arg5[%get3A_12, %get3A_13] : memref<1x512xf32, #tpu.memory_space<vmem>>, vector<1x512xf32>
    %add3A = vector.broadcast %get3A_14 : vector<1x512xf32> to vector<1000x512xf32>
    %add3A_15 = arith.addf %dot_general3A_11, %add3A : vector<1000x512xf32>
    %logistic3A = arith.negf %add3A_15 : vector<1000x512xf32>
    %logistic3A_16 = math.exp %logistic3A : vector<1000x512xf32>
    %logistic3A_17 = arith.constant 1.000000e+00 : f32
    %logistic3A_18 = vector.broadcast %logistic3A_17 : f32 to vector<1000x512xf32>
    %logistic3A_19 = arith.addf %logistic3A_18, %logistic3A_16 : vector<1000x512xf32>
    %logistic3A_20 = arith.divf %logistic3A_18, %logistic3A_19 : vector<1000x512xf32>
    %mul3A = arith.mulf %add3A_15, %logistic3A_20 : vector<1000x512xf32>
    %get3A_21 = arith.constant 0 : index
    %get3A_22 = arith.constant 0 : index
    %get3A_23 = vector.load %arg6[%get3A_21, %get3A_22] : memref<512x512xf32, #tpu.memory_space<vmem>>, vector<512x512xf32>
    %dot_general3A_24 = arith.constant dense<0.000000e+00> : vector<1000x512xf32>
    %dot_general3A_25 = tpu.matmul %mul3A, %get3A_23, %dot_general3A_24 {dimension_numbers = #tpu.dot_dimension_numbers<[1], [0], [0], [1], [0, 0, 1, 1], [], []>, transpose_lhs_hint = false} : vector<1000x512xf32>, vector<512x512xf32>, vector<1000x512xf32> -> vector<1000x512xf32>
    %get3A_26 = arith.constant 0 : index
    %get3A_27 = arith.constant 0 : index
    %get3A_28 = vector.load %arg7[%get3A_26, %get3A_27] : memref<1x512xf32, #tpu.memory_space<vmem>>, vector<1x512xf32>
    %add3A_29 = vector.broadcast %get3A_28 : vector<1x512xf32> to vector<1000x512xf32>
    %add3A_30 = arith.addf %dot_general3A_25, %add3A_29 : vector<1000x512xf32>
    %logistic3A_31 = arith.negf %add3A_30 : vector<1000x512xf32>
    %logistic3A_32 = math.exp %logistic3A_31 : vector<1000x512xf32>
    %logistic3A_33 = arith.constant 1.000000e+00 : f32
    %logistic3A_34 = vector.broadcast %logistic3A_33 : f32 to vector<1000x512xf32>
    %logistic3A_35 = arith.addf %logistic3A_34, %logistic3A_32 : vector<1000x512xf32>
    %logistic3A_36 = arith.divf %logistic3A_34, %logistic3A_35 : vector<1000x512xf32>
    %mul3A_37 = arith.mulf %add3A_30, %logistic3A_36 : vector<1000x512xf32>
    %get3A_38 = arith.constant 0 : index
    %get3A_39 = arith.constant 0 : index
    %get3A_40 = vector.load %arg8[%get3A_38, %get3A_39] : memref<512x512xf32, #tpu.memory_space<vmem>>, vector<512x512xf32>
    %dot_general3A_41 = arith.constant dense<0.000000e+00> : vector<1000x512xf32>
    %dot_general3A_42 = tpu.matmul %mul3A_37, %get3A_40, %dot_general3A_41 {dimension_numbers = #tpu.dot_dimension_numbers<[1], [0], [0], [1], [0, 0, 1, 1], [], []>, transpose_lhs_hint = false} : vector<1000x512xf32>, vector<512x512xf32>, vector<1000x512xf32> -> vector<1000x512xf32>
    %get3A_43 = arith.constant 0 : index
    %get3A_44 = arith.constant 0 : index
    %get3A_45 = vector.load %arg9[%get3A_43, %get3A_44] : memref<1x512xf32, #tpu.memory_space<vmem>>, vector<1x512xf32>
    %add3A_46 = vector.broadcast %get3A_45 : vector<1x512xf32> to vector<1000x512xf32>
    %add3A_47 = arith.addf %dot_general3A_42, %add3A_46 : vector<1000x512xf32>
    %logistic3A_48 = arith.negf %add3A_47 : vector<1000x512xf32>
    %logistic3A_49 = math.exp %logistic3A_48 : vector<1000x512xf32>
    %logistic3A_50 = arith.constant 1.000000e+00 : f32
    %logistic3A_51 = vector.broadcast %logistic3A_50 : f32 to vector<1000x512xf32>
    %logistic3A_52 = arith.addf %logistic3A_51, %logistic3A_49 : vector<1000x512xf32>
    %logistic3A_53 = arith.divf %logistic3A_51, %logistic3A_52 : vector<1000x512xf32>
    %mul3A_54 = arith.mulf %add3A_47, %logistic3A_53 : vector<1000x512xf32>
    %get3A_55 = arith.constant 0 : index
    %get3A_56 = arith.constant 0 : index
    %get3A_57 = vector.load %arg10[%get3A_55, %get3A_56] : memref<1x512xf32, #tpu.memory_space<vmem>>, vector<1x512xf32>
    %mul3A_58 = vector.broadcast %get3A_57 : vector<1x512xf32> to vector<1000x512xf32>
    %mul3A_59 = arith.mulf %mul3A_54, %mul3A_58 : vector<1000x512xf32>
    %reduce_sum3A = arith.constant dense<0.000000e+00> : vector<1000xf32>
    %reduce_sum3A_60 = vector.multi_reduction <add>, %mul3A_59, %reduce_sum3A [1] : vector<1000x512xf32> to vector<1000xf32>
    %broadcast_in_dim3A = vector.shape_cast %reduce_sum3A_60 : vector<1000xf32> to vector<1000x1xf32>
    %get3A_61 = arith.constant 0 : index
    %get3A_62 = arith.constant 0 : index
    %get3A_63 = vector.load %arg11[%get3A_61, %get3A_62] : memref<1x1xf32, #tpu.memory_space<vmem>>, vector<1x1xf32>
    %add3A_64 = vector.broadcast %get3A_63 : vector<1x1xf32> to vector<1000x1xf32>
    %add3A_65 = arith.addf %broadcast_in_dim3A, %add3A_64 : vector<1000x1xf32>
    %logistic3A_66 = arith.negf %add3A_65 : vector<1000x1xf32>
    %logistic3A_67 = math.exp %logistic3A_66 : vector<1000x1xf32>
    %logistic3A_68 = arith.constant 1.000000e+00 : f32
    %logistic3A_69 = vector.broadcast %logistic3A_68 : f32 to vector<1000x1xf32>
    %logistic3A_70 = arith.addf %logistic3A_69, %logistic3A_67 : vector<1000x1xf32>
    %logistic3A_71 = arith.divf %logistic3A_69, %logistic3A_70 : vector<1000x1xf32>
    %swap3A = arith.constant 0 : index
    %swap3A_72 = arith.constant 0 : index
    %swap3A_73 = vector.load %arg12[%swap3A, %swap3A_72] : memref<1000x1xf32, #tpu.memory_space<vmem>>, vector<1000x1xf32>
    tpu.vector_store %arg12[%swap3A, %swap3A_72], %logistic3A_71 {strides = array<i32>} : memref<1000x1xf32, #tpu.memory_space<vmem>>, vector<1000x1xf32>,
    return
  }
  func.func @transform_0(%arg0: i32) -> (i32, i32) {
    %c0_i32 = arith.constant 0 : i32
    %c0_i32_0 = arith.constant 0 : i32
    return %arg0, %c0_i32 : i32, i32
  }
  func.func @transform_1(%arg0: i32) -> (i32, i32) {
    %c0_i32 = arith.constant 0 : i32
    %c0_i32_0 = arith.constant 0 : i32
    return %arg0, %c0_i32 : i32, i32
  }
  func.func @transform_2(%arg0: i32) -> (i32, i32) {
    %c0_i32 = arith.constant 0 : i32
    %c0_i32_0 = arith.constant 0 : i32
    return %arg0, %c0_i32 : i32, i32
  }
  func.func @transform_3(%arg0: i32) -> (i32, i32) {
    %c0_i32 = arith.constant 0 : i32
    %c0_i32_0 = arith.constant 0 : i32
    %c0_i32_1 = arith.constant 0 : i32
    return %c0_i32, %c0_i32_0 : i32, i32
  }
  func.func @transform_4(%arg0: i32) -> (i32, i32) {
    %c0_i32 = arith.constant 0 : i32
    %c0_i32_0 = arith.constant 0 : i32
    %c0_i32_1 = arith.constant 0 : i32
    return %c0_i32, %c0_i32_0 : i32, i32
  }
  func.func @transform_5(%arg0: i32) -> (i32, i32) {
    %c0_i32 = arith.constant 0 : i32
    %c0_i32_0 = arith.constant 0 : i32
    %c0_i32_1 = arith.constant 0 : i32
    return %c0_i32, %c0_i32_0 : i32, i32
  }
  func.func @transform_6(%arg0: i32) -> (i32, i32) {
    %c0_i32 = arith.constant 0 : i32
    %c0_i32_0 = arith.constant 0 : i32
    %c0_i32_1 = arith.constant 0 : i32
    return %c0_i32, %c0_i32_0 : i32, i32
  }
  func.func @transform_7(%arg0: i32) -> (i32, i32) {
    %c0_i32 = arith.constant 0 : i32
    %c0_i32_0 = arith.constant 0 : i32
    %c0_i32_1 = arith.constant 0 : i32
    return %c0_i32, %c0_i32_0 : i32, i32
  }
  func.func @transform_8(%arg0: i32) -> (i32, i32) {
    %c0_i32 = arith.constant 0 : i32
    %c0_i32_0 = arith.constant 0 : i32
    %c0_i32_1 = arith.constant 0 : i32
    return %c0_i32, %c0_i32_0 : i32, i32
  }
  func.func @transform_9(%arg0: i32) -> (i32, i32) {
    %c0_i32 = arith.constant 0 : i32
    %c0_i32_0 = arith.constant 0 : i32
    %c0_i32_1 = arith.constant 0 : i32
    return %c0_i32, %c0_i32_0 : i32, i32
  }
  func.func @transform_10(%arg0: i32) -> (i32, i32) {
    %c0_i32 = arith.constant 0 : i32
    %c0_i32_0 = arith.constant 0 : i32
    %c0_i32_1 = arith.constant 0 : i32
    return %c0_i32, %c0_i32_0 : i32, i32
  }
  func.func @transform_11(%arg0: i32) -> (i32, i32) {
    %c0_i32 = arith.constant 0 : i32
    %c0_i32_0 = arith.constant 0 : i32
    return %arg0, %c0_i32 : i32, i32
  }
}

</mosaic_0001>

<sc_bundles>
// kernel: kernel.22.cloned.1.call-start
scs
__scs_entry_jumppad:
0x0: {  	(pc) =	sbr.rel $0x88, $3  }
0x1: {  	(tag) =	ssettag $0x0;
	lr =	simm.s32 $0x1  }
0x2: {  	[smem:$0x3F6E] =	sst lr;
	_ =	strace $0xD0000000  }
0x3: {  	_ = 	snop  }
0x4: {  	_ = 	snop  }
0x5: {  	_ = 	snop  }
0x6: {  	_ = 	snop  }
0x7: {  	_ = 	snop  }
__scs_overlays_trampoline_lowered:
0x8: {  	[smem:$0x3F7D] =	sst s0  }
0x9: {  	[smem:$0x3F7E] =	sst s1  }
0xa: {  	[smem:$0x3F7F] =	sst s2  }
0xb: {  	[smem:$0x3F80] =	sst s3  }
0xc: {  	[smem:$0x3F81] =	sst s4  }
0xd: {  	[smem:$0x3F82] =	sst s5  }
0xe: {  	[smem:$0x3F83] =	sst s6  }
0xf: {  	[smem:$0x3F84] =	sst s7  }
0x10: {  	[smem:$0x3F85] =	sst s8  }
0x11: {  	[smem:$0x3F86] =	sst s9;
	s0 =	simm.s32 @!p0 $0x0  }
0x12: {  	s1 =	sld [smem:$0x3F6C];
	s0 =	simm.s32 @p0 $0x1  }
0x13: {  	[smem:$0x3F87] =	sst s0;
	s0 =	simm.s32 @!p1 $0x0  }
0x14: {  	s2 =	sld [smem:$0x3F6B];
	s0 =	simm.s32 @p1 $0x1  }
0x15: {  	[smem:$0x3F88] =	sst s0;
	s0 =	simm.s32 @!p2 $0x0  }
0x16: {  	s3 =	sld [smem:$0x3FDB];
	s0 =	simm.s32 @p2 $0x1  }
0x17: {  	s4 =	simm.s32 $0x1BF5;
	[smem:$0x3F8A] =	sst s0  }
0x18: {  	s0 =	sld [smem:$0x3F6D];
	_ =	swait.ge [sflag:s4], $0x0  }
0x19: {  	s7 =	sld [smem:$0x3F6E]  }
0x1a: {  	s8 =	sadd.s32 $0xFFFFE003, lr  }
0x1b: {  	s9 =	sadd.s32 $0xFFFFFEF7, lr;
	s5 =	simm.s32 $0xFFFFFFFF;
	p2 =	slt.u32 s8, $0xFFFFF086  }
0x1c: {  	p1 =	slt.u32 s9, $0xF7A;
	s5 =	simm.s32 @!p2 $0x0  }
0x1d: {  	s5 =	simm.s32 @p1 $0x1;
	p0 =	seq.s32 s7, s2  }
0x1e: {  	s7 =	smul.u32 @!p0 $0xF7A, s2;
	p2 =	seq.s32 @!p0 s5, $0x0  }
0x1f: {  	s9 =	smul.u32 $0xF7A, s1;
	s8 =	simm.s32 @!p0 $0x1BF5;
	p2 =	por !p2, p0  }
0x20: {  	[sflag:s8] =	ssyncset.s32 @!p0 $0xFFFFF086;
	s6 =	sadd.s32 @!p0 s3, s7;
	s7 =	simm.s32 @!p0 $0x108  }
0x21: {  	s3 =	sadd.s32 s3, s9;
	s6 =	sadd.s32 @!p0 $0x88, s6;
	s7 =	simm.s32 @p2 $0x1082  }
0x22: {  	[simem:s7], [sflag:s8] =	dma.local @!p0 [hbm:s6], $0xF7A  }
0x23: {  	s9 =	sor.u32 $0xD0000000, s2;
	s6 =	simm.s32 $0x108;
	_ =	swait.ge @!p0 [sflag:s8], $0x0  }
0x24: {  	s3 =	sadd.s32 $0x88, s3;
	s6 =	simm.s32 @!p1 $0x1082;
	[sflag:s4] =	ssyncset.s32 $0xFFFFF086  }
0x25: {  	[simem:s6], [sflag:s4] =	dma.local [hbm:s3], $0xF7A  }
0x26: {  	[smem:$0x3F6E] =	sst s1;
	(tag) =	ssettag s2;
	_ =	strace s9  }
0x27: {  	s1 =	sld [smem:$0x3F7E]  }
0x28: {  	s2 =	sld [smem:$0x3F7F]  }
0x29: {  	s4 =	sld [smem:$0x3F81]  }
0x2a: {  	p0 =	seq.s32 s5, $0x0;
	s5 =	sld [smem:$0x3F82]  }
0x2b: {  	s6 =	sld [smem:$0x3F83]  }
0x2c: {  	s7 =	sld [smem:$0x3F84]  }
0x2d: {  	s3 =	simm.s32 $0x108;
	s8 =	sld [smem:$0x3F85]  }
0x2e: {  	s3 =	simm.s32 @!p0 $0x1082;
	s9 =	sld [smem:$0x3F86]  }
0x2f: {  	lr =	sadd.s32 s0, s3;
	s0 =	sld [smem:$0x3F7D]  }
0x30: {  	s3 =	sld [smem:$0x3F80]  }
0x31: {  	[smem:$0x3F89] =	sst s10  }
0x32: {  	s10 =	sld [smem:$0x3F87];
	_ =	sdelay $0x3  }
0x33: {  	p0 =	seq.s32 s10, $0x1;
	s10 =	sld [smem:$0x3F89];
	_ =	sdelay $0x3  }
0x34: {  	[smem:$0x3F89] =	sst s10  }
0x35: {  	s10 =	sld [smem:$0x3F88];
	_ =	sdelay $0x3  }
0x36: {  	p1 =	seq.s32 s10, $0x1;
	s10 =	sld [smem:$0x3F89];
	_ =	sdelay $0x3  }
0x37: {  	[smem:$0x3F89] =	sst s10  }
0x38: {  	s10 =	sld [smem:$0x3F8A]  }
0x39: {  	_ = 	snop;
	(pc) =	sbr.ind lr, $3  }
0x3a: {  	_ = 	snop  }
0x3b: {  	_ = 	snop  }
0x3c: {  	p2 =	seq.s32 s10, $0x1;
	s10 =	sld [smem:$0x3F89]  }
0x3d: {  	_ =	shalt  }
0x3e: {  	_ =	shalt  }
0x3f: {  	_ =	shalt  }
0x40: {  	_ =	shalt  }
0x41: {  	_ =	shalt  }
0x42: {  	_ =	shalt  }
0x43: {  	_ =	shalt  }
0x44: {  	_ =	shalt  }
0x45: {  	_ =	shalt  }
0x46: {  	_ =	shalt  }
0x47: {  	_ =	shalt  }
0x48: {  	_ =	shalt  }
0x49: {  	_ =	shalt  }
0x4a: {  	_ =	shalt  }
0x4b: {  	_ =	shalt  }
0x4c: {  	_ =	shalt  }
0x4d: {  	_ =	shalt  }
0x4e: {  	_ =	shalt  }
0x4f: {  	_ =	shalt  }
0x50: {  	_ =	shalt  }
0x51: {  	_ =	shalt  }
0x52: {  	_ =	shalt  }
0x53: {  	_ =	shalt  }
0x54: {  	_ =	shalt  }
0x55: {  	_ =	shalt  }
0x56: {  	_ =	shalt  }
0x57: {  	_ =	shalt  }
0x58: {  	_ =	shalt  }
0x59: {  	_ =	shalt  }
0x5a: {  	_ =	shalt  }
0x5b: {  	_ =	shalt  }
0x5c: {  	_ =	shalt  }
0x5d: {  	_ =	shalt  }
0x5e: {  	_ =	shalt  }
0x5f: {  	_ =	shalt  }
0x60: {  	_ =	shalt  }
0x61: {  	_ =	shalt  }
0x62: {  	_ =	shalt  }
0x63: {  	_ =	shalt  }
0x64: {  	_ =	shalt  }
0x65: {  	_ =	shalt  }
0x66: {  	_ =	shalt  }
0x67: {  	_ =	shalt  }
0x68: {  	_ =	shalt  }
0x69: {  	_ =	shalt  }
0x6a: {  	_ =	shalt  }
0x6b: {  	_ =	shalt  }
0x6c: {  	_ =	shalt  }
0x6d: {  	_ =	shalt  }
0x6e: {  	_ =	shalt  }
0x6f: {  	_ =	shalt  }
0x70: {  	_ =	shalt  }
0x71: {  	_ =	shalt  }
0x72: {  	_ =	shalt  }
0x73: {  	_ =	shalt  }
0x74: {  	_ =	shalt  }
0x75: {  	_ =	shalt  }
0x76: {  	_ =	shalt  }
0x77: {  	_ =	shalt  }
0x78: {  	_ =	shalt  }
0x79: {  	_ =	shalt  }
0x7a: {  	_ =	shalt  }
0x7b: {  	_ =	shalt  }
0x7c: {  	_ =	shalt  }
0x7d: {  	_ =	shalt  }
0x7e: {  	_ =	shalt  }
0x7f: {  	_ =	shalt  }
0x80: {  	_ =	shalt  }
0x81: {  	_ =	shalt  }
0x82: {  	_ =	shalt  }
0x83: {  	_ =	shalt  }
0x84: {  	_ =	shalt  }
0x85: {  	_ =	shalt  }
0x86: {  	_ =	shalt  }
0x87: {  	_ =	shalt  }
.Lfunc_end0:
.L_simem_size_0:
called_computation_lowered:
.L_overlay_start_0:
0x88: {  	s2 =	sld [smem:$0x3FD9]  }
0x89: {  	s3 =	sld [smem:$0x3FFE];
	_ =	sdelay $0x1  }
0x8a: {  	s1 =	srdreg.scid  }
0x8b: {  	s0 =	sand.u32 $0x1, s1  }
0x8c: {  	s17 =	sshll.u32 s0, $0xA;
	s2 =	sadd.s32 s3, s2  }
0x8d: {  	s2 =	sadd.s32 s2, s17  }
0x8e: {  	[smem:$0x3F95] =	sst s2  }
0x8f: {  	_ = 	snop  }
0x90: {  	(tm) =	ssettm $0x1  }
0x91: {  	s18 =	sld [smem:$0x3FFB];
	_ =	sdelay $0x3  }
0x92: {  	_ =	strace s18  }
0x93: {  	s2 =	sld [smem:$0x3FFC];
	_ =	sdelay $0x3  }
0x94: {  	_ =	strace s2  }
0x95: {  	s2 =	sld [smem:$0x3FFD];
	_ =	sdelay $0x3  }
0x96: {  	_ =	strace s2  }
0x97: {  	_ =	strace $0x8FFFFFFF  }
0x98: {  	s19 =	sld [smem:$0x3FDB];
	_ =	sdelay $0x1  }
0x99: {  	s20 =	simm.s32 $_scs_section_size  }
0x9a: {  	s4 =	simm.s32 $_size__tile_overlayer_lowered;
	s5 =	simm.s32 $_tile_overlayer_lowered  }
0x9b: {  	s6 =	simm.s32 $0x1BFF;
	s21 =	sshll.u32 s5, $0x1;
	s3 =	sadd.s32 s20, s19  }
0x9c: {  	s22 =	simm.s32 $0x0;
	s4 =	sshll.u32 s4, $0x1;
	s5 =	sadd.s32 s21, s3  }
0x9d: {  	[timem:s22], [sflag:s6] =	dma.local [hbm:s5], s4  }
0x9e: {  	_ =	swait.ge [sflag:s6], s4  }
0x9f: {  	s4 =	ssub.s32 $0x0, s4;
	[sflag:s6] =	ssyncset.done $0x0  }
0xa0: {  	[sflag:s6] =	ssyncadd.s32 s4;
	_ =	sdelay $0x1  }
0xa1: {  	s23 =	simm.s32 $0x1B8B  }
0xa2: {  	_ =	swait.ge [sflag:s23], $0x1  }
0xa3: {  	[sflag:s23] =	ssyncset.done $0x0  }
0xa4: {  	[sflag:s23] =	ssyncadd.s32 $0xFFFFFFFF  }
0xa5: {  	s4 =	sld [smem:$0x0]  }
0xa6: {  	s5 =	sand.u32 $0xFFFFFFFE, s1  }
0xa7: {  	p0 =	sne.s32 s1, s5  }
0xa8: {  	s5 =	sshll.u32 @p0 s5, $0xE  }
0xa9: {  	s5 =	sadd.s32 @p0 $0x11B8D, s5;
	s6 =	sshll.u32 @p0 s4, $0x11  }
0xaa: {  	s5 =	sor.u32 @p0 s6, s5  }
0xab: {  	[sflag:s5] =	ssyncadd.remote.s32 @p0 $0x1;
	_ =	sdelay $0x1  }
0xac: {  	s5 =	simm.s32 @p0 $0x1B8D  }
0xad: {  	_ =	swait.eq @p0 [sflag:s5], $0x1  }
0xae: {  	[sflag:s5] =	ssyncadd.s32 @p0 $0xFFFFFFFF  }
0xaf: {  	s6 =	sshll.u32 @!p0 s1, $0xE  }
0xb0: {  	s6 =	sor.u32 @!p0 $0x4000, s6;
	s5 =	simm.s32 @!p0 $0x1B8D  }
0xb1: {  	s4 =	sshll.u32 @!p0 s4, $0x11;
	s6 =	sadd.s32 @!p0 $0x11B8D, s6;
	_ =	swait.eq @!p0 [sflag:s5], $0x1  }
0xb2: {  	s4 =	sor.u32 @!p0 s4, s6;
	[sflag:s5] =	ssyncadd.s32 @!p0 $0xFFFFFFFF  }
0xb3: {  	s25 =	simm.s32 $0x1B8E;
	s24 =	sld [smem:$0x3FFE];
	[sflag:s4] =	ssyncadd.remote.s32 @!p0 $0x1  }
0xb4: {  	s26 =	simm.s32 $execute0_lowered;
	[smem:$0x3FD2] =	sst s25  }
0xb5: {  	s5 =	sshll.u32 s26, $0x1;
	_ =	strace $0x80000049;
	[dreg:$0x1] =	wrdreg $0xFFFFFFFF  }
0xb6: {  	s28 =	simm.s32 $_size_execute0_lowered;
	s3 =	sadd.s32 s3, s5;
	[dreg:$0x0] =	wrdreg $0x0  }
0xb7: {  	s5 =	sshll.u32 s28, $0x1;
	[dreg:$0x2] =	wrdreg s3  }
0xb8: {  	[dreg:$0x3] =	wrdreg s5  }
0xb9: {  	[dreg:$0x4] =	wrdreg $0xC0  }
0xba: {  	_ =	task [dreg:s22], $0x5FFFF  }
0xbb: {  	[dreg:$0x1] =	wrdreg $0xFFFFFFFF  }
0xbc: {  	[dreg:$0x0] =	wrdreg $0x60  }
0xbd: {  	[dreg:$0x2] =	wrdreg s24  }
0xbe: {  	[dreg:$0x3] =	wrdreg $0x9  }
0xbf: {  	_ =	task.clear_ibuf [dreg:s22], $0x4FFFF;
	_ =	strace $0x90000049  }
0xc0: {  	s29 =	simm.s32 $0x9;
	_ =	strace $0x8000004B  }
0xc1: {  	_ =	swait.ge [sflag:s29], $0x1  }
0xc2: {  	[sflag:s29] =	ssyncadd.s32 $0xFFFFFFFF  }
0xc3: {  	_ =	strace $0x9000004B  }
0xc4: {  	_ =	sfence  }
0xc5: {  	s30 =	sld [smem:$0x0];
	_ =	sdelay $0x2  }
0xc6: {  	s31 =	sshll.u32 s1, $0xD;
	s1 =	sshrl.u32 s1, $0x2  }
0xc7: {  	s4 =	sand.u32 $0x4000, s31;
	s1 =	sadd.s32 s1, s30  }
0xc8: {  	s0 =	sor.u32 s4, s0;
	s1 =	sshll.u32 s1, $0x11  }
0xc9: {  	s0 =	sor.u32 s1, s0  }
0xca: {  	s0 =	sadd.s32 $0x8F2B, s0  }
0xcb: {  	[sflag:s0] =	ssyncadd.remote.s32 $0x1  }
0xcc: {  	_ =	sfence.sel $0xFFFF  }
0xcd: {  	[dreg:$0x0] =	wrdreg $0xFFFFFFFF;
	(pc) =	sbr.abs _section_cstart, $3  }
0xce: {  	[dreg:$0x1] =	wrdreg $0xFFFFFFFF  }
0xcf: {  	_ =	task.clear_ibuf [dreg:s22], $0x2FFFF;
	_ =	strace $0x9FFFFFFF  }
0xd0: {  	(tm) =	ssettm $0x7FFFFFFF  }
0xd1: {  	_ =	shalt  }
tec
execute0_lowered:
.L_overlay_start_1:
0x0: {  	(tag) =	ssettag $0x1  }
0x1: {  	s0 =	srdreg.scid  }
0x2: {  	s10 =	stileid.u32;
	s1 =	rddreg [dreg:$0x0];
	s2 =	simm.s32 $0x0  }
0x3: {  	s19 =	simm.s32 $0x5;
	s20 =	simm.s32 $0x1400;
	s28 =	simm.s32 $0x1  }
0x4: {  	s29 =	simm.s32 $0x3;
	s31 =	simm.s32 $0x0;
	s0 =	sand.u32 $0x1, s0  }
0x5: {  	s3 =	sshll.u32 s10, $0x1;
	[smem:$0x7FF] =	sst s2;
	s25 =	smul.u32 $0x140000, s10  }
0x6: {  	s4 =	sor.u32 s0, s3;
	s6 =	ssub.s32 $0x2, s0;
	s0 =	smul.u32 $0xA0000, s0  }
0x7: {  	_ =	strace $0x8000004A;
	s3 =	sadd.s32 $0x1E200, s1;
	s5 =	smul.u32 $0x280, s4  }
0x8: {  	s8 =	sshrl.u32 s6, $0x1;
	s9 =	smul.u32 $0xA0000, s4;
	s4 =	sadd.s32 $0x54F400, s1  }
0x9: {  	s21 =	ssub.s32 s6, s8;
	s0 =	sadd.s32 s0, s25;
	s7 =	sadd.s32 s5, s1  }
0xa: {  	s5 =	sadd.s32 $0x7CF400, s1;
	s24 =	sshrl.u32 s9, $0x3;
	s1 =	smax.u32 s21, $0x1  }
0xb: {  	s21 =	simm.s32 $0x80;
	s22 =	sadd.s32 $0x54A400, s7;
	s23 =	sadd.s32 $0x545400, s7  }
0xc: {  	[dreg:$0x4] =	wrdreg s1;
	s9 =	sadd.s32 s4, s24;
	s10 =	sadd.s32 s5, s24  }
0xd: {  	s26 =	sor.u32 $0x800, s24;
	s30 =	sadd.s32 $0x13000, s24;
	s6 =	sadd.s32 $0x13800, s24  }
0xe: {  	s1 =	sor.u32 $0x8000, s0;
	s0 =	sor.u32 $0xC000, s0;
	[dreg:$0x2] =	wrdreg s22  }
0xf: {  	s24 =	simm.s32 $0xA800;
	[dreg:$0x3] =	wrdreg s23;
	s11 =	sadd.s32 s4, s26  }
0x10: {  	s12 =	sadd.s32 s5, s26;
	s13 =	sadd.s32 s4, s30;
	s14 =	sadd.s32 s5, s30  }
0x11: {  	s15 =	sadd.s32 s4, s6;
	s16 =	sadd.s32 s5, s6;
	s17 =	sshrl.u32 s1, $0x3  }
0x12: {  	s18 =	sshrl.u32 s0, $0x3;
	s22 =	simm.s32 $0x2800;
	s23 =	simm.s32 $0x6800  }
0x13: {  	s26 =	simm.s32 $0xE800;
	s1 =	simm.s32 $0x2;
	s0 =	simm.s32 $0x4  }
.LBB2_1:
0x14: {  	s6 =	rddreg [dreg:$0x2]  }
0x15: {  	[tilespmem:s2], [sflag:$0x5] =	stream.linear.gather [hbm4b:s6+s2], $0x1400, $0x38;
	[tilespmem:$0x12800] =	vst v63  }
0x16: {  	_ =	swait.ge [sflag:s19], $0x1400  }
0x17: {  	[sflag:s19] =	ssyncset.done $0x0  }
0x18: {  	s8 =	rddreg [dreg:$0x3];
	[sflag:s19] =	ssyncadd.s32 $0xFFFFEC00  }
0x19: {  	[tilespmem:s20], [sflag:$0x5] =	stream.linear.gather [hbm4b:s8+s2], $0x1400, $0x38;
	[tilespmem:$0x12800] =	vst v63  }
0x1a: {  	_ =	swait.ge [sflag:s19], $0x1400  }
0x1b: {  	[sflag:s19] =	ssyncset.done $0x0  }
0x1c: {  	[sflag:s19] =	ssyncadd.s32 $0xFFFFEC00  }
0x1d: {  	[tilespmem:s22], [sflag:$0x1] =	stream.indirect.gather [hbm4b:s3+s21], $0x80, s2, s21, $0xb8;
	[tilespmem:$0x12800] =	vst v63  }
0x1e: {  	_ = 	snop  }
0x1f: {  	[tilespmem:s23], [sflag:$0x1] =	stream.indirect.gather [hbm4b:s3+s21], $0x80, s20, s21, $0xb8;
	[tilespmem:$0x12800] =	vst v63  }
0x20: {  	_ = 	snop  }
0x21: {  	[tilespmem:s24], [sflag:$0x2] =	stream.indirect.gather [hbm4b:s3+s21], $0x80, s21, s21, $0xb8;
	[tilespmem:$0x12800] =	vst v63  }
0x22: {  	s25 =	simm.s32 $0x1480  }
0x23: {  	[tilespmem:s26], [sflag:$0x2] =	stream.indirect.gather [hbm4b:s3+s21], $0x80, s25, s21, $0xb8;
	[tilespmem:$0x12800] =	vst v63  }
0x24: {  	_ =	swait.ge [sflag:s28], $0x4000  }
0x25: {  	[sflag:s28] =	ssyncset.done $0x0  }
0x26: {  	[sflag:s28] =	ssyncadd.s32 $0xFFFFC000  }
0x27: {  	_ =	swait.ge [sflag:s28], $0x4000  }
0x28: {  	[sflag:s28] =	ssyncset.done $0x0  }
0x29: {  	[sflag:s28] =	ssyncadd.s32 $0xFFFFC000  }
0x2a: {  	[hbm4b:s9+s2] =	stream.linear.scatter [tilespmem:s22], [sflag:$0x3], $0x4000, $0x38;
	[tilespmem:$0x12800] =	vst v63  }
0x2b: {  	_ = 	snop  }
0x2c: {  	[hbm4b:s10+s2] =	stream.linear.scatter [tilespmem:s23], [sflag:$0x3], $0x4000, $0x38;
	[tilespmem:$0x12800] =	vst v63  }
0x2d: {  	_ =	swait.ge [sflag:s29], $0x4000  }
0x2e: {  	[sflag:s29] =	ssyncset.done $0x0  }
0x2f: {  	[sflag:s29] =	ssyncadd.s32 $0xFFFFC000  }
0x30: {  	_ =	swait.ge [sflag:s29], $0x4000  }
0x31: {  	[sflag:s29] =	ssyncset.done $0x0  }
0x32: {  	s7 =	simm.s32 $0x100;
	[sflag:s29] =	ssyncadd.s32 $0xFFFFC000  }
0x33: {  	[tilespmem:s22], [sflag:$0x1] =	stream.indirect.gather [hbm4b:s3+s21], $0x80, s7, s21, $0xb8;
	[tilespmem:$0x12800] =	vst v63  }
0x34: {  	s8 =	simm.s32 $0x1500  }
0x35: {  	[tilespmem:s23], [sflag:$0x1] =	stream.indirect.gather [hbm4b:s3+s21], $0x80, s8, s21, $0xb8;
	[tilespmem:$0x12800] =	vst v63  }
0x36: {  	_ =	swait.ge [sflag:s1], $0x4000  }
0x37: {  	[sflag:s1] =	ssyncset.done $0x0  }
0x38: {  	[sflag:s1] =	ssyncadd.s32 $0xFFFFC000  }
0x39: {  	_ =	swait.ge [sflag:s1], $0x4000  }
0x3a: {  	[sflag:s1] =	ssyncset.done $0x0  }
0x3b: {  	[sflag:s1] =	ssyncadd.s32 $0xFFFFC000  }
0x3c: {  	[hbm4b:s11+s2] =	stream.linear.scatter [tilespmem:s24], [sflag:$0x4], $0x4000, $0x38;
	[tilespmem:$0x12800] =	vst v63  }
0x3d: {  	_ = 	snop  }
0x3e: {  	[hbm4b:s12+s2] =	stream.linear.scatter [tilespmem:s26], [sflag:$0x4], $0x4000, $0x38;
	[tilespmem:$0x12800] =	vst v63  }
0x3f: {  	_ =	swait.ge [sflag:s0], $0x4000  }
0x40: {  	[sflag:s0] =	ssyncset.done $0x0  }
0x41: {  	[sflag:s0] =	ssyncadd.s32 $0xFFFFC000  }
0x42: {  	_ =	swait.ge [sflag:s0], $0x4000  }
0x43: {  	[sflag:s0] =	ssyncset.done $0x0  }
0x44: {  	s25 =	simm.s32 $0x180;
	[sflag:s0] =	ssyncadd.s32 $0xFFFFC000  }
0x45: {  	[tilespmem:s24], [sflag:$0x2] =	stream.indirect.gather [hbm4b:s3+s21], $0x80, s25, s21, $0xb8;
	[tilespmem:$0x12800] =	vst v63  }
0x46: {  	s7 =	simm.s32 $0x1580  }
0x47: {  	[tilespmem:s26], [sflag:$0x2] =	stream.indirect.gather [hbm4b:s3+s21], $0x80, s7, s21, $0xb8;
	[tilespmem:$0x12800] =	vst v63  }
0x48: {  	_ =	swait.ge [sflag:s28], $0x4000  }
0x49: {  	[sflag:s28] =	ssyncset.done $0x0  }
0x4a: {  	[sflag:s28] =	ssyncadd.s32 $0xFFFFC000  }
0x4b: {  	_ =	swait.ge [sflag:s28], $0x4000  }
0x4c: {  	[sflag:s28] =	ssyncset.done $0x0  }
0x4d: {  	s8 =	sadd.s32 s4, s17;
	[sflag:s28] =	ssyncadd.s32 $0xFFFFC000  }
0x4e: {  	[hbm4b:s8+s2] =	stream.linear.scatter [tilespmem:s22], [sflag:$0x3], $0x4000, $0x38;
	[tilespmem:$0x12800] =	vst v63  }
0x4f: {  	s25 =	sadd.s32 s5, s17  }
0x50: {  	[hbm4b:s25+s2] =	stream.linear.scatter [tilespmem:s23], [sflag:$0x3], $0x4000, $0x38;
	[tilespmem:$0x12800] =	vst v63  }
0x51: {  	_ =	swait.ge [sflag:s29], $0x4000  }
0x52: {  	[sflag:s29] =	ssyncset.done $0x0  }
0x53: {  	[sflag:s29] =	ssyncadd.s32 $0xFFFFC000  }
0x54: {  	_ =	swait.ge [sflag:s29], $0x4000  }
0x55: {  	[sflag:s29] =	ssyncset.done $0x0  }
0x56: {  	s7 =	simm.s32 $0x200;
	[sflag:s29] =	ssyncadd.s32 $0xFFFFC000  }
0x57: {  	[tilespmem:s22], [sflag:$0x1] =	stream.indirect.gather [hbm4b:s3+s21], $0x80, s7, s21, $0xb8;
	[tilespmem:$0x12800] =	vst v63  }
0x58: {  	s8 =	simm.s32 $0x1600  }
0x59: {  	[tilespmem:s23], [sflag:$0x1] =	stream.indirect.gather [hbm4b:s3+s21], $0x80, s8, s21, $0xb8;
	[tilespmem:$0x12800] =	vst v63  }
0x5a: {  	_ =	swait.ge [sflag:s1], $0x4000  }
0x5b: {  	[sflag:s1] =	ssyncset.done $0x0  }
0x5c: {  	[sflag:s1] =	ssyncadd.s32 $0xFFFFC000  }
0x5d: {  	_ =	swait.ge [sflag:s1], $0x4000  }
0x5e: {  	[sflag:s1] =	ssyncset.done $0x0  }
0x5f: {  	s30 =	sadd.s32 $0x1000, s5;
	s25 =	sadd.s32 s4, s18;
	[sflag:s1] =	ssyncadd.s32 $0xFFFFC000  }
0x60: {  	[hbm4b:s25+s2] =	stream.linear.scatter [tilespmem:s24], [sflag:$0x4], $0x4000, $0x38;
	[tilespmem:$0x12800] =	vst v63  }
0x61: {  	s6 =	sadd.s32 $0x1000, s4;
	s7 =	sadd.s32 s5, s18;
	s25 =	simm.s32 $0x400  }
.LBB2_2:
0x62: {  	[hbm4b:s7+s2] =	stream.linear.scatter [tilespmem:s26], [sflag:$0x4], $0x4000, $0x38;
	[tilespmem:$0x12800] =	vst v63  }
0x63: {  	s7 =	smov.u32 s25  }
0x64: {  	p0 =	sne.s32 s25, $0x4400;
	s25 =	sadd.s32 $0x400, s25;
	_ =	swait.ge [sflag:s0], $0x4000  }
0x65: {  	[sflag:s0] =	ssyncset.done $0x0  }
0x66: {  	[sflag:s0] =	ssyncadd.s32 $0xFFFFC000  }
0x67: {  	_ =	swait.ge [sflag:s0], $0x4000  }
0x68: {  	s7 =	sshra.s32 s7, $0x2;
	[sflag:s0] =	ssyncset.done $0x0  }
0x69: {  	s8 =	sadd.s32 $0x180, s7;
	[sflag:s0] =	ssyncadd.s32 $0xFFFFC000  }
0x6a: {  	[tilespmem:s24], [sflag:$0x2] =	stream.indirect.gather [hbm4b:s3+s21], $0x80, s8, s21, $0xb8;
	[tilespmem:$0x12800] =	vst v63  }
0x6b: {  	s8 =	sadd.s32 $0x1580, s7  }
0x6c: {  	[tilespmem:s26], [sflag:$0x2] =	stream.indirect.gather [hbm4b:s3+s21], $0x80, s8, s21, $0xb8;
	[tilespmem:$0x12800] =	vst v63  }
0x6d: {  	_ =	swait.ge [sflag:s28], $0x4000  }
0x6e: {  	[sflag:s28] =	ssyncset.done $0x0  }
0x6f: {  	[sflag:s28] =	ssyncadd.s32 $0xFFFFC000  }
0x70: {  	_ =	swait.ge [sflag:s28], $0x4000  }
0x71: {  	[sflag:s28] =	ssyncset.done $0x0  }
0x72: {  	s8 =	sadd.s32 s6, s17;
	[sflag:s28] =	ssyncadd.s32 $0xFFFFC000  }
0x73: {  	[hbm4b:s8+s2] =	stream.linear.scatter [tilespmem:s22], [sflag:$0x3], $0x4000, $0x38;
	[tilespmem:$0x12800] =	vst v63  }
0x74: {  	s8 =	sadd.s32 s30, s17  }
0x75: {  	[hbm4b:s8+s2] =	stream.linear.scatter [tilespmem:s23], [sflag:$0x3], $0x4000, $0x38;
	[tilespmem:$0x12800] =	vst v63  }
0x76: {  	_ =	swait.ge [sflag:s29], $0x4000  }
0x77: {  	[sflag:s29] =	ssyncset.done $0x0  }
0x78: {  	[sflag:s29] =	ssyncadd.s32 $0xFFFFC000  }
0x79: {  	_ =	swait.ge [sflag:s29], $0x4000  }
0x7a: {  	[sflag:s29] =	ssyncset.done $0x0  }
0x7b: {  	s8 =	sadd.s32 $0x200, s7;
	[sflag:s29] =	ssyncadd.s32 $0xFFFFC000  }
0x7c: {  	[tilespmem:s22], [sflag:$0x1] =	stream.indirect.gather [hbm4b:s3+s21], $0x80, s8, s21, $0xb8;
	[tilespmem:$0x12800] =	vst v63  }
0x7d: {  	s7 =	sadd.s32 $0x1600, s7  }
0x7e: {  	[tilespmem:s23], [sflag:$0x1] =	stream.indirect.gather [hbm4b:s3+s21], $0x80, s7, s21, $0xb8;
	[tilespmem:$0x12800] =	vst v63  }
0x7f: {  	_ =	swait.ge [sflag:s1], $0x4000  }
0x80: {  	[sflag:s1] =	ssyncset.done $0x0  }
0x81: {  	[sflag:s1] =	ssyncadd.s32 $0xFFFFC000  }
.Ltmp0:
0x82: {  	_ =	swait.ge [sflag:s1], $0x4000;
	(pc) =	sbr.rel @p0 .LBB2_2-.Ltmp0, $4  }
0x83: {  	[sflag:s1] =	ssyncset.done $0x0  }
0x84: {  	s7 =	sadd.s32 s6, s18;
	[sflag:s1] =	ssyncadd.s32 $0xFFFFC000  }
0x85: {  	[hbm4b:s7+s2] =	stream.linear.scatter [tilespmem:s24], [sflag:$0x4], $0x4000, $0x38;
	[tilespmem:$0x12800] =	vst v63  }
0x86: {  	s6 =	sadd.s32 $0x1000, s6;
	s7 =	sadd.s32 s30, s18;
	s30 =	sadd.s32 $0x1000, s30  }
0x87: {  	[hbm4b:s7+s2] =	stream.linear.scatter [tilespmem:s26], [sflag:$0x4], $0x4000, $0x38;
	[tilespmem:$0x12800] =	vst v63  }
0x88: {  	_ =	swait.ge [sflag:s0], $0x4000  }
0x89: {  	[sflag:s0] =	ssyncset.done $0x0  }
0x8a: {  	[sflag:s0] =	ssyncadd.s32 $0xFFFFC000  }
0x8b: {  	_ =	swait.ge [sflag:s0], $0x4000  }
0x8c: {  	[sflag:s0] =	ssyncset.done $0x0  }
0x8d: {  	s6 =	simm.s32 $0x1380;
	[sflag:s0] =	ssyncadd.s32 $0xFFFFC000  }
0x8e: {  	[tilespmem:s24], [sflag:$0x2] =	stream.indirect.gather [hbm4b:s3+s21], $0x80, s6, s21, $0xb8;
	[tilespmem:$0x12800] =	vst v63  }
0x8f: {  	s25 =	simm.s32 $0x2780  }
0x90: {  	[tilespmem:s26], [sflag:$0x2] =	stream.indirect.gather [hbm4b:s3+s21], $0x80, s25, s21, $0xb8;
	[tilespmem:$0x12800] =	vst v63  }
0x91: {  	_ =	swait.ge [sflag:s28], $0x4000  }
0x92: {  	[sflag:s28] =	ssyncset.done $0x0  }
0x93: {  	[sflag:s28] =	ssyncadd.s32 $0xFFFFC000  }
0x94: {  	_ =	swait.ge [sflag:s28], $0x4000  }
0x95: {  	[sflag:s28] =	ssyncset.done $0x0  }
0x96: {  	[sflag:s28] =	ssyncadd.s32 $0xFFFFC000  }
0x97: {  	[hbm4b:s13+s2] =	stream.linear.scatter [tilespmem:s22], [sflag:$0x3], $0x4000, $0x38;
	[tilespmem:$0x12800] =	vst v63  }
0x98: {  	_ = 	snop  }
0x99: {  	[hbm4b:s14+s2] =	stream.linear.scatter [tilespmem:s23], [sflag:$0x3], $0x4000, $0x38;
	[tilespmem:$0x12800] =	vst v63  }
0x9a: {  	_ =	swait.ge [sflag:s1], $0x4000  }
0x9b: {  	[sflag:s1] =	ssyncset.done $0x0  }
0x9c: {  	[sflag:s1] =	ssyncadd.s32 $0xFFFFC000  }
0x9d: {  	_ =	swait.ge [sflag:s1], $0x4000  }
0x9e: {  	[sflag:s1] =	ssyncset.done $0x0  }
0x9f: {  	[sflag:s1] =	ssyncadd.s32 $0xFFFFC000  }
0xa0: {  	[hbm4b:s15+s2] =	stream.linear.scatter [tilespmem:s24], [sflag:$0x4], $0x4000, $0x38;
	[tilespmem:$0x12800] =	vst v63  }
0xa1: {  	_ = 	snop  }
0xa2: {  	[hbm4b:s16+s2] =	stream.linear.scatter [tilespmem:s26], [sflag:$0x4], $0x4000, $0x38;
	[tilespmem:$0x12800] =	vst v63  }
0xa3: {  	_ =	swait.ge [sflag:s29], $0x4000  }
0xa4: {  	[sflag:s29] =	ssyncset.done $0x0  }
0xa5: {  	[sflag:s29] =	ssyncadd.s32 $0xFFFFC000  }
0xa6: {  	_ =	swait.ge [sflag:s29], $0x4000  }
0xa7: {  	[sflag:s29] =	ssyncset.done $0x0  }
0xa8: {  	[sflag:s29] =	ssyncadd.s32 $0xFFFFC000  }
0xa9: {  	_ =	swait.ge [sflag:s0], $0x4000  }
0xaa: {  	[sflag:s0] =	ssyncset.done $0x0  }
0xab: {  	[sflag:s0] =	ssyncadd.s32 $0xFFFFC000  }
0xac: {  	_ =	swait.ge [sflag:s0], $0x4000  }
0xad: {  	s31 =	sadd.s32 $0x1, s31;
	s30 =	rddreg [dreg:$0x4]  }
0xae: {  	p0 =	sne.s32 s31, s30  }
.Ltmp1:
0xaf: {  	_ = 	snop;
	(pc) =	sbr.rel @p0 .LBB2_1-.Ltmp1, $3  }
0xb0: {  	_ =	sdelay $0x1  }
0xb1: {  	[sflag:s0] =	ssyncset.done $0x0  }
0xb2: {  	[sflag:s0] =	ssyncadd.s32 $0xFFFFC000  }
0xb3: {  	_ =	sfence.sel $0x180000  }
0xb4: {  	[bflag:$0x0] =	sbarrier.arrive $0xFFFF  }
0xb5: {  	_ =	strace $0x9000004A  }
0xb6: {  	s0 =	stileid.u32;
	[bflag:$0x2] =	sbarrier.arrive $0xFFFF  }
0xb7: {  	p0 =	sne.s32 s0, $0x0;
	s0 =	rddreg [dreg:$0x1]  }
0xb8: {  	s0 =	sadd.s32 @!p0 $0x100000, s0  }
0xb9: {  	[sflag:s0] =	ssyncadd.tile.s32 @!p0 $0x1;
	_ =	shalt  }
.Lfunc_end2:
_tile_overlayer_lowered:
.L_overlay_start_2:
0xba: {  	(tag) =	ssettag $0x2  }
0xbb: {  	s0 =	rddreg [dreg:$0x0];
	s2 =	stileid.u32  }
0xbc: {  	s1 =	rddreg [dreg:$0x1];
	p0 =	sne.s32 s2, $0x0  }
0xbd: {  	s3 =	rddreg [dreg:$0x2];
	[bflag:$0x3] =	sbarrier.arrive $0xFFFF;
	s2 =	simm.s32 @!p0 $0x1C05  }
0xbe: {  	[timem:s3], [sflag:s2] =	dma.local @!p0 [hbm:s0], s1  }
0xbf: {  	s0 =	simm.s32 @!p0 $0x5  }
0xc0: {  	_ =	swait.ge @!p0 [sflag:s0], s1  }
0xc1: {  	s1 =	ssub.s32 @!p0 $0x0, s1;
	[sflag:s0] =	ssyncset.done @!p0 $0x0  }
0xc2: {  	[sflag:s0] =	ssyncadd.s32 @!p0 s1  }
0xc3: {  	[bflag:$0x3] =	sbarrier.arrive $0xFFFF  }
0xc4: {  	_ =	shalt  }

// kernel: kernel.25.cloned.1.call-start
scs
__scs_entry_jumppad:
0x0: {  	(pc) =	sbr.rel $0x88, $3  }
0x1: {  	(tag) =	ssettag $0x0;
	lr =	simm.s32 $0x1  }
0x2: {  	[smem:$0x3F6E] =	sst lr;
	_ =	strace $0xD0000000  }
0x3: {  	_ = 	snop  }
0x4: {  	_ = 	snop  }
0x5: {  	_ = 	snop  }
0x6: {  	_ = 	snop  }
0x7: {  	_ = 	snop  }
__scs_overlays_trampoline_lowered:
0x8: {  	[smem:$0x3F7D] =	sst s0  }
0x9: {  	[smem:$0x3F7E] =	sst s1  }
0xa: {  	[smem:$0x3F7F] =	sst s2  }
0xb: {  	[smem:$0x3F80] =	sst s3  }
0xc: {  	[smem:$0x3F81] =	sst s4  }
0xd: {  	[smem:$0x3F82] =	sst s5  }
0xe: {  	[smem:$0x3F83] =	sst s6  }
0xf: {  	[smem:$0x3F84] =	sst s7  }
0x10: {  	[smem:$0x3F85] =	sst s8  }
0x11: {  	[smem:$0x3F86] =	sst s9;
	s0 =	simm.s32 @!p0 $0x0  }
0x12: {  	s1 =	sld [smem:$0x3F6C];
	s0 =	simm.s32 @p0 $0x1  }
0x13: {  	[smem:$0x3F87] =	sst s0;
	s0 =	simm.s32 @!p1 $0x0  }
0x14: {  	s2 =	sld [smem:$0x3F6B];
	s0 =	simm.s32 @p1 $0x1  }
0x15: {  	[smem:$0x3F88] =	sst s0;
	s0 =	simm.s32 @!p2 $0x0  }
0x16: {  	s3 =	sld [smem:$0x3FDB];
	s0 =	simm.s32 @p2 $0x1  }
0x17: {  	s4 =	simm.s32 $0x1BF5;
	[smem:$0x3F8A] =	sst s0  }
0x18: {  	s0 =	sld [smem:$0x3F6D];
	_ =	swait.ge [sflag:s4], $0x0  }
0x19: {  	s7 =	sld [smem:$0x3F6E]  }
0x1a: {  	s8 =	sadd.s32 $0xFFFFE003, lr  }
0x1b: {  	s9 =	sadd.s32 $0xFFFFFEF7, lr;
	s5 =	simm.s32 $0xFFFFFFFF;
	p2 =	slt.u32 s8, $0xFFFFF086  }
0x1c: {  	p1 =	slt.u32 s9, $0xF7A;
	s5 =	simm.s32 @!p2 $0x0  }
0x1d: {  	s5 =	simm.s32 @p1 $0x1;
	p0 =	seq.s32 s7, s2  }
0x1e: {  	s7 =	smul.u32 @!p0 $0xF7A, s2;
	p2 =	seq.s32 @!p0 s5, $0x0  }
0x1f: {  	s9 =	smul.u32 $0xF7A, s1;
	s8 =	simm.s32 @!p0 $0x1BF5;
	p2 =	por !p2, p0  }
0x20: {  	[sflag:s8] =	ssyncset.s32 @!p0 $0xFFFFF086;
	s6 =	sadd.s32 @!p0 s3, s7;
	s7 =	simm.s32 @!p0 $0x108  }
0x21: {  	s3 =	sadd.s32 s3, s9;
	s6 =	sadd.s32 @!p0 $0x88, s6;
	s7 =	simm.s32 @p2 $0x1082  }
0x22: {  	[simem:s7], [sflag:s8] =	dma.local @!p0 [hbm:s6], $0xF7A  }
0x23: {  	s9 =	sor.u32 $0xD0000000, s2;
	s6 =	simm.s32 $0x108;
	_ =	swait.ge @!p0 [sflag:s8], $0x0  }
0x24: {  	s3 =	sadd.s32 $0x88, s3;
	s6 =	simm.s32 @!p1 $0x1082;
	[sflag:s4] =	ssyncset.s32 $0xFFFFF086  }
0x25: {  	[simem:s6], [sflag:s4] =	dma.local [hbm:s3], $0xF7A  }
0x26: {  	[smem:$0x3F6E] =	sst s1;
	(tag) =	ssettag s2;
	_ =	strace s9  }
0x27: {  	s1 =	sld [smem:$0x3F7E]  }
0x28: {  	s2 =	sld [smem:$0x3F7F]  }
0x29: {  	s4 =	sld [smem:$0x3F81]  }
0x2a: {  	p0 =	seq.s32 s5, $0x0;
	s5 =	sld [smem:$0x3F82]  }
0x2b: {  	s6 =	sld [smem:$0x3F83]  }
0x2c: {  	s7 =	sld [smem:$0x3F84]  }
0x2d: {  	s3 =	simm.s32 $0x108;
	s8 =	sld [smem:$0x3F85]  }
0x2e: {  	s3 =	simm.s32 @!p0 $0x1082;
	s9 =	sld [smem:$0x3F86]  }
0x2f: {  	lr =	sadd.s32 s0, s3;
	s0 =	sld [smem:$0x3F7D]  }
0x30: {  	s3 =	sld [smem:$0x3F80]  }
0x31: {  	[smem:$0x3F89] =	sst s10  }
0x32: {  	s10 =	sld [smem:$0x3F87];
	_ =	sdelay $0x3  }
0x33: {  	p0 =	seq.s32 s10, $0x1;
	s10 =	sld [smem:$0x3F89];
	_ =	sdelay $0x3  }
0x34: {  	[smem:$0x3F89] =	sst s10  }
0x35: {  	s10 =	sld [smem:$0x3F88];
	_ =	sdelay $0x3  }
0x36: {  	p1 =	seq.s32 s10, $0x1;
	s10 =	sld [smem:$0x3F89];
	_ =	sdelay $0x3  }
0x37: {  	[smem:$0x3F89] =	sst s10  }
0x38: {  	s10 =	sld [smem:$0x3F8A]  }
0x39: {  	_ = 	snop;
	(pc) =	sbr.ind lr, $3  }
0x3a: {  	_ = 	snop  }
0x3b: {  	_ = 	snop  }
0x3c: {  	p2 =	seq.s32 s10, $0x1;
	s10 =	sld [smem:$0x3F89]  }
0x3d: {  	_ =	shalt  }
0x3e: {  	_ =	shalt  }
0x3f: {  	_ =	shalt  }
0x40: {  	_ =	shalt  }
0x41: {  	_ =	shalt  }
0x42: {  	_ =	shalt  }
0x43: {  	_ =	shalt  }
0x44: {  	_ =	shalt  }
0x45: {  	_ =	shalt  }
0x46: {  	_ =	shalt  }
0x47: {  	_ =	shalt  }
0x48: {  	_ =	shalt  }
0x49: {  	_ =	shalt  }
0x4a: {  	_ =	shalt  }
0x4b: {  	_ =	shalt  }
0x4c: {  	_ =	shalt  }
0x4d: {  	_ =	shalt  }
0x4e: {  	_ =	shalt  }
0x4f: {  	_ =	shalt  }
0x50: {  	_ =	shalt  }
0x51: {  	_ =	shalt  }
0x52: {  	_ =	shalt  }
0x53: {  	_ =	shalt  }
0x54: {  	_ =	shalt  }
0x55: {  	_ =	shalt  }
0x56: {  	_ =	shalt  }
0x57: {  	_ =	shalt  }
0x58: {  	_ =	shalt  }
0x59: {  	_ =	shalt  }
0x5a: {  	_ =	shalt  }
0x5b: {  	_ =	shalt  }
0x5c: {  	_ =	shalt  }
0x5d: {  	_ =	shalt  }
0x5e: {  	_ =	shalt  }
0x5f: {  	_ =	shalt  }
0x60: {  	_ =	shalt  }
0x61: {  	_ =	shalt  }
0x62: {  	_ =	shalt  }
0x63: {  	_ =	shalt  }
0x64: {  	_ =	shalt  }
0x65: {  	_ =	shalt  }
0x66: {  	_ =	shalt  }
0x67: {  	_ =	shalt  }
0x68: {  	_ =	shalt  }
0x69: {  	_ =	shalt  }
0x6a: {  	_ =	shalt  }
0x6b: {  	_ =	shalt  }
0x6c: {  	_ =	shalt  }
0x6d: {  	_ =	shalt  }
0x6e: {  	_ =	shalt  }
0x6f: {  	_ =	shalt  }
0x70: {  	_ =	shalt  }
0x71: {  	_ =	shalt  }
0x72: {  	_ =	shalt  }
0x73: {  	_ =	shalt  }
0x74: {  	_ =	shalt  }
0x75: {  	_ =	shalt  }
0x76: {  	_ =	shalt  }
0x77: {  	_ =	shalt  }
0x78: {  	_ =	shalt  }
0x79: {  	_ =	shalt  }
0x7a: {  	_ =	shalt  }
0x7b: {  	_ =	shalt  }
0x7c: {  	_ =	shalt  }
0x7d: {  	_ =	shalt  }
0x7e: {  	_ =	shalt  }
0x7f: {  	_ =	shalt  }
0x80: {  	_ =	shalt  }
0x81: {  	_ =	shalt  }
0x82: {  	_ =	shalt  }
0x83: {  	_ =	shalt  }
0x84: {  	_ =	shalt  }
0x85: {  	_ =	shalt  }
0x86: {  	_ =	shalt  }
0x87: {  	_ =	shalt  }
.Lfunc_end0:
.L_simem_size_0:
called_computation.1_lowered:
.L_overlay_start_0:
0x88: {  	s2 =	sld [smem:$0x3FD9]  }
0x89: {  	s3 =	sld [smem:$0x3FFE];
	_ =	sdelay $0x1  }
0x8a: {  	s1 =	srdreg.scid  }
0x8b: {  	s0 =	sand.u32 $0x1, s1  }
0x8c: {  	s16 =	sshll.u32 s0, $0xA;
	s2 =	sadd.s32 s3, s2  }
0x8d: {  	s2 =	sadd.s32 s2, s16  }
0x8e: {  	[smem:$0x3F95] =	sst s2  }
0x8f: {  	_ = 	snop  }
0x90: {  	(tm) =	ssettm $0x1  }
0x91: {  	s17 =	sld [smem:$0x3FFB];
	_ =	sdelay $0x3  }
0x92: {  	_ =	strace s17  }
0x93: {  	s2 =	sld [smem:$0x3FFC];
	_ =	sdelay $0x3  }
0x94: {  	_ =	strace s2  }
0x95: {  	s2 =	sld [smem:$0x3FFD];
	_ =	sdelay $0x3  }
0x96: {  	_ =	strace s2  }
0x97: {  	_ =	strace $0x8FFFFFFF  }
0x98: {  	s18 =	sld [smem:$0x3FDB];
	_ =	sdelay $0x1  }
0x99: {  	s19 =	simm.s32 $_scs_section_size  }
0x9a: {  	s4 =	simm.s32 $_size__tile_overlayer_lowered;
	s5 =	simm.s32 $_tile_overlayer_lowered  }
0x9b: {  	s22 =	simm.s32 $0x1BFF;
	s21 =	sshll.u32 s5, $0x1;
	s2 =	sadd.s32 s19, s18  }
0x9c: {  	s6 =	simm.s32 $0x0;
	s20 =	sshll.u32 s4, $0x1;
	s4 =	sadd.s32 s21, s2  }
0x9d: {  	[timem:s6], [sflag:s22] =	dma.local [hbm:s4], s20  }
0x9e: {  	_ =	swait.ge [sflag:s22], s20  }
0x9f: {  	s3 =	ssub.s32 $0x0, s20;
	[sflag:s22] =	ssyncset.done $0x0  }
0xa0: {  	[sflag:s22] =	ssyncadd.s32 s3;
	_ =	sdelay $0x1  }
0xa1: {  	s23 =	simm.s32 $0x1B8B  }
0xa2: {  	_ =	swait.ge [sflag:s23], $0x1  }
0xa3: {  	[sflag:s23] =	ssyncset.done $0x0  }
0xa4: {  	s25 =	simm.s32 $0x1B8E;
	s24 =	sld [smem:$0x3FFE];
	[sflag:s23] =	ssyncadd.s32 $0xFFFFFFFF  }
0xa5: {  	s26 =	simm.s32 $execute0_lowered;
	[smem:$0x3FD2] =	sst s25  }
0xa6: {  	s4 =	sshll.u32 s26, $0x1;
	_ =	strace $0x80000046;
	[dreg:$0x1] =	wrdreg $0xFFFFFFFF  }
0xa7: {  	s28 =	simm.s32 $_size_execute0_lowered;
	s2 =	sadd.s32 s2, s4;
	[dreg:$0x0] =	wrdreg $0x0  }
0xa8: {  	s4 =	sshll.u32 s28, $0x1;
	[dreg:$0x2] =	wrdreg s2  }
0xa9: {  	[dreg:$0x3] =	wrdreg s4  }
0xaa: {  	[dreg:$0x4] =	wrdreg $0xC0  }
0xab: {  	_ =	task [dreg:s6], $0x5FFFF  }
0xac: {  	[dreg:$0x1] =	wrdreg $0xFFFFFFFF  }
0xad: {  	[dreg:$0x0] =	wrdreg $0x60  }
0xae: {  	[dreg:$0x2] =	wrdreg s24  }
0xaf: {  	[dreg:$0x3] =	wrdreg $0xA  }
0xb0: {  	_ =	task.clear_ibuf [dreg:s6], $0x4FFFF;
	_ =	strace $0x90000046  }
0xb1: {  	s29 =	simm.s32 $0xA;
	_ =	strace $0x80000048  }
0xb2: {  	_ =	swait.ge [sflag:s29], $0x1  }
0xb3: {  	[sflag:s29] =	ssyncadd.s32 $0xFFFFFFFF  }
0xb4: {  	_ =	strace $0x90000048  }
0xb5: {  	_ =	sfence  }
0xb6: {  	s30 =	sld [smem:$0x0];
	_ =	sdelay $0x2  }
0xb7: {  	s31 =	sshll.u32 s1, $0xD;
	s1 =	sshrl.u32 s1, $0x2  }
0xb8: {  	s3 =	sand.u32 $0x4000, s31;
	s1 =	sadd.s32 s1, s30  }
0xb9: {  	s0 =	sor.u32 s3, s0;
	s1 =	sshll.u32 s1, $0x11  }
0xba: {  	s0 =	sor.u32 s1, s0  }
0xbb: {  	s0 =	sadd.s32 $0x8F2B, s0  }
0xbc: {  	[sflag:s0] =	ssyncadd.remote.s32 $0x1  }
0xbd: {  	_ =	sfence.sel $0xFFFF  }
0xbe: {  	[dreg:$0x0] =	wrdreg $0xFFFFFFFF;
	(pc) =	sbr.abs _section_cstart, $3  }
0xbf: {  	[dreg:$0x1] =	wrdreg $0xFFFFFFFF  }
0xc0: {  	_ =	task.clear_ibuf [dreg:s6], $0x2FFFF;
	_ =	strace $0x9FFFFFFF  }
0xc1: {  	(tm) =	ssettm $0x7FFFFFFF  }
tec
execute0_lowered:
.L_overlay_start_1:
0x0: {  	(tag) =	ssettag $0x1  }
0x1: {  	s0 =	srdreg.scid  }
0x2: {  	s10 =	stileid.u32;
	s1 =	rddreg [dreg:$0x0];
	s2 =	simm.s32 $0x0  }
0x3: {  	s19 =	simm.s32 $0x5;
	s20 =	simm.s32 $0x1400;
	s28 =	simm.s32 $0x1  }
0x4: {  	s29 =	simm.s32 $0x3;
	s31 =	simm.s32 $0x0;
	s0 =	sand.u32 $0x1, s0  }
0x5: {  	s3 =	sshll.u32 s10, $0x1;
	[smem:$0x7FF] =	sst s2;
	s25 =	smul.u32 $0x140000, s10  }
0x6: {  	s4 =	sor.u32 s0, s3;
	s6 =	ssub.s32 $0x2, s0;
	s0 =	smul.u32 $0xA0000, s0  }
0x7: {  	_ =	strace $0x80000047;
	s3 =	sadd.s32 $0x1E200, s1;
	s5 =	smul.u32 $0x280, s4  }
0x8: {  	s8 =	sshrl.u32 s6, $0x1;
	s9 =	smul.u32 $0xA0000, s4;
	s4 =	sadd.s32 $0x45400, s1  }
0x9: {  	s21 =	ssub.s32 s6, s8;
	s0 =	sadd.s32 s0, s25;
	s7 =	sadd.s32 s5, s1  }
0xa: {  	s5 =	sadd.s32 $0x2C5400, s1;
	s24 =	sshrl.u32 s9, $0x3;
	s1 =	smax.u32 s21, $0x1  }
0xb: {  	s21 =	simm.s32 $0x80;
	s22 =	sadd.s32 $0x14200, s7;
	s23 =	sadd.s32 $0x19200, s7  }
0xc: {  	[dreg:$0x4] =	wrdreg s1;
	s9 =	sadd.s32 s4, s24;
	s10 =	sadd.s32 s5, s24  }
0xd: {  	s26 =	sor.u32 $0x800, s24;
	s30 =	sadd.s32 $0x13000, s24;
	s6 =	sadd.s32 $0x13800, s24  }
0xe: {  	s1 =	sor.u32 $0x8000, s0;
	s0 =	sor.u32 $0xC000, s0;
	[dreg:$0x2] =	wrdreg s22  }
0xf: {  	s24 =	simm.s32 $0xA800;
	[dreg:$0x3] =	wrdreg s23;
	s11 =	sadd.s32 s4, s26  }
0x10: {  	s12 =	sadd.s32 s5, s26;
	s13 =	sadd.s32 s4, s30;
	s14 =	sadd.s32 s5, s30  }
0x11: {  	s15 =	sadd.s32 s4, s6;
	s16 =	sadd.s32 s5, s6;
	s17 =	sshrl.u32 s1, $0x3  }
0x12: {  	s18 =	sshrl.u32 s0, $0x3;
	s22 =	simm.s32 $0x2800;
	s23 =	simm.s32 $0x6800  }
0x13: {  	s26 =	simm.s32 $0xE800;
	s1 =	simm.s32 $0x2;
	s0 =	simm.s32 $0x4  }
.LBB2_1:
0x14: {  	s6 =	rddreg [dreg:$0x2]  }
0x15: {  	[tilespmem:s2], [sflag:$0x5] =	stream.linear.gather [hbm4b:s6+s2], $0x1400, $0x38;
	[tilespmem:$0x12800] =	vst v63  }
0x16: {  	_ =	swait.ge [sflag:s19], $0x1400  }
0x17: {  	[sflag:s19] =	ssyncset.done $0x0  }
0x18: {  	s8 =	rddreg [dreg:$0x3];
	[sflag:s19] =	ssyncadd.s32 $0xFFFFEC00  }
0x19: {  	[tilespmem:s20], [sflag:$0x5] =	stream.linear.gather [hbm4b:s8+s2], $0x1400, $0x38;
	[tilespmem:$0x12800] =	vst v63  }
0x1a: {  	_ =	swait.ge [sflag:s19], $0x1400  }
0x1b: {  	[sflag:s19] =	ssyncset.done $0x0  }
0x1c: {  	[sflag:s19] =	ssyncadd.s32 $0xFFFFEC00  }
0x1d: {  	[tilespmem:s22], [sflag:$0x1] =	stream.indirect.gather [hbm4b:s3+s21], $0x80, s2, s21, $0xb8;
	[tilespmem:$0x12800] =	vst v63  }
0x1e: {  	_ = 	snop  }
0x1f: {  	[tilespmem:s23], [sflag:$0x1] =	stream.indirect.gather [hbm4b:s3+s21], $0x80, s20, s21, $0xb8;
	[tilespmem:$0x12800] =	vst v63  }
0x20: {  	_ = 	snop  }
0x21: {  	[tilespmem:s24], [sflag:$0x2] =	stream.indirect.gather [hbm4b:s3+s21], $0x80, s21, s21, $0xb8;
	[tilespmem:$0x12800] =	vst v63  }
0x22: {  	s25 =	simm.s32 $0x1480  }
0x23: {  	[tilespmem:s26], [sflag:$0x2] =	stream.indirect.gather [hbm4b:s3+s21], $0x80, s25, s21, $0xb8;
	[tilespmem:$0x12800] =	vst v63  }
0x24: {  	_ =	swait.ge [sflag:s28], $0x4000  }
0x25: {  	[sflag:s28] =	ssyncset.done $0x0  }
0x26: {  	[sflag:s28] =	ssyncadd.s32 $0xFFFFC000  }
0x27: {  	_ =	swait.ge [sflag:s28], $0x4000  }
0x28: {  	[sflag:s28] =	ssyncset.done $0x0  }
0x29: {  	[sflag:s28] =	ssyncadd.s32 $0xFFFFC000  }
0x2a: {  	[hbm4b:s9+s2] =	stream.linear.scatter [tilespmem:s22], [sflag:$0x3], $0x4000, $0x38;
	[tilespmem:$0x12800] =	vst v63  }
0x2b: {  	_ = 	snop  }
0x2c: {  	[hbm4b:s10+s2] =	stream.linear.scatter [tilespmem:s23], [sflag:$0x3], $0x4000, $0x38;
	[tilespmem:$0x12800] =	vst v63  }
0x2d: {  	_ =	swait.ge [sflag:s29], $0x4000  }
0x2e: {  	[sflag:s29] =	ssyncset.done $0x0  }
0x2f: {  	[sflag:s29] =	ssyncadd.s32 $0xFFFFC000  }
0x30: {  	_ =	swait.ge [sflag:s29], $0x4000  }
0x31: {  	[sflag:s29] =	ssyncset.done $0x0  }
0x32: {  	s7 =	simm.s32 $0x100;
	[sflag:s29] =	ssyncadd.s32 $0xFFFFC000  }
0x33: {  	[tilespmem:s22], [sflag:$0x1] =	stream.indirect.gather [hbm4b:s3+s21], $0x80, s7, s21, $0xb8;
	[tilespmem:$0x12800] =	vst v63  }
0x34: {  	s8 =	simm.s32 $0x1500  }
0x35: {  	[tilespmem:s23], [sflag:$0x1] =	stream.indirect.gather [hbm4b:s3+s21], $0x80, s8, s21, $0xb8;
	[tilespmem:$0x12800] =	vst v63  }
0x36: {  	_ =	swait.ge [sflag:s1], $0x4000  }
0x37: {  	[sflag:s1] =	ssyncset.done $0x0  }
0x38: {  	[sflag:s1] =	ssyncadd.s32 $0xFFFFC000  }
0x39: {  	_ =	swait.ge [sflag:s1], $0x4000  }
0x3a: {  	[sflag:s1] =	ssyncset.done $0x0  }
0x3b: {  	[sflag:s1] =	ssyncadd.s32 $0xFFFFC000  }
0x3c: {  	[hbm4b:s11+s2] =	stream.linear.scatter [tilespmem:s24], [sflag:$0x4], $0x4000, $0x38;
	[tilespmem:$0x12800] =	vst v63  }
0x3d: {  	_ = 	snop  }
0x3e: {  	[hbm4b:s12+s2] =	stream.linear.scatter [tilespmem:s26], [sflag:$0x4], $0x4000, $0x38;
	[tilespmem:$0x12800] =	vst v63  }
0x3f: {  	_ =	swait.ge [sflag:s0], $0x4000  }
0x40: {  	[sflag:s0] =	ssyncset.done $0x0  }
0x41: {  	[sflag:s0] =	ssyncadd.s32 $0xFFFFC000  }
0x42: {  	_ =	swait.ge [sflag:s0], $0x4000  }
0x43: {  	[sflag:s0] =	ssyncset.done $0x0  }
0x44: {  	s25 =	simm.s32 $0x180;
	[sflag:s0] =	ssyncadd.s32 $0xFFFFC000  }
0x45: {  	[tilespmem:s24], [sflag:$0x2] =	stream.indirect.gather [hbm4b:s3+s21], $0x80, s25, s21, $0xb8;
	[tilespmem:$0x12800] =	vst v63  }
0x46: {  	s7 =	simm.s32 $0x1580  }
0x47: {  	[tilespmem:s26], [sflag:$0x2] =	stream.indirect.gather [hbm4b:s3+s21], $0x80, s7, s21, $0xb8;
	[tilespmem:$0x12800] =	vst v63  }
0x48: {  	_ =	swait.ge [sflag:s28], $0x4000  }
0x49: {  	[sflag:s28] =	ssyncset.done $0x0  }
0x4a: {  	[sflag:s28] =	ssyncadd.s32 $0xFFFFC000  }
0x4b: {  	_ =	swait.ge [sflag:s28], $0x4000  }
0x4c: {  	[sflag:s28] =	ssyncset.done $0x0  }
0x4d: {  	s8 =	sadd.s32 s4, s17;
	[sflag:s28] =	ssyncadd.s32 $0xFFFFC000  }
0x4e: {  	[hbm4b:s8+s2] =	stream.linear.scatter [tilespmem:s22], [sflag:$0x3], $0x4000, $0x38;
	[tilespmem:$0x12800] =	vst v63  }
0x4f: {  	s25 =	sadd.s32 s5, s17  }
0x50: {  	[hbm4b:s25+s2] =	stream.linear.scatter [tilespmem:s23], [sflag:$0x3], $0x4000, $0x38;
	[tilespmem:$0x12800] =	vst v63  }
0x51: {  	_ =	swait.ge [sflag:s29], $0x4000  }
0x52: {  	[sflag:s29] =	ssyncset.done $0x0  }
0x53: {  	[sflag:s29] =	ssyncadd.s32 $0xFFFFC000  }
0x54: {  	_ =	swait.ge [sflag:s29], $0x4000  }
0x55: {  	[sflag:s29] =	ssyncset.done $0x0  }
0x56: {  	s7 =	simm.s32 $0x200;
	[sflag:s29] =	ssyncadd.s32 $0xFFFFC000  }
0x57: {  	[tilespmem:s22], [sflag:$0x1] =	stream.indirect.gather [hbm4b:s3+s21], $0x80, s7, s21, $0xb8;
	[tilespmem:$0x12800] =	vst v63  }
0x58: {  	s8 =	simm.s32 $0x1600  }
0x59: {  	[tilespmem:s23], [sflag:$0x1] =	stream.indirect.gather [hbm4b:s3+s21], $0x80, s8, s21, $0xb8;
	[tilespmem:$0x12800] =	vst v63  }
0x5a: {  	_ =	swait.ge [sflag:s1], $0x4000  }
0x5b: {  	[sflag:s1] =	ssyncset.done $0x0  }
0x5c: {  	[sflag:s1] =	ssyncadd.s32 $0xFFFFC000  }
0x5d: {  	_ =	swait.ge [sflag:s1], $0x4000  }
0x5e: {  	[sflag:s1] =	ssyncset.done $0x0  }
0x5f: {  	s30 =	sadd.s32 $0x1000, s5;
	s25 =	sadd.s32 s4, s18;
	[sflag:s1] =	ssyncadd.s32 $0xFFFFC000  }
0x60: {  	[hbm4b:s25+s2] =	stream.linear.scatter [tilespmem:s24], [sflag:$0x4], $0x4000, $0x38;
	[tilespmem:$0x12800] =	vst v63  }
0x61: {  	s6 =	sadd.s32 $0x1000, s4;
	s7 =	sadd.s32 s5, s18;
	s25 =	simm.s32 $0x400  }
.LBB2_2:
0x62: {  	[hbm4b:s7+s2] =	stream.linear.scatter [tilespmem:s26], [sflag:$0x4], $0x4000, $0x38;
	[tilespmem:$0x12800] =	vst v63  }
0x63: {  	s7 =	smov.u32 s25  }
0x64: {  	p0 =	sne.s32 s25, $0x4400;
	s25 =	sadd.s32 $0x400, s25;
	_ =	swait.ge [sflag:s0], $0x4000  }
0x65: {  	[sflag:s0] =	ssyncset.done $0x0  }
0x66: {  	[sflag:s0] =	ssyncadd.s32 $0xFFFFC000  }
0x67: {  	_ =	swait.ge [sflag:s0], $0x4000  }
0x68: {  	s7 =	sshra.s32 s7, $0x2;
	[sflag:s0] =	ssyncset.done $0x0  }
0x69: {  	s8 =	sadd.s32 $0x180, s7;
	[sflag:s0] =	ssyncadd.s32 $0xFFFFC000  }
0x6a: {  	[tilespmem:s24], [sflag:$0x2] =	stream.indirect.gather [hbm4b:s3+s21], $0x80, s8, s21, $0xb8;
	[tilespmem:$0x12800] =	vst v63  }
0x6b: {  	s8 =	sadd.s32 $0x1580, s7  }
0x6c: {  	[tilespmem:s26], [sflag:$0x2] =	stream.indirect.gather [hbm4b:s3+s21], $0x80, s8, s21, $0xb8;
	[tilespmem:$0x12800] =	vst v63  }
0x6d: {  	_ =	swait.ge [sflag:s28], $0x4000  }
0x6e: {  	[sflag:s28] =	ssyncset.done $0x0  }
0x6f: {  	[sflag:s28] =	ssyncadd.s32 $0xFFFFC000  }
0x70: {  	_ =	swait.ge [sflag:s28], $0x4000  }
0x71: {  	[sflag:s28] =	ssyncset.done $0x0  }
0x72: {  	s8 =	sadd.s32 s6, s17;
	[sflag:s28] =	ssyncadd.s32 $0xFFFFC000  }
0x73: {  	[hbm4b:s8+s2] =	stream.linear.scatter [tilespmem:s22], [sflag:$0x3], $0x4000, $0x38;
	[tilespmem:$0x12800] =	vst v63  }
0x74: {  	s8 =	sadd.s32 s30, s17  }
0x75: {  	[hbm4b:s8+s2] =	stream.linear.scatter [tilespmem:s23], [sflag:$0x3], $0x4000, $0x38;
	[tilespmem:$0x12800] =	vst v63  }
0x76: {  	_ =	swait.ge [sflag:s29], $0x4000  }
0x77: {  	[sflag:s29] =	ssyncset.done $0x0  }
0x78: {  	[sflag:s29] =	ssyncadd.s32 $0xFFFFC000  }
0x79: {  	_ =	swait.ge [sflag:s29], $0x4000  }
0x7a: {  	[sflag:s29] =	ssyncset.done $0x0  }
0x7b: {  	s8 =	sadd.s32 $0x200, s7;
	[sflag:s29] =	ssyncadd.s32 $0xFFFFC000  }
0x7c: {  	[tilespmem:s22], [sflag:$0x1] =	stream.indirect.gather [hbm4b:s3+s21], $0x80, s8, s21, $0xb8;
	[tilespmem:$0x12800] =	vst v63  }
0x7d: {  	s7 =	sadd.s32 $0x1600, s7  }
0x7e: {  	[tilespmem:s23], [sflag:$0x1] =	stream.indirect.gather [hbm4b:s3+s21], $0x80, s7, s21, $0xb8;
	[tilespmem:$0x12800] =	vst v63  }
0x7f: {  	_ =	swait.ge [sflag:s1], $0x4000  }
0x80: {  	[sflag:s1] =	ssyncset.done $0x0  }
0x81: {  	[sflag:s1] =	ssyncadd.s32 $0xFFFFC000  }
.Ltmp0:
0x82: {  	_ =	swait.ge [sflag:s1], $0x4000;
	(pc) =	sbr.rel @p0 .LBB2_2-.Ltmp0, $4  }
0x83: {  	[sflag:s1] =	ssyncset.done $0x0  }
0x84: {  	s7 =	sadd.s32 s6, s18;
	[sflag:s1] =	ssyncadd.s32 $0xFFFFC000  }
0x85: {  	[hbm4b:s7+s2] =	stream.linear.scatter [tilespmem:s24], [sflag:$0x4], $0x4000, $0x38;
	[tilespmem:$0x12800] =	vst v63  }
0x86: {  	s6 =	sadd.s32 $0x1000, s6;
	s7 =	sadd.s32 s30, s18;
	s30 =	sadd.s32 $0x1000, s30  }
0x87: {  	[hbm4b:s7+s2] =	stream.linear.scatter [tilespmem:s26], [sflag:$0x4], $0x4000, $0x38;
	[tilespmem:$0x12800] =	vst v63  }
0x88: {  	_ =	swait.ge [sflag:s0], $0x4000  }
0x89: {  	[sflag:s0] =	ssyncset.done $0x0  }
0x8a: {  	[sflag:s0] =	ssyncadd.s32 $0xFFFFC000  }
0x8b: {  	_ =	swait.ge [sflag:s0], $0x4000  }
0x8c: {  	[sflag:s0] =	ssyncset.done $0x0  }
0x8d: {  	s6 =	simm.s32 $0x1380;
	[sflag:s0] =	ssyncadd.s32 $0xFFFFC000  }
0x8e: {  	[tilespmem:s24], [sflag:$0x2] =	stream.indirect.gather [hbm4b:s3+s21], $0x80, s6, s21, $0xb8;
	[tilespmem:$0x12800] =	vst v63  }
0x8f: {  	s25 =	simm.s32 $0x2780  }
0x90: {  	[tilespmem:s26], [sflag:$0x2] =	stream.indirect.gather [hbm4b:s3+s21], $0x80, s25, s21, $0xb8;
	[tilespmem:$0x12800] =	vst v63  }
0x91: {  	_ =	swait.ge [sflag:s28], $0x4000  }
0x92: {  	[sflag:s28] =	ssyncset.done $0x0  }
0x93: {  	[sflag:s28] =	ssyncadd.s32 $0xFFFFC000  }
0x94: {  	_ =	swait.ge [sflag:s28], $0x4000  }
0x95: {  	[sflag:s28] =	ssyncset.done $0x0  }
0x96: {  	[sflag:s28] =	ssyncadd.s32 $0xFFFFC000  }
0x97: {  	[hbm4b:s13+s2] =	stream.linear.scatter [tilespmem:s22], [sflag:$0x3], $0x4000, $0x38;
	[tilespmem:$0x12800] =	vst v63  }
0x98: {  	_ = 	snop  }
0x99: {  	[hbm4b:s14+s2] =	stream.linear.scatter [tilespmem:s23], [sflag:$0x3], $0x4000, $0x38;
	[tilespmem:$0x12800] =	vst v63  }
0x9a: {  	_ =	swait.ge [sflag:s1], $0x4000  }
0x9b: {  	[sflag:s1] =	ssyncset.done $0x0  }
0x9c: {  	[sflag:s1] =	ssyncadd.s32 $0xFFFFC000  }
0x9d: {  	_ =	swait.ge [sflag:s1], $0x4000  }
0x9e: {  	[sflag:s1] =	ssyncset.done $0x0  }
0x9f: {  	[sflag:s1] =	ssyncadd.s32 $0xFFFFC000  }
0xa0: {  	[hbm4b:s15+s2] =	stream.linear.scatter [tilespmem:s24], [sflag:$0x4], $0x4000, $0x38;
	[tilespmem:$0x12800] =	vst v63  }
0xa1: {  	_ = 	snop  }
0xa2: {  	[hbm4b:s16+s2] =	stream.linear.scatter [tilespmem:s26], [sflag:$0x4], $0x4000, $0x38;
	[tilespmem:$0x12800] =	vst v63  }
0xa3: {  	_ =	swait.ge [sflag:s29], $0x4000  }
0xa4: {  	[sflag:s29] =	ssyncset.done $0x0  }
0xa5: {  	[sflag:s29] =	ssyncadd.s32 $0xFFFFC000  }
0xa6: {  	_ =	swait.ge [sflag:s29], $0x4000  }
0xa7: {  	[sflag:s29] =	ssyncset.done $0x0  }
0xa8: {  	[sflag:s29] =	ssyncadd.s32 $0xFFFFC000  }
0xa9: {  	_ =	swait.ge [sflag:s0], $0x4000  }
0xaa: {  	[sflag:s0] =	ssyncset.done $0x0  }
0xab: {  	[sflag:s0] =	ssyncadd.s32 $0xFFFFC000  }
0xac: {  	_ =	swait.ge [sflag:s0], $0x4000  }
0xad: {  	s31 =	sadd.s32 $0x1, s31;
	s30 =	rddreg [dreg:$0x4]  }
0xae: {  	p0 =	sne.s32 s31, s30  }
.Ltmp1:
0xaf: {  	_ = 	snop;
	(pc) =	sbr.rel @p0 .LBB2_1-.Ltmp1, $3  }
0xb0: {  	_ =	sdelay $0x1  }
0xb1: {  	[sflag:s0] =	ssyncset.done $0x0  }
0xb2: {  	[sflag:s0] =	ssyncadd.s32 $0xFFFFC000  }
0xb3: {  	_ =	sfence.sel $0x180000  }
0xb4: {  	[bflag:$0x0] =	sbarrier.arrive $0xFFFF  }
0xb5: {  	_ =	strace $0x90000047  }
0xb6: {  	s0 =	stileid.u32;
	[bflag:$0x2] =	sbarrier.arrive $0xFFFF  }
0xb7: {  	p0 =	sne.s32 s0, $0x0;
	s0 =	rddreg [dreg:$0x1]  }
0xb8: {  	s0 =	sadd.s32 @!p0 $0x100000, s0  }
0xb9: {  	[sflag:s0] =	ssyncadd.tile.s32 @!p0 $0x1;
	_ =	shalt  }
.Lfunc_end2:
_tile_overlayer_lowered:
.L_overlay_start_2:
0xba: {  	(tag) =	ssettag $0x2  }
0xbb: {  	s0 =	rddreg [dreg:$0x0];
	s2 =	stileid.u32  }
0xbc: {  	s1 =	rddreg [dreg:$0x1];
	p0 =	sne.s32 s2, $0x0  }
0xbd: {  	s3 =	rddreg [dreg:$0x2];
	[bflag:$0x3] =	sbarrier.arrive $0xFFFF;
	s2 =	simm.s32 @!p0 $0x1C05  }
0xbe: {  	[timem:s3], [sflag:s2] =	dma.local @!p0 [hbm:s0], s1  }
0xbf: {  	s0 =	simm.s32 @!p0 $0x5  }
0xc0: {  	_ =	swait.ge @!p0 [sflag:s0], s1  }
0xc1: {  	s1 =	ssub.s32 @!p0 $0x0, s1;
	[sflag:s0] =	ssyncset.done @!p0 $0x0  }
0xc2: {  	[sflag:s0] =	ssyncadd.s32 @!p0 s1  }
0xc3: {  	[bflag:$0x3] =	sbarrier.arrive $0xFFFF  }
0xc4: {  	_ =	shalt  }

// kernel: kernel.28.cloned.1.call-start
scs
__scs_entry_jumppad:
0x0: {  	(pc) =	sbr.rel $0x88, $3  }
0x1: {  	(tag) =	ssettag $0x0;
	lr =	simm.s32 $0x1  }
0x2: {  	[smem:$0x3F6E] =	sst lr;
	_ =	strace $0xD0000000  }
0x3: {  	_ = 	snop  }
0x4: {  	_ = 	snop  }
0x5: {  	_ = 	snop  }
0x6: {  	_ = 	snop  }
0x7: {  	_ = 	snop  }
__scs_overlays_trampoline_lowered:
0x8: {  	[smem:$0x3F7D] =	sst s0  }
0x9: {  	[smem:$0x3F7E] =	sst s1  }
0xa: {  	[smem:$0x3F7F] =	sst s2  }
0xb: {  	[smem:$0x3F80] =	sst s3  }
0xc: {  	[smem:$0x3F81] =	sst s4  }
0xd: {  	[smem:$0x3F82] =	sst s5  }
0xe: {  	[smem:$0x3F83] =	sst s6  }
0xf: {  	[smem:$0x3F84] =	sst s7  }
0x10: {  	[smem:$0x3F85] =	sst s8  }
0x11: {  	[smem:$0x3F86] =	sst s9;
	s0 =	simm.s32 @!p0 $0x0  }
0x12: {  	s1 =	sld [smem:$0x3F6C];
	s0 =	simm.s32 @p0 $0x1  }
0x13: {  	[smem:$0x3F87] =	sst s0;
	s0 =	simm.s32 @!p1 $0x0  }
0x14: {  	s2 =	sld [smem:$0x3F6B];
	s0 =	simm.s32 @p1 $0x1  }
0x15: {  	[smem:$0x3F88] =	sst s0;
	s0 =	simm.s32 @!p2 $0x0  }
0x16: {  	s3 =	sld [smem:$0x3FDB];
	s0 =	simm.s32 @p2 $0x1  }
0x17: {  	s4 =	simm.s32 $0x1BF5;
	[smem:$0x3F8A] =	sst s0  }
0x18: {  	s0 =	sld [smem:$0x3F6D];
	_ =	swait.ge [sflag:s4], $0x0  }
0x19: {  	s7 =	sld [smem:$0x3F6E]  }
0x1a: {  	s8 =	sadd.s32 $0xFFFFE003, lr  }
0x1b: {  	s9 =	sadd.s32 $0xFFFFFEF7, lr;
	s5 =	simm.s32 $0xFFFFFFFF;
	p2 =	slt.u32 s8, $0xFFFFF086  }
0x1c: {  	p1 =	slt.u32 s9, $0xF7A;
	s5 =	simm.s32 @!p2 $0x0  }
0x1d: {  	s5 =	simm.s32 @p1 $0x1;
	p0 =	seq.s32 s7, s2  }
0x1e: {  	s7 =	smul.u32 @!p0 $0xF7A, s2;
	p2 =	seq.s32 @!p0 s5, $0x0  }
0x1f: {  	s9 =	smul.u32 $0xF7A, s1;
	s8 =	simm.s32 @!p0 $0x1BF5;
	p2 =	por !p2, p0  }
0x20: {  	[sflag:s8] =	ssyncset.s32 @!p0 $0xFFFFF086;
	s6 =	sadd.s32 @!p0 s3, s7;
	s7 =	simm.s32 @!p0 $0x108  }
0x21: {  	s3 =	sadd.s32 s3, s9;
	s6 =	sadd.s32 @!p0 $0x88, s6;
	s7 =	simm.s32 @p2 $0x1082  }
0x22: {  	[simem:s7], [sflag:s8] =	dma.local @!p0 [hbm:s6], $0xF7A  }
0x23: {  	s9 =	sor.u32 $0xD0000000, s2;
	s6 =	simm.s32 $0x108;
	_ =	swait.ge @!p0 [sflag:s8], $0x0  }
0x24: {  	s3 =	sadd.s32 $0x88, s3;
	s6 =	simm.s32 @!p1 $0x1082;
	[sflag:s4] =	ssyncset.s32 $0xFFFFF086  }
0x25: {  	[simem:s6], [sflag:s4] =	dma.local [hbm:s3], $0xF7A  }
0x26: {  	[smem:$0x3F6E] =	sst s1;
	(tag) =	ssettag s2;
	_ =	strace s9  }
0x27: {  	s1 =	sld [smem:$0x3F7E]  }
0x28: {  	s2 =	sld [smem:$0x3F7F]  }
0x29: {  	s4 =	sld [smem:$0x3F81]  }
0x2a: {  	p0 =	seq.s32 s5, $0x0;
	s5 =	sld [smem:$0x3F82]  }
0x2b: {  	s6 =	sld [smem:$0x3F83]  }
0x2c: {  	s7 =	sld [smem:$0x3F84]  }
0x2d: {  	s3 =	simm.s32 $0x108;
	s8 =	sld [smem:$0x3F85]  }
0x2e: {  	s3 =	simm.s32 @!p0 $0x1082;
	s9 =	sld [smem:$0x3F86]  }
0x2f: {  	lr =	sadd.s32 s0, s3;
	s0 =	sld [smem:$0x3F7D]  }
0x30: {  	s3 =	sld [smem:$0x3F80]  }
0x31: {  	[smem:$0x3F89] =	sst s10  }
0x32: {  	s10 =	sld [smem:$0x3F87];
	_ =	sdelay $0x3  }
0x33: {  	p0 =	seq.s32 s10, $0x1;
	s10 =	sld [smem:$0x3F89];
	_ =	sdelay $0x3  }
0x34: {  	[smem:$0x3F89] =	sst s10  }
0x35: {  	s10 =	sld [smem:$0x3F88];
	_ =	sdelay $0x3  }
0x36: {  	p1 =	seq.s32 s10, $0x1;
	s10 =	sld [smem:$0x3F89];
	_ =	sdelay $0x3  }
0x37: {  	[smem:$0x3F89] =	sst s10  }
0x38: {  	s10 =	sld [smem:$0x3F8A]  }
0x39: {  	_ = 	snop;
	(pc) =	sbr.ind lr, $3  }
0x3a: {  	_ = 	snop  }
0x3b: {  	_ = 	snop  }
0x3c: {  	p2 =	seq.s32 s10, $0x1;
	s10 =	sld [smem:$0x3F89]  }
0x3d: {  	_ =	shalt  }
0x3e: {  	_ =	shalt  }
0x3f: {  	_ =	shalt  }
0x40: {  	_ =	shalt  }
0x41: {  	_ =	shalt  }
0x42: {  	_ =	shalt  }
0x43: {  	_ =	shalt  }
0x44: {  	_ =	shalt  }
0x45: {  	_ =	shalt  }
0x46: {  	_ =	shalt  }
0x47: {  	_ =	shalt  }
0x48: {  	_ =	shalt  }
0x49: {  	_ =	shalt  }
0x4a: {  	_ =	shalt  }
0x4b: {  	_ =	shalt  }
0x4c: {  	_ =	shalt  }
0x4d: {  	_ =	shalt  }
0x4e: {  	_ =	shalt  }
0x4f: {  	_ =	shalt  }
0x50: {  	_ =	shalt  }
0x51: {  	_ =	shalt  }
0x52: {  	_ =	shalt  }
0x53: {  	_ =	shalt  }
0x54: {  	_ =	shalt  }
0x55: {  	_ =	shalt  }
0x56: {  	_ =	shalt  }
0x57: {  	_ =	shalt  }
0x58: {  	_ =	shalt  }
0x59: {  	_ =	shalt  }
0x5a: {  	_ =	shalt  }
0x5b: {  	_ =	shalt  }
0x5c: {  	_ =	shalt  }
0x5d: {  	_ =	shalt  }
0x5e: {  	_ =	shalt  }
0x5f: {  	_ =	shalt  }
0x60: {  	_ =	shalt  }
0x61: {  	_ =	shalt  }
0x62: {  	_ =	shalt  }
0x63: {  	_ =	shalt  }
0x64: {  	_ =	shalt  }
0x65: {  	_ =	shalt  }
0x66: {  	_ =	shalt  }
0x67: {  	_ =	shalt  }
0x68: {  	_ =	shalt  }
0x69: {  	_ =	shalt  }
0x6a: {  	_ =	shalt  }
0x6b: {  	_ =	shalt  }
0x6c: {  	_ =	shalt  }
0x6d: {  	_ =	shalt  }
0x6e: {  	_ =	shalt  }
0x6f: {  	_ =	shalt  }
0x70: {  	_ =	shalt  }
0x71: {  	_ =	shalt  }
0x72: {  	_ =	shalt  }
0x73: {  	_ =	shalt  }
0x74: {  	_ =	shalt  }
0x75: {  	_ =	shalt  }
0x76: {  	_ =	shalt  }
0x77: {  	_ =	shalt  }
0x78: {  	_ =	shalt  }
0x79: {  	_ =	shalt  }
0x7a: {  	_ =	shalt  }
0x7b: {  	_ =	shalt  }
0x7c: {  	_ =	shalt  }
0x7d: {  	_ =	shalt  }
0x7e: {  	_ =	shalt  }
0x7f: {  	_ =	shalt  }
0x80: {  	_ =	shalt  }
0x81: {  	_ =	shalt  }
0x82: {  	_ =	shalt  }
0x83: {  	_ =	shalt  }
0x84: {  	_ =	shalt  }
0x85: {  	_ =	shalt  }
0x86: {  	_ =	shalt  }
0x87: {  	_ =	shalt  }
.Lfunc_end0:
.L_simem_size_0:
called_computation.2_lowered:
.L_overlay_start_0:
0x88: {  	s2 =	sld [smem:$0x3FD9]  }
0x89: {  	s3 =	sld [smem:$0x3FFE];
	_ =	sdelay $0x1  }
0x8a: {  	s1 =	srdreg.scid  }
0x8b: {  	s0 =	sand.u32 $0x1, s1  }
0x8c: {  	s16 =	sshll.u32 s0, $0xA;
	s2 =	sadd.s32 s3, s2  }
0x8d: {  	s2 =	sadd.s32 s2, s16  }
0x8e: {  	[smem:$0x3F95] =	sst s2  }
0x8f: {  	_ = 	snop  }
0x90: {  	(tm) =	ssettm $0x1  }
0x91: {  	s17 =	sld [smem:$0x3FFB];
	_ =	sdelay $0x3  }
0x92: {  	_ =	strace s17  }
0x93: {  	s2 =	sld [smem:$0x3FFC];
	_ =	sdelay $0x3  }
0x94: {  	_ =	strace s2  }
0x95: {  	s2 =	sld [smem:$0x3FFD];
	_ =	sdelay $0x3  }
0x96: {  	_ =	strace s2  }
0x97: {  	_ =	strace $0x8FFFFFFF  }
0x98: {  	s18 =	sld [smem:$0x3FDB];
	_ =	sdelay $0x1  }
0x99: {  	s19 =	simm.s32 $_scs_section_size  }
0x9a: {  	s4 =	simm.s32 $_size__tile_overlayer_lowered;
	s5 =	simm.s32 $_tile_overlayer_lowered  }
0x9b: {  	s22 =	simm.s32 $0x1BFF;
	s21 =	sshll.u32 s5, $0x1;
	s2 =	sadd.s32 s19, s18  }
0x9c: {  	s6 =	simm.s32 $0x0;
	s20 =	sshll.u32 s4, $0x1;
	s4 =	sadd.s32 s21, s2  }
0x9d: {  	[timem:s6], [sflag:s22] =	dma.local [hbm:s4], s20  }
0x9e: {  	_ =	swait.ge [sflag:s22], s20  }
0x9f: {  	s3 =	ssub.s32 $0x0, s20;
	[sflag:s22] =	ssyncset.done $0x0  }
0xa0: {  	[sflag:s22] =	ssyncadd.s32 s3;
	_ =	sdelay $0x1  }
0xa1: {  	s23 =	simm.s32 $0x1B8B  }
0xa2: {  	_ =	swait.ge [sflag:s23], $0x1  }
0xa3: {  	[sflag:s23] =	ssyncset.done $0x0  }
0xa4: {  	s25 =	simm.s32 $0x1B8E;
	s24 =	sld [smem:$0x3FFE];
	[sflag:s23] =	ssyncadd.s32 $0xFFFFFFFF  }
0xa5: {  	s26 =	simm.s32 $execute0_lowered;
	[smem:$0x3FD2] =	sst s25  }
0xa6: {  	s4 =	sshll.u32 s26, $0x1;
	_ =	strace $0x8000004C;
	[dreg:$0x1] =	wrdreg $0xFFFFFFFF  }
0xa7: {  	s28 =	simm.s32 $_size_execute0_lowered;
	s2 =	sadd.s32 s2, s4;
	[dreg:$0x0] =	wrdreg $0x0  }
0xa8: {  	s4 =	sshll.u32 s28, $0x1;
	[dreg:$0x2] =	wrdreg s2  }
0xa9: {  	[dreg:$0x3] =	wrdreg s4  }
0xaa: {  	[dreg:$0x4] =	wrdreg $0xC0  }
0xab: {  	_ =	task [dreg:s6], $0x5FFFF  }
0xac: {  	[dreg:$0x1] =	wrdreg $0xFFFFFFFF  }
0xad: {  	[dreg:$0x0] =	wrdreg $0x60  }
0xae: {  	[dreg:$0x2] =	wrdreg s24  }
0xaf: {  	[dreg:$0x3] =	wrdreg $0x85000  }
0xb0: {  	[dreg:$0x4] =	wrdreg $0x9  }
0xb1: {  	_ =	task.clear_ibuf [dreg:s6], $0x5FFFF;
	_ =	strace $0x9000004C  }
0xb2: {  	s29 =	simm.s32 $0x9;
	_ =	strace $0x8000004E  }
0xb3: {  	_ =	swait.ge [sflag:s29], $0x1  }
0xb4: {  	[sflag:s29] =	ssyncadd.s32 $0xFFFFFFFF  }
0xb5: {  	_ =	strace $0x9000004E  }
0xb6: {  	_ =	sfence  }
0xb7: {  	s30 =	sld [smem:$0x0];
	_ =	sdelay $0x2  }
0xb8: {  	s31 =	sshll.u32 s1, $0xD;
	s1 =	sshrl.u32 s1, $0x2  }
0xb9: {  	s3 =	sand.u32 $0x4000, s31;
	s1 =	sadd.s32 s1, s30  }
0xba: {  	s0 =	sor.u32 s3, s0;
	s1 =	sshll.u32 s1, $0x11  }
0xbb: {  	s0 =	sor.u32 s1, s0  }
0xbc: {  	s0 =	sadd.s32 $0x8F2B, s0  }
0xbd: {  	[sflag:s0] =	ssyncadd.remote.s32 $0x1  }
0xbe: {  	_ =	sfence.sel $0xFFFF  }
0xbf: {  	[dreg:$0x0] =	wrdreg $0xFFFFFFFF;
	(pc) =	sbr.abs _section_cstart, $3  }
0xc0: {  	[dreg:$0x1] =	wrdreg $0xFFFFFFFF  }
0xc1: {  	_ =	task.clear_ibuf [dreg:s6], $0x2FFFF;
	_ =	strace $0x9FFFFFFF  }
0xc2: {  	(tm) =	ssettm $0x7FFFFFFF  }
0xc3: {  	_ =	shalt  }
tec
execute0_lowered:
.L_overlay_start_1:
0x0: {  	(tag) =	ssettag $0x1  }
0x1: {  	s4 =	rddreg [dreg:$0x0];
	s1 =	stileid.u32  }
0x2: {  	s0 =	srdreg.scid;
	s7 =	smul.u32 $0x2800, s1  }
0x3: {  	s2 =	rddreg [dreg:$0x1];
	s3 =	simm.s32 $0x0;
	s9 =	smul.u32 $0x50000, s1  }
0x4: {  	s12 =	simm.s32 $0x100;
	s5 =	sand.u32 $0x1, s0;
	s10 =	smul.u32 $0x28000, s1  }
0x5: {  	s15 =	simm.s32 $0x0;
	s0 =	rddreg [dreg:$0x2];
	s6 =	smul.u32 $0x28000, s5  }
0x6: {  	[smem:$0x7FF] =	sst s3;
	s13 =	sshll.u32 s1, $0x6;
	s8 =	smul.u32 $0x280000, s5  }
0x7: {  	_ =	strace $0x8000004D;
	s5 =	ssub.s32 $0x2, s5;
	s13 =	sor.u32 $0x1C01, s13  }
0x8: {  	s31 =	sshrl.u32 s5, $0x1;
	s9 =	sshrl.u32 s9, $0x2;
	s6 =	sadd.s32 s7, s6  }
0x9: {  	s29 =	sadd.s32 s8, s4;
	s11 =	ssub.s32 s5, s31;
	s30 =	sshrl.u32 s6, $0x3  }
0xa: {  	s6 =	sadd.s32 s6, s4;
	s7 =	sadd.s32 s10, s29;
	s10 =	simm.s32 $0x1  }
0xb: {  	s8 =	sadd.s32 s30, s4;
	s4 =	sadd.s32 s9, s2;
	s5 =	sadd.s32 $0x45400, s6  }
0xc: {  	s6 =	smax.u32 s11, $0x1;
	s7 =	sadd.s32 $0x54F400, s7;
	s9 =	simm.s32 $0x8100  }
0xd: {  	v0 =	vimm.f32 $0.0e+00;
	s11 =	simm.s32 $0x8000;
	s8 =	sadd.s32 $0xA200, s8;
	s14 =	sshrl.u32 s4, $0x3  }
.LBB2_1:
0xe: {  	[tilespmem:$0x8100] =	vst v0  }
0xf: {  	[tilespmem:$0x8180] =	vst v0  }
0x10: {  	[tilespmem:$0x8200] =	vst v0  }
0x11: {  	[tilespmem:$0x8280] =	vst v0  }
0x12: {  	[tilespmem:$0x8300] =	vst v0  }
0x13: {  	[tilespmem:$0x8380] =	vst v0  }
0x14: {  	[tilespmem:$0x8400] =	vst v0  }
0x15: {  	[tilespmem:$0x8480] =	vst v0;
	s16 =	sadd.s32 $0x0, s4  }
0x16: {  	[spmem:s16] =	stream.linear.scatter [tilespmem:s9], [sflag:$0x1], $0x400, $0x38;
	[tilespmem:$0xAD00] =	vst v63  }
0x17: {  	s16 =	simm.s32 $0x1000;
	_ =	swait.ge [sflag:s10], $0x400  }
.LBB2_2:
0x18: {  	s17 =	sshra.s32 s16, $0x2;
	[sflag:s10] =	ssyncset.done $0x0;
	p0 =	sne.s32 s16, $0x4F000  }
.Ltmp0:
0x19: {  	s17 =	sadd.s32 s17, s4;
	[sflag:s10] =	ssyncadd.s32 $0xFFFFFC00;
	(pc) =	sbr.rel @p0 .LBB2_2-.Ltmp0, $3  }
0x1a: {  	[spmem:s17] =	stream.linear.scatter [tilespmem:s9], [sflag:$0x1], $0x400, $0x38;
	[tilespmem:$0xAD00] =	vst v63  }
0x1b: {  	s16 =	sadd.s32 $0x1000, s16;
	_ =	sdelay $0x1  }
0x1c: {  	_ =	swait.ge [sflag:s10], $0x400  }
0x1d: {  	[sflag:s10] =	ssyncset.done $0x0  }
0x1e: {  	[sflag:s10] =	ssyncadd.s32 $0xFFFFFC00  }
0x1f: {  	[bflag:$0x0] =	sbarrier.arrive $0xFFFF  }
0x20: {  	[tilespmem:s3], [sflag:$0x1] =	stream.linear.gather [hbm4b:s7+s3], $0x8000, $0x38;
	[tilespmem:$0xAD00] =	vst v63  }
0x21: {  	_ =	swait.ge [sflag:s10], $0x8000  }
0x22: {  	[sflag:s10] =	ssyncset.done $0x0  }
0x23: {  	s16 =	sadd.s32 $0x0, s8;
	[sflag:s10] =	ssyncadd.s32 $0xFFFF8000  }
0x24: {  	[tilespmem:s11], [sflag:$0x1] =	stream.linear.gather [hbm4b:s16+s3], $0x100, $0x38;
	[tilespmem:$0xAD00] =	vst v63  }
0x25: {  	_ =	swait.ge [sflag:s10], $0x100  }
0x26: {  	[sflag:s10] =	ssyncset.done $0x0  }
0x27: {  	[sflag:s10] =	ssyncadd.s32 $0xFFFFFF00  }
0x28: {  	[spmem:s2] =	stream.indirect.scatter.add.f32 [tilespmem:s3], [sflag:$0x1], $0x10, s11, s12, $0xb8;
	[tilespmem:$0xAD00] =	vst v63  }
0x29: {  	_ =	swait.ge [sflag:s10], $0x1000  }
0x2a: {  	s17 =	smov.u32 s7;
	s16 =	simm.s32 $0x20;
	[sflag:s10] =	ssyncset.done $0x0  }
.LBB2_4:
0x2b: {  	p0 =	sne.s32 s16, $0x4E0;
	[sflag:s10] =	ssyncadd.s32 $0xFFFFF000;
	s17 =	sadd.s32 $0x1000, s17  }
0x2c: {  	[tilespmem:s3], [sflag:$0x1] =	stream.linear.gather [hbm4b:s17+s3], $0x8000, $0x38;
	[tilespmem:$0xAD00] =	vst v63  }
0x2d: {  	s18 =	smov.u32 s16;
	s16 =	sadd.s32 $0x20, s16;
	_ =	swait.ge [sflag:s10], $0x8000  }
0x2e: {  	[sflag:s10] =	ssyncset.done $0x0  }
0x2f: {  	s18 =	sadd.s32 s18, s8;
	[sflag:s10] =	ssyncadd.s32 $0xFFFF8000  }
0x30: {  	[tilespmem:s11], [sflag:$0x1] =	stream.linear.gather [hbm4b:s18+s3], $0x100, $0x38;
	[tilespmem:$0xAD00] =	vst v63  }
0x31: {  	_ =	swait.ge [sflag:s10], $0x100  }
.Ltmp1:
0x32: {  	[sflag:s10] =	ssyncset.done $0x0;
	(pc) =	sbr.rel @p0 .LBB2_4-.Ltmp1, $4  }
0x33: {  	[sflag:s10] =	ssyncadd.s32 $0xFFFFFF00  }
0x34: {  	[spmem:s2] =	stream.indirect.scatter.add.f32 [tilespmem:s3], [sflag:$0x1], $0x10, s11, s12, $0xb8;
	[tilespmem:$0xAD00] =	vst v63  }
0x35: {  	_ =	swait.ge [sflag:s10], $0x1000  }
0x36: {  	[sflag:s10] =	ssyncset.done $0x0  }
0x37: {  	s15 =	sadd.s32 $0x1, s15  }
0x38: {  	[sflag:s10] =	ssyncadd.s32 $0xFFFFF000;
	p0 =	sne.s32 s15, s6  }
.Ltmp2:
0x39: {  	[bflag:$0x0] =	sbarrier.arrive $0xFFFF;
	(pc) =	sbr.rel @p0 .LBB2_1-.Ltmp2, $4  }
0x3a: {  	[hbm:s5], [sflag:s13] =	dma.local [spmem:s14], $0x2800  }
0x3b: {  	_ =	swait.ge [sflag:s10], $0x2800  }
0x3c: {  	[sflag:s10] =	ssyncset.done $0x0  }
0x3d: {  	[sflag:s10] =	ssyncadd.s32 $0xFFFFD800  }
0x3e: {  	_ =	sfence.sel $0x180000  }
0x3f: {  	[bflag:$0x0] =	sbarrier.arrive $0xFFFF  }
0x40: {  	p0 =	sne.s32 s1, $0x0;
	_ =	strace $0x9000004D  }
0x41: {  	s0 =	sadd.s32 @!p0 $0x100000, s0;
	[bflag:$0x2] =	sbarrier.arrive $0xFFFF  }
0x42: {  	[sflag:s0] =	ssyncadd.tile.s32 @!p0 $0x1;
	_ =	shalt  }
.Lfunc_end2:
_tile_overlayer_lowered:
.L_overlay_start_2:
0x43: {  	(tag) =	ssettag $0x2  }
0x44: {  	s0 =	rddreg [dreg:$0x0];
	s2 =	stileid.u32  }
0x45: {  	s1 =	rddreg [dreg:$0x1];
	p0 =	sne.s32 s2, $0x0  }
0x46: {  	s3 =	rddreg [dreg:$0x2];
	[bflag:$0x3] =	sbarrier.arrive $0xFFFF;
	s2 =	simm.s32 @!p0 $0x1C01  }
0x47: {  	[timem:s3], [sflag:s2] =	dma.local @!p0 [hbm:s0], s1  }
0x48: {  	s0 =	simm.s32 @!p0 $0x1  }
0x49: {  	_ =	swait.ge @!p0 [sflag:s0], s1  }
0x4a: {  	s1 =	ssub.s32 @!p0 $0x0, s1;
	[sflag:s0] =	ssyncset.done @!p0 $0x0  }
0x4b: {  	[sflag:s0] =	ssyncadd.s32 @!p0 s1  }
0x4c: {  	[bflag:$0x3] =	sbarrier.arrive $0xFFFF  }
0x4d: {  	_ =	shalt  }

// kernel: kernel.31.cloned.1.call-start
scs
__scs_entry_jumppad:
0x0: {  	(pc) =	sbr.rel $0x88, $3  }
0x1: {  	(tag) =	ssettag $0x0;
	lr =	simm.s32 $0x1  }
0x2: {  	[smem:$0x3F6E] =	sst lr;
	_ =	strace $0xD0000000  }
0x3: {  	_ = 	snop  }
0x4: {  	_ = 	snop  }
0x5: {  	_ = 	snop  }
0x6: {  	_ = 	snop  }
0x7: {  	_ = 	snop  }
__scs_overlays_trampoline_lowered:
0x8: {  	[smem:$0x3F7D] =	sst s0  }
0x9: {  	[smem:$0x3F7E] =	sst s1  }
0xa: {  	[smem:$0x3F7F] =	sst s2  }
0xb: {  	[smem:$0x3F80] =	sst s3  }
0xc: {  	[smem:$0x3F81] =	sst s4  }
0xd: {  	[smem:$0x3F82] =	sst s5  }
0xe: {  	[smem:$0x3F83] =	sst s6  }
0xf: {  	[smem:$0x3F84] =	sst s7  }
0x10: {  	[smem:$0x3F85] =	sst s8  }
0x11: {  	[smem:$0x3F86] =	sst s9;
	s0 =	simm.s32 @!p0 $0x0  }
0x12: {  	s1 =	sld [smem:$0x3F6C];
	s0 =	simm.s32 @p0 $0x1  }
0x13: {  	[smem:$0x3F87] =	sst s0;
	s0 =	simm.s32 @!p1 $0x0  }
0x14: {  	s2 =	sld [smem:$0x3F6B];
	s0 =	simm.s32 @p1 $0x1  }
0x15: {  	[smem:$0x3F88] =	sst s0;
	s0 =	simm.s32 @!p2 $0x0  }
0x16: {  	s3 =	sld [smem:$0x3FDB];
	s0 =	simm.s32 @p2 $0x1  }
0x17: {  	s4 =	simm.s32 $0x1BF5;
	[smem:$0x3F8A] =	sst s0  }
0x18: {  	s0 =	sld [smem:$0x3F6D];
	_ =	swait.ge [sflag:s4], $0x0  }
0x19: {  	s7 =	sld [smem:$0x3F6E]  }
0x1a: {  	s8 =	sadd.s32 $0xFFFFE003, lr  }
0x1b: {  	s9 =	sadd.s32 $0xFFFFFEF7, lr;
	s5 =	simm.s32 $0xFFFFFFFF;
	p2 =	slt.u32 s8, $0xFFFFF086  }
0x1c: {  	p1 =	slt.u32 s9, $0xF7A;
	s5 =	simm.s32 @!p2 $0x0  }
0x1d: {  	s5 =	simm.s32 @p1 $0x1;
	p0 =	seq.s32 s7, s2  }
0x1e: {  	s7 =	smul.u32 @!p0 $0xF7A, s2;
	p2 =	seq.s32 @!p0 s5, $0x0  }
0x1f: {  	s9 =	smul.u32 $0xF7A, s1;
	s8 =	simm.s32 @!p0 $0x1BF5;
	p2 =	por !p2, p0  }
0x20: {  	[sflag:s8] =	ssyncset.s32 @!p0 $0xFFFFF086;
	s6 =	sadd.s32 @!p0 s3, s7;
	s7 =	simm.s32 @!p0 $0x108  }
0x21: {  	s3 =	sadd.s32 s3, s9;
	s6 =	sadd.s32 @!p0 $0x88, s6;
	s7 =	simm.s32 @p2 $0x1082  }
0x22: {  	[simem:s7], [sflag:s8] =	dma.local @!p0 [hbm:s6], $0xF7A  }
0x23: {  	s9 =	sor.u32 $0xD0000000, s2;
	s6 =	simm.s32 $0x108;
	_ =	swait.ge @!p0 [sflag:s8], $0x0  }
0x24: {  	s3 =	sadd.s32 $0x88, s3;
	s6 =	simm.s32 @!p1 $0x1082;
	[sflag:s4] =	ssyncset.s32 $0xFFFFF086  }
0x25: {  	[simem:s6], [sflag:s4] =	dma.local [hbm:s3], $0xF7A  }
0x26: {  	[smem:$0x3F6E] =	sst s1;
	(tag) =	ssettag s2;
	_ =	strace s9  }
0x27: {  	s1 =	sld [smem:$0x3F7E]  }
0x28: {  	s2 =	sld [smem:$0x3F7F]  }
0x29: {  	s4 =	sld [smem:$0x3F81]  }
0x2a: {  	p0 =	seq.s32 s5, $0x0;
	s5 =	sld [smem:$0x3F82]  }
0x2b: {  	s6 =	sld [smem:$0x3F83]  }
0x2c: {  	s7 =	sld [smem:$0x3F84]  }
0x2d: {  	s3 =	simm.s32 $0x108;
	s8 =	sld [smem:$0x3F85]  }
0x2e: {  	s3 =	simm.s32 @!p0 $0x1082;
	s9 =	sld [smem:$0x3F86]  }
0x2f: {  	lr =	sadd.s32 s0, s3;
	s0 =	sld [smem:$0x3F7D]  }
0x30: {  	s3 =	sld [smem:$0x3F80]  }
0x31: {  	[smem:$0x3F89] =	sst s10  }
0x32: {  	s10 =	sld [smem:$0x3F87];
	_ =	sdelay $0x3  }
0x33: {  	p0 =	seq.s32 s10, $0x1;
	s10 =	sld [smem:$0x3F89];
	_ =	sdelay $0x3  }
0x34: {  	[smem:$0x3F89] =	sst s10  }
0x35: {  	s10 =	sld [smem:$0x3F88];
	_ =	sdelay $0x3  }
0x36: {  	p1 =	seq.s32 s10, $0x1;
	s10 =	sld [smem:$0x3F89];
	_ =	sdelay $0x3  }
0x37: {  	[smem:$0x3F89] =	sst s10  }
0x38: {  	s10 =	sld [smem:$0x3F8A]  }
0x39: {  	_ = 	snop;
	(pc) =	sbr.ind lr, $3  }
0x3a: {  	_ = 	snop  }
0x3b: {  	_ = 	snop  }
0x3c: {  	p2 =	seq.s32 s10, $0x1;
	s10 =	sld [smem:$0x3F89]  }
0x3d: {  	_ =	shalt  }
0x3e: {  	_ =	shalt  }
0x3f: {  	_ =	shalt  }
0x40: {  	_ =	shalt  }
0x41: {  	_ =	shalt  }
0x42: {  	_ =	shalt  }
0x43: {  	_ =	shalt  }
0x44: {  	_ =	shalt  }
0x45: {  	_ =	shalt  }
0x46: {  	_ =	shalt  }
0x47: {  	_ =	shalt  }
0x48: {  	_ =	shalt  }
0x49: {  	_ =	shalt  }
0x4a: {  	_ =	shalt  }
0x4b: {  	_ =	shalt  }
0x4c: {  	_ =	shalt  }
0x4d: {  	_ =	shalt  }
0x4e: {  	_ =	shalt  }
0x4f: {  	_ =	shalt  }
0x50: {  	_ =	shalt  }
0x51: {  	_ =	shalt  }
0x52: {  	_ =	shalt  }
0x53: {  	_ =	shalt  }
0x54: {  	_ =	shalt  }
0x55: {  	_ =	shalt  }
0x56: {  	_ =	shalt  }
0x57: {  	_ =	shalt  }
0x58: {  	_ =	shalt  }
0x59: {  	_ =	shalt  }
0x5a: {  	_ =	shalt  }
0x5b: {  	_ =	shalt  }
0x5c: {  	_ =	shalt  }
0x5d: {  	_ =	shalt  }
0x5e: {  	_ =	shalt  }
0x5f: {  	_ =	shalt  }
0x60: {  	_ =	shalt  }
0x61: {  	_ =	shalt  }
0x62: {  	_ =	shalt  }
0x63: {  	_ =	shalt  }
0x64: {  	_ =	shalt  }
0x65: {  	_ =	shalt  }
0x66: {  	_ =	shalt  }
0x67: {  	_ =	shalt  }
0x68: {  	_ =	shalt  }
0x69: {  	_ =	shalt  }
0x6a: {  	_ =	shalt  }
0x6b: {  	_ =	shalt  }
0x6c: {  	_ =	shalt  }
0x6d: {  	_ =	shalt  }
0x6e: {  	_ =	shalt  }
0x6f: {  	_ =	shalt  }
0x70: {  	_ =	shalt  }
0x71: {  	_ =	shalt  }
0x72: {  	_ =	shalt  }
0x73: {  	_ =	shalt  }
0x74: {  	_ =	shalt  }
0x75: {  	_ =	shalt  }
0x76: {  	_ =	shalt  }
0x77: {  	_ =	shalt  }
0x78: {  	_ =	shalt  }
0x79: {  	_ =	shalt  }
0x7a: {  	_ =	shalt  }
0x7b: {  	_ =	shalt  }
0x7c: {  	_ =	shalt  }
0x7d: {  	_ =	shalt  }
0x7e: {  	_ =	shalt  }
0x7f: {  	_ =	shalt  }
0x80: {  	_ =	shalt  }
0x81: {  	_ =	shalt  }
0x82: {  	_ =	shalt  }
0x83: {  	_ =	shalt  }
0x84: {  	_ =	shalt  }
0x85: {  	_ =	shalt  }
0x86: {  	_ =	shalt  }
0x87: {  	_ =	shalt  }
.Lfunc_end0:
.L_simem_size_0:
called_computation.3_lowered:
.L_overlay_start_0:
0x88: {  	s2 =	sld [smem:$0x3FD9]  }
0x89: {  	s3 =	sld [smem:$0x3FFE];
	_ =	sdelay $0x1  }
0x8a: {  	s1 =	srdreg.scid  }
0x8b: {  	s0 =	sand.u32 $0x1, s1  }
0x8c: {  	s17 =	sshll.u32 s0, $0xA;
	s2 =	sadd.s32 s3, s2  }
0x8d: {  	s2 =	sadd.s32 s2, s17  }
0x8e: {  	[smem:$0x3F95] =	sst s2  }
0x8f: {  	_ = 	snop  }
0x90: {  	(tm) =	ssettm $0x1  }
0x91: {  	s18 =	sld [smem:$0x3FFB];
	_ =	sdelay $0x3  }
0x92: {  	_ =	strace s18  }
0x93: {  	s2 =	sld [smem:$0x3FFC];
	_ =	sdelay $0x3  }
0x94: {  	_ =	strace s2  }
0x95: {  	s2 =	sld [smem:$0x3FFD];
	_ =	sdelay $0x3  }
0x96: {  	_ =	strace s2  }
0x97: {  	_ =	strace $0x8FFFFFFF  }
0x98: {  	s19 =	sld [smem:$0x3FDB];
	_ =	sdelay $0x1  }
0x99: {  	s20 =	simm.s32 $_scs_section_size  }
0x9a: {  	s4 =	simm.s32 $_size__tile_overlayer_lowered;
	s5 =	simm.s32 $_tile_overlayer_lowered  }
0x9b: {  	s6 =	simm.s32 $0x1BFF;
	s21 =	sshll.u32 s5, $0x1;
	s3 =	sadd.s32 s20, s19  }
0x9c: {  	s22 =	simm.s32 $0x0;
	s4 =	sshll.u32 s4, $0x1;
	s5 =	sadd.s32 s21, s3  }
0x9d: {  	[timem:s22], [sflag:s6] =	dma.local [hbm:s5], s4  }
0x9e: {  	_ =	swait.ge [sflag:s6], s4  }
0x9f: {  	s4 =	ssub.s32 $0x0, s4;
	[sflag:s6] =	ssyncset.done $0x0  }
0xa0: {  	[sflag:s6] =	ssyncadd.s32 s4;
	_ =	sdelay $0x1  }
0xa1: {  	s23 =	simm.s32 $0x1B8B  }
0xa2: {  	_ =	swait.ge [sflag:s23], $0x1  }
0xa3: {  	[sflag:s23] =	ssyncset.done $0x0  }
0xa4: {  	[sflag:s23] =	ssyncadd.s32 $0xFFFFFFFF  }
0xa5: {  	s4 =	sld [smem:$0x0]  }
0xa6: {  	s5 =	sand.u32 $0xFFFFFFFE, s1  }
0xa7: {  	p0 =	sne.s32 s1, s5  }
0xa8: {  	s5 =	sshll.u32 @p0 s5, $0xE  }
0xa9: {  	s5 =	sadd.s32 @p0 $0x11B8D, s5;
	s6 =	sshll.u32 @p0 s4, $0x11  }
0xaa: {  	s5 =	sor.u32 @p0 s6, s5  }
0xab: {  	[sflag:s5] =	ssyncadd.remote.s32 @p0 $0x1;
	_ =	sdelay $0x1  }
0xac: {  	s5 =	simm.s32 @p0 $0x1B8D  }
0xad: {  	_ =	swait.eq @p0 [sflag:s5], $0x1  }
0xae: {  	[sflag:s5] =	ssyncadd.s32 @p0 $0xFFFFFFFF  }
0xaf: {  	s6 =	sshll.u32 @!p0 s1, $0xE  }
0xb0: {  	s6 =	sor.u32 @!p0 $0x4000, s6;
	s5 =	simm.s32 @!p0 $0x1B8D  }
0xb1: {  	s4 =	sshll.u32 @!p0 s4, $0x11;
	s6 =	sadd.s32 @!p0 $0x11B8D, s6;
	_ =	swait.eq @!p0 [sflag:s5], $0x1  }
0xb2: {  	s4 =	sor.u32 @!p0 s4, s6;
	[sflag:s5] =	ssyncadd.s32 @!p0 $0xFFFFFFFF  }
0xb3: {  	s25 =	simm.s32 $0x1B8E;
	s24 =	sld [smem:$0x3FFE];
	[sflag:s4] =	ssyncadd.remote.s32 @!p0 $0x1  }
0xb4: {  	s26 =	simm.s32 $execute0_lowered;
	[smem:$0x3FD2] =	sst s25  }
0xb5: {  	s5 =	sshll.u32 s26, $0x1;
	_ =	strace $0x80000052;
	[dreg:$0x1] =	wrdreg $0xFFFFFFFF  }
0xb6: {  	s28 =	simm.s32 $_size_execute0_lowered;
	s3 =	sadd.s32 s3, s5;
	[dreg:$0x0] =	wrdreg $0x0  }
0xb7: {  	s5 =	sshll.u32 s28, $0x1;
	[dreg:$0x2] =	wrdreg s3  }
0xb8: {  	[dreg:$0x3] =	wrdreg s5  }
0xb9: {  	[dreg:$0x4] =	wrdreg $0xC0  }
0xba: {  	_ =	task [dreg:s22], $0x5FFFF  }
0xbb: {  	[dreg:$0x1] =	wrdreg $0xFFFFFFFF  }
0xbc: {  	[dreg:$0x0] =	wrdreg $0x60  }
0xbd: {  	[dreg:$0x2] =	wrdreg s24  }
0xbe: {  	[dreg:$0x3] =	wrdreg $0x9  }
0xbf: {  	_ =	task.clear_ibuf [dreg:s22], $0x4FFFF;
	_ =	strace $0x90000052  }
0xc0: {  	s29 =	simm.s32 $0x9;
	_ =	strace $0x80000054  }
0xc1: {  	_ =	swait.ge [sflag:s29], $0x1  }
0xc2: {  	[sflag:s29] =	ssyncadd.s32 $0xFFFFFFFF  }
0xc3: {  	_ =	strace $0x90000054  }
0xc4: {  	_ =	sfence  }
0xc5: {  	s30 =	sld [smem:$0x0];
	_ =	sdelay $0x2  }
0xc6: {  	s31 =	sshll.u32 s1, $0xD;
	s1 =	sshrl.u32 s1, $0x2  }
0xc7: {  	s4 =	sand.u32 $0x4000, s31;
	s1 =	sadd.s32 s1, s30  }
0xc8: {  	s0 =	sor.u32 s4, s0;
	s1 =	sshll.u32 s1, $0x11  }
0xc9: {  	s0 =	sor.u32 s1, s0  }
0xca: {  	s0 =	sadd.s32 $0x8F2B, s0  }
0xcb: {  	[sflag:s0] =	ssyncadd.remote.s32 $0x1  }
0xcc: {  	_ =	sfence.sel $0xFFFF  }
0xcd: {  	[dreg:$0x0] =	wrdreg $0xFFFFFFFF;
	(pc) =	sbr.abs _section_cstart, $3  }
0xce: {  	[dreg:$0x1] =	wrdreg $0xFFFFFFFF  }
0xcf: {  	_ =	task.clear_ibuf [dreg:s22], $0x2FFFF;
	_ =	strace $0x9FFFFFFF  }
0xd0: {  	(tm) =	ssettm $0x7FFFFFFF  }
0xd1: {  	_ =	shalt  }
tec
execute0_lowered:
.L_overlay_start_1:
0x0: {  	(tag) =	ssettag $0x1  }
0x1: {  	s0 =	srdreg.scid  }
0x2: {  	s10 =	stileid.u32;
	s1 =	rddreg [dreg:$0x0];
	s2 =	simm.s32 $0x0  }
0x3: {  	s19 =	simm.s32 $0x5;
	s20 =	simm.s32 $0x1400;
	s28 =	simm.s32 $0x1  }
0x4: {  	s29 =	simm.s32 $0x3;
	s31 =	simm.s32 $0x0;
	s0 =	sand.u32 $0x1, s0  }
0x5: {  	s3 =	sshll.u32 s10, $0x1;
	[smem:$0x7FF] =	sst s2;
	s25 =	smul.u32 $0x140000, s10  }
0x6: {  	s4 =	sor.u32 s0, s3;
	s6 =	ssub.s32 $0x2, s0;
	s0 =	smul.u32 $0xA0000, s0  }
0x7: {  	_ =	strace $0x80000053;
	s3 =	sadd.s32 $0x1E200, s1;
	s5 =	smul.u32 $0x280, s4  }
0x8: {  	s8 =	sshrl.u32 s6, $0x1;
	s9 =	smul.u32 $0xA0000, s4;
	s4 =	sadd.s32 $0x54F400, s1  }
0x9: {  	s21 =	ssub.s32 s6, s8;
	s0 =	sadd.s32 s0, s25;
	s7 =	sadd.s32 s5, s1  }
0xa: {  	s5 =	sadd.s32 $0x7CF400, s1;
	s24 =	sshrl.u32 s9, $0x3;
	s1 =	smax.u32 s21, $0x1  }
0xb: {  	s21 =	simm.s32 $0x80;
	s22 =	sadd.s32 $0x54A400, s7;
	s23 =	sadd.s32 $0x545400, s7  }
0xc: {  	[dreg:$0x4] =	wrdreg s1;
	s9 =	sadd.s32 s4, s24;
	s10 =	sadd.s32 s5, s24  }
0xd: {  	s26 =	sor.u32 $0x800, s24;
	s30 =	sadd.s32 $0x13000, s24;
	s6 =	sadd.s32 $0x13800, s24  }
0xe: {  	s1 =	sor.u32 $0x8000, s0;
	s0 =	sor.u32 $0xC000, s0;
	[dreg:$0x2] =	wrdreg s22  }
0xf: {  	s24 =	simm.s32 $0xA800;
	[dreg:$0x3] =	wrdreg s23;
	s11 =	sadd.s32 s4, s26  }
0x10: {  	s12 =	sadd.s32 s5, s26;
	s13 =	sadd.s32 s4, s30;
	s14 =	sadd.s32 s5, s30  }
0x11: {  	s15 =	sadd.s32 s4, s6;
	s16 =	sadd.s32 s5, s6;
	s17 =	sshrl.u32 s1, $0x3  }
0x12: {  	s18 =	sshrl.u32 s0, $0x3;
	s22 =	simm.s32 $0x2800;
	s23 =	simm.s32 $0x6800  }
0x13: {  	s26 =	simm.s32 $0xE800;
	s1 =	simm.s32 $0x2;
	s0 =	simm.s32 $0x4  }
.LBB2_1:
0x14: {  	s6 =	rddreg [dreg:$0x2]  }
0x15: {  	[tilespmem:s2], [sflag:$0x5] =	stream.linear.gather [hbm4b:s6+s2], $0x1400, $0x38;
	[tilespmem:$0x12800] =	vst v63  }
0x16: {  	_ =	swait.ge [sflag:s19], $0x1400  }
0x17: {  	[sflag:s19] =	ssyncset.done $0x0  }
0x18: {  	s8 =	rddreg [dreg:$0x3];
	[sflag:s19] =	ssyncadd.s32 $0xFFFFEC00  }
0x19: {  	[tilespmem:s20], [sflag:$0x5] =	stream.linear.gather [hbm4b:s8+s2], $0x1400, $0x38;
	[tilespmem:$0x12800] =	vst v63  }
0x1a: {  	_ =	swait.ge [sflag:s19], $0x1400  }
0x1b: {  	[sflag:s19] =	ssyncset.done $0x0  }
0x1c: {  	[sflag:s19] =	ssyncadd.s32 $0xFFFFEC00  }
0x1d: {  	[tilespmem:s22], [sflag:$0x1] =	stream.indirect.gather [hbm4b:s3+s21], $0x80, s2, s21, $0xb8;
	[tilespmem:$0x12800] =	vst v63  }
0x1e: {  	_ = 	snop  }
0x1f: {  	[tilespmem:s23], [sflag:$0x1] =	stream.indirect.gather [hbm4b:s3+s21], $0x80, s20, s21, $0xb8;
	[tilespmem:$0x12800] =	vst v63  }
0x20: {  	_ = 	snop  }
0x21: {  	[tilespmem:s24], [sflag:$0x2] =	stream.indirect.gather [hbm4b:s3+s21], $0x80, s21, s21, $0xb8;
	[tilespmem:$0x12800] =	vst v63  }
0x22: {  	s25 =	simm.s32 $0x1480  }
0x23: {  	[tilespmem:s26], [sflag:$0x2] =	stream.indirect.gather [hbm4b:s3+s21], $0x80, s25, s21, $0xb8;
	[tilespmem:$0x12800] =	vst v63  }
0x24: {  	_ =	swait.ge [sflag:s28], $0x4000  }
0x25: {  	[sflag:s28] =	ssyncset.done $0x0  }
0x26: {  	[sflag:s28] =	ssyncadd.s32 $0xFFFFC000  }
0x27: {  	_ =	swait.ge [sflag:s28], $0x4000  }
0x28: {  	[sflag:s28] =	ssyncset.done $0x0  }
0x29: {  	[sflag:s28] =	ssyncadd.s32 $0xFFFFC000  }
0x2a: {  	[hbm4b:s9+s2] =	stream.linear.scatter [tilespmem:s22], [sflag:$0x3], $0x4000, $0x38;
	[tilespmem:$0x12800] =	vst v63  }
0x2b: {  	_ = 	snop  }
0x2c: {  	[hbm4b:s10+s2] =	stream.linear.scatter [tilespmem:s23], [sflag:$0x3], $0x4000, $0x38;
	[tilespmem:$0x12800] =	vst v63  }
0x2d: {  	_ =	swait.ge [sflag:s29], $0x4000  }
0x2e: {  	[sflag:s29] =	ssyncset.done $0x0  }
0x2f: {  	[sflag:s29] =	ssyncadd.s32 $0xFFFFC000  }
0x30: {  	_ =	swait.ge [sflag:s29], $0x4000  }
0x31: {  	[sflag:s29] =	ssyncset.done $0x0  }
0x32: {  	s7 =	simm.s32 $0x100;
	[sflag:s29] =	ssyncadd.s32 $0xFFFFC000  }
0x33: {  	[tilespmem:s22], [sflag:$0x1] =	stream.indirect.gather [hbm4b:s3+s21], $0x80, s7, s21, $0xb8;
	[tilespmem:$0x12800] =	vst v63  }
0x34: {  	s8 =	simm.s32 $0x1500  }
0x35: {  	[tilespmem:s23], [sflag:$0x1] =	stream.indirect.gather [hbm4b:s3+s21], $0x80, s8, s21, $0xb8;
	[tilespmem:$0x12800] =	vst v63  }
0x36: {  	_ =	swait.ge [sflag:s1], $0x4000  }
0x37: {  	[sflag:s1] =	ssyncset.done $0x0  }
0x38: {  	[sflag:s1] =	ssyncadd.s32 $0xFFFFC000  }
0x39: {  	_ =	swait.ge [sflag:s1], $0x4000  }
0x3a: {  	[sflag:s1] =	ssyncset.done $0x0  }
0x3b: {  	[sflag:s1] =	ssyncadd.s32 $0xFFFFC000  }
0x3c: {  	[hbm4b:s11+s2] =	stream.linear.scatter [tilespmem:s24], [sflag:$0x4], $0x4000, $0x38;
	[tilespmem:$0x12800] =	vst v63  }
0x3d: {  	_ = 	snop  }
0x3e: {  	[hbm4b:s12+s2] =	stream.linear.scatter [tilespmem:s26], [sflag:$0x4], $0x4000, $0x38;
	[tilespmem:$0x12800] =	vst v63  }
0x3f: {  	_ =	swait.ge [sflag:s0], $0x4000  }
0x40: {  	[sflag:s0] =	ssyncset.done $0x0  }
0x41: {  	[sflag:s0] =	ssyncadd.s32 $0xFFFFC000  }
0x42: {  	_ =	swait.ge [sflag:s0], $0x4000  }
0x43: {  	[sflag:s0] =	ssyncset.done $0x0  }
0x44: {  	s25 =	simm.s32 $0x180;
	[sflag:s0] =	ssyncadd.s32 $0xFFFFC000  }
0x45: {  	[tilespmem:s24], [sflag:$0x2] =	stream.indirect.gather [hbm4b:s3+s21], $0x80, s25, s21, $0xb8;
	[tilespmem:$0x12800] =	vst v63  }
0x46: {  	s7 =	simm.s32 $0x1580  }
0x47: {  	[tilespmem:s26], [sflag:$0x2] =	stream.indirect.gather [hbm4b:s3+s21], $0x80, s7, s21, $0xb8;
	[tilespmem:$0x12800] =	vst v63  }
0x48: {  	_ =	swait.ge [sflag:s28], $0x4000  }
0x49: {  	[sflag:s28] =	ssyncset.done $0x0  }
0x4a: {  	[sflag:s28] =	ssyncadd.s32 $0xFFFFC000  }
0x4b: {  	_ =	swait.ge [sflag:s28], $0x4000  }
0x4c: {  	[sflag:s28] =	ssyncset.done $0x0  }
0x4d: {  	s8 =	sadd.s32 s4, s17;
	[sflag:s28] =	ssyncadd.s32 $0xFFFFC000  }
0x4e: {  	[hbm4b:s8+s2] =	stream.linear.scatter [tilespmem:s22], [sflag:$0x3], $0x4000, $0x38;
	[tilespmem:$0x12800] =	vst v63  }
0x4f: {  	s25 =	sadd.s32 s5, s17  }
0x50: {  	[hbm4b:s25+s2] =	stream.linear.scatter [tilespmem:s23], [sflag:$0x3], $0x4000, $0x38;
	[tilespmem:$0x12800] =	vst v63  }
0x51: {  	_ =	swait.ge [sflag:s29], $0x4000  }
0x52: {  	[sflag:s29] =	ssyncset.done $0x0  }
0x53: {  	[sflag:s29] =	ssyncadd.s32 $0xFFFFC000  }
0x54: {  	_ =	swait.ge [sflag:s29], $0x4000  }
0x55: {  	[sflag:s29] =	ssyncset.done $0x0  }
0x56: {  	s7 =	simm.s32 $0x200;
	[sflag:s29] =	ssyncadd.s32 $0xFFFFC000  }
0x57: {  	[tilespmem:s22], [sflag:$0x1] =	stream.indirect.gather [hbm4b:s3+s21], $0x80, s7, s21, $0xb8;
	[tilespmem:$0x12800] =	vst v63  }
0x58: {  	s8 =	simm.s32 $0x1600  }
0x59: {  	[tilespmem:s23], [sflag:$0x1] =	stream.indirect.gather [hbm4b:s3+s21], $0x80, s8, s21, $0xb8;
	[tilespmem:$0x12800] =	vst v63  }
0x5a: {  	_ =	swait.ge [sflag:s1], $0x4000  }
0x5b: {  	[sflag:s1] =	ssyncset.done $0x0  }
0x5c: {  	[sflag:s1] =	ssyncadd.s32 $0xFFFFC000  }
0x5d: {  	_ =	swait.ge [sflag:s1], $0x4000  }
0x5e: {  	[sflag:s1] =	ssyncset.done $0x0  }
0x5f: {  	s30 =	sadd.s32 $0x1000, s5;
	s25 =	sadd.s32 s4, s18;
	[sflag:s1] =	ssyncadd.s32 $0xFFFFC000  }
0x60: {  	[hbm4b:s25+s2] =	stream.linear.scatter [tilespmem:s24], [sflag:$0x4], $0x4000, $0x38;
	[tilespmem:$0x12800] =	vst v63  }
0x61: {  	s6 =	sadd.s32 $0x1000, s4;
	s7 =	sadd.s32 s5, s18;
	s25 =	simm.s32 $0x400  }
.LBB2_2:
0x62: {  	[hbm4b:s7+s2] =	stream.linear.scatter [tilespmem:s26], [sflag:$0x4], $0x4000, $0x38;
	[tilespmem:$0x12800] =	vst v63  }
0x63: {  	s7 =	smov.u32 s25  }
0x64: {  	p0 =	sne.s32 s25, $0x4400;
	s25 =	sadd.s32 $0x400, s25;
	_ =	swait.ge [sflag:s0], $0x4000  }
0x65: {  	[sflag:s0] =	ssyncset.done $0x0  }
0x66: {  	[sflag:s0] =	ssyncadd.s32 $0xFFFFC000  }
0x67: {  	_ =	swait.ge [sflag:s0], $0x4000  }
0x68: {  	s7 =	sshra.s32 s7, $0x2;
	[sflag:s0] =	ssyncset.done $0x0  }
0x69: {  	s8 =	sadd.s32 $0x180, s7;
	[sflag:s0] =	ssyncadd.s32 $0xFFFFC000  }
0x6a: {  	[tilespmem:s24], [sflag:$0x2] =	stream.indirect.gather [hbm4b:s3+s21], $0x80, s8, s21, $0xb8;
	[tilespmem:$0x12800] =	vst v63  }
0x6b: {  	s8 =	sadd.s32 $0x1580, s7  }
0x6c: {  	[tilespmem:s26], [sflag:$0x2] =	stream.indirect.gather [hbm4b:s3+s21], $0x80, s8, s21, $0xb8;
	[tilespmem:$0x12800] =	vst v63  }
0x6d: {  	_ =	swait.ge [sflag:s28], $0x4000  }
0x6e: {  	[sflag:s28] =	ssyncset.done $0x0  }
0x6f: {  	[sflag:s28] =	ssyncadd.s32 $0xFFFFC000  }
0x70: {  	_ =	swait.ge [sflag:s28], $0x4000  }
0x71: {  	[sflag:s28] =	ssyncset.done $0x0  }
0x72: {  	s8 =	sadd.s32 s6, s17;
	[sflag:s28] =	ssyncadd.s32 $0xFFFFC000  }
0x73: {  	[hbm4b:s8+s2] =	stream.linear.scatter [tilespmem:s22], [sflag:$0x3], $0x4000, $0x38;
	[tilespmem:$0x12800] =	vst v63  }
0x74: {  	s8 =	sadd.s32 s30, s17  }
0x75: {  	[hbm4b:s8+s2] =	stream.linear.scatter [tilespmem:s23], [sflag:$0x3], $0x4000, $0x38;
	[tilespmem:$0x12800] =	vst v63  }
0x76: {  	_ =	swait.ge [sflag:s29], $0x4000  }
0x77: {  	[sflag:s29] =	ssyncset.done $0x0  }
0x78: {  	[sflag:s29] =	ssyncadd.s32 $0xFFFFC000  }
0x79: {  	_ =	swait.ge [sflag:s29], $0x4000  }
0x7a: {  	[sflag:s29] =	ssyncset.done $0x0  }
0x7b: {  	s8 =	sadd.s32 $0x200, s7;
	[sflag:s29] =	ssyncadd.s32 $0xFFFFC000  }
0x7c: {  	[tilespmem:s22], [sflag:$0x1] =	stream.indirect.gather [hbm4b:s3+s21], $0x80, s8, s21, $0xb8;
	[tilespmem:$0x12800] =	vst v63  }
0x7d: {  	s7 =	sadd.s32 $0x1600, s7  }
0x7e: {  	[tilespmem:s23], [sflag:$0x1] =	stream.indirect.gather [hbm4b:s3+s21], $0x80, s7, s21, $0xb8;
	[tilespmem:$0x12800] =	vst v63  }
0x7f: {  	_ =	swait.ge [sflag:s1], $0x4000  }
0x80: {  	[sflag:s1] =	ssyncset.done $0x0  }
0x81: {  	[sflag:s1] =	ssyncadd.s32 $0xFFFFC000  }
.Ltmp0:
0x82: {  	_ =	swait.ge [sflag:s1], $0x4000;
	(pc) =	sbr.rel @p0 .LBB2_2-.Ltmp0, $4  }
0x83: {  	[sflag:s1] =	ssyncset.done $0x0  }
0x84: {  	s7 =	sadd.s32 s6, s18;
	[sflag:s1] =	ssyncadd.s32 $0xFFFFC000  }
0x85: {  	[hbm4b:s7+s2] =	stream.linear.scatter [tilespmem:s24], [sflag:$0x4], $0x4000, $0x38;
	[tilespmem:$0x12800] =	vst v63  }
0x86: {  	s6 =	sadd.s32 $0x1000, s6;
	s7 =	sadd.s32 s30, s18;
	s30 =	sadd.s32 $0x1000, s30  }
0x87: {  	[hbm4b:s7+s2] =	stream.linear.scatter [tilespmem:s26], [sflag:$0x4], $0x4000, $0x38;
	[tilespmem:$0x12800] =	vst v63  }
0x88: {  	_ =	swait.ge [sflag:s0], $0x4000  }
0x89: {  	[sflag:s0] =	ssyncset.done $0x0  }
0x8a: {  	[sflag:s0] =	ssyncadd.s32 $0xFFFFC000  }
0x8b: {  	_ =	swait.ge [sflag:s0], $0x4000  }
0x8c: {  	[sflag:s0] =	ssyncset.done $0x0  }
0x8d: {  	s6 =	simm.s32 $0x1380;
	[sflag:s0] =	ssyncadd.s32 $0xFFFFC000  }
0x8e: {  	[tilespmem:s24], [sflag:$0x2] =	stream.indirect.gather [hbm4b:s3+s21], $0x80, s6, s21, $0xb8;
	[tilespmem:$0x12800] =	vst v63  }
0x8f: {  	s25 =	simm.s32 $0x2780  }
0x90: {  	[tilespmem:s26], [sflag:$0x2] =	stream.indirect.gather [hbm4b:s3+s21], $0x80, s25, s21, $0xb8;
	[tilespmem:$0x12800] =	vst v63  }
0x91: {  	_ =	swait.ge [sflag:s28], $0x4000  }
0x92: {  	[sflag:s28] =	ssyncset.done $0x0  }
0x93: {  	[sflag:s28] =	ssyncadd.s32 $0xFFFFC000  }
0x94: {  	_ =	swait.ge [sflag:s28], $0x4000  }
0x95: {  	[sflag:s28] =	ssyncset.done $0x0  }
0x96: {  	[sflag:s28] =	ssyncadd.s32 $0xFFFFC000  }
0x97: {  	[hbm4b:s13+s2] =	stream.linear.scatter [tilespmem:s22], [sflag:$0x3], $0x4000, $0x38;
	[tilespmem:$0x12800] =	vst v63  }
0x98: {  	_ = 	snop  }
0x99: {  	[hbm4b:s14+s2] =	stream.linear.scatter [tilespmem:s23], [sflag:$0x3], $0x4000, $0x38;
	[tilespmem:$0x12800] =	vst v63  }
0x9a: {  	_ =	swait.ge [sflag:s1], $0x4000  }
0x9b: {  	[sflag:s1] =	ssyncset.done $0x0  }
0x9c: {  	[sflag:s1] =	ssyncadd.s32 $0xFFFFC000  }
0x9d: {  	_ =	swait.ge [sflag:s1], $0x4000  }
0x9e: {  	[sflag:s1] =	ssyncset.done $0x0  }
0x9f: {  	[sflag:s1] =	ssyncadd.s32 $0xFFFFC000  }
0xa0: {  	[hbm4b:s15+s2] =	stream.linear.scatter [tilespmem:s24], [sflag:$0x4], $0x4000, $0x38;
	[tilespmem:$0x12800] =	vst v63  }
0xa1: {  	_ = 	snop  }
0xa2: {  	[hbm4b:s16+s2] =	stream.linear.scatter [tilespmem:s26], [sflag:$0x4], $0x4000, $0x38;
	[tilespmem:$0x12800] =	vst v63  }
0xa3: {  	_ =	swait.ge [sflag:s29], $0x4000  }
0xa4: {  	[sflag:s29] =	ssyncset.done $0x0  }
0xa5: {  	[sflag:s29] =	ssyncadd.s32 $0xFFFFC000  }
0xa6: {  	_ =	swait.ge [sflag:s29], $0x4000  }
0xa7: {  	[sflag:s29] =	ssyncset.done $0x0  }
0xa8: {  	[sflag:s29] =	ssyncadd.s32 $0xFFFFC000  }
0xa9: {  	_ =	swait.ge [sflag:s0], $0x4000  }
0xaa: {  	[sflag:s0] =	ssyncset.done $0x0  }
0xab: {  	[sflag:s0] =	ssyncadd.s32 $0xFFFFC000  }
0xac: {  	_ =	swait.ge [sflag:s0], $0x4000  }
0xad: {  	s31 =	sadd.s32 $0x1, s31;
	s30 =	rddreg [dreg:$0x4]  }
0xae: {  	p0 =	sne.s32 s31, s30  }
.Ltmp1:
0xaf: {  	_ = 	snop;
	(pc) =	sbr.rel @p0 .LBB2_1-.Ltmp1, $3  }
0xb0: {  	_ =	sdelay $0x1  }
0xb1: {  	[sflag:s0] =	ssyncset.done $0x0  }
0xb2: {  	[sflag:s0] =	ssyncadd.s32 $0xFFFFC000  }
0xb3: {  	_ =	sfence.sel $0x180000  }
0xb4: {  	[bflag:$0x0] =	sbarrier.arrive $0xFFFF  }
0xb5: {  	_ =	strace $0x90000053  }
0xb6: {  	s0 =	stileid.u32;
	[bflag:$0x2] =	sbarrier.arrive $0xFFFF  }
0xb7: {  	p0 =	sne.s32 s0, $0x0;
	s0 =	rddreg [dreg:$0x1]  }
0xb8: {  	s0 =	sadd.s32 @!p0 $0x100000, s0  }
0xb9: {  	[sflag:s0] =	ssyncadd.tile.s32 @!p0 $0x1;
	_ =	shalt  }
.Lfunc_end2:
_tile_overlayer_lowered:
.L_overlay_start_2:
0xba: {  	(tag) =	ssettag $0x2  }
0xbb: {  	s0 =	rddreg [dreg:$0x0];
	s2 =	stileid.u32  }
0xbc: {  	s1 =	rddreg [dreg:$0x1];
	p0 =	sne.s32 s2, $0x0  }
0xbd: {  	s3 =	rddreg [dreg:$0x2];
	[bflag:$0x3] =	sbarrier.arrive $0xFFFF;
	s2 =	simm.s32 @!p0 $0x1C05  }
0xbe: {  	[timem:s3], [sflag:s2] =	dma.local @!p0 [hbm:s0], s1  }
0xbf: {  	s0 =	simm.s32 @!p0 $0x5  }
0xc0: {  	_ =	swait.ge @!p0 [sflag:s0], s1  }
0xc1: {  	s1 =	ssub.s32 @!p0 $0x0, s1;
	[sflag:s0] =	ssyncset.done @!p0 $0x0  }
0xc2: {  	[sflag:s0] =	ssyncadd.s32 @!p0 s1  }
0xc3: {  	[bflag:$0x3] =	sbarrier.arrive $0xFFFF  }
0xc4: {  	_ =	shalt  }

// kernel: kernel.34.cloned.1.call-start
scs
__scs_entry_jumppad:
0x0: {  	(pc) =	sbr.rel $0x88, $3  }
0x1: {  	(tag) =	ssettag $0x0;
	lr =	simm.s32 $0x1  }
0x2: {  	[smem:$0x3F6E] =	sst lr;
	_ =	strace $0xD0000000  }
0x3: {  	_ = 	snop  }
0x4: {  	_ = 	snop  }
0x5: {  	_ = 	snop  }
0x6: {  	_ = 	snop  }
0x7: {  	_ = 	snop  }
__scs_overlays_trampoline_lowered:
0x8: {  	[smem:$0x3F7D] =	sst s0  }
0x9: {  	[smem:$0x3F7E] =	sst s1  }
0xa: {  	[smem:$0x3F7F] =	sst s2  }
0xb: {  	[smem:$0x3F80] =	sst s3  }
0xc: {  	[smem:$0x3F81] =	sst s4  }
0xd: {  	[smem:$0x3F82] =	sst s5  }
0xe: {  	[smem:$0x3F83] =	sst s6  }
0xf: {  	[smem:$0x3F84] =	sst s7  }
0x10: {  	[smem:$0x3F85] =	sst s8  }
0x11: {  	[smem:$0x3F86] =	sst s9;
	s0 =	simm.s32 @!p0 $0x0  }
0x12: {  	s1 =	sld [smem:$0x3F6C];
	s0 =	simm.s32 @p0 $0x1  }
0x13: {  	[smem:$0x3F87] =	sst s0;
	s0 =	simm.s32 @!p1 $0x0  }
0x14: {  	s2 =	sld [smem:$0x3F6B];
	s0 =	simm.s32 @p1 $0x1  }
0x15: {  	[smem:$0x3F88] =	sst s0;
	s0 =	simm.s32 @!p2 $0x0  }
0x16: {  	s3 =	sld [smem:$0x3FDB];
	s0 =	simm.s32 @p2 $0x1  }
0x17: {  	s4 =	simm.s32 $0x1BF5;
	[smem:$0x3F8A] =	sst s0  }
0x18: {  	s0 =	sld [smem:$0x3F6D];
	_ =	swait.ge [sflag:s4], $0x0  }
0x19: {  	s7 =	sld [smem:$0x3F6E]  }
0x1a: {  	s8 =	sadd.s32 $0xFFFFE003, lr  }
0x1b: {  	s9 =	sadd.s32 $0xFFFFFEF7, lr;
	s5 =	simm.s32 $0xFFFFFFFF;
	p2 =	slt.u32 s8, $0xFFFFF086  }
0x1c: {  	p1 =	slt.u32 s9, $0xF7A;
	s5 =	simm.s32 @!p2 $0x0  }
0x1d: {  	s5 =	simm.s32 @p1 $0x1;
	p0 =	seq.s32 s7, s2  }
0x1e: {  	s7 =	smul.u32 @!p0 $0xF7A, s2;
	p2 =	seq.s32 @!p0 s5, $0x0  }
0x1f: {  	s9 =	smul.u32 $0xF7A, s1;
	s8 =	simm.s32 @!p0 $0x1BF5;
	p2 =	por !p2, p0  }
0x20: {  	[sflag:s8] =	ssyncset.s32 @!p0 $0xFFFFF086;
	s6 =	sadd.s32 @!p0 s3, s7;
	s7 =	simm.s32 @!p0 $0x108  }
0x21: {  	s3 =	sadd.s32 s3, s9;
	s6 =	sadd.s32 @!p0 $0x88, s6;
	s7 =	simm.s32 @p2 $0x1082  }
0x22: {  	[simem:s7], [sflag:s8] =	dma.local @!p0 [hbm:s6], $0xF7A  }
0x23: {  	s9 =	sor.u32 $0xD0000000, s2;
	s6 =	simm.s32 $0x108;
	_ =	swait.ge @!p0 [sflag:s8], $0x0  }
0x24: {  	s3 =	sadd.s32 $0x88, s3;
	s6 =	simm.s32 @!p1 $0x1082;
	[sflag:s4] =	ssyncset.s32 $0xFFFFF086  }
0x25: {  	[simem:s6], [sflag:s4] =	dma.local [hbm:s3], $0xF7A  }
0x26: {  	[smem:$0x3F6E] =	sst s1;
	(tag) =	ssettag s2;
	_ =	strace s9  }
0x27: {  	s1 =	sld [smem:$0x3F7E]  }
0x28: {  	s2 =	sld [smem:$0x3F7F]  }
0x29: {  	s4 =	sld [smem:$0x3F81]  }
0x2a: {  	p0 =	seq.s32 s5, $0x0;
	s5 =	sld [smem:$0x3F82]  }
0x2b: {  	s6 =	sld [smem:$0x3F83]  }
0x2c: {  	s7 =	sld [smem:$0x3F84]  }
0x2d: {  	s3 =	simm.s32 $0x108;
	s8 =	sld [smem:$0x3F85]  }
0x2e: {  	s3 =	simm.s32 @!p0 $0x1082;
	s9 =	sld [smem:$0x3F86]  }
0x2f: {  	lr =	sadd.s32 s0, s3;
	s0 =	sld [smem:$0x3F7D]  }
0x30: {  	s3 =	sld [smem:$0x3F80]  }
0x31: {  	[smem:$0x3F89] =	sst s10  }
0x32: {  	s10 =	sld [smem:$0x3F87];
	_ =	sdelay $0x3  }
0x33: {  	p0 =	seq.s32 s10, $0x1;
	s10 =	sld [smem:$0x3F89];
	_ =	sdelay $0x3  }
0x34: {  	[smem:$0x3F89] =	sst s10  }
0x35: {  	s10 =	sld [smem:$0x3F88];
	_ =	sdelay $0x3  }
0x36: {  	p1 =	seq.s32 s10, $0x1;
	s10 =	sld [smem:$0x3F89];
	_ =	sdelay $0x3  }
0x37: {  	[smem:$0x3F89] =	sst s10  }
0x38: {  	s10 =	sld [smem:$0x3F8A]  }
0x39: {  	_ = 	snop;
	(pc) =	sbr.ind lr, $3  }
0x3a: {  	_ = 	snop  }
0x3b: {  	_ = 	snop  }
0x3c: {  	p2 =	seq.s32 s10, $0x1;
	s10 =	sld [smem:$0x3F89]  }
0x3d: {  	_ =	shalt  }
0x3e: {  	_ =	shalt  }
0x3f: {  	_ =	shalt  }
0x40: {  	_ =	shalt  }
0x41: {  	_ =	shalt  }
0x42: {  	_ =	shalt  }
0x43: {  	_ =	shalt  }
0x44: {  	_ =	shalt  }
0x45: {  	_ =	shalt  }
0x46: {  	_ =	shalt  }
0x47: {  	_ =	shalt  }
0x48: {  	_ =	shalt  }
0x49: {  	_ =	shalt  }
0x4a: {  	_ =	shalt  }
0x4b: {  	_ =	shalt  }
0x4c: {  	_ =	shalt  }
0x4d: {  	_ =	shalt  }
0x4e: {  	_ =	shalt  }
0x4f: {  	_ =	shalt  }
0x50: {  	_ =	shalt  }
0x51: {  	_ =	shalt  }
0x52: {  	_ =	shalt  }
0x53: {  	_ =	shalt  }
0x54: {  	_ =	shalt  }
0x55: {  	_ =	shalt  }
0x56: {  	_ =	shalt  }
0x57: {  	_ =	shalt  }
0x58: {  	_ =	shalt  }
0x59: {  	_ =	shalt  }
0x5a: {  	_ =	shalt  }
0x5b: {  	_ =	shalt  }
0x5c: {  	_ =	shalt  }
0x5d: {  	_ =	shalt  }
0x5e: {  	_ =	shalt  }
0x5f: {  	_ =	shalt  }
0x60: {  	_ =	shalt  }
0x61: {  	_ =	shalt  }
0x62: {  	_ =	shalt  }
0x63: {  	_ =	shalt  }
0x64: {  	_ =	shalt  }
0x65: {  	_ =	shalt  }
0x66: {  	_ =	shalt  }
0x67: {  	_ =	shalt  }
0x68: {  	_ =	shalt  }
0x69: {  	_ =	shalt  }
0x6a: {  	_ =	shalt  }
0x6b: {  	_ =	shalt  }
0x6c: {  	_ =	shalt  }
0x6d: {  	_ =	shalt  }
0x6e: {  	_ =	shalt  }
0x6f: {  	_ =	shalt  }
0x70: {  	_ =	shalt  }
0x71: {  	_ =	shalt  }
0x72: {  	_ =	shalt  }
0x73: {  	_ =	shalt  }
0x74: {  	_ =	shalt  }
0x75: {  	_ =	shalt  }
0x76: {  	_ =	shalt  }
0x77: {  	_ =	shalt  }
0x78: {  	_ =	shalt  }
0x79: {  	_ =	shalt  }
0x7a: {  	_ =	shalt  }
0x7b: {  	_ =	shalt  }
0x7c: {  	_ =	shalt  }
0x7d: {  	_ =	shalt  }
0x7e: {  	_ =	shalt  }
0x7f: {  	_ =	shalt  }
0x80: {  	_ =	shalt  }
0x81: {  	_ =	shalt  }
0x82: {  	_ =	shalt  }
0x83: {  	_ =	shalt  }
0x84: {  	_ =	shalt  }
0x85: {  	_ =	shalt  }
0x86: {  	_ =	shalt  }
0x87: {  	_ =	shalt  }
.Lfunc_end0:
.L_simem_size_0:
called_computation.4_lowered:
.L_overlay_start_0:
0x88: {  	s2 =	sld [smem:$0x3FD9]  }
0x89: {  	s3 =	sld [smem:$0x3FFE];
	_ =	sdelay $0x1  }
0x8a: {  	s1 =	srdreg.scid  }
0x8b: {  	s0 =	sand.u32 $0x1, s1  }
0x8c: {  	s16 =	sshll.u32 s0, $0xA;
	s2 =	sadd.s32 s3, s2  }
0x8d: {  	s2 =	sadd.s32 s2, s16  }
0x8e: {  	[smem:$0x3F95] =	sst s2  }
0x8f: {  	_ = 	snop  }
0x90: {  	(tm) =	ssettm $0x1  }
0x91: {  	s17 =	sld [smem:$0x3FFB];
	_ =	sdelay $0x3  }
0x92: {  	_ =	strace s17  }
0x93: {  	s2 =	sld [smem:$0x3FFC];
	_ =	sdelay $0x3  }
0x94: {  	_ =	strace s2  }
0x95: {  	s2 =	sld [smem:$0x3FFD];
	_ =	sdelay $0x3  }
0x96: {  	_ =	strace s2  }
0x97: {  	_ =	strace $0x8FFFFFFF  }
0x98: {  	s18 =	sld [smem:$0x3FDB];
	_ =	sdelay $0x1  }
0x99: {  	s19 =	simm.s32 $_scs_section_size  }
0x9a: {  	s4 =	simm.s32 $_size__tile_overlayer_lowered;
	s5 =	simm.s32 $_tile_overlayer_lowered  }
0x9b: {  	s22 =	simm.s32 $0x1BFF;
	s21 =	sshll.u32 s5, $0x1;
	s2 =	sadd.s32 s19, s18  }
0x9c: {  	s6 =	simm.s32 $0x0;
	s20 =	sshll.u32 s4, $0x1;
	s4 =	sadd.s32 s21, s2  }
0x9d: {  	[timem:s6], [sflag:s22] =	dma.local [hbm:s4], s20  }
0x9e: {  	_ =	swait.ge [sflag:s22], s20  }
0x9f: {  	s3 =	ssub.s32 $0x0, s20;
	[sflag:s22] =	ssyncset.done $0x0  }
0xa0: {  	[sflag:s22] =	ssyncadd.s32 s3;
	_ =	sdelay $0x1  }
0xa1: {  	s23 =	simm.s32 $0x1B8B  }
0xa2: {  	_ =	swait.ge [sflag:s23], $0x1  }
0xa3: {  	[sflag:s23] =	ssyncset.done $0x0  }
0xa4: {  	s25 =	simm.s32 $0x1B8E;
	s24 =	sld [smem:$0x3FFE];
	[sflag:s23] =	ssyncadd.s32 $0xFFFFFFFF  }
0xa5: {  	s26 =	simm.s32 $execute0_lowered;
	[smem:$0x3FD2] =	sst s25  }
0xa6: {  	s4 =	sshll.u32 s26, $0x1;
	_ =	strace $0x8000004F;
	[dreg:$0x1] =	wrdreg $0xFFFFFFFF  }
0xa7: {  	s28 =	simm.s32 $_size_execute0_lowered;
	s2 =	sadd.s32 s2, s4;
	[dreg:$0x0] =	wrdreg $0x0  }
0xa8: {  	s4 =	sshll.u32 s28, $0x1;
	[dreg:$0x2] =	wrdreg s2  }
0xa9: {  	[dreg:$0x3] =	wrdreg s4  }
0xaa: {  	[dreg:$0x4] =	wrdreg $0xC0  }
0xab: {  	_ =	task [dreg:s6], $0x5FFFF  }
0xac: {  	[dreg:$0x1] =	wrdreg $0xFFFFFFFF  }
0xad: {  	[dreg:$0x0] =	wrdreg $0x60  }
0xae: {  	[dreg:$0x2] =	wrdreg s24  }
0xaf: {  	[dreg:$0x3] =	wrdreg $0xA  }
0xb0: {  	_ =	task.clear_ibuf [dreg:s6], $0x4FFFF;
	_ =	strace $0x9000004F  }
0xb1: {  	s29 =	simm.s32 $0xA;
	_ =	strace $0x80000051  }
0xb2: {  	_ =	swait.ge [sflag:s29], $0x1  }
0xb3: {  	[sflag:s29] =	ssyncadd.s32 $0xFFFFFFFF  }
0xb4: {  	_ =	strace $0x90000051  }
0xb5: {  	_ =	sfence  }
0xb6: {  	s30 =	sld [smem:$0x0];
	_ =	sdelay $0x2  }
0xb7: {  	s31 =	sshll.u32 s1, $0xD;
	s1 =	sshrl.u32 s1, $0x2  }
0xb8: {  	s3 =	sand.u32 $0x4000, s31;
	s1 =	sadd.s32 s1, s30  }
0xb9: {  	s0 =	sor.u32 s3, s0;
	s1 =	sshll.u32 s1, $0x11  }
0xba: {  	s0 =	sor.u32 s1, s0  }
0xbb: {  	s0 =	sadd.s32 $0x8F2B, s0  }
0xbc: {  	[sflag:s0] =	ssyncadd.remote.s32 $0x1  }
0xbd: {  	_ =	sfence.sel $0xFFFF  }
0xbe: {  	[dreg:$0x0] =	wrdreg $0xFFFFFFFF;
	(pc) =	sbr.abs _section_cstart, $3  }
0xbf: {  	[dreg:$0x1] =	wrdreg $0xFFFFFFFF  }
0xc0: {  	_ =	task.clear_ibuf [dreg:s6], $0x2FFFF;
	_ =	strace $0x9FFFFFFF  }
0xc1: {  	(tm) =	ssettm $0x7FFFFFFF  }
tec
execute0_lowered:
.L_overlay_start_1:
0x0: {  	(tag) =	ssettag $0x1  }
0x1: {  	s0 =	srdreg.scid  }
0x2: {  	s10 =	stileid.u32;
	s1 =	rddreg [dreg:$0x0];
	s2 =	simm.s32 $0x0  }
0x3: {  	s19 =	simm.s32 $0x5;
	s20 =	simm.s32 $0x1400;
	s28 =	simm.s32 $0x1  }
0x4: {  	s29 =	simm.s32 $0x3;
	s31 =	simm.s32 $0x0;
	s0 =	sand.u32 $0x1, s0  }
0x5: {  	s3 =	sshll.u32 s10, $0x1;
	[smem:$0x7FF] =	sst s2;
	s25 =	smul.u32 $0x140000, s10  }
0x6: {  	s4 =	sor.u32 s0, s3;
	s6 =	ssub.s32 $0x2, s0;
	s0 =	smul.u32 $0xA0000, s0  }
0x7: {  	_ =	strace $0x80000050;
	s3 =	sadd.s32 $0x1E200, s1;
	s5 =	smul.u32 $0x280, s4  }
0x8: {  	s8 =	sshrl.u32 s6, $0x1;
	s9 =	smul.u32 $0xA0000, s4;
	s4 =	sadd.s32 $0x45400, s1  }
0x9: {  	s21 =	ssub.s32 s6, s8;
	s0 =	sadd.s32 s0, s25;
	s7 =	sadd.s32 s5, s1  }
0xa: {  	s5 =	sadd.s32 $0x2C5400, s1;
	s24 =	sshrl.u32 s9, $0x3;
	s1 =	smax.u32 s21, $0x1  }
0xb: {  	s21 =	simm.s32 $0x80;
	s22 =	sadd.s32 $0x14200, s7;
	s23 =	sadd.s32 $0x19200, s7  }
0xc: {  	[dreg:$0x4] =	wrdreg s1;
	s9 =	sadd.s32 s4, s24;
	s10 =	sadd.s32 s5, s24  }
0xd: {  	s26 =	sor.u32 $0x800, s24;
	s30 =	sadd.s32 $0x13000, s24;
	s6 =	sadd.s32 $0x13800, s24  }
0xe: {  	s1 =	sor.u32 $0x8000, s0;
	s0 =	sor.u32 $0xC000, s0;
	[dreg:$0x2] =	wrdreg s22  }
0xf: {  	s24 =	simm.s32 $0xA800;
	[dreg:$0x3] =	wrdreg s23;
	s11 =	sadd.s32 s4, s26  }
0x10: {  	s12 =	sadd.s32 s5, s26;
	s13 =	sadd.s32 s4, s30;
	s14 =	sadd.s32 s5, s30  }
0x11: {  	s15 =	sadd.s32 s4, s6;
	s16 =	sadd.s32 s5, s6;
	s17 =	sshrl.u32 s1, $0x3  }
0x12: {  	s18 =	sshrl.u32 s0, $0x3;
	s22 =	simm.s32 $0x2800;
	s23 =	simm.s32 $0x6800  }
0x13: {  	s26 =	simm.s32 $0xE800;
	s1 =	simm.s32 $0x2;
	s0 =	simm.s32 $0x4  }
.LBB2_1:
0x14: {  	s6 =	rddreg [dreg:$0x2]  }
0x15: {  	[tilespmem:s2], [sflag:$0x5] =	stream.linear.gather [hbm4b:s6+s2], $0x1400, $0x38;
	[tilespmem:$0x12800] =	vst v63  }
0x16: {  	_ =	swait.ge [sflag:s19], $0x1400  }
0x17: {  	[sflag:s19] =	ssyncset.done $0x0  }
0x18: {  	s8 =	rddreg [dreg:$0x3];
	[sflag:s19] =	ssyncadd.s32 $0xFFFFEC00  }
0x19: {  	[tilespmem:s20], [sflag:$0x5] =	stream.linear.gather [hbm4b:s8+s2], $0x1400, $0x38;
	[tilespmem:$0x12800] =	vst v63  }
0x1a: {  	_ =	swait.ge [sflag:s19], $0x1400  }
0x1b: {  	[sflag:s19] =	ssyncset.done $0x0  }
0x1c: {  	[sflag:s19] =	ssyncadd.s32 $0xFFFFEC00  }
0x1d: {  	[tilespmem:s22], [sflag:$0x1] =	stream.indirect.gather [hbm4b:s3+s21], $0x80, s2, s21, $0xb8;
	[tilespmem:$0x12800] =	vst v63  }
0x1e: {  	_ = 	snop  }
0x1f: {  	[tilespmem:s23], [sflag:$0x1] =	stream.indirect.gather [hbm4b:s3+s21], $0x80, s20, s21, $0xb8;
	[tilespmem:$0x12800] =	vst v63  }
0x20: {  	_ = 	snop  }
0x21: {  	[tilespmem:s24], [sflag:$0x2] =	stream.indirect.gather [hbm4b:s3+s21], $0x80, s21, s21, $0xb8;
	[tilespmem:$0x12800] =	vst v63  }
0x22: {  	s25 =	simm.s32 $0x1480  }
0x23: {  	[tilespmem:s26], [sflag:$0x2] =	stream.indirect.gather [hbm4b:s3+s21], $0x80, s25, s21, $0xb8;
	[tilespmem:$0x12800] =	vst v63  }
0x24: {  	_ =	swait.ge [sflag:s28], $0x4000  }
0x25: {  	[sflag:s28] =	ssyncset.done $0x0  }
0x26: {  	[sflag:s28] =	ssyncadd.s32 $0xFFFFC000  }
0x27: {  	_ =	swait.ge [sflag:s28], $0x4000  }
0x28: {  	[sflag:s28] =	ssyncset.done $0x0  }
0x29: {  	[sflag:s28] =	ssyncadd.s32 $0xFFFFC000  }
0x2a: {  	[hbm4b:s9+s2] =	stream.linear.scatter [tilespmem:s22], [sflag:$0x3], $0x4000, $0x38;
	[tilespmem:$0x12800] =	vst v63  }
0x2b: {  	_ = 	snop  }
0x2c: {  	[hbm4b:s10+s2] =	stream.linear.scatter [tilespmem:s23], [sflag:$0x3], $0x4000, $0x38;
	[tilespmem:$0x12800] =	vst v63  }
0x2d: {  	_ =	swait.ge [sflag:s29], $0x4000  }
0x2e: {  	[sflag:s29] =	ssyncset.done $0x0  }
0x2f: {  	[sflag:s29] =	ssyncadd.s32 $0xFFFFC000  }
0x30: {  	_ =	swait.ge [sflag:s29], $0x4000  }
0x31: {  	[sflag:s29] =	ssyncset.done $0x0  }
0x32: {  	s7 =	simm.s32 $0x100;
	[sflag:s29] =	ssyncadd.s32 $0xFFFFC000  }
0x33: {  	[tilespmem:s22], [sflag:$0x1] =	stream.indirect.gather [hbm4b:s3+s21], $0x80, s7, s21, $0xb8;
	[tilespmem:$0x12800] =	vst v63  }
0x34: {  	s8 =	simm.s32 $0x1500  }
0x35: {  	[tilespmem:s23], [sflag:$0x1] =	stream.indirect.gather [hbm4b:s3+s21], $0x80, s8, s21, $0xb8;
	[tilespmem:$0x12800] =	vst v63  }
0x36: {  	_ =	swait.ge [sflag:s1], $0x4000  }
0x37: {  	[sflag:s1] =	ssyncset.done $0x0  }
0x38: {  	[sflag:s1] =	ssyncadd.s32 $0xFFFFC000  }
0x39: {  	_ =	swait.ge [sflag:s1], $0x4000  }
0x3a: {  	[sflag:s1] =	ssyncset.done $0x0  }
0x3b: {  	[sflag:s1] =	ssyncadd.s32 $0xFFFFC000  }
0x3c: {  	[hbm4b:s11+s2] =	stream.linear.scatter [tilespmem:s24], [sflag:$0x4], $0x4000, $0x38;
	[tilespmem:$0x12800] =	vst v63  }
0x3d: {  	_ = 	snop  }
0x3e: {  	[hbm4b:s12+s2] =	stream.linear.scatter [tilespmem:s26], [sflag:$0x4], $0x4000, $0x38;
	[tilespmem:$0x12800] =	vst v63  }
0x3f: {  	_ =	swait.ge [sflag:s0], $0x4000  }
0x40: {  	[sflag:s0] =	ssyncset.done $0x0  }
0x41: {  	[sflag:s0] =	ssyncadd.s32 $0xFFFFC000  }
0x42: {  	_ =	swait.ge [sflag:s0], $0x4000  }
0x43: {  	[sflag:s0] =	ssyncset.done $0x0  }
0x44: {  	s25 =	simm.s32 $0x180;
	[sflag:s0] =	ssyncadd.s32 $0xFFFFC000  }
0x45: {  	[tilespmem:s24], [sflag:$0x2] =	stream.indirect.gather [hbm4b:s3+s21], $0x80, s25, s21, $0xb8;
	[tilespmem:$0x12800] =	vst v63  }
0x46: {  	s7 =	simm.s32 $0x1580  }
0x47: {  	[tilespmem:s26], [sflag:$0x2] =	stream.indirect.gather [hbm4b:s3+s21], $0x80, s7, s21, $0xb8;
	[tilespmem:$0x12800] =	vst v63  }
0x48: {  	_ =	swait.ge [sflag:s28], $0x4000  }
0x49: {  	[sflag:s28] =	ssyncset.done $0x0  }
0x4a: {  	[sflag:s28] =	ssyncadd.s32 $0xFFFFC000  }
0x4b: {  	_ =	swait.ge [sflag:s28], $0x4000  }
0x4c: {  	[sflag:s28] =	ssyncset.done $0x0  }
0x4d: {  	s8 =	sadd.s32 s4, s17;
	[sflag:s28] =	ssyncadd.s32 $0xFFFFC000  }
0x4e: {  	[hbm4b:s8+s2] =	stream.linear.scatter [tilespmem:s22], [sflag:$0x3], $0x4000, $0x38;
	[tilespmem:$0x12800] =	vst v63  }
0x4f: {  	s25 =	sadd.s32 s5, s17  }
0x50: {  	[hbm4b:s25+s2] =	stream.linear.scatter [tilespmem:s23], [sflag:$0x3], $0x4000, $0x38;
	[tilespmem:$0x12800] =	vst v63  }
0x51: {  	_ =	swait.ge [sflag:s29], $0x4000  }
0x52: {  	[sflag:s29] =	ssyncset.done $0x0  }
0x53: {  	[sflag:s29] =	ssyncadd.s32 $0xFFFFC000  }
0x54: {  	_ =	swait.ge [sflag:s29], $0x4000  }
0x55: {  	[sflag:s29] =	ssyncset.done $0x0  }
0x56: {  	s7 =	simm.s32 $0x200;
	[sflag:s29] =	ssyncadd.s32 $0xFFFFC000  }
0x57: {  	[tilespmem:s22], [sflag:$0x1] =	stream.indirect.gather [hbm4b:s3+s21], $0x80, s7, s21, $0xb8;
	[tilespmem:$0x12800] =	vst v63  }
0x58: {  	s8 =	simm.s32 $0x1600  }
0x59: {  	[tilespmem:s23], [sflag:$0x1] =	stream.indirect.gather [hbm4b:s3+s21], $0x80, s8, s21, $0xb8;
	[tilespmem:$0x12800] =	vst v63  }
0x5a: {  	_ =	swait.ge [sflag:s1], $0x4000  }
0x5b: {  	[sflag:s1] =	ssyncset.done $0x0  }
0x5c: {  	[sflag:s1] =	ssyncadd.s32 $0xFFFFC000  }
0x5d: {  	_ =	swait.ge [sflag:s1], $0x4000  }
0x5e: {  	[sflag:s1] =	ssyncset.done $0x0  }
0x5f: {  	s30 =	sadd.s32 $0x1000, s5;
	s25 =	sadd.s32 s4, s18;
	[sflag:s1] =	ssyncadd.s32 $0xFFFFC000  }
0x60: {  	[hbm4b:s25+s2] =	stream.linear.scatter [tilespmem:s24], [sflag:$0x4], $0x4000, $0x38;
	[tilespmem:$0x12800] =	vst v63  }
0x61: {  	s6 =	sadd.s32 $0x1000, s4;
	s7 =	sadd.s32 s5, s18;
	s25 =	simm.s32 $0x400  }
.LBB2_2:
0x62: {  	[hbm4b:s7+s2] =	stream.linear.scatter [tilespmem:s26], [sflag:$0x4], $0x4000, $0x38;
	[tilespmem:$0x12800] =	vst v63  }
0x63: {  	s7 =	smov.u32 s25  }
0x64: {  	p0 =	sne.s32 s25, $0x4400;
	s25 =	sadd.s32 $0x400, s25;
	_ =	swait.ge [sflag:s0], $0x4000  }
0x65: {  	[sflag:s0] =	ssyncset.done $0x0  }
0x66: {  	[sflag:s0] =	ssyncadd.s32 $0xFFFFC000  }
0x67: {  	_ =	swait.ge [sflag:s0], $0x4000  }
0x68: {  	s7 =	sshra.s32 s7, $0x2;
	[sflag:s0] =	ssyncset.done $0x0  }
0x69: {  	s8 =	sadd.s32 $0x180, s7;
	[sflag:s0] =	ssyncadd.s32 $0xFFFFC000  }
0x6a: {  	[tilespmem:s24], [sflag:$0x2] =	stream.indirect.gather [hbm4b:s3+s21], $0x80, s8, s21, $0xb8;
	[tilespmem:$0x12800] =	vst v63  }
0x6b: {  	s8 =	sadd.s32 $0x1580, s7  }
0x6c: {  	[tilespmem:s26], [sflag:$0x2] =	stream.indirect.gather [hbm4b:s3+s21], $0x80, s8, s21, $0xb8;
	[tilespmem:$0x12800] =	vst v63  }
0x6d: {  	_ =	swait.ge [sflag:s28], $0x4000  }
0x6e: {  	[sflag:s28] =	ssyncset.done $0x0  }
0x6f: {  	[sflag:s28] =	ssyncadd.s32 $0xFFFFC000  }
0x70: {  	_ =	swait.ge [sflag:s28], $0x4000  }
0x71: {  	[sflag:s28] =	ssyncset.done $0x0  }
0x72: {  	s8 =	sadd.s32 s6, s17;
	[sflag:s28] =	ssyncadd.s32 $0xFFFFC000  }
0x73: {  	[hbm4b:s8+s2] =	stream.linear.scatter [tilespmem:s22], [sflag:$0x3], $0x4000, $0x38;
	[tilespmem:$0x12800] =	vst v63  }
0x74: {  	s8 =	sadd.s32 s30, s17  }
0x75: {  	[hbm4b:s8+s2] =	stream.linear.scatter [tilespmem:s23], [sflag:$0x3], $0x4000, $0x38;
	[tilespmem:$0x12800] =	vst v63  }
0x76: {  	_ =	swait.ge [sflag:s29], $0x4000  }
0x77: {  	[sflag:s29] =	ssyncset.done $0x0  }
0x78: {  	[sflag:s29] =	ssyncadd.s32 $0xFFFFC000  }
0x79: {  	_ =	swait.ge [sflag:s29], $0x4000  }
0x7a: {  	[sflag:s29] =	ssyncset.done $0x0  }
0x7b: {  	s8 =	sadd.s32 $0x200, s7;
	[sflag:s29] =	ssyncadd.s32 $0xFFFFC000  }
0x7c: {  	[tilespmem:s22], [sflag:$0x1] =	stream.indirect.gather [hbm4b:s3+s21], $0x80, s8, s21, $0xb8;
	[tilespmem:$0x12800] =	vst v63  }
0x7d: {  	s7 =	sadd.s32 $0x1600, s7  }
0x7e: {  	[tilespmem:s23], [sflag:$0x1] =	stream.indirect.gather [hbm4b:s3+s21], $0x80, s7, s21, $0xb8;
	[tilespmem:$0x12800] =	vst v63  }
0x7f: {  	_ =	swait.ge [sflag:s1], $0x4000  }
0x80: {  	[sflag:s1] =	ssyncset.done $0x0  }
0x81: {  	[sflag:s1] =	ssyncadd.s32 $0xFFFFC000  }
.Ltmp0:
0x82: {  	_ =	swait.ge [sflag:s1], $0x4000;
	(pc) =	sbr.rel @p0 .LBB2_2-.Ltmp0, $4  }
0x83: {  	[sflag:s1] =	ssyncset.done $0x0  }
0x84: {  	s7 =	sadd.s32 s6, s18;
	[sflag:s1] =	ssyncadd.s32 $0xFFFFC000  }
0x85: {  	[hbm4b:s7+s2] =	stream.linear.scatter [tilespmem:s24], [sflag:$0x4], $0x4000, $0x38;
	[tilespmem:$0x12800] =	vst v63  }
0x86: {  	s6 =	sadd.s32 $0x1000, s6;
	s7 =	sadd.s32 s30, s18;
	s30 =	sadd.s32 $0x1000, s30  }
0x87: {  	[hbm4b:s7+s2] =	stream.linear.scatter [tilespmem:s26], [sflag:$0x4], $0x4000, $0x38;
	[tilespmem:$0x12800] =	vst v63  }
0x88: {  	_ =	swait.ge [sflag:s0], $0x4000  }
0x89: {  	[sflag:s0] =	ssyncset.done $0x0  }
0x8a: {  	[sflag:s0] =	ssyncadd.s32 $0xFFFFC000  }
0x8b: {  	_ =	swait.ge [sflag:s0], $0x4000  }
0x8c: {  	[sflag:s0] =	ssyncset.done $0x0  }
0x8d: {  	s6 =	simm.s32 $0x1380;
	[sflag:s0] =	ssyncadd.s32 $0xFFFFC000  }
0x8e: {  	[tilespmem:s24], [sflag:$0x2] =	stream.indirect.gather [hbm4b:s3+s21], $0x80, s6, s21, $0xb8;
	[tilespmem:$0x12800] =	vst v63  }
0x8f: {  	s25 =	simm.s32 $0x2780  }
0x90: {  	[tilespmem:s26], [sflag:$0x2] =	stream.indirect.gather [hbm4b:s3+s21], $0x80, s25, s21, $0xb8;
	[tilespmem:$0x12800] =	vst v63  }
0x91: {  	_ =	swait.ge [sflag:s28], $0x4000  }
0x92: {  	[sflag:s28] =	ssyncset.done $0x0  }
0x93: {  	[sflag:s28] =	ssyncadd.s32 $0xFFFFC000  }
0x94: {  	_ =	swait.ge [sflag:s28], $0x4000  }
0x95: {  	[sflag:s28] =	ssyncset.done $0x0  }
0x96: {  	[sflag:s28] =	ssyncadd.s32 $0xFFFFC000  }
0x97: {  	[hbm4b:s13+s2] =	stream.linear.scatter [tilespmem:s22], [sflag:$0x3], $0x4000, $0x38;
	[tilespmem:$0x12800] =	vst v63  }
0x98: {  	_ = 	snop  }
0x99: {  	[hbm4b:s14+s2] =	stream.linear.scatter [tilespmem:s23], [sflag:$0x3], $0x4000, $0x38;
	[tilespmem:$0x12800] =	vst v63  }
0x9a: {  	_ =	swait.ge [sflag:s1], $0x4000  }
0x9b: {  	[sflag:s1] =	ssyncset.done $0x0  }
0x9c: {  	[sflag:s1] =	ssyncadd.s32 $0xFFFFC000  }
0x9d: {  	_ =	swait.ge [sflag:s1], $0x4000  }
0x9e: {  	[sflag:s1] =	ssyncset.done $0x0  }
0x9f: {  	[sflag:s1] =	ssyncadd.s32 $0xFFFFC000  }
0xa0: {  	[hbm4b:s15+s2] =	stream.linear.scatter [tilespmem:s24], [sflag:$0x4], $0x4000, $0x38;
	[tilespmem:$0x12800] =	vst v63  }
0xa1: {  	_ = 	snop  }
0xa2: {  	[hbm4b:s16+s2] =	stream.linear.scatter [tilespmem:s26], [sflag:$0x4], $0x4000, $0x38;
	[tilespmem:$0x12800] =	vst v63  }
0xa3: {  	_ =	swait.ge [sflag:s29], $0x4000  }
0xa4: {  	[sflag:s29] =	ssyncset.done $0x0  }
0xa5: {  	[sflag:s29] =	ssyncadd.s32 $0xFFFFC000  }
0xa6: {  	_ =	swait.ge [sflag:s29], $0x4000  }
0xa7: {  	[sflag:s29] =	ssyncset.done $0x0  }
0xa8: {  	[sflag:s29] =	ssyncadd.s32 $0xFFFFC000  }
0xa9: {  	_ =	swait.ge [sflag:s0], $0x4000  }
0xaa: {  	[sflag:s0] =	ssyncset.done $0x0  }
0xab: {  	[sflag:s0] =	ssyncadd.s32 $0xFFFFC000  }
0xac: {  	_ =	swait.ge [sflag:s0], $0x4000  }
0xad: {  	s31 =	sadd.s32 $0x1, s31;
	s30 =	rddreg [dreg:$0x4]  }
0xae: {  	p0 =	sne.s32 s31, s30  }
.Ltmp1:
0xaf: {  	_ = 	snop;
	(pc) =	sbr.rel @p0 .LBB2_1-.Ltmp1, $3  }
0xb0: {  	_ =	sdelay $0x1  }
0xb1: {  	[sflag:s0] =	ssyncset.done $0x0  }
0xb2: {  	[sflag:s0] =	ssyncadd.s32 $0xFFFFC000  }
0xb3: {  	_ =	sfence.sel $0x180000  }
0xb4: {  	[bflag:$0x0] =	sbarrier.arrive $0xFFFF  }
0xb5: {  	_ =	strace $0x90000050  }
0xb6: {  	s0 =	stileid.u32;
	[bflag:$0x2] =	sbarrier.arrive $0xFFFF  }
0xb7: {  	p0 =	sne.s32 s0, $0x0;
	s0 =	rddreg [dreg:$0x1]  }
0xb8: {  	s0 =	sadd.s32 @!p0 $0x100000, s0  }
0xb9: {  	[sflag:s0] =	ssyncadd.tile.s32 @!p0 $0x1;
	_ =	shalt  }
.Lfunc_end2:
_tile_overlayer_lowered:
.L_overlay_start_2:
0xba: {  	(tag) =	ssettag $0x2  }
0xbb: {  	s0 =	rddreg [dreg:$0x0];
	s2 =	stileid.u32  }
0xbc: {  	s1 =	rddreg [dreg:$0x1];
	p0 =	sne.s32 s2, $0x0  }
0xbd: {  	s3 =	rddreg [dreg:$0x2];
	[bflag:$0x3] =	sbarrier.arrive $0xFFFF;
	s2 =	simm.s32 @!p0 $0x1C05  }
0xbe: {  	[timem:s3], [sflag:s2] =	dma.local @!p0 [hbm:s0], s1  }
0xbf: {  	s0 =	simm.s32 @!p0 $0x5  }
0xc0: {  	_ =	swait.ge @!p0 [sflag:s0], s1  }
0xc1: {  	s1 =	ssub.s32 @!p0 $0x0, s1;
	[sflag:s0] =	ssyncset.done @!p0 $0x0  }
0xc2: {  	[sflag:s0] =	ssyncadd.s32 @!p0 s1  }
0xc3: {  	[bflag:$0x3] =	sbarrier.arrive $0xFFFF  }
0xc4: {  	_ =	shalt  }

// kernel: kernel.37.cloned.1.call-start
scs
__scs_entry_jumppad:
0x0: {  	(pc) =	sbr.rel $0x88, $3  }
0x1: {  	(tag) =	ssettag $0x0;
	lr =	simm.s32 $0x1  }
0x2: {  	[smem:$0x3F6E] =	sst lr;
	_ =	strace $0xD0000000  }
0x3: {  	_ = 	snop  }
0x4: {  	_ = 	snop  }
0x5: {  	_ = 	snop  }
0x6: {  	_ = 	snop  }
0x7: {  	_ = 	snop  }
__scs_overlays_trampoline_lowered:
0x8: {  	[smem:$0x3F7D] =	sst s0  }
0x9: {  	[smem:$0x3F7E] =	sst s1  }
0xa: {  	[smem:$0x3F7F] =	sst s2  }
0xb: {  	[smem:$0x3F80] =	sst s3  }
0xc: {  	[smem:$0x3F81] =	sst s4  }
0xd: {  	[smem:$0x3F82] =	sst s5  }
0xe: {  	[smem:$0x3F83] =	sst s6  }
0xf: {  	[smem:$0x3F84] =	sst s7  }
0x10: {  	[smem:$0x3F85] =	sst s8  }
0x11: {  	[smem:$0x3F86] =	sst s9;
	s0 =	simm.s32 @!p0 $0x0  }
0x12: {  	s1 =	sld [smem:$0x3F6C];
	s0 =	simm.s32 @p0 $0x1  }
0x13: {  	[smem:$0x3F87] =	sst s0;
	s0 =	simm.s32 @!p1 $0x0  }
0x14: {  	s2 =	sld [smem:$0x3F6B];
	s0 =	simm.s32 @p1 $0x1  }
0x15: {  	[smem:$0x3F88] =	sst s0;
	s0 =	simm.s32 @!p2 $0x0  }
0x16: {  	s3 =	sld [smem:$0x3FDB];
	s0 =	simm.s32 @p2 $0x1  }
0x17: {  	s4 =	simm.s32 $0x1BF5;
	[smem:$0x3F8A] =	sst s0  }
0x18: {  	s0 =	sld [smem:$0x3F6D];
	_ =	swait.ge [sflag:s4], $0x0  }
0x19: {  	s7 =	sld [smem:$0x3F6E]  }
0x1a: {  	s8 =	sadd.s32 $0xFFFFE003, lr  }
0x1b: {  	s9 =	sadd.s32 $0xFFFFFEF7, lr;
	s5 =	simm.s32 $0xFFFFFFFF;
	p2 =	slt.u32 s8, $0xFFFFF086  }
0x1c: {  	p1 =	slt.u32 s9, $0xF7A;
	s5 =	simm.s32 @!p2 $0x0  }
0x1d: {  	s5 =	simm.s32 @p1 $0x1;
	p0 =	seq.s32 s7, s2  }
0x1e: {  	s7 =	smul.u32 @!p0 $0xF7A, s2;
	p2 =	seq.s32 @!p0 s5, $0x0  }
0x1f: {  	s9 =	smul.u32 $0xF7A, s1;
	s8 =	simm.s32 @!p0 $0x1BF5;
	p2 =	por !p2, p0  }
0x20: {  	[sflag:s8] =	ssyncset.s32 @!p0 $0xFFFFF086;
	s6 =	sadd.s32 @!p0 s3, s7;
	s7 =	simm.s32 @!p0 $0x108  }
0x21: {  	s3 =	sadd.s32 s3, s9;
	s6 =	sadd.s32 @!p0 $0x88, s6;
	s7 =	simm.s32 @p2 $0x1082  }
0x22: {  	[simem:s7], [sflag:s8] =	dma.local @!p0 [hbm:s6], $0xF7A  }
0x23: {  	s9 =	sor.u32 $0xD0000000, s2;
	s6 =	simm.s32 $0x108;
	_ =	swait.ge @!p0 [sflag:s8], $0x0  }
0x24: {  	s3 =	sadd.s32 $0x88, s3;
	s6 =	simm.s32 @!p1 $0x1082;
	[sflag:s4] =	ssyncset.s32 $0xFFFFF086  }
0x25: {  	[simem:s6], [sflag:s4] =	dma.local [hbm:s3], $0xF7A  }
0x26: {  	[smem:$0x3F6E] =	sst s1;
	(tag) =	ssettag s2;
	_ =	strace s9  }
0x27: {  	s1 =	sld [smem:$0x3F7E]  }
0x28: {  	s2 =	sld [smem:$0x3F7F]  }
0x29: {  	s4 =	sld [smem:$0x3F81]  }
0x2a: {  	p0 =	seq.s32 s5, $0x0;
	s5 =	sld [smem:$0x3F82]  }
0x2b: {  	s6 =	sld [smem:$0x3F83]  }
0x2c: {  	s7 =	sld [smem:$0x3F84]  }
0x2d: {  	s3 =	simm.s32 $0x108;
	s8 =	sld [smem:$0x3F85]  }
0x2e: {  	s3 =	simm.s32 @!p0 $0x1082;
	s9 =	sld [smem:$0x3F86]  }
0x2f: {  	lr =	sadd.s32 s0, s3;
	s0 =	sld [smem:$0x3F7D]  }
0x30: {  	s3 =	sld [smem:$0x3F80]  }
0x31: {  	[smem:$0x3F89] =	sst s10  }
0x32: {  	s10 =	sld [smem:$0x3F87];
	_ =	sdelay $0x3  }
0x33: {  	p0 =	seq.s32 s10, $0x1;
	s10 =	sld [smem:$0x3F89];
	_ =	sdelay $0x3  }
0x34: {  	[smem:$0x3F89] =	sst s10  }
0x35: {  	s10 =	sld [smem:$0x3F88];
	_ =	sdelay $0x3  }
0x36: {  	p1 =	seq.s32 s10, $0x1;
	s10 =	sld [smem:$0x3F89];
	_ =	sdelay $0x3  }
0x37: {  	[smem:$0x3F89] =	sst s10  }
0x38: {  	s10 =	sld [smem:$0x3F8A]  }
0x39: {  	_ = 	snop;
	(pc) =	sbr.ind lr, $3  }
0x3a: {  	_ = 	snop  }
0x3b: {  	_ = 	snop  }
0x3c: {  	p2 =	seq.s32 s10, $0x1;
	s10 =	sld [smem:$0x3F89]  }
0x3d: {  	_ =	shalt  }
0x3e: {  	_ =	shalt  }
0x3f: {  	_ =	shalt  }
0x40: {  	_ =	shalt  }
0x41: {  	_ =	shalt  }
0x42: {  	_ =	shalt  }
0x43: {  	_ =	shalt  }
0x44: {  	_ =	shalt  }
0x45: {  	_ =	shalt  }
0x46: {  	_ =	shalt  }
0x47: {  	_ =	shalt  }
0x48: {  	_ =	shalt  }
0x49: {  	_ =	shalt  }
0x4a: {  	_ =	shalt  }
0x4b: {  	_ =	shalt  }
0x4c: {  	_ =	shalt  }
0x4d: {  	_ =	shalt  }
0x4e: {  	_ =	shalt  }
0x4f: {  	_ =	shalt  }
0x50: {  	_ =	shalt  }
0x51: {  	_ =	shalt  }
0x52: {  	_ =	shalt  }
0x53: {  	_ =	shalt  }
0x54: {  	_ =	shalt  }
0x55: {  	_ =	shalt  }
0x56: {  	_ =	shalt  }
0x57: {  	_ =	shalt  }
0x58: {  	_ =	shalt  }
0x59: {  	_ =	shalt  }
0x5a: {  	_ =	shalt  }
0x5b: {  	_ =	shalt  }
0x5c: {  	_ =	shalt  }
0x5d: {  	_ =	shalt  }
0x5e: {  	_ =	shalt  }
0x5f: {  	_ =	shalt  }
0x60: {  	_ =	shalt  }
0x61: {  	_ =	shalt  }
0x62: {  	_ =	shalt  }
0x63: {  	_ =	shalt  }
0x64: {  	_ =	shalt  }
0x65: {  	_ =	shalt  }
0x66: {  	_ =	shalt  }
0x67: {  	_ =	shalt  }
0x68: {  	_ =	shalt  }
0x69: {  	_ =	shalt  }
0x6a: {  	_ =	shalt  }
0x6b: {  	_ =	shalt  }
0x6c: {  	_ =	shalt  }
0x6d: {  	_ =	shalt  }
0x6e: {  	_ =	shalt  }
0x6f: {  	_ =	shalt  }
0x70: {  	_ =	shalt  }
0x71: {  	_ =	shalt  }
0x72: {  	_ =	shalt  }
0x73: {  	_ =	shalt  }
0x74: {  	_ =	shalt  }
0x75: {  	_ =	shalt  }
0x76: {  	_ =	shalt  }
0x77: {  	_ =	shalt  }
0x78: {  	_ =	shalt  }
0x79: {  	_ =	shalt  }
0x7a: {  	_ =	shalt  }
0x7b: {  	_ =	shalt  }
0x7c: {  	_ =	shalt  }
0x7d: {  	_ =	shalt  }
0x7e: {  	_ =	shalt  }
0x7f: {  	_ =	shalt  }
0x80: {  	_ =	shalt  }
0x81: {  	_ =	shalt  }
0x82: {  	_ =	shalt  }
0x83: {  	_ =	shalt  }
0x84: {  	_ =	shalt  }
0x85: {  	_ =	shalt  }
0x86: {  	_ =	shalt  }
0x87: {  	_ =	shalt  }
.Lfunc_end0:
.L_simem_size_0:
called_computation.5_lowered:
.L_overlay_start_0:
0x88: {  	s2 =	sld [smem:$0x3FD9]  }
0x89: {  	s3 =	sld [smem:$0x3FFE];
	_ =	sdelay $0x1  }
0x8a: {  	s1 =	srdreg.scid  }
0x8b: {  	s0 =	sand.u32 $0x1, s1  }
0x8c: {  	s16 =	sshll.u32 s0, $0xA;
	s2 =	sadd.s32 s3, s2  }
0x8d: {  	s2 =	sadd.s32 s2, s16  }
0x8e: {  	[smem:$0x3F95] =	sst s2  }
0x8f: {  	_ = 	snop  }
0x90: {  	(tm) =	ssettm $0x1  }
0x91: {  	s17 =	sld [smem:$0x3FFB];
	_ =	sdelay $0x3  }
0x92: {  	_ =	strace s17  }
0x93: {  	s2 =	sld [smem:$0x3FFC];
	_ =	sdelay $0x3  }
0x94: {  	_ =	strace s2  }
0x95: {  	s2 =	sld [smem:$0x3FFD];
	_ =	sdelay $0x3  }
0x96: {  	_ =	strace s2  }
0x97: {  	_ =	strace $0x8FFFFFFF  }
0x98: {  	s18 =	sld [smem:$0x3FDB];
	_ =	sdelay $0x1  }
0x99: {  	s19 =	simm.s32 $_scs_section_size  }
0x9a: {  	s4 =	simm.s32 $_size__tile_overlayer_lowered;
	s5 =	simm.s32 $_tile_overlayer_lowered  }
0x9b: {  	s22 =	simm.s32 $0x1BFF;
	s21 =	sshll.u32 s5, $0x1;
	s2 =	sadd.s32 s19, s18  }
0x9c: {  	s6 =	simm.s32 $0x0;
	s20 =	sshll.u32 s4, $0x1;
	s4 =	sadd.s32 s21, s2  }
0x9d: {  	[timem:s6], [sflag:s22] =	dma.local [hbm:s4], s20  }
0x9e: {  	_ =	swait.ge [sflag:s22], s20  }
0x9f: {  	s3 =	ssub.s32 $0x0, s20;
	[sflag:s22] =	ssyncset.done $0x0  }
0xa0: {  	[sflag:s22] =	ssyncadd.s32 s3;
	_ =	sdelay $0x1  }
0xa1: {  	s23 =	simm.s32 $0x1B8B  }
0xa2: {  	_ =	swait.ge [sflag:s23], $0x1  }
0xa3: {  	[sflag:s23] =	ssyncset.done $0x0  }
0xa4: {  	s25 =	simm.s32 $0x1B8E;
	s24 =	sld [smem:$0x3FFE];
	[sflag:s23] =	ssyncadd.s32 $0xFFFFFFFF  }
0xa5: {  	s26 =	simm.s32 $execute0_lowered;
	[smem:$0x3FD2] =	sst s25  }
0xa6: {  	s4 =	sshll.u32 s26, $0x1;
	_ =	strace $0x80000055;
	[dreg:$0x1] =	wrdreg $0xFFFFFFFF  }
0xa7: {  	s28 =	simm.s32 $_size_execute0_lowered;
	s2 =	sadd.s32 s2, s4;
	[dreg:$0x0] =	wrdreg $0x0  }
0xa8: {  	s4 =	sshll.u32 s28, $0x1;
	[dreg:$0x2] =	wrdreg s2  }
0xa9: {  	[dreg:$0x3] =	wrdreg s4  }
0xaa: {  	[dreg:$0x4] =	wrdreg $0xC0  }
0xab: {  	_ =	task [dreg:s6], $0x5FFFF  }
0xac: {  	[dreg:$0x1] =	wrdreg $0xFFFFFFFF  }
0xad: {  	[dreg:$0x0] =	wrdreg $0x60  }
0xae: {  	[dreg:$0x2] =	wrdreg s24  }
0xaf: {  	[dreg:$0x3] =	wrdreg $0x85000  }
0xb0: {  	[dreg:$0x4] =	wrdreg $0x9  }
0xb1: {  	_ =	task.clear_ibuf [dreg:s6], $0x5FFFF;
	_ =	strace $0x90000055  }
0xb2: {  	s29 =	simm.s32 $0x9;
	_ =	strace $0x80000057  }
0xb3: {  	_ =	swait.ge [sflag:s29], $0x1  }
0xb4: {  	[sflag:s29] =	ssyncadd.s32 $0xFFFFFFFF  }
0xb5: {  	_ =	strace $0x90000057  }
0xb6: {  	_ =	sfence  }
0xb7: {  	s30 =	sld [smem:$0x0];
	_ =	sdelay $0x2  }
0xb8: {  	s31 =	sshll.u32 s1, $0xD;
	s1 =	sshrl.u32 s1, $0x2  }
0xb9: {  	s3 =	sand.u32 $0x4000, s31;
	s1 =	sadd.s32 s1, s30  }
0xba: {  	s0 =	sor.u32 s3, s0;
	s1 =	sshll.u32 s1, $0x11  }
0xbb: {  	s0 =	sor.u32 s1, s0  }
0xbc: {  	s0 =	sadd.s32 $0x8F2B, s0  }
0xbd: {  	[sflag:s0] =	ssyncadd.remote.s32 $0x1  }
0xbe: {  	_ =	sfence.sel $0xFFFF  }
0xbf: {  	[dreg:$0x0] =	wrdreg $0xFFFFFFFF;
	(pc) =	sbr.abs _section_cstart, $3  }
0xc0: {  	[dreg:$0x1] =	wrdreg $0xFFFFFFFF  }
0xc1: {  	_ =	task.clear_ibuf [dreg:s6], $0x2FFFF;
	_ =	strace $0x9FFFFFFF  }
0xc2: {  	(tm) =	ssettm $0x7FFFFFFF  }
0xc3: {  	_ =	shalt  }
tec
execute0_lowered:
.L_overlay_start_1:
0x0: {  	(tag) =	ssettag $0x1  }
0x1: {  	s4 =	rddreg [dreg:$0x0];
	s1 =	stileid.u32  }
0x2: {  	s0 =	srdreg.scid;
	s7 =	smul.u32 $0x2800, s1  }
0x3: {  	s2 =	rddreg [dreg:$0x1];
	s3 =	simm.s32 $0x0;
	s9 =	smul.u32 $0x50000, s1  }
0x4: {  	s12 =	simm.s32 $0x100;
	s5 =	sand.u32 $0x1, s0;
	s10 =	smul.u32 $0x28000, s1  }
0x5: {  	s15 =	simm.s32 $0x0;
	s0 =	rddreg [dreg:$0x2];
	s6 =	smul.u32 $0x28000, s5  }
0x6: {  	[smem:$0x7FF] =	sst s3;
	s13 =	sshll.u32 s1, $0x6;
	s8 =	smul.u32 $0x280000, s5  }
0x7: {  	_ =	strace $0x80000056;
	s5 =	ssub.s32 $0x2, s5;
	s13 =	sor.u32 $0x1C01, s13  }
0x8: {  	s31 =	sshrl.u32 s5, $0x1;
	s9 =	sshrl.u32 s9, $0x2;
	s6 =	sadd.s32 s7, s6  }
0x9: {  	s29 =	sadd.s32 s8, s4;
	s11 =	ssub.s32 s5, s31;
	s30 =	sshrl.u32 s6, $0x3  }
0xa: {  	s6 =	sadd.s32 s6, s4;
	s7 =	sadd.s32 s10, s29;
	s10 =	simm.s32 $0x1  }
0xb: {  	s8 =	sadd.s32 s30, s4;
	s4 =	sadd.s32 s9, s2;
	s5 =	sadd.s32 $0x45400, s6  }
0xc: {  	s6 =	smax.u32 s11, $0x1;
	s7 =	sadd.s32 $0x54F400, s7;
	s9 =	simm.s32 $0x8100  }
0xd: {  	v0 =	vimm.f32 $0.0e+00;
	s11 =	simm.s32 $0x8000;
	s8 =	sadd.s32 $0xA200, s8;
	s14 =	sshrl.u32 s4, $0x3  }
.LBB2_1:
0xe: {  	[tilespmem:$0x8100] =	vst v0  }
0xf: {  	[tilespmem:$0x8180] =	vst v0  }
0x10: {  	[tilespmem:$0x8200] =	vst v0  }
0x11: {  	[tilespmem:$0x8280] =	vst v0  }
0x12: {  	[tilespmem:$0x8300] =	vst v0  }
0x13: {  	[tilespmem:$0x8380] =	vst v0  }
0x14: {  	[tilespmem:$0x8400] =	vst v0  }
0x15: {  	[tilespmem:$0x8480] =	vst v0;
	s16 =	sadd.s32 $0x0, s4  }
0x16: {  	[spmem:s16] =	stream.linear.scatter [tilespmem:s9], [sflag:$0x1], $0x400, $0x38;
	[tilespmem:$0xAD00] =	vst v63  }
0x17: {  	s16 =	simm.s32 $0x1000;
	_ =	swait.ge [sflag:s10], $0x400  }
.LBB2_2:
0x18: {  	s17 =	sshra.s32 s16, $0x2;
	[sflag:s10] =	ssyncset.done $0x0;
	p0 =	sne.s32 s16, $0x4F000  }
.Ltmp0:
0x19: {  	s17 =	sadd.s32 s17, s4;
	[sflag:s10] =	ssyncadd.s32 $0xFFFFFC00;
	(pc) =	sbr.rel @p0 .LBB2_2-.Ltmp0, $3  }
0x1a: {  	[spmem:s17] =	stream.linear.scatter [tilespmem:s9], [sflag:$0x1], $0x400, $0x38;
	[tilespmem:$0xAD00] =	vst v63  }
0x1b: {  	s16 =	sadd.s32 $0x1000, s16;
	_ =	sdelay $0x1  }
0x1c: {  	_ =	swait.ge [sflag:s10], $0x400  }
0x1d: {  	[sflag:s10] =	ssyncset.done $0x0  }
0x1e: {  	[sflag:s10] =	ssyncadd.s32 $0xFFFFFC00  }
0x1f: {  	[bflag:$0x0] =	sbarrier.arrive $0xFFFF  }
0x20: {  	[tilespmem:s3], [sflag:$0x1] =	stream.linear.gather [hbm4b:s7+s3], $0x8000, $0x38;
	[tilespmem:$0xAD00] =	vst v63  }
0x21: {  	_ =	swait.ge [sflag:s10], $0x8000  }
0x22: {  	[sflag:s10] =	ssyncset.done $0x0  }
0x23: {  	s16 =	sadd.s32 $0x0, s8;
	[sflag:s10] =	ssyncadd.s32 $0xFFFF8000  }
0x24: {  	[tilespmem:s11], [sflag:$0x1] =	stream.linear.gather [hbm4b:s16+s3], $0x100, $0x38;
	[tilespmem:$0xAD00] =	vst v63  }
0x25: {  	_ =	swait.ge [sflag:s10], $0x100  }
0x26: {  	[sflag:s10] =	ssyncset.done $0x0  }
0x27: {  	[sflag:s10] =	ssyncadd.s32 $0xFFFFFF00  }
0x28: {  	[spmem:s2] =	stream.indirect.scatter.add.f32 [tilespmem:s3], [sflag:$0x1], $0x10, s11, s12, $0xb8;
	[tilespmem:$0xAD00] =	vst v63  }
0x29: {  	_ =	swait.ge [sflag:s10], $0x1000  }
0x2a: {  	s17 =	smov.u32 s7;
	s16 =	simm.s32 $0x20;
	[sflag:s10] =	ssyncset.done $0x0  }
.LBB2_4:
0x2b: {  	p0 =	sne.s32 s16, $0x4E0;
	[sflag:s10] =	ssyncadd.s32 $0xFFFFF000;
	s17 =	sadd.s32 $0x1000, s17  }
0x2c: {  	[tilespmem:s3], [sflag:$0x1] =	stream.linear.gather [hbm4b:s17+s3], $0x8000, $0x38;
	[tilespmem:$0xAD00] =	vst v63  }
0x2d: {  	s18 =	smov.u32 s16;
	s16 =	sadd.s32 $0x20, s16;
	_ =	swait.ge [sflag:s10], $0x8000  }
0x2e: {  	[sflag:s10] =	ssyncset.done $0x0  }
0x2f: {  	s18 =	sadd.s32 s18, s8;
	[sflag:s10] =	ssyncadd.s32 $0xFFFF8000  }
0x30: {  	[tilespmem:s11], [sflag:$0x1] =	stream.linear.gather [hbm4b:s18+s3], $0x100, $0x38;
	[tilespmem:$0xAD00] =	vst v63  }
0x31: {  	_ =	swait.ge [sflag:s10], $0x100  }
.Ltmp1:
0x32: {  	[sflag:s10] =	ssyncset.done $0x0;
	(pc) =	sbr.rel @p0 .LBB2_4-.Ltmp1, $4  }
0x33: {  	[sflag:s10] =	ssyncadd.s32 $0xFFFFFF00  }
0x34: {  	[spmem:s2] =	stream.indirect.scatter.add.f32 [tilespmem:s3], [sflag:$0x1], $0x10, s11, s12, $0xb8;
	[tilespmem:$0xAD00] =	vst v63  }
0x35: {  	_ =	swait.ge [sflag:s10], $0x1000  }
0x36: {  	[sflag:s10] =	ssyncset.done $0x0  }
0x37: {  	s15 =	sadd.s32 $0x1, s15  }
0x38: {  	[sflag:s10] =	ssyncadd.s32 $0xFFFFF000;
	p0 =	sne.s32 s15, s6  }
.Ltmp2:
0x39: {  	[bflag:$0x0] =	sbarrier.arrive $0xFFFF;
	(pc) =	sbr.rel @p0 .LBB2_1-.Ltmp2, $4  }
0x3a: {  	[hbm:s5], [sflag:s13] =	dma.local [spmem:s14], $0x2800  }
0x3b: {  	_ =	swait.ge [sflag:s10], $0x2800  }
0x3c: {  	[sflag:s10] =	ssyncset.done $0x0  }
0x3d: {  	[sflag:s10] =	ssyncadd.s32 $0xFFFFD800  }
0x3e: {  	_ =	sfence.sel $0x180000  }
0x3f: {  	[bflag:$0x0] =	sbarrier.arrive $0xFFFF  }
0x40: {  	p0 =	sne.s32 s1, $0x0;
	_ =	strace $0x90000056  }
0x41: {  	s0 =	sadd.s32 @!p0 $0x100000, s0;
	[bflag:$0x2] =	sbarrier.arrive $0xFFFF  }
0x42: {  	[sflag:s0] =	ssyncadd.tile.s32 @!p0 $0x1;
	_ =	shalt  }
.Lfunc_end2:
_tile_overlayer_lowered:
.L_overlay_start_2:
0x43: {  	(tag) =	ssettag $0x2  }
0x44: {  	s0 =	rddreg [dreg:$0x0];
	s2 =	stileid.u32  }
0x45: {  	s1 =	rddreg [dreg:$0x1];
	p0 =	sne.s32 s2, $0x0  }
0x46: {  	s3 =	rddreg [dreg:$0x2];
	[bflag:$0x3] =	sbarrier.arrive $0xFFFF;
	s2 =	simm.s32 @!p0 $0x1C01  }
0x47: {  	[timem:s3], [sflag:s2] =	dma.local @!p0 [hbm:s0], s1  }
0x48: {  	s0 =	simm.s32 @!p0 $0x1  }
0x49: {  	_ =	swait.ge @!p0 [sflag:s0], s1  }
0x4a: {  	s1 =	ssub.s32 @!p0 $0x0, s1;
	[sflag:s0] =	ssyncset.done @!p0 $0x0  }
0x4b: {  	[sflag:s0] =	ssyncadd.s32 @!p0 s1  }
0x4c: {  	[bflag:$0x3] =	sbarrier.arrive $0xFFFF  }
0x4d: {  	_ =	shalt  }

// kernel: kernel.40.cloned.1.call-start
scs
__scs_entry_jumppad:
0x0: {  	(pc) =	sbr.rel $0x88, $3  }
0x1: {  	(tag) =	ssettag $0x0;
	lr =	simm.s32 $0x1  }
0x2: {  	[smem:$0x3F6E] =	sst lr;
	_ =	strace $0xD0000000  }
0x3: {  	_ = 	snop  }
0x4: {  	_ = 	snop  }
0x5: {  	_ = 	snop  }
0x6: {  	_ = 	snop  }
0x7: {  	_ = 	snop  }
__scs_overlays_trampoline_lowered:
0x8: {  	[smem:$0x3F7D] =	sst s0  }
0x9: {  	[smem:$0x3F7E] =	sst s1  }
0xa: {  	[smem:$0x3F7F] =	sst s2  }
0xb: {  	[smem:$0x3F80] =	sst s3  }
0xc: {  	[smem:$0x3F81] =	sst s4  }
0xd: {  	[smem:$0x3F82] =	sst s5  }
0xe: {  	[smem:$0x3F83] =	sst s6  }
0xf: {  	[smem:$0x3F84] =	sst s7  }
0x10: {  	[smem:$0x3F85] =	sst s8  }
0x11: {  	[smem:$0x3F86] =	sst s9;
	s0 =	simm.s32 @!p0 $0x0  }
0x12: {  	s1 =	sld [smem:$0x3F6C];
	s0 =	simm.s32 @p0 $0x1  }
0x13: {  	[smem:$0x3F87] =	sst s0;
	s0 =	simm.s32 @!p1 $0x0  }
0x14: {  	s2 =	sld [smem:$0x3F6B];
	s0 =	simm.s32 @p1 $0x1  }
0x15: {  	[smem:$0x3F88] =	sst s0;
	s0 =	simm.s32 @!p2 $0x0  }
0x16: {  	s3 =	sld [smem:$0x3FDB];
	s0 =	simm.s32 @p2 $0x1  }
0x17: {  	s4 =	simm.s32 $0x1BF5;
	[smem:$0x3F8A] =	sst s0  }
0x18: {  	s0 =	sld [smem:$0x3F6D];
	_ =	swait.ge [sflag:s4], $0x0  }
0x19: {  	s7 =	sld [smem:$0x3F6E]  }
0x1a: {  	s8 =	sadd.s32 $0xFFFFE003, lr  }
0x1b: {  	s9 =	sadd.s32 $0xFFFFFEF7, lr;
	s5 =	simm.s32 $0xFFFFFFFF;
	p2 =	slt.u32 s8, $0xFFFFF086  }
0x1c: {  	p1 =	slt.u32 s9, $0xF7A;
	s5 =	simm.s32 @!p2 $0x0  }
0x1d: {  	s5 =	simm.s32 @p1 $0x1;
	p0 =	seq.s32 s7, s2  }
0x1e: {  	s7 =	smul.u32 @!p0 $0xF7A, s2;
	p2 =	seq.s32 @!p0 s5, $0x0  }
0x1f: {  	s9 =	smul.u32 $0xF7A, s1;
	s8 =	simm.s32 @!p0 $0x1BF5;
	p2 =	por !p2, p0  }
0x20: {  	[sflag:s8] =	ssyncset.s32 @!p0 $0xFFFFF086;
	s6 =	sadd.s32 @!p0 s3, s7;
	s7 =	simm.s32 @!p0 $0x108  }
0x21: {  	s3 =	sadd.s32 s3, s9;
	s6 =	sadd.s32 @!p0 $0x88, s6;
	s7 =	simm.s32 @p2 $0x1082  }
0x22: {  	[simem:s7], [sflag:s8] =	dma.local @!p0 [hbm:s6], $0xF7A  }
0x23: {  	s9 =	sor.u32 $0xD0000000, s2;
	s6 =	simm.s32 $0x108;
	_ =	swait.ge @!p0 [sflag:s8], $0x0  }
0x24: {  	s3 =	sadd.s32 $0x88, s3;
	s6 =	simm.s32 @!p1 $0x1082;
	[sflag:s4] =	ssyncset.s32 $0xFFFFF086  }
0x25: {  	[simem:s6], [sflag:s4] =	dma.local [hbm:s3], $0xF7A  }
0x26: {  	[smem:$0x3F6E] =	sst s1;
	(tag) =	ssettag s2;
	_ =	strace s9  }
0x27: {  	s1 =	sld [smem:$0x3F7E]  }
0x28: {  	s2 =	sld [smem:$0x3F7F]  }
0x29: {  	s4 =	sld [smem:$0x3F81]  }
0x2a: {  	p0 =	seq.s32 s5, $0x0;
	s5 =	sld [smem:$0x3F82]  }
0x2b: {  	s6 =	sld [smem:$0x3F83]  }
0x2c: {  	s7 =	sld [smem:$0x3F84]  }
0x2d: {  	s3 =	simm.s32 $0x108;
	s8 =	sld [smem:$0x3F85]  }
0x2e: {  	s3 =	simm.s32 @!p0 $0x1082;
	s9 =	sld [smem:$0x3F86]  }
0x2f: {  	lr =	sadd.s32 s0, s3;
	s0 =	sld [smem:$0x3F7D]  }
0x30: {  	s3 =	sld [smem:$0x3F80]  }
0x31: {  	[smem:$0x3F89] =	sst s10  }
0x32: {  	s10 =	sld [smem:$0x3F87];
	_ =	sdelay $0x3  }
0x33: {  	p0 =	seq.s32 s10, $0x1;
	s10 =	sld [smem:$0x3F89];
	_ =	sdelay $0x3  }
0x34: {  	[smem:$0x3F89] =	sst s10  }
0x35: {  	s10 =	sld [smem:$0x3F88];
	_ =	sdelay $0x3  }
0x36: {  	p1 =	seq.s32 s10, $0x1;
	s10 =	sld [smem:$0x3F89];
	_ =	sdelay $0x3  }
0x37: {  	[smem:$0x3F89] =	sst s10  }
0x38: {  	s10 =	sld [smem:$0x3F8A]  }
0x39: {  	_ = 	snop;
	(pc) =	sbr.ind lr, $3  }
0x3a: {  	_ = 	snop  }
0x3b: {  	_ = 	snop  }
0x3c: {  	p2 =	seq.s32 s10, $0x1;
	s10 =	sld [smem:$0x3F89]  }
0x3d: {  	_ =	shalt  }
0x3e: {  	_ =	shalt  }
0x3f: {  	_ =	shalt  }
0x40: {  	_ =	shalt  }
0x41: {  	_ =	shalt  }
0x42: {  	_ =	shalt  }
0x43: {  	_ =	shalt  }
0x44: {  	_ =	shalt  }
0x45: {  	_ =	shalt  }
0x46: {  	_ =	shalt  }
0x47: {  	_ =	shalt  }
0x48: {  	_ =	shalt  }
0x49: {  	_ =	shalt  }
0x4a: {  	_ =	shalt  }
0x4b: {  	_ =	shalt  }
0x4c: {  	_ =	shalt  }
0x4d: {  	_ =	shalt  }
0x4e: {  	_ =	shalt  }
0x4f: {  	_ =	shalt  }
0x50: {  	_ =	shalt  }
0x51: {  	_ =	shalt  }
0x52: {  	_ =	shalt  }
0x53: {  	_ =	shalt  }
0x54: {  	_ =	shalt  }
0x55: {  	_ =	shalt  }
0x56: {  	_ =	shalt  }
0x57: {  	_ =	shalt  }
0x58: {  	_ =	shalt  }
0x59: {  	_ =	shalt  }
0x5a: {  	_ =	shalt  }
0x5b: {  	_ =	shalt  }
0x5c: {  	_ =	shalt  }
0x5d: {  	_ =	shalt  }
0x5e: {  	_ =	shalt  }
0x5f: {  	_ =	shalt  }
0x60: {  	_ =	shalt  }
0x61: {  	_ =	shalt  }
0x62: {  	_ =	shalt  }
0x63: {  	_ =	shalt  }
0x64: {  	_ =	shalt  }
0x65: {  	_ =	shalt  }
0x66: {  	_ =	shalt  }
0x67: {  	_ =	shalt  }
0x68: {  	_ =	shalt  }
0x69: {  	_ =	shalt  }
0x6a: {  	_ =	shalt  }
0x6b: {  	_ =	shalt  }
0x6c: {  	_ =	shalt  }
0x6d: {  	_ =	shalt  }
0x6e: {  	_ =	shalt  }
0x6f: {  	_ =	shalt  }
0x70: {  	_ =	shalt  }
0x71: {  	_ =	shalt  }
0x72: {  	_ =	shalt  }
0x73: {  	_ =	shalt  }
0x74: {  	_ =	shalt  }
0x75: {  	_ =	shalt  }
0x76: {  	_ =	shalt  }
0x77: {  	_ =	shalt  }
0x78: {  	_ =	shalt  }
0x79: {  	_ =	shalt  }
0x7a: {  	_ =	shalt  }
0x7b: {  	_ =	shalt  }
0x7c: {  	_ =	shalt  }
0x7d: {  	_ =	shalt  }
0x7e: {  	_ =	shalt  }
0x7f: {  	_ =	shalt  }
0x80: {  	_ =	shalt  }
0x81: {  	_ =	shalt  }
0x82: {  	_ =	shalt  }
0x83: {  	_ =	shalt  }
0x84: {  	_ =	shalt  }
0x85: {  	_ =	shalt  }
0x86: {  	_ =	shalt  }
0x87: {  	_ =	shalt  }
.Lfunc_end0:
.L_simem_size_0:
called_computation.6_lowered:
.L_overlay_start_0:
0x88: {  	s2 =	sld [smem:$0x3FD9]  }
0x89: {  	s3 =	sld [smem:$0x3FFE];
	_ =	sdelay $0x1  }
0x8a: {  	s1 =	srdreg.scid  }
0x8b: {  	s0 =	sand.u32 $0x1, s1  }
0x8c: {  	s16 =	sshll.u32 s0, $0xA;
	s2 =	sadd.s32 s3, s2  }
0x8d: {  	s2 =	sadd.s32 s2, s16  }
0x8e: {  	[smem:$0x3F95] =	sst s2  }
0x8f: {  	_ = 	snop  }
0x90: {  	(tm) =	ssettm $0x1  }
0x91: {  	s17 =	sld [smem:$0x3FFB];
	_ =	sdelay $0x3  }
0x92: {  	_ =	strace s17  }
0x93: {  	s2 =	sld [smem:$0x3FFC];
	_ =	sdelay $0x3  }
0x94: {  	_ =	strace s2  }
0x95: {  	s2 =	sld [smem:$0x3FFD];
	_ =	sdelay $0x3  }
0x96: {  	_ =	strace s2  }
0x97: {  	_ =	strace $0x8FFFFFFF  }
0x98: {  	s18 =	sld [smem:$0x3FDB];
	_ =	sdelay $0x1  }
0x99: {  	s19 =	simm.s32 $_scs_section_size  }
0x9a: {  	s4 =	simm.s32 $_size__tile_overlayer_lowered;
	s5 =	simm.s32 $_tile_overlayer_lowered  }
0x9b: {  	s22 =	simm.s32 $0x1BFF;
	s21 =	sshll.u32 s5, $0x1;
	s2 =	sadd.s32 s19, s18  }
0x9c: {  	s6 =	simm.s32 $0x0;
	s20 =	sshll.u32 s4, $0x1;
	s4 =	sadd.s32 s21, s2  }
0x9d: {  	[timem:s6], [sflag:s22] =	dma.local [hbm:s4], s20  }
0x9e: {  	_ =	swait.ge [sflag:s22], s20  }
0x9f: {  	s3 =	ssub.s32 $0x0, s20;
	[sflag:s22] =	ssyncset.done $0x0  }
0xa0: {  	[sflag:s22] =	ssyncadd.s32 s3;
	_ =	sdelay $0x1  }
0xa1: {  	s23 =	simm.s32 $0x1B8B  }
0xa2: {  	_ =	swait.ge [sflag:s23], $0x1  }
0xa3: {  	[sflag:s23] =	ssyncset.done $0x0  }
0xa4: {  	s25 =	simm.s32 $0x1B8E;
	s24 =	sld [smem:$0x3FFE];
	[sflag:s23] =	ssyncadd.s32 $0xFFFFFFFF  }
0xa5: {  	s26 =	simm.s32 $execute0_lowered;
	[smem:$0x3FD2] =	sst s25  }
0xa6: {  	s4 =	sshll.u32 s26, $0x1;
	_ =	strace $0x80000058;
	[dreg:$0x1] =	wrdreg $0xFFFFFFFF  }
0xa7: {  	s28 =	simm.s32 $_size_execute0_lowered;
	s2 =	sadd.s32 s2, s4;
	[dreg:$0x0] =	wrdreg $0x0  }
0xa8: {  	s4 =	sshll.u32 s28, $0x1;
	[dreg:$0x2] =	wrdreg s2  }
0xa9: {  	[dreg:$0x3] =	wrdreg s4  }
0xaa: {  	[dreg:$0x4] =	wrdreg $0xC0  }
0xab: {  	_ =	task [dreg:s6], $0x5FFFF  }
0xac: {  	[dreg:$0x1] =	wrdreg $0xFFFFFFFF  }
0xad: {  	[dreg:$0x0] =	wrdreg $0x60  }
0xae: {  	[dreg:$0x2] =	wrdreg s24  }
0xaf: {  	[dreg:$0x3] =	wrdreg $0x9  }
0xb0: {  	_ =	task.clear_ibuf [dreg:s6], $0x4FFFF;
	_ =	strace $0x90000058  }
0xb1: {  	s29 =	simm.s32 $0x9;
	_ =	strace $0x8000005A  }
0xb2: {  	_ =	swait.ge [sflag:s29], $0x1  }
0xb3: {  	[sflag:s29] =	ssyncadd.s32 $0xFFFFFFFF  }
0xb4: {  	_ =	strace $0x9000005A  }
0xb5: {  	_ =	sfence  }
0xb6: {  	s30 =	sld [smem:$0x0];
	_ =	sdelay $0x2  }
0xb7: {  	s31 =	sshll.u32 s1, $0xD;
	s1 =	sshrl.u32 s1, $0x2  }
0xb8: {  	s3 =	sand.u32 $0x4000, s31;
	s1 =	sadd.s32 s1, s30  }
0xb9: {  	s0 =	sor.u32 s3, s0;
	s1 =	sshll.u32 s1, $0x11  }
0xba: {  	s0 =	sor.u32 s1, s0  }
0xbb: {  	s0 =	sadd.s32 $0x8F2B, s0  }
0xbc: {  	[sflag:s0] =	ssyncadd.remote.s32 $0x1  }
0xbd: {  	_ =	sfence.sel $0xFFFF  }
0xbe: {  	[dreg:$0x0] =	wrdreg $0xFFFFFFFF;
	(pc) =	sbr.abs _section_cstart, $3  }
0xbf: {  	[dreg:$0x1] =	wrdreg $0xFFFFFFFF  }
0xc0: {  	_ =	task.clear_ibuf [dreg:s6], $0x2FFFF;
	_ =	strace $0x9FFFFFFF  }
0xc1: {  	(tm) =	ssettm $0x7FFFFFFF  }
tec
execute0_lowered:
.L_overlay_start_1:
0x0: {  	(tag) =	ssettag $0x1  }
0x1: {  	s0 =	srdreg.scid  }
0x2: {  	s10 =	stileid.u32;
	s1 =	rddreg [dreg:$0x0];
	s2 =	simm.s32 $0x0  }
0x3: {  	s19 =	simm.s32 $0x5;
	s20 =	simm.s32 $0x1400;
	s28 =	simm.s32 $0x1  }
0x4: {  	s29 =	simm.s32 $0x3;
	s31 =	simm.s32 $0x0;
	s0 =	sand.u32 $0x1, s0  }
0x5: {  	s3 =	sshll.u32 s10, $0x1;
	[smem:$0x7FF] =	sst s2;
	s25 =	smul.u32 $0x140000, s10  }
0x6: {  	s4 =	sor.u32 s0, s3;
	s6 =	ssub.s32 $0x2, s0;
	s0 =	smul.u32 $0xA0000, s0  }
0x7: {  	_ =	strace $0x80000059;
	s3 =	sadd.s32 $0x45400, s1;
	s5 =	smul.u32 $0x280, s4  }
0x8: {  	s8 =	sshrl.u32 s6, $0x1;
	s9 =	smul.u32 $0xA0000, s4;
	s4 =	sadd.s32 $0x6C600, s1  }
0x9: {  	s21 =	ssub.s32 s6, s8;
	s0 =	sadd.s32 s0, s25;
	s7 =	sadd.s32 s5, s1  }
0xa: {  	s5 =	sadd.s32 $0x54F400, s1;
	s24 =	sshrl.u32 s9, $0x3;
	s1 =	smax.u32 s21, $0x1  }
0xb: {  	s21 =	simm.s32 $0x80;
	s22 =	sadd.s32 $0x54A400, s7;
	s23 =	sadd.s32 $0x545400, s7  }
0xc: {  	[dreg:$0x4] =	wrdreg s1;
	s9 =	sadd.s32 s4, s24;
	s10 =	sadd.s32 s5, s24  }
0xd: {  	s26 =	sor.u32 $0x800, s24;
	s30 =	sadd.s32 $0x13000, s24;
	s6 =	sadd.s32 $0x13800, s24  }
0xe: {  	s1 =	sor.u32 $0x8000, s0;
	s0 =	sor.u32 $0xC000, s0;
	[dreg:$0x2] =	wrdreg s22  }
0xf: {  	s24 =	simm.s32 $0xA800;
	[dreg:$0x3] =	wrdreg s23;
	s11 =	sadd.s32 s4, s26  }
0x10: {  	s12 =	sadd.s32 s5, s26;
	s13 =	sadd.s32 s4, s30;
	s14 =	sadd.s32 s5, s30  }
0x11: {  	s15 =	sadd.s32 s4, s6;
	s16 =	sadd.s32 s5, s6;
	s17 =	sshrl.u32 s1, $0x3  }
0x12: {  	s18 =	sshrl.u32 s0, $0x3;
	s22 =	simm.s32 $0x2800;
	s23 =	simm.s32 $0x6800  }
0x13: {  	s26 =	simm.s32 $0xE800;
	s1 =	simm.s32 $0x2;
	s0 =	simm.s32 $0x4  }
.LBB2_1:
0x14: {  	s6 =	rddreg [dreg:$0x2]  }
0x15: {  	[tilespmem:s2], [sflag:$0x5] =	stream.linear.gather [hbm4b:s6+s2], $0x1400, $0x38;
	[tilespmem:$0x12800] =	vst v63  }
0x16: {  	_ =	swait.ge [sflag:s19], $0x1400  }
0x17: {  	[sflag:s19] =	ssyncset.done $0x0  }
0x18: {  	s8 =	rddreg [dreg:$0x3];
	[sflag:s19] =	ssyncadd.s32 $0xFFFFEC00  }
0x19: {  	[tilespmem:s20], [sflag:$0x5] =	stream.linear.gather [hbm4b:s8+s2], $0x1400, $0x38;
	[tilespmem:$0x12800] =	vst v63  }
0x1a: {  	_ =	swait.ge [sflag:s19], $0x1400  }
0x1b: {  	[sflag:s19] =	ssyncset.done $0x0  }
0x1c: {  	[sflag:s19] =	ssyncadd.s32 $0xFFFFEC00  }
0x1d: {  	[tilespmem:s22], [sflag:$0x1] =	stream.indirect.gather [hbm4b:s3+s21], $0x80, s2, s21, $0xb8;
	[tilespmem:$0x12800] =	vst v63  }
0x1e: {  	_ = 	snop  }
0x1f: {  	[tilespmem:s23], [sflag:$0x1] =	stream.indirect.gather [hbm4b:s3+s21], $0x80, s20, s21, $0xb8;
	[tilespmem:$0x12800] =	vst v63  }
0x20: {  	_ = 	snop  }
0x21: {  	[tilespmem:s24], [sflag:$0x2] =	stream.indirect.gather [hbm4b:s3+s21], $0x80, s21, s21, $0xb8;
	[tilespmem:$0x12800] =	vst v63  }
0x22: {  	s25 =	simm.s32 $0x1480  }
0x23: {  	[tilespmem:s26], [sflag:$0x2] =	stream.indirect.gather [hbm4b:s3+s21], $0x80, s25, s21, $0xb8;
	[tilespmem:$0x12800] =	vst v63  }
0x24: {  	_ =	swait.ge [sflag:s28], $0x4000  }
0x25: {  	[sflag:s28] =	ssyncset.done $0x0  }
0x26: {  	[sflag:s28] =	ssyncadd.s32 $0xFFFFC000  }
0x27: {  	_ =	swait.ge [sflag:s28], $0x4000  }
0x28: {  	[sflag:s28] =	ssyncset.done $0x0  }
0x29: {  	[sflag:s28] =	ssyncadd.s32 $0xFFFFC000  }
0x2a: {  	[hbm4b:s9+s2] =	stream.linear.scatter [tilespmem:s22], [sflag:$0x3], $0x4000, $0x38;
	[tilespmem:$0x12800] =	vst v63  }
0x2b: {  	_ = 	snop  }
0x2c: {  	[hbm4b:s10+s2] =	stream.linear.scatter [tilespmem:s23], [sflag:$0x3], $0x4000, $0x38;
	[tilespmem:$0x12800] =	vst v63  }
0x2d: {  	_ =	swait.ge [sflag:s29], $0x4000  }
0x2e: {  	[sflag:s29] =	ssyncset.done $0x0  }
0x2f: {  	[sflag:s29] =	ssyncadd.s32 $0xFFFFC000  }
0x30: {  	_ =	swait.ge [sflag:s29], $0x4000  }
0x31: {  	[sflag:s29] =	ssyncset.done $0x0  }
0x32: {  	s7 =	simm.s32 $0x100;
	[sflag:s29] =	ssyncadd.s32 $0xFFFFC000  }
0x33: {  	[tilespmem:s22], [sflag:$0x1] =	stream.indirect.gather [hbm4b:s3+s21], $0x80, s7, s21, $0xb8;
	[tilespmem:$0x12800] =	vst v63  }
0x34: {  	s8 =	simm.s32 $0x1500  }
0x35: {  	[tilespmem:s23], [sflag:$0x1] =	stream.indirect.gather [hbm4b:s3+s21], $0x80, s8, s21, $0xb8;
	[tilespmem:$0x12800] =	vst v63  }
0x36: {  	_ =	swait.ge [sflag:s1], $0x4000  }
0x37: {  	[sflag:s1] =	ssyncset.done $0x0  }
0x38: {  	[sflag:s1] =	ssyncadd.s32 $0xFFFFC000  }
0x39: {  	_ =	swait.ge [sflag:s1], $0x4000  }
0x3a: {  	[sflag:s1] =	ssyncset.done $0x0  }
0x3b: {  	[sflag:s1] =	ssyncadd.s32 $0xFFFFC000  }
0x3c: {  	[hbm4b:s11+s2] =	stream.linear.scatter [tilespmem:s24], [sflag:$0x4], $0x4000, $0x38;
	[tilespmem:$0x12800] =	vst v63  }
0x3d: {  	_ = 	snop  }
0x3e: {  	[hbm4b:s12+s2] =	stream.linear.scatter [tilespmem:s26], [sflag:$0x4], $0x4000, $0x38;
	[tilespmem:$0x12800] =	vst v63  }
0x3f: {  	_ =	swait.ge [sflag:s0], $0x4000  }
0x40: {  	[sflag:s0] =	ssyncset.done $0x0  }
0x41: {  	[sflag:s0] =	ssyncadd.s32 $0xFFFFC000  }
0x42: {  	_ =	swait.ge [sflag:s0], $0x4000  }
0x43: {  	[sflag:s0] =	ssyncset.done $0x0  }
0x44: {  	s25 =	simm.s32 $0x180;
	[sflag:s0] =	ssyncadd.s32 $0xFFFFC000  }
0x45: {  	[tilespmem:s24], [sflag:$0x2] =	stream.indirect.gather [hbm4b:s3+s21], $0x80, s25, s21, $0xb8;
	[tilespmem:$0x12800] =	vst v63  }
0x46: {  	s7 =	simm.s32 $0x1580  }
0x47: {  	[tilespmem:s26], [sflag:$0x2] =	stream.indirect.gather [hbm4b:s3+s21], $0x80, s7, s21, $0xb8;
	[tilespmem:$0x12800] =	vst v63  }
0x48: {  	_ =	swait.ge [sflag:s28], $0x4000  }
0x49: {  	[sflag:s28] =	ssyncset.done $0x0  }
0x4a: {  	[sflag:s28] =	ssyncadd.s32 $0xFFFFC000  }
0x4b: {  	_ =	swait.ge [sflag:s28], $0x4000  }
0x4c: {  	[sflag:s28] =	ssyncset.done $0x0  }
0x4d: {  	s8 =	sadd.s32 s4, s17;
	[sflag:s28] =	ssyncadd.s32 $0xFFFFC000  }
0x4e: {  	[hbm4b:s8+s2] =	stream.linear.scatter [tilespmem:s22], [sflag:$0x3], $0x4000, $0x38;
	[tilespmem:$0x12800] =	vst v63  }
0x4f: {  	s25 =	sadd.s32 s5, s17  }
0x50: {  	[hbm4b:s25+s2] =	stream.linear.scatter [tilespmem:s23], [sflag:$0x3], $0x4000, $0x38;
	[tilespmem:$0x12800] =	vst v63  }
0x51: {  	_ =	swait.ge [sflag:s29], $0x4000  }
0x52: {  	[sflag:s29] =	ssyncset.done $0x0  }
0x53: {  	[sflag:s29] =	ssyncadd.s32 $0xFFFFC000  }
0x54: {  	_ =	swait.ge [sflag:s29], $0x4000  }
0x55: {  	[sflag:s29] =	ssyncset.done $0x0  }
0x56: {  	s7 =	simm.s32 $0x200;
	[sflag:s29] =	ssyncadd.s32 $0xFFFFC000  }
0x57: {  	[tilespmem:s22], [sflag:$0x1] =	stream.indirect.gather [hbm4b:s3+s21], $0x80, s7, s21, $0xb8;
	[tilespmem:$0x12800] =	vst v63  }
0x58: {  	s8 =	simm.s32 $0x1600  }
0x59: {  	[tilespmem:s23], [sflag:$0x1] =	stream.indirect.gather [hbm4b:s3+s21], $0x80, s8, s21, $0xb8;
	[tilespmem:$0x12800] =	vst v63  }
0x5a: {  	_ =	swait.ge [sflag:s1], $0x4000  }
0x5b: {  	[sflag:s1] =	ssyncset.done $0x0  }
0x5c: {  	[sflag:s1] =	ssyncadd.s32 $0xFFFFC000  }
0x5d: {  	_ =	swait.ge [sflag:s1], $0x4000  }
0x5e: {  	[sflag:s1] =	ssyncset.done $0x0  }
0x5f: {  	s30 =	sadd.s32 $0x1000, s5;
	s25 =	sadd.s32 s4, s18;
	[sflag:s1] =	ssyncadd.s32 $0xFFFFC000  }
0x60: {  	[hbm4b:s25+s2] =	stream.linear.scatter [tilespmem:s24], [sflag:$0x4], $0x4000, $0x38;
	[tilespmem:$0x12800] =	vst v63  }
0x61: {  	s6 =	sadd.s32 $0x1000, s4;
	s7 =	sadd.s32 s5, s18;
	s25 =	simm.s32 $0x400  }
.LBB2_2:
0x62: {  	[hbm4b:s7+s2] =	stream.linear.scatter [tilespmem:s26], [sflag:$0x4], $0x4000, $0x38;
	[tilespmem:$0x12800] =	vst v63  }
0x63: {  	s7 =	smov.u32 s25  }
0x64: {  	p0 =	sne.s32 s25, $0x4400;
	s25 =	sadd.s32 $0x400, s25;
	_ =	swait.ge [sflag:s0], $0x4000  }
0x65: {  	[sflag:s0] =	ssyncset.done $0x0  }
0x66: {  	[sflag:s0] =	ssyncadd.s32 $0xFFFFC000  }
0x67: {  	_ =	swait.ge [sflag:s0], $0x4000  }
0x68: {  	s7 =	sshra.s32 s7, $0x2;
	[sflag:s0] =	ssyncset.done $0x0  }
0x69: {  	s8 =	sadd.s32 $0x180, s7;
	[sflag:s0] =	ssyncadd.s32 $0xFFFFC000  }
0x6a: {  	[tilespmem:s24], [sflag:$0x2] =	stream.indirect.gather [hbm4b:s3+s21], $0x80, s8, s21, $0xb8;
	[tilespmem:$0x12800] =	vst v63  }
0x6b: {  	s8 =	sadd.s32 $0x1580, s7  }
0x6c: {  	[tilespmem:s26], [sflag:$0x2] =	stream.indirect.gather [hbm4b:s3+s21], $0x80, s8, s21, $0xb8;
	[tilespmem:$0x12800] =	vst v63  }
0x6d: {  	_ =	swait.ge [sflag:s28], $0x4000  }
0x6e: {  	[sflag:s28] =	ssyncset.done $0x0  }
0x6f: {  	[sflag:s28] =	ssyncadd.s32 $0xFFFFC000  }
0x70: {  	_ =	swait.ge [sflag:s28], $0x4000  }
0x71: {  	[sflag:s28] =	ssyncset.done $0x0  }
0x72: {  	s8 =	sadd.s32 s6, s17;
	[sflag:s28] =	ssyncadd.s32 $0xFFFFC000  }
0x73: {  	[hbm4b:s8+s2] =	stream.linear.scatter [tilespmem:s22], [sflag:$0x3], $0x4000, $0x38;
	[tilespmem:$0x12800] =	vst v63  }
0x74: {  	s8 =	sadd.s32 s30, s17  }
0x75: {  	[hbm4b:s8+s2] =	stream.linear.scatter [tilespmem:s23], [sflag:$0x3], $0x4000, $0x38;
	[tilespmem:$0x12800] =	vst v63  }
0x76: {  	_ =	swait.ge [sflag:s29], $0x4000  }
0x77: {  	[sflag:s29] =	ssyncset.done $0x0  }
0x78: {  	[sflag:s29] =	ssyncadd.s32 $0xFFFFC000  }
0x79: {  	_ =	swait.ge [sflag:s29], $0x4000  }
0x7a: {  	[sflag:s29] =	ssyncset.done $0x0  }
0x7b: {  	s8 =	sadd.s32 $0x200, s7;
	[sflag:s29] =	ssyncadd.s32 $0xFFFFC000  }
0x7c: {  	[tilespmem:s22], [sflag:$0x1] =	stream.indirect.gather [hbm4b:s3+s21], $0x80, s8, s21, $0xb8;
	[tilespmem:$0x12800] =	vst v63  }
0x7d: {  	s7 =	sadd.s32 $0x1600, s7  }
0x7e: {  	[tilespmem:s23], [sflag:$0x1] =	stream.indirect.gather [hbm4b:s3+s21], $0x80, s7, s21, $0xb8;
	[tilespmem:$0x12800] =	vst v63  }
0x7f: {  	_ =	swait.ge [sflag:s1], $0x4000  }
0x80: {  	[sflag:s1] =	ssyncset.done $0x0  }
0x81: {  	[sflag:s1] =	ssyncadd.s32 $0xFFFFC000  }
.Ltmp0:
0x82: {  	_ =	swait.ge [sflag:s1], $0x4000;
	(pc) =	sbr.rel @p0 .LBB2_2-.Ltmp0, $4  }
0x83: {  	[sflag:s1] =	ssyncset.done $0x0  }
0x84: {  	s7 =	sadd.s32 s6, s18;
	[sflag:s1] =	ssyncadd.s32 $0xFFFFC000  }
0x85: {  	[hbm4b:s7+s2] =	stream.linear.scatter [tilespmem:s24], [sflag:$0x4], $0x4000, $0x38;
	[tilespmem:$0x12800] =	vst v63  }
0x86: {  	s6 =	sadd.s32 $0x1000, s6;
	s7 =	sadd.s32 s30, s18;
	s30 =	sadd.s32 $0x1000, s30  }
0x87: {  	[hbm4b:s7+s2] =	stream.linear.scatter [tilespmem:s26], [sflag:$0x4], $0x4000, $0x38;
	[tilespmem:$0x12800] =	vst v63  }
0x88: {  	_ =	swait.ge [sflag:s0], $0x4000  }
0x89: {  	[sflag:s0] =	ssyncset.done $0x0  }
0x8a: {  	[sflag:s0] =	ssyncadd.s32 $0xFFFFC000  }
0x8b: {  	_ =	swait.ge [sflag:s0], $0x4000  }
0x8c: {  	[sflag:s0] =	ssyncset.done $0x0  }
0x8d: {  	s6 =	simm.s32 $0x1380;
	[sflag:s0] =	ssyncadd.s32 $0xFFFFC000  }
0x8e: {  	[tilespmem:s24], [sflag:$0x2] =	stream.indirect.gather [hbm4b:s3+s21], $0x80, s6, s21, $0xb8;
	[tilespmem:$0x12800] =	vst v63  }
0x8f: {  	s25 =	simm.s32 $0x2780  }
0x90: {  	[tilespmem:s26], [sflag:$0x2] =	stream.indirect.gather [hbm4b:s3+s21], $0x80, s25, s21, $0xb8;
	[tilespmem:$0x12800] =	vst v63  }
0x91: {  	_ =	swait.ge [sflag:s28], $0x4000  }
0x92: {  	[sflag:s28] =	ssyncset.done $0x0  }
0x93: {  	[sflag:s28] =	ssyncadd.s32 $0xFFFFC000  }
0x94: {  	_ =	swait.ge [sflag:s28], $0x4000  }
0x95: {  	[sflag:s28] =	ssyncset.done $0x0  }
0x96: {  	[sflag:s28] =	ssyncadd.s32 $0xFFFFC000  }
0x97: {  	[hbm4b:s13+s2] =	stream.linear.scatter [tilespmem:s22], [sflag:$0x3], $0x4000, $0x38;
	[tilespmem:$0x12800] =	vst v63  }
0x98: {  	_ = 	snop  }
0x99: {  	[hbm4b:s14+s2] =	stream.linear.scatter [tilespmem:s23], [sflag:$0x3], $0x4000, $0x38;
	[tilespmem:$0x12800] =	vst v63  }
0x9a: {  	_ =	swait.ge [sflag:s1], $0x4000  }
0x9b: {  	[sflag:s1] =	ssyncset.done $0x0  }
0x9c: {  	[sflag:s1] =	ssyncadd.s32 $0xFFFFC000  }
0x9d: {  	_ =	swait.ge [sflag:s1], $0x4000  }
0x9e: {  	[sflag:s1] =	ssyncset.done $0x0  }
0x9f: {  	[sflag:s1] =	ssyncadd.s32 $0xFFFFC000  }
0xa0: {  	[hbm4b:s15+s2] =	stream.linear.scatter [tilespmem:s24], [sflag:$0x4], $0x4000, $0x38;
	[tilespmem:$0x12800] =	vst v63  }
0xa1: {  	_ = 	snop  }
0xa2: {  	[hbm4b:s16+s2] =	stream.linear.scatter [tilespmem:s26], [sflag:$0x4], $0x4000, $0x38;
	[tilespmem:$0x12800] =	vst v63  }
0xa3: {  	_ =	swait.ge [sflag:s29], $0x4000  }
0xa4: {  	[sflag:s29] =	ssyncset.done $0x0  }
0xa5: {  	[sflag:s29] =	ssyncadd.s32 $0xFFFFC000  }
0xa6: {  	_ =	swait.ge [sflag:s29], $0x4000  }
0xa7: {  	[sflag:s29] =	ssyncset.done $0x0  }
0xa8: {  	[sflag:s29] =	ssyncadd.s32 $0xFFFFC000  }
0xa9: {  	_ =	swait.ge [sflag:s0], $0x4000  }
0xaa: {  	[sflag:s0] =	ssyncset.done $0x0  }
0xab: {  	[sflag:s0] =	ssyncadd.s32 $0xFFFFC000  }
0xac: {  	_ =	swait.ge [sflag:s0], $0x4000  }
0xad: {  	s31 =	sadd.s32 $0x1, s31;
	s30 =	rddreg [dreg:$0x4]  }
0xae: {  	p0 =	sne.s32 s31, s30  }
.Ltmp1:
0xaf: {  	_ = 	snop;
	(pc) =	sbr.rel @p0 .LBB2_1-.Ltmp1, $3  }
0xb0: {  	_ =	sdelay $0x1  }
0xb1: {  	[sflag:s0] =	ssyncset.done $0x0  }
0xb2: {  	[sflag:s0] =	ssyncadd.s32 $0xFFFFC000  }
0xb3: {  	_ =	sfence.sel $0x180000  }
0xb4: {  	[bflag:$0x0] =	sbarrier.arrive $0xFFFF  }
0xb5: {  	_ =	strace $0x90000059  }
0xb6: {  	s0 =	stileid.u32;
	[bflag:$0x2] =	sbarrier.arrive $0xFFFF  }
0xb7: {  	p0 =	sne.s32 s0, $0x0;
	s0 =	rddreg [dreg:$0x1]  }
0xb8: {  	s0 =	sadd.s32 @!p0 $0x100000, s0  }
0xb9: {  	[sflag:s0] =	ssyncadd.tile.s32 @!p0 $0x1;
	_ =	shalt  }
.Lfunc_end2:
_tile_overlayer_lowered:
.L_overlay_start_2:
0xba: {  	(tag) =	ssettag $0x2  }
0xbb: {  	s0 =	rddreg [dreg:$0x0];
	s2 =	stileid.u32  }
0xbc: {  	s1 =	rddreg [dreg:$0x1];
	p0 =	sne.s32 s2, $0x0  }
0xbd: {  	s3 =	rddreg [dreg:$0x2];
	[bflag:$0x3] =	sbarrier.arrive $0xFFFF;
	s2 =	simm.s32 @!p0 $0x1C05  }
0xbe: {  	[timem:s3], [sflag:s2] =	dma.local @!p0 [hbm:s0], s1  }
0xbf: {  	s0 =	simm.s32 @!p0 $0x5  }
0xc0: {  	_ =	swait.ge @!p0 [sflag:s0], s1  }
0xc1: {  	s1 =	ssub.s32 @!p0 $0x0, s1;
	[sflag:s0] =	ssyncset.done @!p0 $0x0  }
0xc2: {  	[sflag:s0] =	ssyncadd.s32 @!p0 s1  }
0xc3: {  	[bflag:$0x3] =	sbarrier.arrive $0xFFFF  }
0xc4: {  	_ =	shalt  }

// kernel: kernel.43.cloned.1.call-start
scs
__scs_entry_jumppad:
0x0: {  	(pc) =	sbr.rel $0x88, $3  }
0x1: {  	(tag) =	ssettag $0x0;
	lr =	simm.s32 $0x1  }
0x2: {  	[smem:$0x3F6E] =	sst lr;
	_ =	strace $0xD0000000  }
0x3: {  	_ = 	snop  }
0x4: {  	_ = 	snop  }
0x5: {  	_ = 	snop  }
0x6: {  	_ = 	snop  }
0x7: {  	_ = 	snop  }
__scs_overlays_trampoline_lowered:
0x8: {  	[smem:$0x3F7D] =	sst s0  }
0x9: {  	[smem:$0x3F7E] =	sst s1  }
0xa: {  	[smem:$0x3F7F] =	sst s2  }
0xb: {  	[smem:$0x3F80] =	sst s3  }
0xc: {  	[smem:$0x3F81] =	sst s4  }
0xd: {  	[smem:$0x3F82] =	sst s5  }
0xe: {  	[smem:$0x3F83] =	sst s6  }
0xf: {  	[smem:$0x3F84] =	sst s7  }
0x10: {  	[smem:$0x3F85] =	sst s8  }
0x11: {  	[smem:$0x3F86] =	sst s9;
	s0 =	simm.s32 @!p0 $0x0  }
0x12: {  	s1 =	sld [smem:$0x3F6C];
	s0 =	simm.s32 @p0 $0x1  }
0x13: {  	[smem:$0x3F87] =	sst s0;
	s0 =	simm.s32 @!p1 $0x0  }
0x14: {  	s2 =	sld [smem:$0x3F6B];
	s0 =	simm.s32 @p1 $0x1  }
0x15: {  	[smem:$0x3F88] =	sst s0;
	s0 =	simm.s32 @!p2 $0x0  }
0x16: {  	s3 =	sld [smem:$0x3FDB];
	s0 =	simm.s32 @p2 $0x1  }
0x17: {  	s4 =	simm.s32 $0x1BF5;
	[smem:$0x3F8A] =	sst s0  }
0x18: {  	s0 =	sld [smem:$0x3F6D];
	_ =	swait.ge [sflag:s4], $0x0  }
0x19: {  	s7 =	sld [smem:$0x3F6E]  }
0x1a: {  	s8 =	sadd.s32 $0xFFFFE003, lr  }
0x1b: {  	s9 =	sadd.s32 $0xFFFFFEF7, lr;
	s5 =	simm.s32 $0xFFFFFFFF;
	p2 =	slt.u32 s8, $0xFFFFF086  }
0x1c: {  	p1 =	slt.u32 s9, $0xF7A;
	s5 =	simm.s32 @!p2 $0x0  }
0x1d: {  	s5 =	simm.s32 @p1 $0x1;
	p0 =	seq.s32 s7, s2  }
0x1e: {  	s7 =	smul.u32 @!p0 $0xF7A, s2;
	p2 =	seq.s32 @!p0 s5, $0x0  }
0x1f: {  	s9 =	smul.u32 $0xF7A, s1;
	s8 =	simm.s32 @!p0 $0x1BF5;
	p2 =	por !p2, p0  }
0x20: {  	[sflag:s8] =	ssyncset.s32 @!p0 $0xFFFFF086;
	s6 =	sadd.s32 @!p0 s3, s7;
	s7 =	simm.s32 @!p0 $0x108  }
0x21: {  	s3 =	sadd.s32 s3, s9;
	s6 =	sadd.s32 @!p0 $0x88, s6;
	s7 =	simm.s32 @p2 $0x1082  }
0x22: {  	[simem:s7], [sflag:s8] =	dma.local @!p0 [hbm:s6], $0xF7A  }
0x23: {  	s9 =	sor.u32 $0xD0000000, s2;
	s6 =	simm.s32 $0x108;
	_ =	swait.ge @!p0 [sflag:s8], $0x0  }
0x24: {  	s3 =	sadd.s32 $0x88, s3;
	s6 =	simm.s32 @!p1 $0x1082;
	[sflag:s4] =	ssyncset.s32 $0xFFFFF086  }
0x25: {  	[simem:s6], [sflag:s4] =	dma.local [hbm:s3], $0xF7A  }
0x26: {  	[smem:$0x3F6E] =	sst s1;
	(tag) =	ssettag s2;
	_ =	strace s9  }
0x27: {  	s1 =	sld [smem:$0x3F7E]  }
0x28: {  	s2 =	sld [smem:$0x3F7F]  }
0x29: {  	s4 =	sld [smem:$0x3F81]  }
0x2a: {  	p0 =	seq.s32 s5, $0x0;
	s5 =	sld [smem:$0x3F82]  }
0x2b: {  	s6 =	sld [smem:$0x3F83]  }
0x2c: {  	s7 =	sld [smem:$0x3F84]  }
0x2d: {  	s3 =	simm.s32 $0x108;
	s8 =	sld [smem:$0x3F85]  }
0x2e: {  	s3 =	simm.s32 @!p0 $0x1082;
	s9 =	sld [smem:$0x3F86]  }
0x2f: {  	lr =	sadd.s32 s0, s3;
	s0 =	sld [smem:$0x3F7D]  }
0x30: {  	s3 =	sld [smem:$0x3F80]  }
0x31: {  	[smem:$0x3F89] =	sst s10  }
0x32: {  	s10 =	sld [smem:$0x3F87];
	_ =	sdelay $0x3  }
0x33: {  	p0 =	seq.s32 s10, $0x1;
	s10 =	sld [smem:$0x3F89];
	_ =	sdelay $0x3  }
0x34: {  	[smem:$0x3F89] =	sst s10  }
0x35: {  	s10 =	sld [smem:$0x3F88];
	_ =	sdelay $0x3  }
0x36: {  	p1 =	seq.s32 s10, $0x1;
	s10 =	sld [smem:$0x3F89];
	_ =	sdelay $0x3  }
0x37: {  	[smem:$0x3F89] =	sst s10  }
0x38: {  	s10 =	sld [smem:$0x3F8A]  }
0x39: {  	_ = 	snop;
	(pc) =	sbr.ind lr, $3  }
0x3a: {  	_ = 	snop  }
0x3b: {  	_ = 	snop  }
0x3c: {  	p2 =	seq.s32 s10, $0x1;
	s10 =	sld [smem:$0x3F89]  }
0x3d: {  	_ =	shalt  }
0x3e: {  	_ =	shalt  }
0x3f: {  	_ =	shalt  }
0x40: {  	_ =	shalt  }
0x41: {  	_ =	shalt  }
0x42: {  	_ =	shalt  }
0x43: {  	_ =	shalt  }
0x44: {  	_ =	shalt  }
0x45: {  	_ =	shalt  }
0x46: {  	_ =	shalt  }
0x47: {  	_ =	shalt  }
0x48: {  	_ =	shalt  }
0x49: {  	_ =	shalt  }
0x4a: {  	_ =	shalt  }
0x4b: {  	_ =	shalt  }
0x4c: {  	_ =	shalt  }
0x4d: {  	_ =	shalt  }
0x4e: {  	_ =	shalt  }
0x4f: {  	_ =	shalt  }
0x50: {  	_ =	shalt  }
0x51: {  	_ =	shalt  }
0x52: {  	_ =	shalt  }
0x53: {  	_ =	shalt  }
0x54: {  	_ =	shalt  }
0x55: {  	_ =	shalt  }
0x56: {  	_ =	shalt  }
0x57: {  	_ =	shalt  }
0x58: {  	_ =	shalt  }
0x59: {  	_ =	shalt  }
0x5a: {  	_ =	shalt  }
0x5b: {  	_ =	shalt  }
0x5c: {  	_ =	shalt  }
0x5d: {  	_ =	shalt  }
0x5e: {  	_ =	shalt  }
0x5f: {  	_ =	shalt  }
0x60: {  	_ =	shalt  }
0x61: {  	_ =	shalt  }
0x62: {  	_ =	shalt  }
0x63: {  	_ =	shalt  }
0x64: {  	_ =	shalt  }
0x65: {  	_ =	shalt  }
0x66: {  	_ =	shalt  }
0x67: {  	_ =	shalt  }
0x68: {  	_ =	shalt  }
0x69: {  	_ =	shalt  }
0x6a: {  	_ =	shalt  }
0x6b: {  	_ =	shalt  }
0x6c: {  	_ =	shalt  }
0x6d: {  	_ =	shalt  }
0x6e: {  	_ =	shalt  }
0x6f: {  	_ =	shalt  }
0x70: {  	_ =	shalt  }
0x71: {  	_ =	shalt  }
0x72: {  	_ =	shalt  }
0x73: {  	_ =	shalt  }
0x74: {  	_ =	shalt  }
0x75: {  	_ =	shalt  }
0x76: {  	_ =	shalt  }
0x77: {  	_ =	shalt  }
0x78: {  	_ =	shalt  }
0x79: {  	_ =	shalt  }
0x7a: {  	_ =	shalt  }
0x7b: {  	_ =	shalt  }
0x7c: {  	_ =	shalt  }
0x7d: {  	_ =	shalt  }
0x7e: {  	_ =	shalt  }
0x7f: {  	_ =	shalt  }
0x80: {  	_ =	shalt  }
0x81: {  	_ =	shalt  }
0x82: {  	_ =	shalt  }
0x83: {  	_ =	shalt  }
0x84: {  	_ =	shalt  }
0x85: {  	_ =	shalt  }
0x86: {  	_ =	shalt  }
0x87: {  	_ =	shalt  }
.Lfunc_end0:
.L_simem_size_0:
called_computation.7_lowered:
.L_overlay_start_0:
0x88: {  	s2 =	sld [smem:$0x3FD9]  }
0x89: {  	s3 =	sld [smem:$0x3FFE];
	_ =	sdelay $0x1  }
0x8a: {  	s1 =	srdreg.scid  }
0x8b: {  	s0 =	sand.u32 $0x1, s1  }
0x8c: {  	s17 =	sshll.u32 s0, $0xA;
	s2 =	sadd.s32 s3, s2  }
0x8d: {  	s2 =	sadd.s32 s2, s17  }
0x8e: {  	[smem:$0x3F95] =	sst s2  }
0x8f: {  	_ = 	snop  }
0x90: {  	(tm) =	ssettm $0x1  }
0x91: {  	s18 =	sld [smem:$0x3FFB];
	_ =	sdelay $0x3  }
0x92: {  	_ =	strace s18  }
0x93: {  	s2 =	sld [smem:$0x3FFC];
	_ =	sdelay $0x3  }
0x94: {  	_ =	strace s2  }
0x95: {  	s2 =	sld [smem:$0x3FFD];
	_ =	sdelay $0x3  }
0x96: {  	_ =	strace s2  }
0x97: {  	_ =	strace $0x8FFFFFFF  }
0x98: {  	s19 =	sld [smem:$0x3FDB];
	_ =	sdelay $0x1  }
0x99: {  	s20 =	simm.s32 $_scs_section_size  }
0x9a: {  	s4 =	simm.s32 $_size__tile_overlayer_lowered;
	s5 =	simm.s32 $_tile_overlayer_lowered  }
0x9b: {  	s6 =	simm.s32 $0x1BFF;
	s21 =	sshll.u32 s5, $0x1;
	s3 =	sadd.s32 s20, s19  }
0x9c: {  	s22 =	simm.s32 $0x0;
	s4 =	sshll.u32 s4, $0x1;
	s5 =	sadd.s32 s21, s3  }
0x9d: {  	[timem:s22], [sflag:s6] =	dma.local [hbm:s5], s4  }
0x9e: {  	_ =	swait.ge [sflag:s6], s4  }
0x9f: {  	s4 =	ssub.s32 $0x0, s4;
	[sflag:s6] =	ssyncset.done $0x0  }
0xa0: {  	[sflag:s6] =	ssyncadd.s32 s4;
	_ =	sdelay $0x1  }
0xa1: {  	s23 =	simm.s32 $0x1B8B  }
0xa2: {  	_ =	swait.ge [sflag:s23], $0x1  }
0xa3: {  	[sflag:s23] =	ssyncset.done $0x0  }
0xa4: {  	[sflag:s23] =	ssyncadd.s32 $0xFFFFFFFF  }
0xa5: {  	s4 =	sld [smem:$0x0]  }
0xa6: {  	s5 =	sand.u32 $0xFFFFFFFE, s1  }
0xa7: {  	p0 =	sne.s32 s1, s5  }
0xa8: {  	s5 =	sshll.u32 @p0 s5, $0xE  }
0xa9: {  	s5 =	sadd.s32 @p0 $0x11B8D, s5;
	s6 =	sshll.u32 @p0 s4, $0x11  }
0xaa: {  	s5 =	sor.u32 @p0 s6, s5  }
0xab: {  	[sflag:s5] =	ssyncadd.remote.s32 @p0 $0x1;
	_ =	sdelay $0x1  }
0xac: {  	s5 =	simm.s32 @p0 $0x1B8D  }
0xad: {  	_ =	swait.eq @p0 [sflag:s5], $0x1  }
0xae: {  	[sflag:s5] =	ssyncadd.s32 @p0 $0xFFFFFFFF  }
0xaf: {  	s6 =	sshll.u32 @!p0 s1, $0xE  }
0xb0: {  	s6 =	sor.u32 @!p0 $0x4000, s6;
	s5 =	simm.s32 @!p0 $0x1B8D  }
0xb1: {  	s4 =	sshll.u32 @!p0 s4, $0x11;
	s6 =	sadd.s32 @!p0 $0x11B8D, s6;
	_ =	swait.eq @!p0 [sflag:s5], $0x1  }
0xb2: {  	s4 =	sor.u32 @!p0 s4, s6;
	[sflag:s5] =	ssyncadd.s32 @!p0 $0xFFFFFFFF  }
0xb3: {  	s25 =	simm.s32 $0x1B8E;
	s24 =	sld [smem:$0x3FFE];
	[sflag:s4] =	ssyncadd.remote.s32 @!p0 $0x1  }
0xb4: {  	s26 =	simm.s32 $execute0_lowered;
	[smem:$0x3FD2] =	sst s25  }
0xb5: {  	s5 =	sshll.u32 s26, $0x1;
	_ =	strace $0x8000005B;
	[dreg:$0x1] =	wrdreg $0xFFFFFFFF  }
0xb6: {  	s28 =	simm.s32 $_size_execute0_lowered;
	s3 =	sadd.s32 s3, s5;
	[dreg:$0x0] =	wrdreg $0x0  }
0xb7: {  	s5 =	sshll.u32 s28, $0x1;
	[dreg:$0x2] =	wrdreg s3  }
0xb8: {  	[dreg:$0x3] =	wrdreg s5  }
0xb9: {  	[dreg:$0x4] =	wrdreg $0xC0  }
0xba: {  	_ =	task [dreg:s22], $0x5FFFF  }
0xbb: {  	[dreg:$0x1] =	wrdreg $0xFFFFFFFF  }
0xbc: {  	[dreg:$0x0] =	wrdreg $0x60  }
0xbd: {  	[dreg:$0x2] =	wrdreg s24  }
0xbe: {  	[dreg:$0x3] =	wrdreg $0xA  }
0xbf: {  	_ =	task.clear_ibuf [dreg:s22], $0x4FFFF;
	_ =	strace $0x9000005B  }
0xc0: {  	s29 =	simm.s32 $0xA;
	_ =	strace $0x8000005D  }
0xc1: {  	_ =	swait.ge [sflag:s29], $0x1  }
0xc2: {  	[sflag:s29] =	ssyncadd.s32 $0xFFFFFFFF  }
0xc3: {  	_ =	strace $0x9000005D  }
0xc4: {  	_ =	sfence  }
0xc5: {  	s30 =	sld [smem:$0x0];
	_ =	sdelay $0x2  }
0xc6: {  	s31 =	sshll.u32 s1, $0xD;
	s1 =	sshrl.u32 s1, $0x2  }
0xc7: {  	s4 =	sand.u32 $0x4000, s31;
	s1 =	sadd.s32 s1, s30  }
0xc8: {  	s0 =	sor.u32 s4, s0;
	s1 =	sshll.u32 s1, $0x11  }
0xc9: {  	s0 =	sor.u32 s1, s0  }
0xca: {  	s0 =	sadd.s32 $0x8F2B, s0  }
0xcb: {  	[sflag:s0] =	ssyncadd.remote.s32 $0x1  }
0xcc: {  	_ =	sfence.sel $0xFFFF  }
0xcd: {  	[dreg:$0x0] =	wrdreg $0xFFFFFFFF;
	(pc) =	sbr.abs _section_cstart, $3  }
0xce: {  	[dreg:$0x1] =	wrdreg $0xFFFFFFFF  }
0xcf: {  	_ =	task.clear_ibuf [dreg:s22], $0x2FFFF;
	_ =	strace $0x9FFFFFFF  }
0xd0: {  	(tm) =	ssettm $0x7FFFFFFF  }
0xd1: {  	_ =	shalt  }
tec
execute0_lowered:
.L_overlay_start_1:
0x0: {  	(tag) =	ssettag $0x1  }
0x1: {  	s0 =	srdreg.scid  }
0x2: {  	s10 =	stileid.u32;
	s1 =	rddreg [dreg:$0x0];
	s2 =	simm.s32 $0x0  }
0x3: {  	s19 =	simm.s32 $0x5;
	s20 =	simm.s32 $0x1400;
	s28 =	simm.s32 $0x1  }
0x4: {  	s29 =	simm.s32 $0x3;
	s31 =	simm.s32 $0x0;
	s0 =	sand.u32 $0x1, s0  }
0x5: {  	s3 =	sshll.u32 s10, $0x1;
	[smem:$0x7FF] =	sst s2;
	s25 =	smul.u32 $0x140000, s10  }
0x6: {  	s4 =	sor.u32 s0, s3;
	s6 =	ssub.s32 $0x2, s0;
	s0 =	smul.u32 $0xA0000, s0  }
0x7: {  	_ =	strace $0x8000005C;
	s3 =	sadd.s32 $0x45400, s1;
	s5 =	smul.u32 $0x280, s4  }
0x8: {  	s8 =	sshrl.u32 s6, $0x1;
	s9 =	smul.u32 $0xA0000, s4;
	s4 =	sadd.s32 $0x7CF400, s1  }
0x9: {  	s21 =	ssub.s32 s6, s8;
	s0 =	sadd.s32 s0, s25;
	s7 =	sadd.s32 s5, s1  }
0xa: {  	s5 =	sadd.s32 $0xA4F400, s1;
	s24 =	sshrl.u32 s9, $0x3;
	s1 =	smax.u32 s21, $0x1  }
0xb: {  	s21 =	simm.s32 $0x80;
	s22 =	sadd.s32 $0x14200, s7;
	s23 =	sadd.s32 $0x19200, s7  }
0xc: {  	[dreg:$0x4] =	wrdreg s1;
	s9 =	sadd.s32 s4, s24;
	s10 =	sadd.s32 s5, s24  }
0xd: {  	s26 =	sor.u32 $0x800, s24;
	s30 =	sadd.s32 $0x13000, s24;
	s6 =	sadd.s32 $0x13800, s24  }
0xe: {  	s1 =	sor.u32 $0x8000, s0;
	s0 =	sor.u32 $0xC000, s0;
	[dreg:$0x2] =	wrdreg s22  }
0xf: {  	s24 =	simm.s32 $0xA800;
	[dreg:$0x3] =	wrdreg s23;
	s11 =	sadd.s32 s4, s26  }
0x10: {  	s12 =	sadd.s32 s5, s26;
	s13 =	sadd.s32 s4, s30;
	s14 =	sadd.s32 s5, s30  }
0x11: {  	s15 =	sadd.s32 s4, s6;
	s16 =	sadd.s32 s5, s6;
	s17 =	sshrl.u32 s1, $0x3  }
0x12: {  	s18 =	sshrl.u32 s0, $0x3;
	s22 =	simm.s32 $0x2800;
	s23 =	simm.s32 $0x6800  }
0x13: {  	s26 =	simm.s32 $0xE800;
	s1 =	simm.s32 $0x2;
	s0 =	simm.s32 $0x4  }
.LBB2_1:
0x14: {  	s6 =	rddreg [dreg:$0x2]  }
0x15: {  	[tilespmem:s2], [sflag:$0x5] =	stream.linear.gather [hbm4b:s6+s2], $0x1400, $0x38;
	[tilespmem:$0x12800] =	vst v63  }
0x16: {  	_ =	swait.ge [sflag:s19], $0x1400  }
0x17: {  	[sflag:s19] =	ssyncset.done $0x0  }
0x18: {  	s8 =	rddreg [dreg:$0x3];
	[sflag:s19] =	ssyncadd.s32 $0xFFFFEC00  }
0x19: {  	[tilespmem:s20], [sflag:$0x5] =	stream.linear.gather [hbm4b:s8+s2], $0x1400, $0x38;
	[tilespmem:$0x12800] =	vst v63  }
0x1a: {  	_ =	swait.ge [sflag:s19], $0x1400  }
0x1b: {  	[sflag:s19] =	ssyncset.done $0x0  }
0x1c: {  	[sflag:s19] =	ssyncadd.s32 $0xFFFFEC00  }
0x1d: {  	[tilespmem:s22], [sflag:$0x1] =	stream.indirect.gather [hbm4b:s3+s21], $0x80, s2, s21, $0xb8;
	[tilespmem:$0x12800] =	vst v63  }
0x1e: {  	_ = 	snop  }
0x1f: {  	[tilespmem:s23], [sflag:$0x1] =	stream.indirect.gather [hbm4b:s3+s21], $0x80, s20, s21, $0xb8;
	[tilespmem:$0x12800] =	vst v63  }
0x20: {  	_ = 	snop  }
0x21: {  	[tilespmem:s24], [sflag:$0x2] =	stream.indirect.gather [hbm4b:s3+s21], $0x80, s21, s21, $0xb8;
	[tilespmem:$0x12800] =	vst v63  }
0x22: {  	s25 =	simm.s32 $0x1480  }
0x23: {  	[tilespmem:s26], [sflag:$0x2] =	stream.indirect.gather [hbm4b:s3+s21], $0x80, s25, s21, $0xb8;
	[tilespmem:$0x12800] =	vst v63  }
0x24: {  	_ =	swait.ge [sflag:s28], $0x4000  }
0x25: {  	[sflag:s28] =	ssyncset.done $0x0  }
0x26: {  	[sflag:s28] =	ssyncadd.s32 $0xFFFFC000  }
0x27: {  	_ =	swait.ge [sflag:s28], $0x4000  }
0x28: {  	[sflag:s28] =	ssyncset.done $0x0  }
0x29: {  	[sflag:s28] =	ssyncadd.s32 $0xFFFFC000  }
0x2a: {  	[hbm4b:s9+s2] =	stream.linear.scatter [tilespmem:s22], [sflag:$0x3], $0x4000, $0x38;
	[tilespmem:$0x12800] =	vst v63  }
0x2b: {  	_ = 	snop  }
0x2c: {  	[hbm4b:s10+s2] =	stream.linear.scatter [tilespmem:s23], [sflag:$0x3], $0x4000, $0x38;
	[tilespmem:$0x12800] =	vst v63  }
0x2d: {  	_ =	swait.ge [sflag:s29], $0x4000  }
0x2e: {  	[sflag:s29] =	ssyncset.done $0x0  }
0x2f: {  	[sflag:s29] =	ssyncadd.s32 $0xFFFFC000  }
0x30: {  	_ =	swait.ge [sflag:s29], $0x4000  }
0x31: {  	[sflag:s29] =	ssyncset.done $0x0  }
0x32: {  	s7 =	simm.s32 $0x100;
	[sflag:s29] =	ssyncadd.s32 $0xFFFFC000  }
0x33: {  	[tilespmem:s22], [sflag:$0x1] =	stream.indirect.gather [hbm4b:s3+s21], $0x80, s7, s21, $0xb8;
	[tilespmem:$0x12800] =	vst v63  }
0x34: {  	s8 =	simm.s32 $0x1500  }
0x35: {  	[tilespmem:s23], [sflag:$0x1] =	stream.indirect.gather [hbm4b:s3+s21], $0x80, s8, s21, $0xb8;
	[tilespmem:$0x12800] =	vst v63  }
0x36: {  	_ =	swait.ge [sflag:s1], $0x4000  }
0x37: {  	[sflag:s1] =	ssyncset.done $0x0  }
0x38: {  	[sflag:s1] =	ssyncadd.s32 $0xFFFFC000  }
0x39: {  	_ =	swait.ge [sflag:s1], $0x4000  }
0x3a: {  	[sflag:s1] =	ssyncset.done $0x0  }
0x3b: {  	[sflag:s1] =	ssyncadd.s32 $0xFFFFC000  }
0x3c: {  	[hbm4b:s11+s2] =	stream.linear.scatter [tilespmem:s24], [sflag:$0x4], $0x4000, $0x38;
	[tilespmem:$0x12800] =	vst v63  }
0x3d: {  	_ = 	snop  }
0x3e: {  	[hbm4b:s12+s2] =	stream.linear.scatter [tilespmem:s26], [sflag:$0x4], $0x4000, $0x38;
	[tilespmem:$0x12800] =	vst v63  }
0x3f: {  	_ =	swait.ge [sflag:s0], $0x4000  }
0x40: {  	[sflag:s0] =	ssyncset.done $0x0  }
0x41: {  	[sflag:s0] =	ssyncadd.s32 $0xFFFFC000  }
0x42: {  	_ =	swait.ge [sflag:s0], $0x4000  }
0x43: {  	[sflag:s0] =	ssyncset.done $0x0  }
0x44: {  	s25 =	simm.s32 $0x180;
	[sflag:s0] =	ssyncadd.s32 $0xFFFFC000  }
0x45: {  	[tilespmem:s24], [sflag:$0x2] =	stream.indirect.gather [hbm4b:s3+s21], $0x80, s25, s21, $0xb8;
	[tilespmem:$0x12800] =	vst v63  }
0x46: {  	s7 =	simm.s32 $0x1580  }
0x47: {  	[tilespmem:s26], [sflag:$0x2] =	stream.indirect.gather [hbm4b:s3+s21], $0x80, s7, s21, $0xb8;
	[tilespmem:$0x12800] =	vst v63  }
0x48: {  	_ =	swait.ge [sflag:s28], $0x4000  }
0x49: {  	[sflag:s28] =	ssyncset.done $0x0  }
0x4a: {  	[sflag:s28] =	ssyncadd.s32 $0xFFFFC000  }
0x4b: {  	_ =	swait.ge [sflag:s28], $0x4000  }
0x4c: {  	[sflag:s28] =	ssyncset.done $0x0  }
0x4d: {  	s8 =	sadd.s32 s4, s17;
	[sflag:s28] =	ssyncadd.s32 $0xFFFFC000  }
0x4e: {  	[hbm4b:s8+s2] =	stream.linear.scatter [tilespmem:s22], [sflag:$0x3], $0x4000, $0x38;
	[tilespmem:$0x12800] =	vst v63  }
0x4f: {  	s25 =	sadd.s32 s5, s17  }
0x50: {  	[hbm4b:s25+s2] =	stream.linear.scatter [tilespmem:s23], [sflag:$0x3], $0x4000, $0x38;
	[tilespmem:$0x12800] =	vst v63  }
0x51: {  	_ =	swait.ge [sflag:s29], $0x4000  }
0x52: {  	[sflag:s29] =	ssyncset.done $0x0  }
0x53: {  	[sflag:s29] =	ssyncadd.s32 $0xFFFFC000  }
0x54: {  	_ =	swait.ge [sflag:s29], $0x4000  }
0x55: {  	[sflag:s29] =	ssyncset.done $0x0  }
0x56: {  	s7 =	simm.s32 $0x200;
	[sflag:s29] =	ssyncadd.s32 $0xFFFFC000  }
0x57: {  	[tilespmem:s22], [sflag:$0x1] =	stream.indirect.gather [hbm4b:s3+s21], $0x80, s7, s21, $0xb8;
	[tilespmem:$0x12800] =	vst v63  }
0x58: {  	s8 =	simm.s32 $0x1600  }
0x59: {  	[tilespmem:s23], [sflag:$0x1] =	stream.indirect.gather [hbm4b:s3+s21], $0x80, s8, s21, $0xb8;
	[tilespmem:$0x12800] =	vst v63  }
0x5a: {  	_ =	swait.ge [sflag:s1], $0x4000  }
0x5b: {  	[sflag:s1] =	ssyncset.done $0x0  }
0x5c: {  	[sflag:s1] =	ssyncadd.s32 $0xFFFFC000  }
0x5d: {  	_ =	swait.ge [sflag:s1], $0x4000  }
0x5e: {  	[sflag:s1] =	ssyncset.done $0x0  }
0x5f: {  	s30 =	sadd.s32 $0x1000, s5;
	s25 =	sadd.s32 s4, s18;
	[sflag:s1] =	ssyncadd.s32 $0xFFFFC000  }
0x60: {  	[hbm4b:s25+s2] =	stream.linear.scatter [tilespmem:s24], [sflag:$0x4], $0x4000, $0x38;
	[tilespmem:$0x12800] =	vst v63  }
0x61: {  	s6 =	sadd.s32 $0x1000, s4;
	s7 =	sadd.s32 s5, s18;
	s25 =	simm.s32 $0x400  }
.LBB2_2:
0x62: {  	[hbm4b:s7+s2] =	stream.linear.scatter [tilespmem:s26], [sflag:$0x4], $0x4000, $0x38;
	[tilespmem:$0x12800] =	vst v63  }
0x63: {  	s7 =	smov.u32 s25  }
0x64: {  	p0 =	sne.s32 s25, $0x4400;
	s25 =	sadd.s32 $0x400, s25;
	_ =	swait.ge [sflag:s0], $0x4000  }
0x65: {  	[sflag:s0] =	ssyncset.done $0x0  }
0x66: {  	[sflag:s0] =	ssyncadd.s32 $0xFFFFC000  }
0x67: {  	_ =	swait.ge [sflag:s0], $0x4000  }
0x68: {  	s7 =	sshra.s32 s7, $0x2;
	[sflag:s0] =	ssyncset.done $0x0  }
0x69: {  	s8 =	sadd.s32 $0x180, s7;
	[sflag:s0] =	ssyncadd.s32 $0xFFFFC000  }
0x6a: {  	[tilespmem:s24], [sflag:$0x2] =	stream.indirect.gather [hbm4b:s3+s21], $0x80, s8, s21, $0xb8;
	[tilespmem:$0x12800] =	vst v63  }
0x6b: {  	s8 =	sadd.s32 $0x1580, s7  }
0x6c: {  	[tilespmem:s26], [sflag:$0x2] =	stream.indirect.gather [hbm4b:s3+s21], $0x80, s8, s21, $0xb8;
	[tilespmem:$0x12800] =	vst v63  }
0x6d: {  	_ =	swait.ge [sflag:s28], $0x4000  }
0x6e: {  	[sflag:s28] =	ssyncset.done $0x0  }
0x6f: {  	[sflag:s28] =	ssyncadd.s32 $0xFFFFC000  }
0x70: {  	_ =	swait.ge [sflag:s28], $0x4000  }
0x71: {  	[sflag:s28] =	ssyncset.done $0x0  }
0x72: {  	s8 =	sadd.s32 s6, s17;
	[sflag:s28] =	ssyncadd.s32 $0xFFFFC000  }
0x73: {  	[hbm4b:s8+s2] =	stream.linear.scatter [tilespmem:s22], [sflag:$0x3], $0x4000, $0x38;
	[tilespmem:$0x12800] =	vst v63  }
0x74: {  	s8 =	sadd.s32 s30, s17  }
0x75: {  	[hbm4b:s8+s2] =	stream.linear.scatter [tilespmem:s23], [sflag:$0x3], $0x4000, $0x38;
	[tilespmem:$0x12800] =	vst v63  }
0x76: {  	_ =	swait.ge [sflag:s29], $0x4000  }
0x77: {  	[sflag:s29] =	ssyncset.done $0x0  }
0x78: {  	[sflag:s29] =	ssyncadd.s32 $0xFFFFC000  }
0x79: {  	_ =	swait.ge [sflag:s29], $0x4000  }
0x7a: {  	[sflag:s29] =	ssyncset.done $0x0  }
0x7b: {  	s8 =	sadd.s32 $0x200, s7;
	[sflag:s29] =	ssyncadd.s32 $0xFFFFC000  }
0x7c: {  	[tilespmem:s22], [sflag:$0x1] =	stream.indirect.gather [hbm4b:s3+s21], $0x80, s8, s21, $0xb8;
	[tilespmem:$0x12800] =	vst v63  }
0x7d: {  	s7 =	sadd.s32 $0x1600, s7  }
0x7e: {  	[tilespmem:s23], [sflag:$0x1] =	stream.indirect.gather [hbm4b:s3+s21], $0x80, s7, s21, $0xb8;
	[tilespmem:$0x12800] =	vst v63  }
0x7f: {  	_ =	swait.ge [sflag:s1], $0x4000  }
0x80: {  	[sflag:s1] =	ssyncset.done $0x0  }
0x81: {  	[sflag:s1] =	ssyncadd.s32 $0xFFFFC000  }
.Ltmp0:
0x82: {  	_ =	swait.ge [sflag:s1], $0x4000;
	(pc) =	sbr.rel @p0 .LBB2_2-.Ltmp0, $4  }
0x83: {  	[sflag:s1] =	ssyncset.done $0x0  }
0x84: {  	s7 =	sadd.s32 s6, s18;
	[sflag:s1] =	ssyncadd.s32 $0xFFFFC000  }
0x85: {  	[hbm4b:s7+s2] =	stream.linear.scatter [tilespmem:s24], [sflag:$0x4], $0x4000, $0x38;
	[tilespmem:$0x12800] =	vst v63  }
0x86: {  	s6 =	sadd.s32 $0x1000, s6;
	s7 =	sadd.s32 s30, s18;
	s30 =	sadd.s32 $0x1000, s30  }
0x87: {  	[hbm4b:s7+s2] =	stream.linear.scatter [tilespmem:s26], [sflag:$0x4], $0x4000, $0x38;
	[tilespmem:$0x12800] =	vst v63  }
0x88: {  	_ =	swait.ge [sflag:s0], $0x4000  }
0x89: {  	[sflag:s0] =	ssyncset.done $0x0  }
0x8a: {  	[sflag:s0] =	ssyncadd.s32 $0xFFFFC000  }
0x8b: {  	_ =	swait.ge [sflag:s0], $0x4000  }
0x8c: {  	[sflag:s0] =	ssyncset.done $0x0  }
0x8d: {  	s6 =	simm.s32 $0x1380;
	[sflag:s0] =	ssyncadd.s32 $0xFFFFC000  }
0x8e: {  	[tilespmem:s24], [sflag:$0x2] =	stream.indirect.gather [hbm4b:s3+s21], $0x80, s6, s21, $0xb8;
	[tilespmem:$0x12800] =	vst v63  }
0x8f: {  	s25 =	simm.s32 $0x2780  }
0x90: {  	[tilespmem:s26], [sflag:$0x2] =	stream.indirect.gather [hbm4b:s3+s21], $0x80, s25, s21, $0xb8;
	[tilespmem:$0x12800] =	vst v63  }
0x91: {  	_ =	swait.ge [sflag:s28], $0x4000  }
0x92: {  	[sflag:s28] =	ssyncset.done $0x0  }
0x93: {  	[sflag:s28] =	ssyncadd.s32 $0xFFFFC000  }
0x94: {  	_ =	swait.ge [sflag:s28], $0x4000  }
0x95: {  	[sflag:s28] =	ssyncset.done $0x0  }
0x96: {  	[sflag:s28] =	ssyncadd.s32 $0xFFFFC000  }
0x97: {  	[hbm4b:s13+s2] =	stream.linear.scatter [tilespmem:s22], [sflag:$0x3], $0x4000, $0x38;
	[tilespmem:$0x12800] =	vst v63  }
0x98: {  	_ = 	snop  }
0x99: {  	[hbm4b:s14+s2] =	stream.linear.scatter [tilespmem:s23], [sflag:$0x3], $0x4000, $0x38;
	[tilespmem:$0x12800] =	vst v63  }
0x9a: {  	_ =	swait.ge [sflag:s1], $0x4000  }
0x9b: {  	[sflag:s1] =	ssyncset.done $0x0  }
0x9c: {  	[sflag:s1] =	ssyncadd.s32 $0xFFFFC000  }
0x9d: {  	_ =	swait.ge [sflag:s1], $0x4000  }
0x9e: {  	[sflag:s1] =	ssyncset.done $0x0  }
0x9f: {  	[sflag:s1] =	ssyncadd.s32 $0xFFFFC000  }
0xa0: {  	[hbm4b:s15+s2] =	stream.linear.scatter [tilespmem:s24], [sflag:$0x4], $0x4000, $0x38;
	[tilespmem:$0x12800] =	vst v63  }
0xa1: {  	_ = 	snop  }
0xa2: {  	[hbm4b:s16+s2] =	stream.linear.scatter [tilespmem:s26], [sflag:$0x4], $0x4000, $0x38;
	[tilespmem:$0x12800] =	vst v63  }
0xa3: {  	_ =	swait.ge [sflag:s29], $0x4000  }
0xa4: {  	[sflag:s29] =	ssyncset.done $0x0  }
0xa5: {  	[sflag:s29] =	ssyncadd.s32 $0xFFFFC000  }
0xa6: {  	_ =	swait.ge [sflag:s29], $0x4000  }
0xa7: {  	[sflag:s29] =	ssyncset.done $0x0  }
0xa8: {  	[sflag:s29] =	ssyncadd.s32 $0xFFFFC000  }
0xa9: {  	_ =	swait.ge [sflag:s0], $0x4000  }
0xaa: {  	[sflag:s0] =	ssyncset.done $0x0  }
0xab: {  	[sflag:s0] =	ssyncadd.s32 $0xFFFFC000  }
0xac: {  	_ =	swait.ge [sflag:s0], $0x4000  }
0xad: {  	s31 =	sadd.s32 $0x1, s31;
	s30 =	rddreg [dreg:$0x4]  }
0xae: {  	p0 =	sne.s32 s31, s30  }
.Ltmp1:
0xaf: {  	_ = 	snop;
	(pc) =	sbr.rel @p0 .LBB2_1-.Ltmp1, $3  }
0xb0: {  	_ =	sdelay $0x1  }
0xb1: {  	[sflag:s0] =	ssyncset.done $0x0  }
0xb2: {  	[sflag:s0] =	ssyncadd.s32 $0xFFFFC000  }
0xb3: {  	_ =	sfence.sel $0x180000  }
0xb4: {  	[bflag:$0x0] =	sbarrier.arrive $0xFFFF  }
0xb5: {  	_ =	strace $0x9000005C  }
0xb6: {  	s0 =	stileid.u32;
	[bflag:$0x2] =	sbarrier.arrive $0xFFFF  }
0xb7: {  	p0 =	sne.s32 s0, $0x0;
	s0 =	rddreg [dreg:$0x1]  }
0xb8: {  	s0 =	sadd.s32 @!p0 $0x100000, s0  }
0xb9: {  	[sflag:s0] =	ssyncadd.tile.s32 @!p0 $0x1;
	_ =	shalt  }
.Lfunc_end2:
_tile_overlayer_lowered:
.L_overlay_start_2:
0xba: {  	(tag) =	ssettag $0x2  }
0xbb: {  	s0 =	rddreg [dreg:$0x0];
	s2 =	stileid.u32  }
0xbc: {  	s1 =	rddreg [dreg:$0x1];
	p0 =	sne.s32 s2, $0x0  }
0xbd: {  	s3 =	rddreg [dreg:$0x2];
	[bflag:$0x3] =	sbarrier.arrive $0xFFFF;
	s2 =	simm.s32 @!p0 $0x1C05  }
0xbe: {  	[timem:s3], [sflag:s2] =	dma.local @!p0 [hbm:s0], s1  }
0xbf: {  	s0 =	simm.s32 @!p0 $0x5  }
0xc0: {  	_ =	swait.ge @!p0 [sflag:s0], s1  }
0xc1: {  	s1 =	ssub.s32 @!p0 $0x0, s1;
	[sflag:s0] =	ssyncset.done @!p0 $0x0  }
0xc2: {  	[sflag:s0] =	ssyncadd.s32 @!p0 s1  }
0xc3: {  	[bflag:$0x3] =	sbarrier.arrive $0xFFFF  }
0xc4: {  	_ =	shalt  }

// kernel: kernel.46.cloned.1.call-start
scs
__scs_entry_jumppad:
0x0: {  	(pc) =	sbr.rel $0x88, $3  }
0x1: {  	(tag) =	ssettag $0x0;
	lr =	simm.s32 $0x1  }
0x2: {  	[smem:$0x3F6E] =	sst lr;
	_ =	strace $0xD0000000  }
0x3: {  	_ = 	snop  }
0x4: {  	_ = 	snop  }
0x5: {  	_ = 	snop  }
0x6: {  	_ = 	snop  }
0x7: {  	_ = 	snop  }
__scs_overlays_trampoline_lowered:
0x8: {  	[smem:$0x3F7D] =	sst s0  }
0x9: {  	[smem:$0x3F7E] =	sst s1  }
0xa: {  	[smem:$0x3F7F] =	sst s2  }
0xb: {  	[smem:$0x3F80] =	sst s3  }
0xc: {  	[smem:$0x3F81] =	sst s4  }
0xd: {  	[smem:$0x3F82] =	sst s5  }
0xe: {  	[smem:$0x3F83] =	sst s6  }
0xf: {  	[smem:$0x3F84] =	sst s7  }
0x10: {  	[smem:$0x3F85] =	sst s8  }
0x11: {  	[smem:$0x3F86] =	sst s9;
	s0 =	simm.s32 @!p0 $0x0  }
0x12: {  	s1 =	sld [smem:$0x3F6C];
	s0 =	simm.s32 @p0 $0x1  }
0x13: {  	[smem:$0x3F87] =	sst s0;
	s0 =	simm.s32 @!p1 $0x0  }
0x14: {  	s2 =	sld [smem:$0x3F6B];
	s0 =	simm.s32 @p1 $0x1  }
0x15: {  	[smem:$0x3F88] =	sst s0;
	s0 =	simm.s32 @!p2 $0x0  }
0x16: {  	s3 =	sld [smem:$0x3FDB];
	s0 =	simm.s32 @p2 $0x1  }
0x17: {  	s4 =	simm.s32 $0x1BF5;
	[smem:$0x3F8A] =	sst s0  }
0x18: {  	s0 =	sld [smem:$0x3F6D];
	_ =	swait.ge [sflag:s4], $0x0  }
0x19: {  	s7 =	sld [smem:$0x3F6E]  }
0x1a: {  	s8 =	sadd.s32 $0xFFFFE003, lr  }
0x1b: {  	s9 =	sadd.s32 $0xFFFFFEF7, lr;
	s5 =	simm.s32 $0xFFFFFFFF;
	p2 =	slt.u32 s8, $0xFFFFF086  }
0x1c: {  	p1 =	slt.u32 s9, $0xF7A;
	s5 =	simm.s32 @!p2 $0x0  }
0x1d: {  	s5 =	simm.s32 @p1 $0x1;
	p0 =	seq.s32 s7, s2  }
0x1e: {  	s7 =	smul.u32 @!p0 $0xF7A, s2;
	p2 =	seq.s32 @!p0 s5, $0x0  }
0x1f: {  	s9 =	smul.u32 $0xF7A, s1;
	s8 =	simm.s32 @!p0 $0x1BF5;
	p2 =	por !p2, p0  }
0x20: {  	[sflag:s8] =	ssyncset.s32 @!p0 $0xFFFFF086;
	s6 =	sadd.s32 @!p0 s3, s7;
	s7 =	simm.s32 @!p0 $0x108  }
0x21: {  	s3 =	sadd.s32 s3, s9;
	s6 =	sadd.s32 @!p0 $0x88, s6;
	s7 =	simm.s32 @p2 $0x1082  }
0x22: {  	[simem:s7], [sflag:s8] =	dma.local @!p0 [hbm:s6], $0xF7A  }
0x23: {  	s9 =	sor.u32 $0xD0000000, s2;
	s6 =	simm.s32 $0x108;
	_ =	swait.ge @!p0 [sflag:s8], $0x0  }
0x24: {  	s3 =	sadd.s32 $0x88, s3;
	s6 =	simm.s32 @!p1 $0x1082;
	[sflag:s4] =	ssyncset.s32 $0xFFFFF086  }
0x25: {  	[simem:s6], [sflag:s4] =	dma.local [hbm:s3], $0xF7A  }
0x26: {  	[smem:$0x3F6E] =	sst s1;
	(tag) =	ssettag s2;
	_ =	strace s9  }
0x27: {  	s1 =	sld [smem:$0x3F7E]  }
0x28: {  	s2 =	sld [smem:$0x3F7F]  }
0x29: {  	s4 =	sld [smem:$0x3F81]  }
0x2a: {  	p0 =	seq.s32 s5, $0x0;
	s5 =	sld [smem:$0x3F82]  }
0x2b: {  	s6 =	sld [smem:$0x3F83]  }
0x2c: {  	s7 =	sld [smem:$0x3F84]  }
0x2d: {  	s3 =	simm.s32 $0x108;
	s8 =	sld [smem:$0x3F85]  }
0x2e: {  	s3 =	simm.s32 @!p0 $0x1082;
	s9 =	sld [smem:$0x3F86]  }
0x2f: {  	lr =	sadd.s32 s0, s3;
	s0 =	sld [smem:$0x3F7D]  }
0x30: {  	s3 =	sld [smem:$0x3F80]  }
0x31: {  	[smem:$0x3F89] =	sst s10  }
0x32: {  	s10 =	sld [smem:$0x3F87];
	_ =	sdelay $0x3  }
0x33: {  	p0 =	seq.s32 s10, $0x1;
	s10 =	sld [smem:$0x3F89];
	_ =	sdelay $0x3  }
0x34: {  	[smem:$0x3F89] =	sst s10  }
0x35: {  	s10 =	sld [smem:$0x3F88];
	_ =	sdelay $0x3  }
0x36: {  	p1 =	seq.s32 s10, $0x1;
	s10 =	sld [smem:$0x3F89];
	_ =	sdelay $0x3  }
0x37: {  	[smem:$0x3F89] =	sst s10  }
0x38: {  	s10 =	sld [smem:$0x3F8A]  }
0x39: {  	_ = 	snop;
	(pc) =	sbr.ind lr, $3  }
0x3a: {  	_ = 	snop  }
0x3b: {  	_ = 	snop  }
0x3c: {  	p2 =	seq.s32 s10, $0x1;
	s10 =	sld [smem:$0x3F89]  }
0x3d: {  	_ =	shalt  }
0x3e: {  	_ =	shalt  }
0x3f: {  	_ =	shalt  }
0x40: {  	_ =	shalt  }
0x41: {  	_ =	shalt  }
0x42: {  	_ =	shalt  }
0x43: {  	_ =	shalt  }
0x44: {  	_ =	shalt  }
0x45: {  	_ =	shalt  }
0x46: {  	_ =	shalt  }
0x47: {  	_ =	shalt  }
0x48: {  	_ =	shalt  }
0x49: {  	_ =	shalt  }
0x4a: {  	_ =	shalt  }
0x4b: {  	_ =	shalt  }
0x4c: {  	_ =	shalt  }
0x4d: {  	_ =	shalt  }
0x4e: {  	_ =	shalt  }
0x4f: {  	_ =	shalt  }
0x50: {  	_ =	shalt  }
0x51: {  	_ =	shalt  }
0x52: {  	_ =	shalt  }
0x53: {  	_ =	shalt  }
0x54: {  	_ =	shalt  }
0x55: {  	_ =	shalt  }
0x56: {  	_ =	shalt  }
0x57: {  	_ =	shalt  }
0x58: {  	_ =	shalt  }
0x59: {  	_ =	shalt  }
0x5a: {  	_ =	shalt  }
0x5b: {  	_ =	shalt  }
0x5c: {  	_ =	shalt  }
0x5d: {  	_ =	shalt  }
0x5e: {  	_ =	shalt  }
0x5f: {  	_ =	shalt  }
0x60: {  	_ =	shalt  }
0x61: {  	_ =	shalt  }
0x62: {  	_ =	shalt  }
0x63: {  	_ =	shalt  }
0x64: {  	_ =	shalt  }
0x65: {  	_ =	shalt  }
0x66: {  	_ =	shalt  }
0x67: {  	_ =	shalt  }
0x68: {  	_ =	shalt  }
0x69: {  	_ =	shalt  }
0x6a: {  	_ =	shalt  }
0x6b: {  	_ =	shalt  }
0x6c: {  	_ =	shalt  }
0x6d: {  	_ =	shalt  }
0x6e: {  	_ =	shalt  }
0x6f: {  	_ =	shalt  }
0x70: {  	_ =	shalt  }
0x71: {  	_ =	shalt  }
0x72: {  	_ =	shalt  }
0x73: {  	_ =	shalt  }
0x74: {  	_ =	shalt  }
0x75: {  	_ =	shalt  }
0x76: {  	_ =	shalt  }
0x77: {  	_ =	shalt  }
0x78: {  	_ =	shalt  }
0x79: {  	_ =	shalt  }
0x7a: {  	_ =	shalt  }
0x7b: {  	_ =	shalt  }
0x7c: {  	_ =	shalt  }
0x7d: {  	_ =	shalt  }
0x7e: {  	_ =	shalt  }
0x7f: {  	_ =	shalt  }
0x80: {  	_ =	shalt  }
0x81: {  	_ =	shalt  }
0x82: {  	_ =	shalt  }
0x83: {  	_ =	shalt  }
0x84: {  	_ =	shalt  }
0x85: {  	_ =	shalt  }
0x86: {  	_ =	shalt  }
0x87: {  	_ =	shalt  }
.Lfunc_end0:
.L_simem_size_0:
called_computation.8_lowered:
.L_overlay_start_0:
0x88: {  	s2 =	sld [smem:$0x3FD9]  }
0x89: {  	s3 =	sld [smem:$0x3FFE];
	_ =	sdelay $0x1  }
0x8a: {  	s1 =	srdreg.scid  }
0x8b: {  	s0 =	sand.u32 $0x1, s1  }
0x8c: {  	s16 =	sshll.u32 s0, $0xA;
	s2 =	sadd.s32 s3, s2  }
0x8d: {  	s2 =	sadd.s32 s2, s16  }
0x8e: {  	[smem:$0x3F95] =	sst s2  }
0x8f: {  	_ = 	snop  }
0x90: {  	(tm) =	ssettm $0x1  }
0x91: {  	s17 =	sld [smem:$0x3FFB];
	_ =	sdelay $0x3  }
0x92: {  	_ =	strace s17  }
0x93: {  	s2 =	sld [smem:$0x3FFC];
	_ =	sdelay $0x3  }
0x94: {  	_ =	strace s2  }
0x95: {  	s2 =	sld [smem:$0x3FFD];
	_ =	sdelay $0x3  }
0x96: {  	_ =	strace s2  }
0x97: {  	_ =	strace $0x8FFFFFFF  }
0x98: {  	s18 =	sld [smem:$0x3FDB];
	_ =	sdelay $0x1  }
0x99: {  	s19 =	simm.s32 $_scs_section_size  }
0x9a: {  	s4 =	simm.s32 $_size__tile_overlayer_lowered;
	s5 =	simm.s32 $_tile_overlayer_lowered  }
0x9b: {  	s22 =	simm.s32 $0x1BFF;
	s21 =	sshll.u32 s5, $0x1;
	s2 =	sadd.s32 s19, s18  }
0x9c: {  	s6 =	simm.s32 $0x0;
	s20 =	sshll.u32 s4, $0x1;
	s4 =	sadd.s32 s21, s2  }
0x9d: {  	[timem:s6], [sflag:s22] =	dma.local [hbm:s4], s20  }
0x9e: {  	_ =	swait.ge [sflag:s22], s20  }
0x9f: {  	s3 =	ssub.s32 $0x0, s20;
	[sflag:s22] =	ssyncset.done $0x0  }
0xa0: {  	[sflag:s22] =	ssyncadd.s32 s3;
	_ =	sdelay $0x1  }
0xa1: {  	s23 =	simm.s32 $0x1B8B  }
0xa2: {  	_ =	swait.ge [sflag:s23], $0x1  }
0xa3: {  	[sflag:s23] =	ssyncset.done $0x0  }
0xa4: {  	s25 =	simm.s32 $0x1B8E;
	s24 =	sld [smem:$0x3FFE];
	[sflag:s23] =	ssyncadd.s32 $0xFFFFFFFF  }
0xa5: {  	s26 =	simm.s32 $execute0_lowered;
	[smem:$0x3FD2] =	sst s25  }
0xa6: {  	s4 =	sshll.u32 s26, $0x1;
	_ =	strace $0x8000005E;
	[dreg:$0x1] =	wrdreg $0xFFFFFFFF  }
0xa7: {  	s28 =	simm.s32 $_size_execute0_lowered;
	s2 =	sadd.s32 s2, s4;
	[dreg:$0x0] =	wrdreg $0x0  }
0xa8: {  	s4 =	sshll.u32 s28, $0x1;
	[dreg:$0x2] =	wrdreg s2  }
0xa9: {  	[dreg:$0x3] =	wrdreg s4  }
0xaa: {  	[dreg:$0x4] =	wrdreg $0xC0  }
0xab: {  	_ =	task [dreg:s6], $0x5FFFF  }
0xac: {  	[dreg:$0x1] =	wrdreg $0xFFFFFFFF  }
0xad: {  	[dreg:$0x0] =	wrdreg $0x60  }
0xae: {  	[dreg:$0x2] =	wrdreg s24  }
0xaf: {  	[dreg:$0x3] =	wrdreg $0x85000  }
0xb0: {  	[dreg:$0x4] =	wrdreg $0x9  }
0xb1: {  	_ =	task.clear_ibuf [dreg:s6], $0x5FFFF;
	_ =	strace $0x9000005E  }
0xb2: {  	s29 =	simm.s32 $0x9;
	_ =	strace $0x80000060  }
0xb3: {  	_ =	swait.ge [sflag:s29], $0x1  }
0xb4: {  	[sflag:s29] =	ssyncadd.s32 $0xFFFFFFFF  }
0xb5: {  	_ =	strace $0x90000060  }
0xb6: {  	_ =	sfence  }
0xb7: {  	s30 =	sld [smem:$0x0];
	_ =	sdelay $0x2  }
0xb8: {  	s31 =	sshll.u32 s1, $0xD;
	s1 =	sshrl.u32 s1, $0x2  }
0xb9: {  	s3 =	sand.u32 $0x4000, s31;
	s1 =	sadd.s32 s1, s30  }
0xba: {  	s0 =	sor.u32 s3, s0;
	s1 =	sshll.u32 s1, $0x11  }
0xbb: {  	s0 =	sor.u32 s1, s0  }
0xbc: {  	s0 =	sadd.s32 $0x8F2B, s0  }
0xbd: {  	[sflag:s0] =	ssyncadd.remote.s32 $0x1  }
0xbe: {  	_ =	sfence.sel $0xFFFF  }
0xbf: {  	[dreg:$0x0] =	wrdreg $0xFFFFFFFF;
	(pc) =	sbr.abs _section_cstart, $3  }
0xc0: {  	[dreg:$0x1] =	wrdreg $0xFFFFFFFF  }
0xc1: {  	_ =	task.clear_ibuf [dreg:s6], $0x2FFFF;
	_ =	strace $0x9FFFFFFF  }
0xc2: {  	(tm) =	ssettm $0x7FFFFFFF  }
0xc3: {  	_ =	shalt  }
tec
execute0_lowered:
.L_overlay_start_1:
0x0: {  	(tag) =	ssettag $0x1  }
0x1: {  	s4 =	rddreg [dreg:$0x0];
	s1 =	stileid.u32  }
0x2: {  	s0 =	srdreg.scid;
	s7 =	smul.u32 $0x2800, s1  }
0x3: {  	s2 =	rddreg [dreg:$0x1];
	s3 =	simm.s32 $0x0;
	s9 =	smul.u32 $0x50000, s1  }
0x4: {  	s12 =	simm.s32 $0x100;
	s5 =	sand.u32 $0x1, s0;
	s10 =	smul.u32 $0x28000, s1  }
0x5: {  	s15 =	simm.s32 $0x0;
	s0 =	rddreg [dreg:$0x2];
	s6 =	smul.u32 $0x28000, s5  }
0x6: {  	[smem:$0x7FF] =	sst s3;
	s13 =	sshll.u32 s1, $0x6;
	s8 =	smul.u32 $0x280000, s5  }
0x7: {  	_ =	strace $0x8000005F;
	s5 =	ssub.s32 $0x2, s5;
	s13 =	sor.u32 $0x1C01, s13  }
0x8: {  	s31 =	sshrl.u32 s5, $0x1;
	s9 =	sshrl.u32 s9, $0x2;
	s6 =	sadd.s32 s7, s6  }
0x9: {  	s29 =	sadd.s32 s8, s4;
	s11 =	ssub.s32 s5, s31;
	s30 =	sshrl.u32 s6, $0x3  }
0xa: {  	s6 =	sadd.s32 s6, s4;
	s7 =	sadd.s32 s10, s29;
	s10 =	simm.s32 $0x1  }
0xb: {  	s8 =	sadd.s32 s30, s4;
	s4 =	sadd.s32 s9, s2;
	s5 =	sadd.s32 $0x6C600, s6  }
0xc: {  	s6 =	smax.u32 s11, $0x1;
	s7 =	sadd.s32 $0x2EC600, s7;
	s9 =	simm.s32 $0x8100  }
0xd: {  	v0 =	vimm.f32 $0.0e+00;
	s11 =	simm.s32 $0x8000;
	s8 =	sadd.s32 $0xA200, s8;
	s14 =	sshrl.u32 s4, $0x3  }
.LBB2_1:
0xe: {  	[tilespmem:$0x8100] =	vst v0  }
0xf: {  	[tilespmem:$0x8180] =	vst v0  }
0x10: {  	[tilespmem:$0x8200] =	vst v0  }
0x11: {  	[tilespmem:$0x8280] =	vst v0  }
0x12: {  	[tilespmem:$0x8300] =	vst v0  }
0x13: {  	[tilespmem:$0x8380] =	vst v0  }
0x14: {  	[tilespmem:$0x8400] =	vst v0  }
0x15: {  	[tilespmem:$0x8480] =	vst v0;
	s16 =	sadd.s32 $0x0, s4  }
0x16: {  	[spmem:s16] =	stream.linear.scatter [tilespmem:s9], [sflag:$0x1], $0x400, $0x38;
	[tilespmem:$0xAD00] =	vst v63  }
0x17: {  	s16 =	simm.s32 $0x1000;
	_ =	swait.ge [sflag:s10], $0x400  }
.LBB2_2:
0x18: {  	s17 =	sshra.s32 s16, $0x2;
	[sflag:s10] =	ssyncset.done $0x0;
	p0 =	sne.s32 s16, $0x4F000  }
.Ltmp0:
0x19: {  	s17 =	sadd.s32 s17, s4;
	[sflag:s10] =	ssyncadd.s32 $0xFFFFFC00;
	(pc) =	sbr.rel @p0 .LBB2_2-.Ltmp0, $3  }
0x1a: {  	[spmem:s17] =	stream.linear.scatter [tilespmem:s9], [sflag:$0x1], $0x400, $0x38;
	[tilespmem:$0xAD00] =	vst v63  }
0x1b: {  	s16 =	sadd.s32 $0x1000, s16;
	_ =	sdelay $0x1  }
0x1c: {  	_ =	swait.ge [sflag:s10], $0x400  }
0x1d: {  	[sflag:s10] =	ssyncset.done $0x0  }
0x1e: {  	[sflag:s10] =	ssyncadd.s32 $0xFFFFFC00  }
0x1f: {  	[bflag:$0x0] =	sbarrier.arrive $0xFFFF  }
0x20: {  	[tilespmem:s3], [sflag:$0x1] =	stream.linear.gather [hbm4b:s7+s3], $0x8000, $0x38;
	[tilespmem:$0xAD00] =	vst v63  }
0x21: {  	_ =	swait.ge [sflag:s10], $0x8000  }
0x22: {  	[sflag:s10] =	ssyncset.done $0x0  }
0x23: {  	s16 =	sadd.s32 $0x0, s8;
	[sflag:s10] =	ssyncadd.s32 $0xFFFF8000  }
0x24: {  	[tilespmem:s11], [sflag:$0x1] =	stream.linear.gather [hbm4b:s16+s3], $0x100, $0x38;
	[tilespmem:$0xAD00] =	vst v63  }
0x25: {  	_ =	swait.ge [sflag:s10], $0x100  }
0x26: {  	[sflag:s10] =	ssyncset.done $0x0  }
0x27: {  	[sflag:s10] =	ssyncadd.s32 $0xFFFFFF00  }
0x28: {  	[spmem:s2] =	stream.indirect.scatter.add.f32 [tilespmem:s3], [sflag:$0x1], $0x10, s11, s12, $0xb8;
	[tilespmem:$0xAD00] =	vst v63  }
0x29: {  	_ =	swait.ge [sflag:s10], $0x1000  }
0x2a: {  	s17 =	smov.u32 s7;
	s16 =	simm.s32 $0x20;
	[sflag:s10] =	ssyncset.done $0x0  }
.LBB2_4:
0x2b: {  	p0 =	sne.s32 s16, $0x4E0;
	[sflag:s10] =	ssyncadd.s32 $0xFFFFF000;
	s17 =	sadd.s32 $0x1000, s17  }
0x2c: {  	[tilespmem:s3], [sflag:$0x1] =	stream.linear.gather [hbm4b:s17+s3], $0x8000, $0x38;
	[tilespmem:$0xAD00] =	vst v63  }
0x2d: {  	s18 =	smov.u32 s16;
	s16 =	sadd.s32 $0x20, s16;
	_ =	swait.ge [sflag:s10], $0x8000  }
0x2e: {  	[sflag:s10] =	ssyncset.done $0x0  }
0x2f: {  	s18 =	sadd.s32 s18, s8;
	[sflag:s10] =	ssyncadd.s32 $0xFFFF8000  }
0x30: {  	[tilespmem:s11], [sflag:$0x1] =	stream.linear.gather [hbm4b:s18+s3], $0x100, $0x38;
	[tilespmem:$0xAD00] =	vst v63  }
0x31: {  	_ =	swait.ge [sflag:s10], $0x100  }
.Ltmp1:
0x32: {  	[sflag:s10] =	ssyncset.done $0x0;
	(pc) =	sbr.rel @p0 .LBB2_4-.Ltmp1, $4  }
0x33: {  	[sflag:s10] =	ssyncadd.s32 $0xFFFFFF00  }
0x34: {  	[spmem:s2] =	stream.indirect.scatter.add.f32 [tilespmem:s3], [sflag:$0x1], $0x10, s11, s12, $0xb8;
	[tilespmem:$0xAD00] =	vst v63  }
0x35: {  	_ =	swait.ge [sflag:s10], $0x1000  }
0x36: {  	[sflag:s10] =	ssyncset.done $0x0  }
0x37: {  	s15 =	sadd.s32 $0x1, s15  }
0x38: {  	[sflag:s10] =	ssyncadd.s32 $0xFFFFF000;
	p0 =	sne.s32 s15, s6  }
.Ltmp2:
0x39: {  	[bflag:$0x0] =	sbarrier.arrive $0xFFFF;
	(pc) =	sbr.rel @p0 .LBB2_1-.Ltmp2, $4  }
0x3a: {  	[hbm:s5], [sflag:s13] =	dma.local [spmem:s14], $0x2800  }
0x3b: {  	_ =	swait.ge [sflag:s10], $0x2800  }
0x3c: {  	[sflag:s10] =	ssyncset.done $0x0  }
0x3d: {  	[sflag:s10] =	ssyncadd.s32 $0xFFFFD800  }
0x3e: {  	_ =	sfence.sel $0x180000  }
0x3f: {  	[bflag:$0x0] =	sbarrier.arrive $0xFFFF  }
0x40: {  	p0 =	sne.s32 s1, $0x0;
	_ =	strace $0x9000005F  }
0x41: {  	s0 =	sadd.s32 @!p0 $0x100000, s0;
	[bflag:$0x2] =	sbarrier.arrive $0xFFFF  }
0x42: {  	[sflag:s0] =	ssyncadd.tile.s32 @!p0 $0x1;
	_ =	shalt  }
.Lfunc_end2:
_tile_overlayer_lowered:
.L_overlay_start_2:
0x43: {  	(tag) =	ssettag $0x2  }
0x44: {  	s0 =	rddreg [dreg:$0x0];
	s2 =	stileid.u32  }
0x45: {  	s1 =	rddreg [dreg:$0x1];
	p0 =	sne.s32 s2, $0x0  }
0x46: {  	s3 =	rddreg [dreg:$0x2];
	[bflag:$0x3] =	sbarrier.arrive $0xFFFF;
	s2 =	simm.s32 @!p0 $0x1C01  }
0x47: {  	[timem:s3], [sflag:s2] =	dma.local @!p0 [hbm:s0], s1  }
0x48: {  	s0 =	simm.s32 @!p0 $0x1  }
0x49: {  	_ =	swait.ge @!p0 [sflag:s0], s1  }
0x4a: {  	s1 =	ssub.s32 @!p0 $0x0, s1;
	[sflag:s0] =	ssyncset.done @!p0 $0x0  }
0x4b: {  	[sflag:s0] =	ssyncadd.s32 @!p0 s1  }
0x4c: {  	[bflag:$0x3] =	sbarrier.arrive $0xFFFF  }
0x4d: {  	_ =	shalt  }

</sc_bundles>
